<compile_context>
chip_gen: v7x
topology: tpu7x:2x2x1
jax: 0.10.2.dev20260603
libtpu: 0.0.44.dev20260713+nightly
codegen_flags: <defaults>
</compile_context>

<pallas_src>
import jax
import jax.numpy as jnp
from jax.experimental import pallas as pl

N = 10000
E = 320000
D = 128
K = 128


def _fixadd_body(x_ref, nb_ref, o_ref):
    nb = nb_ref[...]
    o_ref[...] = x_ref[...] + jnp.where(nb > -3e38, nb, 0.0)


def _fixadd(x, neigh):
    return pl.pallas_call(
        _fixadd_body,
        out_shape=jax.ShapeDtypeStruct((N, D), jnp.float32),
    )(x, neigh)


def _relu_body(p_ref, o_ref):
    o_ref[...] = jnp.maximum(p_ref[...], 0.0)


def _relu(p):
    return pl.pallas_call(
        _relu_body,
        out_shape=jax.ShapeDtypeStruct((N, D), jnp.float32),
    )(p)


def _layer(x, src, dst, mask, scorer, Ws, Us, bs, Wg):
    neigh = jax.ops.segment_max(x[src], dst, num_segments=N)
    h = _fixadd(x, neigh)
    scores = (h @ scorer / jnp.linalg.norm(scorer) + mask).reshape(-1)
    vals, idx = jax.lax.top_k(scores, K)
    z = (h[idx] * jnp.tanh(vals[:, None])).T
    upd = jax.nn.sigmoid(Ws[0] @ z + Us[0] @ Wg + bs[0])
    rst = jax.nn.sigmoid(Ws[1] @ z + Us[1] @ Wg + bs[1])
    hcap = jnp.tanh(Ws[2] @ z + Us[2] @ (rst * Wg) + bs[2])
    wn = (1.0 - upd) * Wg + upd * hcap
    y = h @ wn
    out = jax.ops.segment_sum(y[dst], src, num_segments=N)
    return _relu(out)


def kernel(x, edge_index, mask, scorer1, W1, U1, b1, Wg1, scorer2, W2, U2, b2,
           Wg2):
    src = edge_index[0]
    dst = edge_index[1]
    h1 = _layer(x, src, dst, mask, scorer1, W1, U1, b1, Wg1)
    h2 = _layer(h1, src, dst, mask, scorer2, W2, U2, b2, Wg2)
    return h2

# --- scband reference (transcript-rebuilt; emitter-appended) ---
"""Pipeline reference for scband-egcn-1821066134093 (READ-ONLY COPY).

The authoritative reference and input builder live on the scoring server;
editing this copy changes nothing except your own understanding.
"""

import jax, jax.numpy as jnp
import numpy as np

N = 10000
E = 320000
D = 128   # in_feats for both layers
K = 128   # out_feats (cols) for both layers


def _uniform(key, shape, stdv):
    return jax.random.uniform(key, shape, dtype=jnp.float32, minval=-stdv, maxval=stdv)


def setup_inputs(seed: int = 0) -> dict:
    key = jax.random.key(seed)
    ks = jax.random.split(key, 16)
    x = jax.random.normal(ks[0], (N, D), dtype=jnp.float32)
    edge_index = jax.random.randint(ks[1], (2, E), 0, N, dtype=jnp.int32)
    mask = jnp.zeros((N, 1), dtype=jnp.float32)
    stdv_r = 1.0 / np.sqrt(D)  # reset_param uses 1/sqrt(size(0)) for scorer, 1/sqrt(size(1)) for square mats -> same for D x D
    inp = {"x": x, "edge_index": edge_index, "mask": mask}
    # layer 1 params
    inp["scorer1"] = _uniform(ks[2], (D, 1), stdv_r)
    inp["W1"] = _uniform(ks[3], (3, D, D), stdv_r)   # stacked update/reset/htilda W
    inp["U1"] = _uniform(ks[4], (3, D, D), stdv_r)   # stacked update/reset/htilda U
    inp["b1"] = jnp.zeros((3, D, K), dtype=jnp.float32)
    inp["Wg1"] = _uniform(ks[5], (D, K), 1.0 / np.sqrt(K))  # GCN_init_weights layer 1
    # layer 2 params
    inp["scorer2"] = _uniform(ks[6], (D, 1), stdv_r)
    inp["W2"] = _uniform(ks[7], (3, D, D), stdv_r)
    inp["U2"] = _uniform(ks[8], (3, D, D), stdv_r)
    inp["b2"] = jnp.zeros((3, D, K), dtype=jnp.float32)
    inp["Wg2"] = _uniform(ks[9], (D, K), 1.0 / np.sqrt(K))
    return inp


def _topk_select(z, mask, scorer, k):
    # TopK module: scores = z @ scorer / ||scorer||, add mask, take top-k nodes
    scores = z @ scorer / jnp.linalg.norm(scorer)
    scores = scores + mask
    vals, idx = jax.lax.top_k(scores.reshape(-1), k)
    out = z[idx] * jnp.tanh(scores.reshape(-1)[idx][:, None])
    return out.T  # [D, K]


def _gru_cell(prev_Q, z_topk, Ws, Us, bs):
    update = jax.nn.sigmoid(Ws[0] @ z_topk + Us[0] @ prev_Q + bs[0])
    reset = jax.nn.sigmoid(Ws[1] @ z_topk + Us[1] @ prev_Q + bs[1])
    h_cap = jnp.tanh(Ws[2] @ z_topk + Us[2] @ (reset * prev_Q) + bs[2])
    return (1.0 - update) * prev_Q + update * h_cap


def _grcu_layer(x, src, dst, mask, scorer, Ws, Us, bs, Wg):
    # GINConv with 'max' aggregation, eps=0, identity apply_func:
    # h_v = x_v + max_{u -> v} x_u   (dgl.graph((u, v)): messages flow src u -> dst v)
    neigh = jax.ops.segment_max(x[src], dst, num_segments=N)
    neigh = jnp.where(jnp.isfinite(neigh), neigh, 0.0)  # nodes w/o in-edges get 0
    h = x + neigh
    # evolve GCN weights with mat-GRU driven by TopK summary of node embeddings
    z_topk = _topk_select(h, mask, scorer, K)
    W_new = _gru_cell(Wg, z_topk, Ws, Us, bs)
    # node_embs = relu(Ahat @ (h @ W_new)); Ahat indices (u, v): out[u] += y[v]
    y = h @ W_new
    out = jax.ops.segment_sum(y[dst], src, num_segments=N)
    return jax.nn.relu(out)


def reference(x, edge_index, mask, scorer1, W1, U1, b1, Wg1, scorer2, W2, U2, b2, Wg2):
    src = edge_index[0]
    dst = edge_index[1]
    # T = 1 timestep; A_list = [A], Nodes_list = [x], mask_list = [mask]
    h1 = _grcu_layer(x, src, dst, mask, scorer1, W1, U1, b1, Wg1)
    h2 = _grcu_layer(h1, src, dst, mask, scorer2, W2, U2, b2, Wg2)
    return h2

if __name__ == "__main__":
    import jax
    _d = setup_inputs()
    print(jax.jit(kernel)(*tuple(_d.values())))

</pallas_src>

<mosaic_0001>
module attributes {stable_mosaic.version = 14 : i64} {
  func.func @_fixadd_body(%arg0: memref<10000x128xf32, #tpu.memory_space<vmem>>, %arg1: memref<10000x128xf32, #tpu.memory_space<vmem>>, %arg2: memref<10000x128xf32, #tpu.memory_space<vmem>>) attributes {dimension_semantics = [], scalar_prefetch = 0 : i64, scratch_operands = 0 : i64, tpu.core_type = #tpu.core_type<tc>} {
    %get3A = arith.constant 0 : index
    %get3A_0 = arith.constant 0 : index
    %get3A_1 = vector.load %arg1[%get3A, %get3A_0] : memref<10000x128xf32, #tpu.memory_space<vmem>>, vector<10000x128xf32>
    %get3A_2 = arith.constant 0 : index
    %get3A_3 = arith.constant 0 : index
    %get3A_4 = vector.load %arg0[%get3A_2, %get3A_3] : memref<10000x128xf32, #tpu.memory_space<vmem>>, vector<10000x128xf32>
    %gt3A = arith.constant -3.000000e+38 : f32
    %gt3A_5 = vector.broadcast %gt3A : f32 to vector<10000x128xf32>
    %gt3A_6 = arith.cmpf ogt, %get3A_1, %gt3A_5 : vector<10000x128xf32>
    %jit3A = arith.constant 0.000000e+00 : f32
    %broadcast_in_dim3A = vector.broadcast %jit3A : f32 to vector<10000x128xf32>
    %select_n3A = arith.select %gt3A_6, %get3A_1, %broadcast_in_dim3A : vector<10000x128xi1>, vector<10000x128xf32>
    %add3A = arith.addf %get3A_4, %select_n3A : vector<10000x128xf32>
    %swap3A = arith.constant 0 : index
    %swap3A_7 = arith.constant 0 : index
    %swap3A_8 = vector.load %arg2[%swap3A, %swap3A_7] : memref<10000x128xf32, #tpu.memory_space<vmem>>, vector<10000x128xf32>
    tpu.vector_store %arg2[%swap3A, %swap3A_7], %add3A {strides = array<i32>} : memref<10000x128xf32, #tpu.memory_space<vmem>>, vector<10000x128xf32>,
    return
  }
}

module attributes {stable_mosaic.version = 14 : i64} {
  func.func @_relu_body(%arg0: memref<10000x128xf32, #tpu.memory_space<vmem>>, %arg1: memref<10000x128xf32, #tpu.memory_space<vmem>>) attributes {dimension_semantics = [], scalar_prefetch = 0 : i64, scratch_operands = 0 : i64, tpu.core_type = #tpu.core_type<tc>} {
    %get3A = arith.constant 0 : index
    %get3A_0 = arith.constant 0 : index
    %get3A_1 = vector.load %arg0[%get3A, %get3A_0] : memref<10000x128xf32, #tpu.memory_space<vmem>>, vector<10000x128xf32>
    %max3A = arith.constant 0.000000e+00 : f32
    %max3A_2 = vector.broadcast %max3A : f32 to vector<10000x128xf32>
    %max3A_3 = arith.maximumf %get3A_1, %max3A_2 : vector<10000x128xf32>
    %swap3A = arith.constant 0 : index
    %swap3A_4 = arith.constant 0 : index
    %swap3A_5 = vector.load %arg1[%swap3A, %swap3A_4] : memref<10000x128xf32, #tpu.memory_space<vmem>>, vector<10000x128xf32>
    tpu.vector_store %arg1[%swap3A, %swap3A_4], %max3A_3 {strides = array<i32>} : memref<10000x128xf32, #tpu.memory_space<vmem>>, vector<10000x128xf32>,
    return
  }
}

module attributes {stable_mosaic.version = 14 : i64} {
  func.func @_relu_body(%arg0: memref<10000x128xf32, #tpu.memory_space<vmem>>, %arg1: memref<10000x128xf32, #tpu.memory_space<vmem>>) attributes {dimension_semantics = [], scalar_prefetch = 0 : i64, scratch_operands = 0 : i64, tpu.core_type = #tpu.core_type<tc>} {
    %get3A = arith.constant 0 : index
    %get3A_0 = arith.constant 0 : index
    %get3A_1 = vector.load %arg0[%get3A, %get3A_0] : memref<10000x128xf32, #tpu.memory_space<vmem>>, vector<10000x128xf32>
    %max3A = arith.constant 0.000000e+00 : f32
    %max3A_2 = vector.broadcast %max3A : f32 to vector<10000x128xf32>
    %max3A_3 = arith.maximumf %get3A_1, %max3A_2 : vector<10000x128xf32>
    %swap3A = arith.constant 0 : index
    %swap3A_4 = arith.constant 0 : index
    %swap3A_5 = vector.load %arg1[%swap3A, %swap3A_4] : memref<10000x128xf32, #tpu.memory_space<vmem>>, vector<10000x128xf32>
    tpu.vector_store %arg1[%swap3A, %swap3A_4], %max3A_3 {strides = array<i32>} : memref<10000x128xf32, #tpu.memory_space<vmem>>, vector<10000x128xf32>,
    return
  }
}

</mosaic_0001>

<sc_bundles>
// kernel: scatter_offload_async_start.1
scs
__scs_entry_jumppad:
0x0: {  	(pc) =	sbr.rel $0x88, $3  }
0x1: {  	(tag) =	ssettag $0x0;
	lr =	simm.s32 $0x1  }
0x2: {  	[smem:$0x3F94] =	sst lr;
	_ =	strace $0xD0000000  }
0x3: {  	_ = 	snop  }
0x4: {  	_ = 	snop  }
0x5: {  	_ = 	snop  }
0x6: {  	_ = 	snop  }
0x7: {  	_ = 	snop  }
__scs_overlays_trampoline_lowered:
0x8: {  	[smem:$0x3FA3] =	sst s0  }
0x9: {  	[smem:$0x3FA4] =	sst s1  }
0xa: {  	[smem:$0x3FA5] =	sst s2  }
0xb: {  	[smem:$0x3FA6] =	sst s3  }
0xc: {  	[smem:$0x3FA7] =	sst s4  }
0xd: {  	[smem:$0x3FA8] =	sst s5  }
0xe: {  	[smem:$0x3FA9] =	sst s6  }
0xf: {  	[smem:$0x3FAA] =	sst s7  }
0x10: {  	[smem:$0x3FAB] =	sst s8  }
0x11: {  	[smem:$0x3FAC] =	sst s9;
	s0 =	simm.s32 @!p0 $0x0  }
0x12: {  	s1 =	sld [smem:$0x3F92];
	s0 =	simm.s32 @p0 $0x1  }
0x13: {  	[smem:$0x3FAD] =	sst s0;
	s0 =	simm.s32 @!p1 $0x0  }
0x14: {  	s2 =	sld [smem:$0x3F91];
	s0 =	simm.s32 @p1 $0x1  }
0x15: {  	[smem:$0x3FAE] =	sst s0;
	s0 =	simm.s32 @!p2 $0x0  }
0x16: {  	s3 =	sld [smem:$0x3FDB];
	s0 =	simm.s32 @p2 $0x1  }
0x17: {  	s4 =	simm.s32 $0x1BF5;
	[smem:$0x3FB0] =	sst s0  }
0x18: {  	s0 =	sld [smem:$0x3F93];
	_ =	swait.ge [sflag:s4], $0x0  }
0x19: {  	s7 =	sld [smem:$0x3F94]  }
0x1a: {  	s8 =	sadd.s32 $0xFFFFE003, lr  }
0x1b: {  	s9 =	sadd.s32 $0xFFFFFEF7, lr;
	s5 =	simm.s32 $0xFFFFFFFF;
	p2 =	slt.u32 s8, $0xFFFFF086  }
0x1c: {  	p1 =	slt.u32 s9, $0xF7A;
	s5 =	simm.s32 @!p2 $0x0  }
0x1d: {  	s5 =	simm.s32 @p1 $0x1;
	p0 =	seq.s32 s7, s2  }
0x1e: {  	s7 =	smul.u32 @!p0 $0xF7A, s2;
	p2 =	seq.s32 @!p0 s5, $0x0  }
0x1f: {  	s9 =	smul.u32 $0xF7A, s1;
	s8 =	simm.s32 @!p0 $0x1BF5;
	p2 =	por !p2, p0  }
0x20: {  	[sflag:s8] =	ssyncset.s32 @!p0 $0xFFFFF086;
	s6 =	sadd.s32 @!p0 s3, s7;
	s7 =	simm.s32 @!p0 $0x108  }
0x21: {  	s3 =	sadd.s32 s3, s9;
	s6 =	sadd.s32 @!p0 $0x88, s6;
	s7 =	simm.s32 @p2 $0x1082  }
0x22: {  	[simem:s7], [sflag:s8] =	dma.local @!p0 [hbm:s6], $0xF7A  }
0x23: {  	s9 =	sor.u32 $0xD0000000, s2;
	s6 =	simm.s32 $0x108;
	_ =	swait.ge @!p0 [sflag:s8], $0x0  }
0x24: {  	s3 =	sadd.s32 $0x88, s3;
	s6 =	simm.s32 @!p1 $0x1082;
	[sflag:s4] =	ssyncset.s32 $0xFFFFF086  }
0x25: {  	[simem:s6], [sflag:s4] =	dma.local [hbm:s3], $0xF7A  }
0x26: {  	[smem:$0x3F94] =	sst s1;
	(tag) =	ssettag s2;
	_ =	strace s9  }
0x27: {  	s1 =	sld [smem:$0x3FA4]  }
0x28: {  	s2 =	sld [smem:$0x3FA5]  }
0x29: {  	s4 =	sld [smem:$0x3FA7]  }
0x2a: {  	p0 =	seq.s32 s5, $0x0;
	s5 =	sld [smem:$0x3FA8]  }
0x2b: {  	s6 =	sld [smem:$0x3FA9]  }
0x2c: {  	s7 =	sld [smem:$0x3FAA]  }
0x2d: {  	s3 =	simm.s32 $0x108;
	s8 =	sld [smem:$0x3FAB]  }
0x2e: {  	s3 =	simm.s32 @!p0 $0x1082;
	s9 =	sld [smem:$0x3FAC]  }
0x2f: {  	lr =	sadd.s32 s0, s3;
	s0 =	sld [smem:$0x3FA3]  }
0x30: {  	s3 =	sld [smem:$0x3FA6]  }
0x31: {  	[smem:$0x3FAF] =	sst s10  }
0x32: {  	s10 =	sld [smem:$0x3FAD];
	_ =	sdelay $0x3  }
0x33: {  	p0 =	seq.s32 s10, $0x1;
	s10 =	sld [smem:$0x3FAF];
	_ =	sdelay $0x3  }
0x34: {  	[smem:$0x3FAF] =	sst s10  }
0x35: {  	s10 =	sld [smem:$0x3FAE];
	_ =	sdelay $0x3  }
0x36: {  	p1 =	seq.s32 s10, $0x1;
	s10 =	sld [smem:$0x3FAF];
	_ =	sdelay $0x3  }
0x37: {  	[smem:$0x3FAF] =	sst s10  }
0x38: {  	s10 =	sld [smem:$0x3FB0]  }
0x39: {  	_ = 	snop;
	(pc) =	sbr.ind lr, $3  }
0x3a: {  	_ = 	snop  }
0x3b: {  	_ = 	snop  }
0x3c: {  	p2 =	seq.s32 s10, $0x1;
	s10 =	sld [smem:$0x3FAF]  }
0x3d: {  	_ =	shalt  }
0x3e: {  	_ =	shalt  }
0x3f: {  	_ =	shalt  }
0x40: {  	_ =	shalt  }
0x41: {  	_ =	shalt  }
0x42: {  	_ =	shalt  }
0x43: {  	_ =	shalt  }
0x44: {  	_ =	shalt  }
0x45: {  	_ =	shalt  }
0x46: {  	_ =	shalt  }
0x47: {  	_ =	shalt  }
0x48: {  	_ =	shalt  }
0x49: {  	_ =	shalt  }
0x4a: {  	_ =	shalt  }
0x4b: {  	_ =	shalt  }
0x4c: {  	_ =	shalt  }
0x4d: {  	_ =	shalt  }
0x4e: {  	_ =	shalt  }
0x4f: {  	_ =	shalt  }
0x50: {  	_ =	shalt  }
0x51: {  	_ =	shalt  }
0x52: {  	_ =	shalt  }
0x53: {  	_ =	shalt  }
0x54: {  	_ =	shalt  }
0x55: {  	_ =	shalt  }
0x56: {  	_ =	shalt  }
0x57: {  	_ =	shalt  }
0x58: {  	_ =	shalt  }
0x59: {  	_ =	shalt  }
0x5a: {  	_ =	shalt  }
0x5b: {  	_ =	shalt  }
0x5c: {  	_ =	shalt  }
0x5d: {  	_ =	shalt  }
0x5e: {  	_ =	shalt  }
0x5f: {  	_ =	shalt  }
0x60: {  	_ =	shalt  }
0x61: {  	_ =	shalt  }
0x62: {  	_ =	shalt  }
0x63: {  	_ =	shalt  }
0x64: {  	_ =	shalt  }
0x65: {  	_ =	shalt  }
0x66: {  	_ =	shalt  }
0x67: {  	_ =	shalt  }
0x68: {  	_ =	shalt  }
0x69: {  	_ =	shalt  }
0x6a: {  	_ =	shalt  }
0x6b: {  	_ =	shalt  }
0x6c: {  	_ =	shalt  }
0x6d: {  	_ =	shalt  }
0x6e: {  	_ =	shalt  }
0x6f: {  	_ =	shalt  }
0x70: {  	_ =	shalt  }
0x71: {  	_ =	shalt  }
0x72: {  	_ =	shalt  }
0x73: {  	_ =	shalt  }
0x74: {  	_ =	shalt  }
0x75: {  	_ =	shalt  }
0x76: {  	_ =	shalt  }
0x77: {  	_ =	shalt  }
0x78: {  	_ =	shalt  }
0x79: {  	_ =	shalt  }
0x7a: {  	_ =	shalt  }
0x7b: {  	_ =	shalt  }
0x7c: {  	_ =	shalt  }
0x7d: {  	_ =	shalt  }
0x7e: {  	_ =	shalt  }
0x7f: {  	_ =	shalt  }
0x80: {  	_ =	shalt  }
0x81: {  	_ =	shalt  }
0x82: {  	_ =	shalt  }
0x83: {  	_ =	shalt  }
0x84: {  	_ =	shalt  }
0x85: {  	_ =	shalt  }
0x86: {  	_ =	shalt  }
0x87: {  	_ =	shalt  }
.Lfunc_end0:
.L_simem_size_0:
called_computation.1_lowered:
.L_overlay_start_0:
0x88: {  	s2 =	sld [smem:$0x3FD9]  }
0x89: {  	s3 =	sld [smem:$0x3FFE];
	_ =	sdelay $0x1  }
0x8a: {  	s1 =	srdreg.scid  }
0x8b: {  	s0 =	sand.u32 $0x1, s1  }
0x8c: {  	s15 =	sshll.u32 s0, $0xA;
	s2 =	sadd.s32 s3, s2  }
0x8d: {  	s2 =	sadd.s32 s2, s15  }
0x8e: {  	[smem:$0x3FBB] =	sst s2  }
0x8f: {  	_ = 	snop  }
0x90: {  	s16 =	sld [smem:$0x3FD0];
	(tm) =	ssettm $0x1  }
0x91: {  	s17 =	sld [smem:$0x3FFB];
	_ =	sdelay $0x3  }
0x92: {  	_ =	strace s17  }
0x93: {  	s2 =	sld [smem:$0x3FFC];
	_ =	sdelay $0x3  }
0x94: {  	_ =	strace s2  }
0x95: {  	s2 =	sld [smem:$0x3FFD];
	_ =	sdelay $0x3  }
0x96: {  	_ =	strace s2  }
0x97: {  	_ =	strace $0x8FFFFFFF  }
0x98: {  	s18 =	sld [smem:$0x3FDB];
	_ =	sdelay $0x1  }
0x99: {  	s4 =	simm.s32 $_scs_section_size  }
0x9a: {  	s5 =	simm.s32 $_size__tile_overlayer_lowered;
	s6 =	simm.s32 $_tile_overlayer_lowered  }
0x9b: {  	s7 =	simm.s32 $0x1BFF;
	s19 =	sshll.u32 s6, $0x1;
	s4 =	sadd.s32 s4, s18  }
0x9c: {  	s20 =	simm.s32 $0x0;
	s5 =	sshll.u32 s5, $0x1;
	s6 =	sadd.s32 s19, s4  }
0x9d: {  	[timem:s20], [sflag:s7] =	dma.local [hbm:s6], s5  }
0x9e: {  	_ =	swait.ge [sflag:s7], s5  }
0x9f: {  	s5 =	ssub.s32 $0x0, s5;
	[sflag:s7] =	ssyncset.done $0x0  }
0xa0: {  	[sflag:s7] =	ssyncadd.s32 s5;
	_ =	sdelay $0x1  }
0xa1: {  	s21 =	simm.s32 $0x1B8B  }
0xa2: {  	_ =	swait.ge [sflag:s21], $0x1  }
0xa3: {  	[sflag:s21] =	ssyncset.done $0x0  }
0xa4: {  	s22 =	sld [smem:$0x3FFE];
	[sflag:s21] =	ssyncadd.s32 $0xFFFFFFFF  }
0xa5: {  	s24 =	simm.s32 $0x1B8E;
	s23 =	sld [smem:$0x0]  }
0xa6: {  	s25 =	simm.s32 $execute0_lowered;
	[smem:$0x3FD2] =	sst s24  }
0xa7: {  	s7 =	sshll.u32 s25, $0x1;
	_ =	strace $0x8000004C;
	[dreg:$0x1] =	wrdreg $0xFFFFFFFF  }
0xa8: {  	s8 =	simm.s32 $_size_execute0_lowered;
	s7 =	sadd.s32 s4, s7;
	[dreg:$0x0] =	wrdreg $0x0  }
0xa9: {  	s8 =	sshll.u32 s8, $0x1;
	[dreg:$0x2] =	wrdreg s7  }
0xaa: {  	[dreg:$0x3] =	wrdreg s8  }
0xab: {  	[dreg:$0x4] =	wrdreg $0xC0  }
0xac: {  	s26 =	simm.s32 $execute1_lowered;
	_ =	task [dreg:s20], $0x5FFFF  }
0xad: {  	s7 =	sshll.u32 s26, $0x1;
	[dreg:$0x1] =	wrdreg $0xFFFFFFFF  }
0xae: {  	s4 =	sadd.s32 s4, s7;
	[dreg:$0x0] =	wrdreg $0x60  }
0xaf: {  	[dreg:$0x2] =	wrdreg s4  }
0xb0: {  	[dreg:$0x3] =	wrdreg s16  }
0xb1: {  	[dreg:$0x4] =	wrdreg s22  }
0xb2: {  	[dreg:$0x5] =	wrdreg $0x9  }
0xb3: {  	_ =	task.clear_ibuf [dreg:s20], $0x6FFFF;
	_ =	strace $0x9000004C  }
0xb4: {  	s28 =	simm.s32 $0x9;
	_ =	strace $0x8000004E  }
0xb5: {  	_ =	swait.ge [sflag:s28], $0x1  }
0xb6: {  	[sflag:s28] =	ssyncadd.s32 $0xFFFFFFFF  }
0xb7: {  	_ =	strace $0x9000004E  }
0xb8: {  	s3 =	sld [smem:$0x0]  }
0xb9: {  	s4 =	sand.u32 $0xFFFFFFFE, s1  }
0xba: {  	p0 =	sne.s32 s1, s4  }
0xbb: {  	s4 =	sshll.u32 @p0 s4, $0xE  }
0xbc: {  	s4 =	sadd.s32 @p0 $0x11BF3, s4;
	s7 =	sshll.u32 @p0 s3, $0x11  }
0xbd: {  	s4 =	sor.u32 @p0 s7, s4  }
0xbe: {  	[sflag:s4] =	ssyncadd.remote.s32 @p0 $0x1;
	_ =	sdelay $0x1  }
0xbf: {  	s4 =	simm.s32 @p0 $0x1BF3  }
0xc0: {  	_ =	swait.eq @p0 [sflag:s4], $0x1  }
0xc1: {  	[sflag:s4] =	ssyncadd.s32 @p0 $0xFFFFFFFF  }
0xc2: {  	s7 =	sshll.u32 @!p0 s1, $0xE  }
0xc3: {  	s7 =	sor.u32 @!p0 $0x4000, s7;
	s4 =	simm.s32 @!p0 $0x1BF3  }
0xc4: {  	s3 =	sshll.u32 @!p0 s3, $0x11;
	s7 =	sadd.s32 @!p0 $0x11BF3, s7;
	_ =	swait.eq @!p0 [sflag:s4], $0x1  }
0xc5: {  	s3 =	sor.u32 @!p0 s3, s7;
	[sflag:s4] =	ssyncadd.s32 @!p0 $0xFFFFFFFF  }
0xc6: {  	[sflag:s3] =	ssyncadd.remote.s32 @!p0 $0x1  }
0xc7: {  	_ =	strace $0x8000004F;
	[dreg:$0x1] =	wrdreg $0xFFFFFFFF  }
0xc8: {  	[dreg:$0x0] =	wrdreg $0x2030  }
0xc9: {  	[dreg:$0x2] =	wrdreg s22  }
0xca: {  	[dreg:$0x3] =	wrdreg s1  }
0xcb: {  	[dreg:$0x4] =	wrdreg s23  }
0xcc: {  	[dreg:$0x5] =	wrdreg $0xA  }
0xcd: {  	_ =	task.clear_ibuf [dreg:s20], $0x6FFFF;
	_ =	strace $0x9000004F  }
0xce: {  	s29 =	simm.s32 $0xA;
	_ =	strace $0x80000051  }
0xcf: {  	_ =	swait.ge [sflag:s29], $0x1  }
0xd0: {  	[sflag:s29] =	ssyncadd.s32 $0xFFFFFFFF  }
0xd1: {  	_ =	strace $0x90000051  }
0xd2: {  	_ =	sfence  }
0xd3: {  	s30 =	sld [smem:$0x0];
	_ =	sdelay $0x2  }
0xd4: {  	s31 =	sshll.u32 s1, $0xD;
	s1 =	sshrl.u32 s1, $0x2  }
0xd5: {  	s4 =	sand.u32 $0x4000, s31;
	s1 =	sadd.s32 s1, s30  }
0xd6: {  	s0 =	sor.u32 s4, s0;
	s1 =	sshll.u32 s1, $0x11  }
0xd7: {  	s0 =	sor.u32 s1, s0  }
0xd8: {  	s0 =	sadd.s32 $0x8F2B, s0  }
0xd9: {  	[sflag:s0] =	ssyncadd.remote.s32 $0x1  }
0xda: {  	_ =	sfence.sel $0xFFFF  }
0xdb: {  	[dreg:$0x0] =	wrdreg $0xFFFFFFFF;
	(pc) =	sbr.abs _section_cstart, $3  }
0xdc: {  	[dreg:$0x1] =	wrdreg $0xFFFFFFFF  }
0xdd: {  	_ =	task.clear_ibuf [dreg:s20], $0x2FFFF;
	_ =	strace $0x9FFFFFFF  }
0xde: {  	(tm) =	ssettm $0x7FFFFFFF  }
0xdf: {  	_ =	shalt  }
tec
execute0_lowered:
.L_overlay_start_1:
0x0: {  	(tag) =	ssettag $0x1  }
0x1: {  	s3 =	rddreg [dreg:$0x0]  }
0x2: {  	s2 =	rddreg [dreg:$0x1]  }
0x3: {  	s4 =	rddreg [dreg:$0x2]  }
0x4: {  	s0 =	rddreg [dreg:$0x3]  }
0x5: {  	s5 =	stileid.u32;
	[bflag:$0x3] =	sbarrier.arrive $0xFFFF;
	s1 =	simm.s32 $_size_execute1_lowered  }
0x6: {  	s29 =	srdreg.scid;
	s31 =	simm.s32 $0x2;
	p0 =	sne.s32 s5, $0x0  }
0x7: {  	s1 =	sshll.u32 s1, $0x1;
	s6 =	simm.s32 @!p0 $0x1C3F;
	s7 =	simm.s32 @!p0 $0x4060  }
0x8: {  	[timem:s7], [sflag:s6] =	dma.local @!p0 [hbm:s3], s1  }
0x9: {  	s8 =	simm.s32 $0x0;
	s12 =	simm.s32 $0x0;
	s3 =	sshll.u32 s29, $0x7  }
.Ltmp0:
0xa: {  	s5 =	sshll.u32 s5, $0x8;
	s3 =	sand.u32 $0x80, s3;
	(pc) =	sbr.rel .LBB2_1-.Ltmp0, $4  }
0xb: {  	s10 =	simm.s32 $0x0;
	s11 =	simm.s32 $0x0;
	s3 =	sor.u32 s5, s3  }
0xc: {  	_ =	strace $0x8000004D;
	s5 =	simm.s32 $0x1;
	s30 =	ssub.s32 $0x2700, s3  }
0xd: {  	s4 =	sadd.s32 $0x544600, s4;
	[sflag:s5] =	ssyncpa.u1 $0x0;
	s6 =	sshrl.u32 s30, $0xC  }
0xe: {  	s9 =	smov.u32 s3;
	[sflag:s31] =	ssyncpa.u1 $0x0;
	s7 =	sadd.s32 $0x2, s6  }
.LBB2_4:
0xf: {  	_ = 	snop  }
.LBB2_7:
0x10: {  	_ =	sdelay $0x3  }
0x11: {  	[tilespmem:v0+s16+$0x0 ss:$0x1] =	vst.idx.msk @p1 $0xffff, v2  }
0x12: {  	v56 =	vld.idx.msk [tilespmem:v1+s15+$0x0 ss:$0x1], $0xffff;
	s24 =	sor.u32 $0x70, s15;
	[tilespmem:v0+s17+$0x0 ss:$0x1] =	vst.idx.msk @p1 $0xffff, v4  }
0x13: {  	s25 =	sor.u32 $0x10, s15;
	[tilespmem:v0+s18+$0x0 ss:$0x1] =	vst.idx.msk @p1 $0xffff, v3;
	v57 =	vld.idx.msk [tilespmem:v1+s24+$0x0 ss:$0x1], $0xffff  }
0x14: {  	s26 =	sor.u32 $0x20, s15;
	[tilespmem:v0+s19+$0x0 ss:$0x1] =	vst.idx.msk @p1 $0xffff, v5;
	v58 =	vld.idx.msk [tilespmem:v1+s25+$0x0 ss:$0x1], $0xffff  }
0x15: {  	s28 =	sor.u32 $0x30, s15;
	[tilespmem:v0+s20+$0x0 ss:$0x1] =	vst.idx.msk @p1 $0xffff, v6;
	v59 =	vld.idx.msk [tilespmem:v1+s26+$0x0 ss:$0x1], $0xffff  }
0x16: {  	s29 =	sor.u32 $0x40, s15;
	[tilespmem:v0+s21+$0x0 ss:$0x1] =	vst.idx.msk @p1 $0xffff, v7;
	v60 =	vld.idx.msk [tilespmem:v1+s28+$0x0 ss:$0x1], $0xffff  }
0x17: {  	s30 =	sor.u32 $0x50, s15;
	v61 =	vld.idx.msk [tilespmem:v1+s29+$0x0 ss:$0x1], $0xffff;
	[tilespmem:v0+s15+$0x0 ss:$0x1] =	vst.idx.msk $0xffff, v56  }
0x18: {  	s31 =	sor.u32 $0x60, s15;
	v62 =	vld.idx.msk [tilespmem:v1+s30+$0x0 ss:$0x1], $0xffff;
	[tilespmem:v0+s24+$0x0 ss:$0x1] =	vst.idx.msk $0xffff, v57  }
0x19: {  	v63 =	vld.idx.msk [tilespmem:v1+s31+$0x0 ss:$0x1], $0xffff;
	[tilespmem:v0+s25+$0x0 ss:$0x1] =	vst.idx.msk $0xffff, v58  }
0x1a: {  	[tilespmem:v0+s26+$0x0 ss:$0x1] =	vst.idx.msk $0xffff, v59  }
0x1b: {  	[tilespmem:v0+s28+$0x0 ss:$0x1] =	vst.idx.msk $0xffff, v60  }
0x1c: {  	[tilespmem:v0+s29+$0x0 ss:$0x1] =	vst.idx.msk $0xffff, v61  }
0x1d: {  	[tilespmem:v0+s30+$0x0 ss:$0x1] =	vst.idx.msk $0xffff, v62  }
0x1e: {  	[tilespmem:v0+s31+$0x0 ss:$0x1] =	vst.idx.msk $0xffff, v63  }
.LBB2_8:
0x1f: {  	s15 =	sand.u32 $0x1FFFFFF, s10  }
0x20: {  	s16 =	smulhi.u32 $0x1A36E2F, s15;
	_ =	sdelay $0x1  }
0x21: {  	s16 =	sshrl.u32 s16, $0x6  }
0x22: {  	s16 =	smul.u32 $0x2710, s16;
	_ =	sdelay $0x1  }
0x23: {  	s15 =	ssub.s32 s15, s16  }
0x24: {  	s15 =	sshll.u32 s15, $0x4  }
0x25: {  	s15 =	sadd.s32 s4, s15  }
0x26: {  	[hbm4b:s15+s8] =	stream.linear.scatter [tilespmem:s14], [sflag:$0x2], s13, $0x38;
	[tilespmem:$0x10000] =	vst v63  }
.LBB2_9:
0x27: {  	p1 =	slt.u32 s11, $0x2  }
0x28: {  	p2 =	sgt.s32 @!p1 s12, $0x2690  }
0x29: {  	s13 =	smov.u32 s12;
	s14 =	sshra.s32 @!p1 s12, $0x1F;
	p2 =	por !p2, p1  }
0x2a: {  	s12 =	sand.u32 @!p1 s14, s12;
	s13 =	simm.s32 @p2 $0x2690  }
0x2b: {  	s12 =	ssub.s32 @!p1 s13, s12  }
0x2c: {  	s12 =	sadd.s32 @!p1 $0xFFFFD970, s12  }
0x2d: {  	s13 =	sshll.u32 @!p1 s12, $0x9  }
0x2e: {  	p2 =	sgt.s32 @!p1 s12, $0x7F;
	s12 =	ssub.s32 @!p1 $0x10000, s13  }
0x2f: {  	s14 =	sadd.s32 $0x1000, s9;
	p2 =	por !p2, p1;
	s12 =	sshrl.u32 @!p1 s12, $0x2  }
0x30: {  	s12 =	simm.s32 @!p2 $0x0;
	p2 =	sgt.s32 s14, $0x270F  }
0x31: {  	s14 =	smov.u32 @p2 s3;
	p2 =	sne.s32 s11, s7  }
.Ltmp1:
0x32: {  	_ = 	snop;
	(pc) =	sbr.rel @!p2 .LBB2_10-.Ltmp1, $4  }
0x33: {  	s13 =	simm.s32 @!p1 $0x2  }
0x34: {  	_ =	swait.ge @!p1 [sflag:s13], s12;
	s15 =	ssub.s32 @!p1 $0x0, s12  }
0x35: {  	s12 =	smov.u32 s10;
	s11 =	sadd.s32 $0x1, s11;
	[sflag:s13] =	ssyncset.done @!p1 $0x0  }
0x36: {  	s10 =	smov.u32 s9;
	s9 =	smov.u32 s14;
	[sflag:s13] =	ssyncadd.s32 @!p1 s15  }
.LBB2_1:
0x37: {  	p1 =	sgt.u32 s11, s6  }
0x38: {  	s13 =	sand.u32 @!p1 $0x1FFFFFF, s9  }
0x39: {  	p2 =	sgt.s32 @!p1 s9, $0x2690;
	s14 =	smulhi.u32 @!p1 $0x1A36E2F, s13  }
0x3a: {  	s15 =	smov.u32 s9;
	s16 =	sshra.s32 @!p1 s9, $0x1F;
	p2 =	por !p2, p1  }
0x3b: {  	s16 =	sand.u32 @!p1 s16, s9;
	s15 =	simm.s32 @p2 $0x2690;
	s14 =	sshrl.u32 @!p1 s14, $0x6  }
0x3c: {  	s15 =	ssub.s32 @!p1 s15, s16;
	s14 =	smul.u32 @!p1 $0x2710, s14  }
0x3d: {  	s16 =	sxor.u32 @!p1 $0xFFFFFFFF, s11;
	s15 =	sadd.s32 @!p1 $0xFFFFD970, s15  }
0x3e: {  	s16 =	sshll.u32 @!p1 s16, $0xE;
	s13 =	ssub.s32 @!p1 s13, s14;
	s14 =	sshll.u32 @!p1 s15, $0x9  }
0x3f: {  	s16 =	sand.u32 @!p1 $0x4000, s16;
	p2 =	sgt.s32 @!p1 s15, $0x7F;
	s14 =	ssub.s32 @!p1 $0x10000, s14  }
0x40: {  	p2 =	por !p2, p1;
	s13 =	sshll.u32 @!p1 s13, $0x4;
	s14 =	sshrl.u32 @!p1 s14, $0x2  }
0x41: {  	s15 =	simm.s32 @!p1 $0x0;
	s13 =	sadd.s32 @!p1 s2, s13;
	s14 =	simm.s32 @!p2 $0x0  }
0x42: {  	[tilespmem:s16], [sflag:$0x1] =	stream.linear.gather @!p1 [hbm4b:s13+s15], s14, $0x38;
	[tilespmem:$0x10000] =	vst v63  }
0x43: {  	p1 =	seq.s32 s11, $0x0  }
0x44: {  	p2 =	sge.u32 @!p1 s11, s7  }
0x45: {  	p1 =	por p1, p2  }
.Ltmp2:
0x46: {  	_ = 	snop;
	(pc) =	sbr.rel @p1 .LBB2_9-.Ltmp2, $1  }
0x47: {  	_ =	sdelay $0x3  }
0x48: {  	p1 =	sgt.s32 s10, $0x2690;
	s13 =	smov.u32 s10;
	s14 =	sshra.s32 s10, $0x1F  }
0x49: {  	s13 =	simm.s32 @!p1 $0x2690;
	s14 =	sand.u32 s14, s10  }
0x4a: {  	s13 =	ssub.s32 s13, s14  }
0x4b: {  	s13 =	sadd.s32 $0xFFFFD970, s13  }
0x4c: {  	s31 =	sshll.u32 s13, $0x9  }
0x4d: {  	s14 =	ssub.s32 $0x10000, s31  }
0x4e: {  	p1 =	sgt.s32 s13, $0x7F;
	s13 =	sshrl.u32 s14, $0x2;
	s14 =	sadd.s32 $0x80, s10  }
0x4f: {  	s13 =	simm.s32 @p1 $0x0;
	p1 =	slt.s32 s14, $0x2710  }
0x50: {  	s14 =	simm.s32 @!p1 $0x2710  }
0x51: {  	s16 =	ssub.s32 s14, s10  }
0x52: {  	p1 =	slt.s32 s16, $0x1  }
.Ltmp3:
0x53: {  	_ = 	snop;
	(pc) =	sbr.rel @p1 .LBB2_8-.Ltmp3, $4  }
0x54: {  	_ = 	snop  }
0x55: {  	s15 =	sshll.u32 s11, $0xE;
	_ =	swait.ge [sflag:s5], s13  }
0x56: {  	s15 =	sand.u32 $0x4000, s15;
	s17 =	ssub.s32 $0x0, s13;
	[sflag:s5] =	ssyncset.done $0x0  }
0x57: {  	s14 =	sor.u32 $0x8000, s15;
	[sflag:s5] =	ssyncadd.s32 s17  }
0x58: {  	p2 =	sne.s32 s16, $0x1  }
.Ltmp4:
0x59: {  	v1 =	vmov s15;
	v0 =	vmov s14;
	(pc) =	sbr.rel @!p2 .LBB2_4-.Ltmp4, $3  }
0x5a: {  	_ =	sdelay $0x1  }
0x5b: {  	s17 =	simm.s32 $0x0  }
0x5c: {  	s23 =	sadd.s32 $0xFFFFFFFF, s16;
	p1 =	por $0x0, $0x0;
	s15 =	sand.u32 $0x3F80, s17  }
0x5d: {  	_ =	sdelay $0x3  }
0x5e: {  	v6 =	vld.idx.msk [tilespmem:v1+s15+$0x0 ss:$0x1], $0xffff;
	s24 =	sor.u32 $0x70, s15  }
0x5f: {  	s16 =	sor.u32 $0x10, s15;
	v8 =	vld.idx.msk [tilespmem:v1+s24+$0x0 ss:$0x1], $0xffff  }
0x60: {  	s17 =	sor.u32 $0x20, s15;
	p2 =	sne.s32 s23, $0x1;
	v2 =	vld.idx.msk [tilespmem:v1+s16+$0x0 ss:$0x1], $0xffff  }
.Ltmp5:
0x61: {  	s18 =	sor.u32 $0x30, s15;
	v4 =	vld.idx.msk [tilespmem:v1+s17+$0x0 ss:$0x1], $0xffff;
	(pc) =	sbr.rel @!p2 .LBB2_7-.Ltmp5, $4  }
0x62: {  	s19 =	sor.u32 $0x40, s15;
	v3 =	vld.idx.msk [tilespmem:v1+s18+$0x0 ss:$0x1], $0xffff  }
0x63: {  	s21 =	sor.u32 $0x60, s15;
	v5 =	vld.idx.msk [tilespmem:v1+s19+$0x0 ss:$0x1], $0xffff  }
0x64: {  	s20 =	sor.u32 $0x50, s15;
	s22 =	simm.s32 $0x80;
	v7 =	vld.idx.msk [tilespmem:v1+s21+$0x0 ss:$0x1], $0xffff;
	[tilespmem:v0+s15+$0x0 ss:$0x1] =	vst.idx.msk $0xffff, v6  }
0x65: {  	s23 =	sadd.s32 $0xFFFFFFFF, s23;
	p1 =	por $0x1, $0x1;
	v6 =	vld.idx.msk [tilespmem:v1+s20+$0x0 ss:$0x1], $0xffff;
	s15 =	sand.u32 $0x3F80, s22;
	[tilespmem:v0+s24+$0x0 ss:$0x1] =	vst.idx.msk $0xffff, v8  }
.LBB2_6:
0x66: {  	p2 =	sne.s32 s23, $0x1;
	v8 =	vld.idx.msk [tilespmem:v1+s15+$0x0 ss:$0x1], $0xffff;
	s24 =	sor.u32 $0x70, s15;
	[tilespmem:v0+s16+$0x0 ss:$0x1] =	vst.idx.msk $0xffff, v2;
	s16 =	sor.u32 $0x10, s15  }
0x67: {  	s25 =	sor.u32 $0x30, s15;
	s26 =	sor.u32 $0x40, s15;
	v9 =	vld.idx.msk [tilespmem:v1+s24+$0x0 ss:$0x1], $0xffff;
	[tilespmem:v0+s17+$0x0 ss:$0x1] =	vst.idx.msk $0xffff, v4;
	s17 =	sor.u32 $0x20, s15  }
0x68: {  	s28 =	sor.u32 $0x50, s15;
	s29 =	sor.u32 $0x60, s15;
	v2 =	vld.idx.msk [tilespmem:v1+s16+$0x0 ss:$0x1], $0xffff;
	[tilespmem:v0+s18+$0x0 ss:$0x1] =	vst.idx.msk $0xffff, v3;
	s18 =	smov.u32 s25  }
.Ltmp6:
0x69: {  	v4 =	vld.idx.msk [tilespmem:v1+s17+$0x0 ss:$0x1], $0xffff;
	[tilespmem:v0+s19+$0x0 ss:$0x1] =	vst.idx.msk $0xffff, v5;
	s19 =	smov.u32 s26;
	(pc) =	sbr.rel @p2 .LBB2_6-.Ltmp6, $4  }
0x6a: {  	v3 =	vld.idx.msk [tilespmem:v1+s18+$0x0 ss:$0x1], $0xffff;
	[tilespmem:v0+s20+$0x0 ss:$0x1] =	vst.idx.msk $0xffff, v6;
	s20 =	smov.u32 s28  }
0x6b: {  	v5 =	vld.idx.msk [tilespmem:v1+s19+$0x0 ss:$0x1], $0xffff;
	[tilespmem:v0+s21+$0x0 ss:$0x1] =	vst.idx.msk $0xffff, v7;
	s21 =	smov.u32 s29  }
0x6c: {  	s22 =	sadd.s32 $0x80, s22;
	[tilespmem:v0+s15+$0x0 ss:$0x1] =	vst.idx.msk $0xffff, v8;
	v6 =	vld.idx.msk [tilespmem:v1+s20+$0x0 ss:$0x1], $0xffff  }
0x6d: {  	s23 =	sadd.s32 $0xFFFFFFFF, s23;
	s15 =	sand.u32 $0x3F80, s22;
	v7 =	vld.idx.msk [tilespmem:v1+s21+$0x0 ss:$0x1], $0xffff;
	[tilespmem:v0+s24+$0x0 ss:$0x1] =	vst.idx.msk $0xffff, v9  }
.Ltmp7:
0x6e: {  	_ = 	snop;
	(pc) =	sbr.rel .LBB2_7-.Ltmp7, $1  }
0x6f: {  	_ =	sdelay $0x3  }
.LBB2_10:
0x70: {  	_ =	sfence.sel $0x180000  }
0x71: {  	s2 =	simm.s32 $0x1;
	[bflag:$0x0] =	sbarrier.arrive $0xFFFF  }
0x72: {  	s31 =	simm.s32 $0x2;
	[sflag:s2] =	ssyncpa.u1 $0x1  }
0x73: {  	[sflag:s31] =	ssyncpa.u1 $0x1  }
0x74: {  	_ =	strace $0x9000004D  }
0x75: {  	s0 =	sadd.s32 @!p0 $0x100000, s0;
	[bflag:$0x2] =	sbarrier.arrive $0xFFFF  }
0x76: {  	[sflag:s0] =	ssyncadd.tile.s32 @!p0 $0x1;
	s0 =	simm.s32 @!p0 $0x3F  }
0x77: {  	_ =	swait.ge @!p0 [sflag:s0], s1  }
0x78: {  	s1 =	ssub.s32 @!p0 $0x0, s1;
	[sflag:s0] =	ssyncset.done @!p0 $0x0  }
0x79: {  	[sflag:s0] =	ssyncadd.s32 @!p0 s1  }
0x7a: {  	[bflag:$0x3] =	sbarrier.arrive $0xFFFF  }
0x7b: {  	_ =	shalt  }
.Lfunc_end2:
execute1_lowered:
.L_overlay_start_2:
0x7c: {  	(tag) =	ssettag $0x2  }
0x7d: {  	s15 =	rddreg [dreg:$0x0]  }
0x7e: {  	s2 =	rddreg [dreg:$0x1];
	_ =	strace $0x80000050;
	s0 =	simm.s32 $0x1  }
0x7f: {  	v0 =	vimm.s32 $0x0;
	[sflag:s0] =	ssyncpa.u1 $0x0;
	s0 =	simm.s32 $0x108  }
0x80: {  	[tilespmem:s0+$0x70] =	vst v0  }
0x81: {  	[tilespmem:s0+$0x60] =	vst v0  }
0x82: {  	[tilespmem:s0+$0x50] =	vst v0  }
0x83: {  	[tilespmem:s0+$0x40] =	vst v0  }
0x84: {  	[tilespmem:s0+$0x30] =	vst v0  }
0x85: {  	s3 =	simm.s32 $0x40;
	s1 =	sadd.s32 $0x544600, s15;
	[tilespmem:s0+$0x20] =	vst v0  }
0x86: {  	s6 =	sadd.s32 $0x1DA00, s15;
	s14 =	sadd.s32 $0x53A800, s15;
	s5 =	sand.u32 $0x1, s2;
	[tilespmem:s0+$0x10] =	vst v0  }
.LBB3_1:
0x87: {  	s3 =	sadd.s32 $0x40, s3;
	[tilespmem:s0+$0x0] =	vst v0;
	s0 =	sadd.s32 $0x80, s0  }
0x88: {  	p0 =	slt.u32 s3, $0x3C40;
	[tilespmem:s0+$0x70] =	vst v0  }
0x89: {  	[tilespmem:s0+$0x60] =	vst v0  }
.Ltmp8:
0x8a: {  	[tilespmem:s0+$0x50] =	vst v0;
	(pc) =	sbr.rel @p0 .LBB3_1-.Ltmp8, $4  }
0x8b: {  	[tilespmem:s0+$0x40] =	vst v0  }
0x8c: {  	[tilespmem:s0+$0x30] =	vst v0  }
0x8d: {  	[tilespmem:s0+$0x20] =	vst v0  }
0x8e: {  	[tilespmem:s0+$0x10] =	vst v0  }
0x8f: {  	s9 =	stileid.u32  }
0x90: {  	s2 =	smul.u32 $0x29, s9  }
0x91: {  	s3 =	smin.u32 s9, $0xB  }
0x92: {  	s2 =	sadd.s32 s3, s2  }
0x93: {  	p0 =	slt.u32 s9, $0xB;
	s7 =	smul.u32 $0xF0, s2;
	s2 =	simm.s32 $0x2760  }
0x94: {  	s2 =	simm.s32 @!p0 $0x2670  }
0x95: {  	s2 =	sadd.s32 s2, s7  }
0x96: {  	s8 =	smin.u32 s2, $0x27100  }
0x97: {  	s2 =	ssub.s32 s8, s7  }
0x98: {  	p0 =	sgt.s32 s2, $0x0  }
0x99: {  	s29 =	simm.s32 $0x2;
	s10 =	simm.s32 $0x9;
	s2 =	simm.s32 @!p0 $0x0  }
0x9a: {  	s4 =	simm.s32 $0xA;
	s11 =	simm.s32 $0xB;
	s28 =	smulhi.u32 $0x88888889, s2  }
0x9b: {  	[dreg:$0x4] =	wrdreg s5;
	s31 =	smul.u32 $0x4E20, s5;
	s12 =	simm.s32 $0x1  }
0x9c: {  	s22 =	simm.s32 $0x0;
	s18 =	simm.s32 $0xC;
	s30 =	sshrl.u32 s28, $0x7  }
0x9d: {  	s20 =	simm.s32 $0x0;
	s21 =	simm.s32 $0x0;
	s3 =	smul.u32 $0xF0, s30  }
.Ltmp9:
0x9e: {  	[tilespmem:s0+$0x0] =	vst v0;
	v0 =	vimm.s32 $0xFFFFFFFF;
	[sflag:s29] =	ssyncpa.u1 $0x0;
	s16 =	sshll.u32 s9, $0x8;
	(pc) =	sbr.rel .LBB3_3-.Ltmp9, $4  }
0x9f: {  	[tilespmem:$0xF208] =	vst v0;
	[sflag:s10] =	ssyncpa.u1 $0x0;
	p0 =	sne.s32 s2, s3;
	s2 =	simm.s32 $0x1  }
0xa0: {  	s14 =	sadd.s32 s31, s14;
	[sflag:s4] =	ssyncpa.u1 $0x0;
	s2 =	simm.s32 @!p0 $0x0  }
0xa1: {  	s15 =	sadd.s32 s31, s15;
	[sflag:s11] =	ssyncpa.u1 $0x0;
	s13 =	sadd.s32 s2, s30  }
0xa2: {  	v0 =	vlaneseq.u32;
	s19 =	smov.u32 s7;
	p0 =	por $0x0, $0x0;
	s17 =	sadd.s32 $0x1, s13  }
.LBB3_18:
0xa3: {  	s0 =	sshrl.u32 s31, $0x2  }
.LBB3_20:
0xa4: {  	_ =	swait.ge [sflag:s18], s0  }
0xa5: {  	s31 =	ssub.s32 $0x0, s0;
	v1 =	vmov s24;
	vm0 =	veq.s32 v0, $0x0;
	[sflag:s18] =	ssyncset.done $0x0  }
0xa6: {  	vm15 =	veq.s32 v0, $0x2;
	v1 =	vsel vm0, s30, v1;
	[sflag:s18] =	ssyncadd.s32 s31  }
0xa7: {  	v1 =	vsel vm15, s22, v1;
	[sflag:s18] =	ssyncpa.u1 $0x1  }
0xa8: {  	[tilespmem:$0xF208] =	vst v1  }
.LBB3_21:
0xa9: {  	s0 =	sadd.s32 $0xF0, s19  }
0xaa: {  	s2 =	smov.u32 s7;
	p1 =	slt.s32 s0, s8  }
0xab: {  	s2 =	smov.u32 @p1 s0;
	p1 =	sne.s32 s21, s17  }
.Ltmp10:
0xac: {  	_ = 	snop;
	(pc) =	sbr.rel @!p1 .LBB3_22-.Ltmp10, $3  }
0xad: {  	_ =	sdelay $0x1  }
0xae: {  	s22 =	smov.u32 s20;
	s31 =	sadd.s32 $0x1, s21;
	s20 =	smov.u32 s19  }
0xaf: {  	p0 =	por !p0, !p0;
	s21 =	smov.u32 s31;
	s19 =	smov.u32 s2  }
.LBB3_3:
0xb0: {  	p1 =	sge.u32 s21, s13  }
0xb1: {  	s0 =	smulhi.u32 @!p1 $0xAAAAAAAB, s21  }
0xb2: {  	s2 =	smov.u32 s19;
	p2 =	sgt.s32 @!p1 s19, $0x27010  }
0xb3: {  	s3 =	sshra.s32 @!p1 s19, $0x1F;
	p2 =	por !p2, p1;
	s0 =	sshrl.u32 @!p1 s0, $0x1  }
0xb4: {  	s3 =	sand.u32 @!p1 s3, s19;
	s2 =	simm.s32 @p2 $0x27010;
	s0 =	smul.u32 @!p1 $0x3, s0  }
0xb5: {  	s2 =	ssub.s32 @!p1 s2, s3  }
0xb6: {  	s2 =	sadd.s32 @!p1 $0xFFFD8FF0, s2;
	s0 =	ssub.s32 @!p1 s21, s0  }
0xb7: {  	s3 =	sshll.u32 @!p1 s2, $0x2;
	p2 =	sgt.s32 @!p1 s2, $0xEF;
	s0 =	smul.u32 @!p1 $0x3C0, s0  }
0xb8: {  	s4 =	sand.u32 @!p1 $0x7, s19;
	s2 =	ssub.s32 @!p1 $0x3C0, s3;
	p2 =	por !p2, p1  }
0xb9: {  	s3 =	sshrl.u32 @!p1 s19, $0x3;
	s2 =	sshrl.u32 @!p1 s2, $0x2;
	s0 =	sshrl.u32 @!p1 s0, $0x2  }
0xba: {  	s3 =	sadd.s32 @!p1 s3, s14;
	s2 =	simm.s32 @!p2 $0x0;
	s0 =	sadd.s32 @!p1 $0x10248, s0  }
0xbb: {  	[tilespmem:s0], [sflag:$0xA] =	stream.linear.gather @!p1 [hbm4b:s3+s4], s2, $0x38;
	[tilespmem:$0x1F6F8] =	vst v63  }
0xbc: {  	s0 =	sadd.s32 $0xFFFFFFFF, s21  }
0xbd: {  	p1 =	sge.u32 s0, s13  }
0xbe: {  	p2 =	sgt.s32 @!p1 s20, $0x27010  }
0xbf: {  	s2 =	smov.u32 s20;
	s3 =	sshra.s32 @!p1 s20, $0x1F;
	p2 =	por !p2, p1  }
0xc0: {  	s3 =	sand.u32 @!p1 s3, s20;
	s2 =	simm.s32 @p2 $0x27010  }
0xc1: {  	s2 =	ssub.s32 @!p1 s2, s3  }
0xc2: {  	s2 =	sadd.s32 @!p1 $0xFFFD8FF0, s2  }
0xc3: {  	s4 =	sand.u32 @!p1 $0x1, s0;
	s3 =	sshll.u32 @!p1 s2, $0x2  }
0xc4: {  	p2 =	sgt.s32 @!p1 s2, $0xEF;
	s2 =	ssub.s32 @!p1 $0x3C0, s3;
	s3 =	smulhi.u32 @!p1 $0xAAAAAAAB, s0  }
0xc5: {  	s23 =	smul.u32 @!p1 $0x3C0, s4;
	p2 =	por !p2, p1;
	s2 =	sshrl.u32 @!p1 s2, $0x2  }
0xc6: {  	s5 =	simm.s32 @!p1 $0xA;
	s2 =	simm.s32 @!p2 $0x0;
	s3 =	sshrl.u32 @!p1 s3, $0x1  }
0xc7: {  	s23 =	sshrl.u32 @!p1 s23, $0x2;
	_ =	swait.ge @!p1 [sflag:s5], s2;
	s3 =	smul.u32 @!p1 $0x3, s3  }
0xc8: {  	s23 =	sadd.s32 @!p1 $0x10518, s23;
	s24 =	ssub.s32 @!p1 $0x0, s2;
	[sflag:s5] =	ssyncset.done @!p1 $0x0  }
0xc9: {  	[sflag:s5] =	ssyncadd.s32 @!p1 s24;
	s5 =	sshrl.u32 @!p1 s20, $0x3;
	s0 =	ssub.s32 @!p1 s0, s3  }
0xca: {  	s24 =	sand.u32 @!p1 $0x7, s20;
	s5 =	sadd.s32 @!p1 s5, s15;
	s0 =	smul.u32 @!p1 $0x3C0, s0  }
0xcb: {  	[tilespmem:s23], [sflag:$0xB] =	stream.linear.gather @!p1 [hbm4b:s5+s24], s2, $0x38;
	[tilespmem:$0x1F6F8] =	vst v63  }
0xcc: {  	s3 =	ssub.s32 @!p1 $0x27100, s20;
	s2 =	smul.u32 @!p1 $0x1E000, s4  }
0xcd: {  	p2 =	slt.s32 @!p1 s3, $0xF0  }
0xce: {  	p2 =	por !p2, p1;
	s0 =	sshrl.u32 @!p1 s0, $0x2;
	s2 =	sshrl.u32 @!p1 s2, $0x2  }
0xcf: {  	s3 =	simm.s32 @p2 $0xF0;
	s0 =	sadd.s32 @!p1 $0x10248, s0;
	s2 =	sor.u32 @!p1 $0x106F8, s2  }
0xd0: {  	[tilespmem:s2], [sflag:$0x9] =	stream.indirect.gather @!p1 [hbm4b:s6+s3], $0x80, s0, s3, $0xb8;
	[tilespmem:$0x1F6F8] =	vst v63  }
0xd1: {  	p1 =	slt.u32 s21, $0x2  }
.Ltmp11:
0xd2: {  	_ = 	snop;
	(pc) =	sbr.rel @p1 .LBB3_21-.Ltmp11, $1  }
0xd3: {  	_ =	sdelay $0x3  }
0xd4: {  	p1 =	sgt.s32 s22, $0x27010  }
0xd5: {  	s0 =	smov.u32 s22;
	s2 =	sshra.s32 s22, $0x1F;
	s3 =	ssub.s32 $0x27100, s22  }
0xd6: {  	s0 =	simm.s32 @!p1 $0x27010;
	s2 =	sand.u32 s2, s22;
	p1 =	slt.s32 s3, $0xF0  }
0xd7: {  	s0 =	ssub.s32 s0, s2;
	s3 =	simm.s32 @!p1 $0xF0  }
0xd8: {  	s0 =	sadd.s32 $0xFFFD8FF0, s0;
	s25 =	sshll.u32 s3, $0x7  }
0xd9: {  	s26 =	sshll.u32 s0, $0x2;
	s2 =	sand.u32 $0x3FFFFF80, s25  }
0xda: {  	p1 =	sgt.s32 s0, $0xEF;
	s29 =	ssub.s32 $0x3C0, s26;
	_ =	swait.ge [sflag:s10], s2  }
0xdb: {  	s2 =	ssub.s32 $0x0, s2;
	[sflag:s10] =	ssyncset.done $0x0;
	s0 =	sshrl.u32 s29, $0x2  }
0xdc: {  	[sflag:s10] =	ssyncadd.s32 s2;
	s0 =	simm.s32 @p1 $0x0  }
0xdd: {  	_ =	swait.ge [sflag:s11], s0  }
0xde: {  	s0 =	ssub.s32 $0x0, s0;
	[sflag:s11] =	ssyncset.done $0x0  }
0xdf: {  	[sflag:s11] =	ssyncadd.s32 s0  }
0xe0: {  	v1 =	vld [tilespmem:$0xF208];
	_ =	sdelay $0x4  }
0xe1: {  	(v2sf) =	vpush v1, $0x0  }
0xe2: {  	(v2sf) =	vpush v1, $0x1  }
0xe3: {  	(v2sf) =	vpush v1, $0x2;
	_ =	sdelay $0x3  }
0xe4: {  	s0 =	sadd.s32 $0xF0, s22  }
0xe5: {  	s2 =	ssub.s32 $0x4E200, s22;
	p1 =	slt.s32 s8, s0  }
0xe6: {  	s0 =	smov.u32 @p1 s8;
	p1 =	sgt.s32 s2, $0x0  }
0xe7: {  	s26 =	ssub.s32 s0, s22;
	s2 =	simm.s32 @!p1 $0x0  }
0xe8: {  	p1 =	slt.s32 s2, s26  }
0xe9: {  	s26 =	smov.u32 @p1 s2  }
0xea: {  	s25 =	simm.s32 $0x1;
	p1 =	slt.s32 s26, $0x1  }
.Ltmp12:
0xeb: {  	s25 =	simm.s32 @!p0 $0x0;
	(pc) =	sbr.rel @p1 .LBB3_8-.Ltmp12, $4  }
0xec: {  	s31 =	smul.u32 $0x3C0, s25  }
0xed: {  	s28 =	spop (v2sf)  }
0xee: {  	s0 =	sshrl.u32 s31, $0x2;
	s30 =	spop (v2sf)  }
0xef: {  	s23 =	sadd.s32 $0x10518, s0;
	s22 =	spop (v2sf)  }
0xf0: {  	s0 =	smin.u32 s26, $0x10  }
0xf1: {  	v1 =	vmov s0  }
0xf2: {  	p2 =	sgt.s32 s26, $0x10;
	vm1 =	vgt.u32 v1, v0  }
.Ltmp13:
0xf3: {  	_ = 	snop;
	(pc) =	sbr.rel @!p2 .LBB3_7-.Ltmp13, $2  }
0xf4: {  	_ =	sdelay $0x2  }
0xf5: {  	s4 =	simm.s32 $0x10;
	s24 =	sadd.s32 $0xFFFFFFF0, s26;
	s0 =	smov.u32 s23;
	vm0 =	vmmov vm1  }
.LBB3_6:
0xf6: {  	s2 =	smin.u32 s24, $0x10;
	s4 =	sadd.s32 $0x10, s4;
	v1 =	vld.msk [tilespmem:s0+$0x0 ss:$0x1], vm1  }
0xf7: {  	v2 =	vmov s2;
	p2 =	slt.s32 s4, s26  }
0xf8: {  	vm1 =	vgt.u32 v2, v0  }
.Ltmp14:
0xf9: {  	(pc) =	sbr.rel @p2 .LBB3_6-.Ltmp14, $3  }
0xfa: {  	_ =	sdelay $0x1  }
0xfb: {  	v1 =	vshll.u32 v1, $0x4  }
0xfc: {  	s24 =	sadd.s32 $0xFFFFFFF0, s24;
	[tilespmem:s0+$0x0] =	vst.msk vm0, v1;
	s0 =	sadd.s32 $0x10, s0;
	vm0 =	vmmov vm1  }
.LBB3_7:
0xfd: {  	_ =	sdelay $0x4  }
0xfe: {  	v1 =	vld.msk [tilespmem:s0+$0x0 ss:$0x1], vm1;
	_ =	sdelay $0x4  }
0xff: {  	v1 =	vshll.u32 v1, $0x4  }
0x100: {  	[tilespmem:s0+$0x0] =	vst.msk vm0, v1  }
.LBB3_8:
0x101: {  	s0 =	sand.u32 $0x1, s21  }
0x102: {  	s0 =	smul.u32 $0xF0, s0  }
0x103: {  	p2 =	sne.s32 s30, $0xFFFFFFFF  }
0x104: {  	v1 =	vld.msk @!p2 [tilespmem:s0+$0x10518], $0x1;
	_ =	sdelay $0x4  }
0x105: {  	(v2sf) =	vpush @!p2 v1, $0x0;
	_ =	sdelay $0xc  }
.Ltmp15:
0x106: {  	_ = 	snop;
	(pc) =	sbr.rel @p1 .LBB3_19-.Ltmp15, $4  }
0x107: {  	_ = 	snop  }
0x108: {  	s29 =	spop @!p2 (v2sf)  }
0x109: {  	s22 =	simm.s32 @!p2 $0x0;
	s24 =	smov.u32 s29  }
0x10a: {  	[sflag:s18] =	ssyncpa.u1 $0x0;
	s29 =	smov.u32 @p2 s28;
	s24 =	smov.u32 @p2 s30  }
0x10b: {  	v1 =	vld.msk [tilespmem:s23+$0x0], $0x1;
	_ =	sdelay $0x4  }
0x10c: {  	(v2sf) =	vpush v1, $0x0;
	_ =	sdelay $0xe  }
0x10d: {  	s2 =	smul.u32 $0x1E000, s25;
	s0 =	spop (v2sf)  }
0x10e: {  	s26 =	ssub.s32 $0x0, s26;
	p1 =	seq.s32 s29, s0  }
0x10f: {  	s30 =	sadd.s32 $0x1, s26;
	s2 =	sshrl.u32 s2, $0x2;
	p2 =	sgt.s32 @!p1 s29, $0x0  }
0x110: {  	s25 =	sor.u32 $0x10738, s2;
	s2 =	smov.u32 s29;
	p2 =	por !p2, p1  }
0x111: {  	s2 =	simm.s32 @p2 $0x0;
	p2 =	seq.s32 s30, $0x0  }
.Ltmp16:
0x112: {  	_ = 	snop;
	(pc) =	sbr.rel @p2 .LBB3_11-.Ltmp16, $4  }
0x113: {  	_ = 	snop  }
0x114: {  	s28 =	simm.s32 $0x0;
	s31 =	sadd.s32 $0x1, s23;
	s2 =	smin.u32 @!p1 s2, $0x270F0  }
0x115: {  	s4 =	simm.s32 @!p1 $0x1;
	s5 =	simm.s32 @!p1 $0x7988;
	s3 =	sand.u32 @!p1 $0x3FFF8, s2  }
0x116: {  	s4 =	smov.u32 @p1 s28;
	s2 =	sand.u32 @!p1 $0x7, s2;
	s3 =	sadd.s32 @!p1 s1, s3  }
.LBB3_10:
0x117: {  	s9 =	smov.u32 s4  }
0x118: {  	[tilespmem:s5], [sflag:$0x2] =	stream.linear.gather @!p1 [hbm4b:s3+s2], $0x80, $0x38;
	[tilespmem:$0x1F6F8] =	vst v63  }
0x119: {  	s30 =	sadd.s32 $0x1, s30;
	s2 =	smov.u32 s0;
	v1 =	vld.msk [tilespmem:s31+$0x0], $0x1  }
0x11a: {  	p2 =	seq.s32 s30, $0x0;
	_ =	sdelay $0x3  }
0x11b: {  	(v2sf) =	vpush v1, $0x0;
	_ =	sdelay $0xe  }
0x11c: {  	s0 =	spop (v2sf)  }
0x11d: {  	p1 =	seq.s32 s2, s0  }
0x11e: {  	p3 =	sgt.s32 @!p1 s2, $0x0;
	s3 =	sshll.u32 @!p1 s4, $0x9;
	s4 =	sadd.s32 @!p1 $0x1, s4  }
.Ltmp17:
0x11f: {  	p3 =	por !p3, p1;
	s3 =	sshra.s32 @!p1 s3, $0x2;
	(pc) =	sbr.rel @!p2 .LBB3_10-.Ltmp17, $4  }
0x120: {  	s4 =	smov.u32 @p1 s9;
	s2 =	simm.s32 @p3 $0x0;
	s5 =	sadd.s32 @!p1 $0x7988, s3  }
0x121: {  	s2 =	smin.u32 @!p1 s2, $0x270F0  }
0x122: {  	s3 =	sand.u32 @!p1 $0x3FFF8, s2;
	s2 =	sand.u32 @!p1 $0x7, s2  }
0x123: {  	s31 =	sadd.s32 $0x1, s31;
	s3 =	sadd.s32 @!p1 s1, s3  }
.LBB3_11:
0x124: {  	[tilespmem:s5], [sflag:$0x2] =	stream.linear.gather @!p1 [hbm4b:s3+s2], $0x80, $0x38;
	[tilespmem:$0x1F6F8] =	vst v63  }
.Ltmp18:
0x125: {  	s0 =	sshll.u32 s4, $0x7;
	(pc) =	sbr.rel .LBB3_12-.Ltmp18, $4  }
0x126: {  	s30 =	simm.s32 $0x2;
	s0 =	sand.u32 $0x3FFFFF80, s0  }
0x127: {  	_ =	swait.ge [sflag:s30], s0  }
0x128: {  	s0 =	ssub.s32 $0x0, s0;
	[sflag:s30] =	ssyncset.done $0x0  }
0x129: {  	s31 =	simm.s32 $0x0;
	[sflag:s30] =	ssyncadd.s32 s0  }
.LBB3_13:
0x12a: {  	v1 =	vld [tilespmem:s25+$0xFFFFFFC0];
	_ =	sdelay $0x3  }
0x12b: {  	s0 =	sshra.s32 s0, $0x2  }
0x12c: {  	[tilespmem:s0+$0x108] =	vst.add.f32.msk $0xffff, v1  }
0x12d: {  	v1 =	vld [tilespmem:s25+$0xFFFFFFD0];
	_ =	sdelay $0x4  }
0x12e: {  	[tilespmem:s0+$0x118] =	vst.add.f32.msk $0xffff, v1  }
0x12f: {  	v1 =	vld [tilespmem:s25+$0xFFFFFFE0];
	_ =	sdelay $0x4  }
0x130: {  	[tilespmem:s0+$0x128] =	vst.add.f32.msk $0xffff, v1  }
0x131: {  	v1 =	vld [tilespmem:s25+$0xFFFFFFF0];
	_ =	sdelay $0x4  }
0x132: {  	[tilespmem:s0+$0x138] =	vst.add.f32.msk $0xffff, v1  }
0x133: {  	v1 =	vld [tilespmem:s25+$0x0];
	_ =	sdelay $0x4  }
0x134: {  	[tilespmem:s0+$0x148] =	vst.add.f32.msk $0xffff, v1  }
0x135: {  	v1 =	vld [tilespmem:s25+$0x10];
	_ =	sdelay $0x4  }
0x136: {  	[tilespmem:s0+$0x158] =	vst.add.f32.msk $0xffff, v1  }
0x137: {  	v1 =	vld [tilespmem:s25+$0x20];
	_ =	sdelay $0x4  }
0x138: {  	[tilespmem:s0+$0x168] =	vst.add.f32.msk $0xffff, v1  }
0x139: {  	v1 =	vld [tilespmem:s25+$0x30];
	_ =	sdelay $0x4  }
0x13a: {  	[tilespmem:s0+$0x178] =	vst.add.f32.msk $0xffff, v1  }
.LBB3_17:
0x13b: {  	s26 =	sadd.s32 $0x1, s26  }
0x13c: {  	p1 =	seq.s32 s26, $0x0  }
.Ltmp19:
0x13d: {  	_ = 	snop;
	(pc) =	sbr.rel @p1 .LBB3_18-.Ltmp19, $2  }
0x13e: {  	_ =	sdelay $0x2  }
0x13f: {  	s23 =	sadd.s32 $0x1, s23;
	s25 =	sadd.s32 $0x80, s25;
	s29 =	smov.u32 s30  }
.LBB3_12:
0x140: {  	v1 =	vld.msk [tilespmem:s23+$0x0], $0x1;
	_ =	sdelay $0x4  }
0x141: {  	(v2sf) =	vpush v1, $0x0;
	_ =	sdelay $0xe  }
0x142: {  	s30 =	spop (v2sf)  }
0x143: {  	p1 =	sne.s32 s29, s30  }
.Ltmp20:
0x144: {  	_ = 	snop;
	(pc) =	sbr.rel @!p1 .LBB3_13-.Ltmp20, $2  }
0x145: {  	_ =	sdelay $0x2  }
0x146: {  	s0 =	sshll.u32 s22, $0x9  }
0x147: {  	p1 =	seq.s32 s29, s24  }
.Ltmp21:
0x148: {  	_ = 	snop;
	(pc) =	sbr.rel @!p1 .LBB3_15-.Ltmp21, $1  }
0x149: {  	_ =	sdelay $0x3  }
0x14a: {  	s0 =	sshra.s32 s0, $0x2  }
.Ltmp22:
0x14b: {  	s0 =	sadd.s32 $0x108, s0;
	(pc) =	sbr.rel .LBB3_16-.Ltmp22, $4  }
0x14c: {  	[spmem:s16] =	stream.linear.scatter [tilespmem:s0], [sflag:$0x1], $0x80, $0x38;
	[tilespmem:$0x1F6F8] =	vst v63  }
0x14d: {  	_ =	swait.ge [sflag:s12], $0x80  }
0x14e: {  	[sflag:s12] =	ssyncset.done $0x0  }
0x14f: {  	[sflag:s12] =	ssyncadd.s32 $0xFFFFFF80  }
.LBB3_15:
0x150: {  	s2 =	sshll.u32 s28, $0x9  }
0x151: {  	s2 =	sshra.s32 s2, $0x2  }
0x152: {  	v1 =	vld [tilespmem:s2+$0x7988];
	_ =	sdelay $0x3  }
0x153: {  	s0 =	sshra.s32 s0, $0x2  }
0x154: {  	[tilespmem:s0+$0x108] =	vst.add.f32.msk $0xffff, v1  }
0x155: {  	v1 =	vld [tilespmem:s2+$0x7998];
	_ =	sdelay $0x4  }
0x156: {  	[tilespmem:s0+$0x118] =	vst.add.f32.msk $0xffff, v1  }
0x157: {  	v1 =	vld [tilespmem:s2+$0x79A8];
	_ =	sdelay $0x4  }
0x158: {  	[tilespmem:s0+$0x128] =	vst.add.f32.msk $0xffff, v1  }
0x159: {  	v1 =	vld [tilespmem:s2+$0x79B8];
	_ =	sdelay $0x4  }
0x15a: {  	[tilespmem:s0+$0x138] =	vst.add.f32.msk $0xffff, v1  }
0x15b: {  	v1 =	vld [tilespmem:s2+$0x79C8];
	_ =	sdelay $0x4  }
0x15c: {  	[tilespmem:s0+$0x148] =	vst.add.f32.msk $0xffff, v1  }
0x15d: {  	v1 =	vld [tilespmem:s2+$0x79D8];
	_ =	sdelay $0x4  }
0x15e: {  	[tilespmem:s0+$0x158] =	vst.add.f32.msk $0xffff, v1  }
0x15f: {  	v1 =	vld [tilespmem:s2+$0x79E8];
	_ =	sdelay $0x4  }
0x160: {  	[tilespmem:s0+$0x168] =	vst.add.f32.msk $0xffff, v1  }
0x161: {  	v1 =	vld [tilespmem:s2+$0x79F8];
	_ =	sdelay $0x2  }
0x162: {  	p1 =	sgt.u32 s29, $0x270F0  }
0x163: {  	s2 =	sand.u32 @!p1 $0x3FFF8, s29  }
0x164: {  	s3 =	sadd.s32 $0x108, s0;
	[tilespmem:s0+$0x178] =	vst.add.f32.msk $0xffff, v1;
	s0 =	sadd.s32 @!p1 s1, s2;
	s2 =	sand.u32 @!p1 $0x7, s29  }
0x165: {  	[hbm4b:s0+s2] =	stream.linear.scatter @!p1 [tilespmem:s3], [sflag:$0xC], $0x80, $0x38;
	[tilespmem:$0x1F6F8] =	vst v63  }
0x166: {  	s0 =	simm.s32 $0x0  }
0x167: {  	s0 =	simm.s32 @!p1 $0x200  }
0x168: {  	s31 =	sadd.s32 s0, s31  }
.LBB3_16:
0x169: {  	s0 =	sadd.s32 $0x1, s22  }
0x16a: {  	s2 =	smulhi.u32 $0x88888889, s0;
	_ =	sdelay $0x1  }
0x16b: {  	v1 =	vld [tilespmem:s25+$0xFFFFFFC0];
	s2 =	sshrl.u32 s2, $0x7  }
0x16c: {  	s2 =	smul.u32 $0xF0, s2;
	_ =	sdelay $0x1  }
0x16d: {  	s22 =	ssub.s32 s0, s2  }
0x16e: {  	s0 =	sshll.u32 s22, $0x7  }
0x16f: {  	[tilespmem:s0+$0x108] =	vst v1  }
0x170: {  	v1 =	vld [tilespmem:s25+$0xFFFFFFD0];
	_ =	sdelay $0x4  }
0x171: {  	[tilespmem:s0+$0x118] =	vst v1  }
0x172: {  	v1 =	vld [tilespmem:s25+$0xFFFFFFE0];
	_ =	sdelay $0x4  }
0x173: {  	[tilespmem:s0+$0x128] =	vst v1  }
0x174: {  	v1 =	vld [tilespmem:s25+$0xFFFFFFF0];
	_ =	sdelay $0x4  }
0x175: {  	[tilespmem:s0+$0x138] =	vst v1  }
0x176: {  	v1 =	vld [tilespmem:s25+$0x0];
	_ =	sdelay $0x4  }
0x177: {  	[tilespmem:s0+$0x148] =	vst v1  }
0x178: {  	v1 =	vld [tilespmem:s25+$0x10];
	_ =	sdelay $0x4  }
0x179: {  	[tilespmem:s0+$0x158] =	vst v1  }
0x17a: {  	v1 =	vld [tilespmem:s25+$0x20];
	_ =	sdelay $0x4  }
0x17b: {  	[tilespmem:s0+$0x168] =	vst v1  }
0x17c: {  	v1 =	vld [tilespmem:s25+$0x30]  }
.Ltmp23:
0x17d: {  	_ = 	snop;
	(pc) =	sbr.rel .LBB3_17-.Ltmp23, $2  }
0x17e: {  	_ =	sdelay $0x2  }
0x17f: {  	s28 =	sadd.s32 $0x1, s28;
	[tilespmem:s0+$0x178] =	vst v1  }
.LBB3_19:
.Ltmp24:
0x180: {  	(pc) =	sbr.rel .LBB3_20-.Ltmp24, $4  }
0x181: {  	_ = 	snop  }
0x182: {  	s0 =	simm.s32 $0x2  }
0x183: {  	_ =	swait.ge [sflag:s0], $0x0  }
0x184: {  	s30 =	smov.u32 s29;
	[sflag:s0] =	ssyncset.done $0x0;
	s0 =	simm.s32 $0x0  }
.LBB3_22:
0x185: {  	_ =	sfence.sel $0x180000  }
0x186: {  	s0 =	simm.s32 $0x9;
	[bflag:$0x0] =	sbarrier.arrive $0xFFFF  }
0x187: {  	s24 =	simm.s32 $0xA;
	[sflag:s0] =	ssyncpa.u1 $0x1  }
0x188: {  	s25 =	simm.s32 $0xB;
	[sflag:s24] =	ssyncpa.u1 $0x1  }
0x189: {  	s26 =	simm.s32 $0x2;
	[sflag:s25] =	ssyncpa.u1 $0x1  }
0x18a: {  	[sflag:s26] =	ssyncpa.u1 $0x1  }
0x18b: {  	v0 =	vld [tilespmem:$0xF208];
	_ =	sdelay $0x4  }
0x18c: {  	(v2sf) =	vpush v0, $0x0  }
0x18d: {  	(v2sf) =	vpush v0, $0x1;
	_ =	sdelay $0x1  }
0x18e: {  	(v2sf) =	vpush v0, $0x2;
	_ =	sdelay $0xb  }
0x18f: {  	s0 =	spop (v2sf)  }
0x190: {  	s2 =	spop (v2sf)  }
0x191: {  	s3 =	smov.u32 s0;
	p0 =	sne.s32 s0, s2  }
0x192: {  	s4 =	spop (v2sf);
	s3 =	simm.s32 @!p0 $0xFFFFFFFF  }
0x193: {  	v2 =	vimm.s32 $0x1;
	v3 =	vlaneseq.u32;
	p0 =	seq.s32 s4, $0xFFFFFFFF;
	v1 =	vmov s3  }
0x194: {  	s16 =	stileid.u32;
	v0 =	vperm.xlane v0, v2;
	p1 =	sne.s32 @!p0 s0, s2;
	v1 =	vperm.xlane v1, v3  }
0x195: {  	vm0 =	vcmask $0x3F04;
	s6 =	simm.s32 $0xF208;
	s0 =	simm.s32 @!p0 $0x1;
	p1 =	por !p1, p0  }
0x196: {  	s3 =	sshll.u32 s16, $0x1;
	s2 =	sshll.u32 @!p0 s4, $0x9;
	s0 =	simm.s32 @p1 $0x0;
	v0 =	vsel vm0, v1, v0  }
0x197: {  	s5 =	sor.u32 $0x1000, s3;
	s2 =	sshra.s32 @!p0 s2, $0x2;
	s0 =	sor.u32 @!p0 s0, s3;
	[tilespmem:$0xF208] =	vst v0  }
0x198: {  	[spmem:s5] =	stream.linear.scatter [tilespmem:s6], [sflag:$0x1], $0x2, $0x38;
	[tilespmem:$0x1F6F8] =	vst v63  }
0x199: {  	s2 =	sadd.s32 @!p0 $0x108, s2;
	s0 =	sshll.u32 @!p0 s0, $0x7  }
0x19a: {  	[spmem:s0] =	stream.linear.scatter @!p0 [tilespmem:s2], [sflag:$0x1], $0x80, $0x38;
	[tilespmem:$0x1F6F8] =	vst v63  }
0x19b: {  	s0 =	simm.s32 @!p0 $0x82  }
0x19c: {  	s28 =	simm.s32 $0x1;
	s0 =	simm.s32 @p0 $0x2  }
0x19d: {  	_ =	swait.ge [sflag:s28], s0  }
0x19e: {  	s0 =	ssub.s32 $0x0, s0;
	[sflag:s28] =	ssyncset.done $0x0  }
0x19f: {  	p0 =	sne.s32 s16, $0x0;
	[sflag:s28] =	ssyncadd.s32 s0  }
.Ltmp25:
0x1a0: {  	_ =	sfence.stream.spmem;
	(pc) =	sbr.rel @p0 .LBB3_39-.Ltmp25, $4  }
0x1a1: {  	s29 =	simm.s32 $0x3;
	[bflag:$0x0] =	sbarrier.arrive $0xFFFF  }
0x1a2: {  	s30 =	simm.s32 $0x4;
	[sflag:s29] =	ssyncpa.u1 $0x1  }
0x1a3: {  	s31 =	simm.s32 $0x3C;
	[sflag:s30] =	ssyncpa.u1 $0x1  }
0x1a4: {  	s15 =	rddreg [dreg:$0x4];
	[sflag:s31] =	ssyncpa.u1 $0x1  }
0x1a5: {  	_ =	sfence.stream.spmem;
	s0 =	simm.s32 $0x5  }
0x1a6: {  	s2 =	simm.s32 $0x1000;
	s3 =	simm.s32 $0xF218;
	[sflag:s0] =	ssyncpa.u1 $0x0  }
0x1a7: {  	[tilespmem:s3], [sflag:$0x5] =	stream.linear.gather [spmem:s2], $0x20, $0x38;
	[tilespmem:$0x1F6F8] =	vst v63  }
0x1a8: {  	s26 =	simm.s32 $0x0;
	s28 =	simm.s32 $0xF238  }
0x1a9: {  	[tilespmem:s28], [sflag:$0x5] =	stream.linear.gather [spmem:s26], $0x1000, $0x38;
	[tilespmem:$0x1F6F8] =	vst v63  }
0x1aa: {  	_ =	swait.ge [sflag:s0], $0x1020  }
0x1ab: {  	[sflag:s0] =	ssyncset.done $0x0  }
0x1ac: {  	s29 =	simm.s32 $0x0;
	[sflag:s0] =	ssyncadd.s32 $0xFFFFEFE0  }
0x1ad: {  	v0 =	vld.msk [tilespmem:s29+$0xF218], $0x1;
	_ =	sdelay $0x1  }
0x1ae: {  	s30 =	simm.s32 $0x1  }
0x1af: {  	v1 =	vld.msk [tilespmem:s30+$0xF218], $0x1;
	_ =	sdelay $0x1  }
0x1b0: {  	(v2sf) =	vpush v0, $0x0;
	_ =	sdelay $0x2  }
0x1b1: {  	(v2sf) =	vpush v1, $0x0;
	_ =	sdelay $0x2  }
0x1b2: {  	s31 =	simm.s32 $0x2  }
0x1b3: {  	v0 =	vld.msk [tilespmem:s31+$0xF218], $0x1;
	_ =	sdelay $0x2  }
0x1b4: {  	s4 =	simm.s32 $0xFFFFFFFF;
	s5 =	simm.s32 $0xFFFFFFFF;
	s0 =	simm.s32 $0xC  }
.LBB3_24:
0x1b5: {  	s2 =	smov.u32 s5;
	s3 =	smov.u32 s4  }
0x1b6: {  	s4 =	sshra.s32 s0, $0x2;
	p1 =	sne.s32 s0, $0x7C;
	s0 =	sadd.s32 $0x4, s0;
	(v2sf) =	vpush v0, $0x0  }
0x1b7: {  	v0 =	vld.msk [tilespmem:s4+$0xF218], $0x1  }
.Ltmp26:
0x1b8: {  	(pc) =	sbr.rel @p1 .LBB3_24-.Ltmp26, $4  }
0x1b9: {  	s5 =	spop (v2sf)  }
0x1ba: {  	p2 =	sne.s32 s3, $0xFFFFFFFF;
	s4 =	smov.u32 s5  }
0x1bb: {  	p3 =	seq.s32 s5, $0xFFFFFFFF;
	s4 =	smov.u32 @p2 s3  }
0x1bc: {  	s5 =	smov.u32 @p3 s2;
	s4 =	smov.u32 @p3 s3  }
0x1bd: {  	(v2sf) =	vpush v0, $0x0;
	_ =	sdelay $0x8  }
0x1be: {  	s0 =	spop (v2sf)  }
0x1bf: {  	p1 =	sne.s32 s4, $0xFFFFFFFF;
	s2 =	smov.u32 s0  }
0x1c0: {  	s9 =	simm.s32 $0x6;
	p2 =	seq.s32 s0, $0xFFFFFFFF;
	s2 =	smov.u32 @p1 s4  }
0x1c1: {  	s6 =	simm.s32 $0x0;
	s2 =	smov.u32 @p2 s4;
	s3 =	spop (v2sf)  }
0x1c2: {  	s0 =	smov.u32 @p2 s5;
	p1 =	sne.s32 s2, $0xFFFFFFFF;
	s4 =	smov.u32 s3  }
.Ltmp27:
0x1c3: {  	p2 =	seq.s32 s3, $0xFFFFFFFF;
	s4 =	smov.u32 @p1 s2;
	(pc) =	sbr.rel .LBB3_26-.Ltmp27, $4  }
0x1c4: {  	s10 =	simm.s32 $0xF188;
	s4 =	smov.u32 @p2 s2;
	s7 =	spop (v2sf)  }
0x1c5: {  	s11 =	simm.s32 $0x0;
	p1 =	sne.s32 s4, $0xFFFFFFFF;
	s8 =	smov.u32 s7  }
0x1c6: {  	s3 =	smov.u32 @p2 s0;
	p2 =	seq.s32 s7, $0xFFFFFFFF;
	s8 =	smov.u32 @p1 s4  }
0x1c7: {  	[sflag:s9] =	ssyncpa.u1 $0x0;
	s7 =	smov.u32 @p2 s3;
	s8 =	smov.u32 @p2 s4  }
.LBB3_32:
0x1c8: {  	p1 =	sgt.u32 s12, $0x270F0  }
0x1c9: {  	p2 =	seq.s32 @!p1 s12, s8  }
0x1ca: {  	p1 =	por p1, p2  }
0x1cb: {  	p2 =	sne.s32 @!p1 s12, s7  }
0x1cc: {  	p1 =	por p1, !p2  }
0x1cd: {  	s0 =	sshll.u32 @p1 s11, $0x9  }
0x1ce: {  	s0 =	sand.u32 @!p1 $0x3FFF8, s12  }
0x1cf: {  	s2 =	sand.u32 @!p1 $0x7, s12;
	s0 =	sadd.s32 @!p1 s1, s0  }
0x1d0: {  	[tilespmem:s10], [sflag:$0x6] =	stream.linear.gather @!p1 [hbm4b:s0+s2], $0x80, $0x38;
	[tilespmem:$0x1F6F8] =	vst v63  }
0x1d1: {  	_ =	swait.ge @!p1 [sflag:s9], $0x80  }
0x1d2: {  	[sflag:s9] =	ssyncset.done @!p1 $0x0  }
0x1d3: {  	[sflag:s9] =	ssyncadd.s32 @!p1 $0xFFFFFF80  }
0x1d4: {  	v1 =	vld @!p1 [tilespmem:$0xF188];
	_ =	sdelay $0x2  }
0x1d5: {  	s0 =	sshll.u32 @!p1 s11, $0x9  }
0x1d6: {  	s2 =	sshrl.u32 @!p1 s0, $0x2  }
0x1d7: {  	[tilespmem:s2+$0xF238] =	vst.add.f32.msk @!p1 $0xffff, v1  }
0x1d8: {  	v1 =	vld @!p1 [tilespmem:$0xF198];
	_ =	sdelay $0x4  }
0x1d9: {  	[tilespmem:s2+$0xF248] =	vst.add.f32.msk @!p1 $0xffff, v1  }
0x1da: {  	v1 =	vld @!p1 [tilespmem:$0xF1A8];
	_ =	sdelay $0x4  }
0x1db: {  	[tilespmem:s2+$0xF258] =	vst.add.f32.msk @!p1 $0xffff, v1  }
0x1dc: {  	v1 =	vld @!p1 [tilespmem:$0xF1B8];
	_ =	sdelay $0x4  }
0x1dd: {  	[tilespmem:s2+$0xF268] =	vst.add.f32.msk @!p1 $0xffff, v1  }
0x1de: {  	v1 =	vld @!p1 [tilespmem:$0xF1C8];
	_ =	sdelay $0x4  }
0x1df: {  	[tilespmem:s2+$0xF278] =	vst.add.f32.msk @!p1 $0xffff, v1  }
0x1e0: {  	v1 =	vld @!p1 [tilespmem:$0xF1D8];
	_ =	sdelay $0x4  }
0x1e1: {  	[tilespmem:s2+$0xF288] =	vst.add.f32.msk @!p1 $0xffff, v1  }
0x1e2: {  	v1 =	vld @!p1 [tilespmem:$0xF1E8];
	_ =	sdelay $0x4  }
0x1e3: {  	[tilespmem:s2+$0xF298] =	vst.add.f32.msk @!p1 $0xffff, v1  }
0x1e4: {  	v1 =	vld @!p1 [tilespmem:$0xF1F8];
	_ =	sdelay $0x4  }
0x1e5: {  	[tilespmem:s2+$0xF2A8] =	vst.add.f32.msk @!p1 $0xffff, v1  }
0x1e6: {  	s0 =	sshrl.u32 s0, $0x2;
	[tilespmem:s6+$0xF218] =	vst.msk $0x1, v0  }
0x1e7: {  	v0 =	vld [tilespmem:s0+$0xF238];
	_ =	sdelay $0x2  }
0x1e8: {  	s31 =	sshll.u32 s6, $0x9  }
0x1e9: {  	s2 =	sshra.s32 s31, $0x2  }
0x1ea: {  	[tilespmem:s2+$0xF238] =	vst v0  }
0x1eb: {  	v0 =	vld [tilespmem:s0+$0xF248];
	_ =	sdelay $0x4  }
0x1ec: {  	[tilespmem:s2+$0xF248] =	vst v0  }
0x1ed: {  	v0 =	vld [tilespmem:s0+$0xF258];
	_ =	sdelay $0x4  }
0x1ee: {  	[tilespmem:s2+$0xF258] =	vst v0  }
0x1ef: {  	v0 =	vld [tilespmem:s0+$0xF268];
	_ =	sdelay $0x4  }
0x1f0: {  	[tilespmem:s2+$0xF268] =	vst v0  }
0x1f1: {  	v0 =	vld [tilespmem:s0+$0xF278];
	_ =	sdelay $0x4  }
0x1f2: {  	[tilespmem:s2+$0xF278] =	vst v0  }
0x1f3: {  	v0 =	vld [tilespmem:s0+$0xF288];
	_ =	sdelay $0x4  }
0x1f4: {  	[tilespmem:s2+$0xF288] =	vst v0  }
0x1f5: {  	v0 =	vld [tilespmem:s0+$0xF298];
	_ =	sdelay $0x4  }
0x1f6: {  	[tilespmem:s2+$0xF298] =	vst v0  }
0x1f7: {  	v0 =	vld [tilespmem:s0+$0xF2A8];
	_ =	sdelay $0x4  }
0x1f8: {  	s6 =	sadd.s32 $0x1, s6;
	[tilespmem:s2+$0xF2A8] =	vst v0  }
.LBB3_33:
0x1f9: {  	s11 =	sadd.s32 $0x1, s11  }
0x1fa: {  	p1 =	sne.s32 s11, $0x20  }
.Ltmp28:
0x1fb: {  	_ = 	snop;
	(pc) =	sbr.rel @!p1 .LBB3_34-.Ltmp28, $1  }
0x1fc: {  	_ =	sdelay $0x3  }
.LBB3_26:
0x1fd: {  	v0 =	vld.msk [tilespmem:s11+$0xF218], $0x1;
	_ =	sdelay $0x4  }
0x1fe: {  	(v2sf) =	vpush v0, $0x0;
	_ =	sdelay $0xe  }
0x1ff: {  	s12 =	spop (v2sf)  }
0x200: {  	p1 =	seq.s32 s12, $0xFFFFFFFF  }
.Ltmp29:
0x201: {  	_ = 	snop;
	(pc) =	sbr.rel @p1 .LBB3_33-.Ltmp29, $1  }
0x202: {  	_ =	sdelay $0x3  }
0x203: {  	p1 =	slt.s32 s6, $0x1  }
.Ltmp30:
0x204: {  	_ = 	snop;
	(pc) =	sbr.rel @p1 .LBB3_32-.Ltmp30, $1  }
0x205: {  	_ =	sdelay $0x3  }
0x206: {  	s13 =	simm.s32 $0xF218;
	p1 =	por $0x0, $0x0  }
0x207: {  	v1 =	vld.msk @!p1 [tilespmem:s13+$0x0], $0x1;
	_ =	sdelay $0x4  }
0x208: {  	(v2sf) =	vpush @!p1 v1, $0x0;
	_ =	sdelay $0xd  }
0x209: {  	p3 =	sne.s32 s6, $0x1  }
.Ltmp31:
0x20a: {  	s0 =	spop @!p1 (v2sf);
	(pc) =	sbr.rel @!p3 .LBB3_30-.Ltmp31, $4  }
0x20b: {  	p2 =	seq.s32 @!p1 s12, s0  }
0x20c: {  	s14 =	simm.s32 $0x0;
	p2 =	por !p2, p1  }
0x20d: {  	s2 =	simm.s32 $0xFFFFFFFF;
	s14 =	simm.s32 @p2 $0xFFFFFFFF  }
0x20e: {  	s0 =	simm.s32 $0x1;
	s14 =	smov.u32 @p1 s2  }
.LBB3_29:
0x20f: {  	s2 =	smov.u32 s14;
	p1 =	sne.s32 s14, $0xFFFFFFFF  }
0x210: {  	s13 =	sadd.s32 $0x1, s13;
	s14 =	smov.u32 s0;
	s0 =	sadd.s32 $0x1, s0  }
0x211: {  	p2 =	sne.s32 s6, s0;
	v1 =	vld.msk @!p1 [tilespmem:s13+$0x0], $0x1;
	_ =	sdelay $0x4  }
0x212: {  	(v2sf) =	vpush @!p1 v1, $0x0;
	_ =	sdelay $0xe  }
.Ltmp32:
0x213: {  	s3 =	spop @!p1 (v2sf);
	(pc) =	sbr.rel @p2 .LBB3_29-.Ltmp32, $4  }
0x214: {  	p3 =	seq.s32 @!p1 s12, s3  }
0x215: {  	p3 =	por !p3, p1  }
0x216: {  	s14 =	simm.s32 @p3 $0xFFFFFFFF  }
0x217: {  	s14 =	smov.u32 @p1 s2  }
.LBB3_30:
0x218: {  	p1 =	seq.s32 s14, $0xFFFFFFFF  }
.Ltmp33:
0x219: {  	_ = 	snop;
	(pc) =	sbr.rel @p1 .LBB3_32-.Ltmp33, $1  }
0x21a: {  	_ =	sdelay $0x3  }
0x21b: {  	s0 =	sshll.u32 s11, $0x7  }
0x21c: {  	s0 =	sand.u32 $0x3FFFFF80, s0  }
0x21d: {  	v0 =	vld [tilespmem:s0+$0xF238];
	_ =	sdelay $0x2  }
0x21e: {  	s2 =	sshll.u32 s14, $0x9  }
0x21f: {  	s2 =	sshra.s32 s2, $0x2  }
0x220: {  	[tilespmem:s2+$0xF238] =	vst.add.f32.msk $0xffff, v0  }
0x221: {  	v0 =	vld [tilespmem:s0+$0xF248];
	_ =	sdelay $0x4  }
0x222: {  	[tilespmem:s2+$0xF248] =	vst.add.f32.msk $0xffff, v0  }
0x223: {  	v0 =	vld [tilespmem:s0+$0xF258];
	_ =	sdelay $0x4  }
0x224: {  	[tilespmem:s2+$0xF258] =	vst.add.f32.msk $0xffff, v0  }
0x225: {  	v0 =	vld [tilespmem:s0+$0xF268];
	_ =	sdelay $0x4  }
0x226: {  	[tilespmem:s2+$0xF268] =	vst.add.f32.msk $0xffff, v0  }
0x227: {  	v0 =	vld [tilespmem:s0+$0xF278];
	_ =	sdelay $0x4  }
0x228: {  	[tilespmem:s2+$0xF278] =	vst.add.f32.msk $0xffff, v0  }
0x229: {  	v0 =	vld [tilespmem:s0+$0xF288];
	_ =	sdelay $0x4  }
0x22a: {  	[tilespmem:s2+$0xF288] =	vst.add.f32.msk $0xffff, v0  }
0x22b: {  	v0 =	vld [tilespmem:s0+$0xF298];
	_ =	sdelay $0x4  }
0x22c: {  	[tilespmem:s2+$0xF298] =	vst.add.f32.msk $0xffff, v0  }
0x22d: {  	v0 =	vld [tilespmem:s0+$0xF2A8]  }
.Ltmp34:
0x22e: {  	_ = 	snop;
	(pc) =	sbr.rel .LBB3_33-.Ltmp34, $2  }
0x22f: {  	_ =	sdelay $0x2  }
0x230: {  	[tilespmem:s2+$0xF2A8] =	vst.add.f32.msk $0xffff, v0  }
.LBB3_34:
0x231: {  	s0 =	simm.s32 $0x6;
	p1 =	seq.s32 s6, $0x0  }
0x232: {  	[sflag:s0] =	ssyncpa.u1 $0x1;
	v0 =	vimm.s32 @p1 $0xFFFFFFFF  }
0x233: {  	s9 =	sadd.s32 $0xFFFFFFFF, s6;
	[tilespmem:$0x10238] =	vst @p1 v0  }
0x234: {  	v0 =	vld.msk @!p1 [tilespmem:s9+$0xF218], $0x1;
	_ =	sdelay $0x1  }
0x235: {  	v1 =	vld.msk @!p1 [tilespmem:$0xF218], $0x1;
	_ =	sdelay $0x2  }
0x236: {  	p2 =	seq.s32 @!p1 s9, $0x0;
	v0 =	vbroadcast @!p1 v0, $0x0  }
0x237: {  	vm0 =	vmmov @!p1 $0x1;
	p2 =	por !p2, p1  }
0x238: {  	v1 =	vnsel @!p1 vm0, $0xFFFFFFFF, v1;
	vm0 =	vcmask @!p1 $0x308;
	v0 =	vpsel !p2, $0xFFFFFFFF, v0  }
0x239: {  	p2 =	sne.s32 @!p1 s8, s7;
	v0 =	vsel @!p1 vm0, v1, v0  }
0x23a: {  	s0 =	simm.s32 @!p1 $0xF238;
	s2 =	simm.s32 @!p1 $0x0;
	p3 =	por !p2, p1;
	[tilespmem:$0x10238] =	vst @!p1 v0  }
0x23b: {  	[spmem:s2] =	stream.linear.scatter @!p1 [tilespmem:s0], [sflag:$0x1], $0x80, $0x38;
	[tilespmem:$0x1F6F8] =	vst v63  }
0x23c: {  	s0 =	sshll.u32 @!p3 s9, $0x9  }
0x23d: {  	s0 =	sshra.s32 @!p3 s0, $0x2  }
0x23e: {  	s2 =	simm.s32 @!p3 $0x80;
	s0 =	sadd.s32 @!p3 $0xF238, s0  }
0x23f: {  	[spmem:s2] =	stream.linear.scatter @!p3 [tilespmem:s0], [sflag:$0x1], $0x80, $0x38;
	[tilespmem:$0x1F6F8] =	vst v63  }
0x240: {  	s0 =	simm.s32 @!p3 $0x1  }
0x241: {  	_ =	swait.ge @!p3 [sflag:s0], $0x100  }
0x242: {  	p1 =	por p2, p1;
	[sflag:s0] =	ssyncset.done @!p3 $0x0  }
0x243: {  	[sflag:s0] =	ssyncadd.s32 @!p3 $0xFFFFFF00;
	s0 =	simm.s32 @!p1 $0x1  }
0x244: {  	_ =	swait.ge @!p1 [sflag:s0], $0x80  }
0x245: {  	s29 =	simm.s32 $0x10238;
	[sflag:s0] =	ssyncset.done @!p1 $0x0  }
0x246: {  	s30 =	simm.s32 $0x1000;
	s31 =	simm.s32 $0x1;
	[sflag:s0] =	ssyncadd.s32 @!p1 $0xFFFFFF80  }
0x247: {  	[spmem:s30] =	stream.linear.scatter [tilespmem:s29], [sflag:$0x1], $0x10, $0x38;
	[tilespmem:$0x1F6F8] =	vst v63  }
0x248: {  	_ =	swait.ge [sflag:s31], $0x10  }
0x249: {  	[sflag:s31] =	ssyncset.done $0x0  }
0x24a: {  	p1 =	seq.s32 s15, $0x0;
	s8 =	rddreg [dreg:$0x1];
	[sflag:s31] =	ssyncadd.s32 $0xFFFFFFF0  }
0x24b: {  	s2 =	sshll.u32 @p1 s8, $0xE;
	s7 =	rddreg [dreg:$0x2]  }
0x24c: {  	s0 =	sadd.s32 @p1 $0x15C3C, s2;
	s2 =	sshll.u32 @p1 s7, $0x11  }
0x24d: {  	_ =	sfence.stream.spmem;
	s0 =	sor.u32 @p1 s2, s0  }
0x24e: {  	[sflag:s0] =	ssyncadd.remote.s32 @p1 $0x1;
	s0 =	simm.s32 @p1 $0x4  }
0x24f: {  	s3 =	simm.s32 @!p1 $0x3C;
	s2 =	sand.u32 $0xFFFFFFFE, s8;
	_ =	swait.ge @p1 [sflag:s0], $0x22  }
0x250: {  	s4 =	simm.s32 @!p1 $0x0;
	s2 =	sadd.s32 @!p1 $0x4, s2;
	[sflag:s0] =	ssyncset.done @p1 $0x0  }
0x251: {  	s5 =	simm.s32 @!p1 $0x100;
	[sflag:s0] =	ssyncadd.s32 @p1 $0xFFFFFFDE;
	s0 =	sshll.u32 @!p1 s2, $0x1A  }
0x252: {  	s2 =	sshll.u32 @!p1 s2, $0xD;
	s0 =	sor.u32 @!p1 s0, s7;
	_ =	swait.eq @!p1 [sflag:s3], $0x1  }
0x253: {  	s2 =	sor.u32 @!p1 $0x1C04, s2;
	s3 =	simm.s32 @!p1 $0x1C03;
	s0 =	sor.u32 @!p1 $0x80004000, s0  }
0x254: {  	[spmem:s5], [sflag:s2] =	dma.general @!p1 [spmem:s4], [sflag:s3], length:$0x20, [dreg:$0x0], stride_count:$0x0, ici_dest:s0, dma_misc:DstOpCode:WRITE  }
0x255: {  	p2 =	slt.s32 s9, $0x2;
	s4 =	simm.s32 @!p1 $0x200;
	s5 =	simm.s32 @!p1 $0x202  }
0x256: {  	[spmem:s5], [sflag:s2] =	dma.general @!p1 [spmem:s4], [sflag:s3], length:$0x2, [dreg:$0x0], stride_count:$0x0, ici_dest:s0, dma_misc:DstOpCode:WRITE  }
.Ltmp35:
0x257: {  	s0 =	simm.s32 @!p1 $0x3;
	(pc) =	sbr.rel @p2 .LBB3_38-.Ltmp35, $4  }
0x258: {  	s2 =	sshll.u32 @!p1 s8, $0xE;
	_ =	swait.ge @!p1 [sflag:s0], $0x22  }
0x259: {  	s3 =	sshll.u32 @!p1 s7, $0x11;
	s2 =	sadd.s32 @!p1 $0x11C3C, s2;
	[sflag:s0] =	ssyncset.done @!p1 $0x0  }
0x25a: {  	[sflag:s0] =	ssyncadd.s32 @!p1 $0xFFFFFFDE;
	s0 =	sor.u32 @!p1 s3, s2  }
0x25b: {  	[sflag:s0] =	ssyncadd.remote.s32 @!p1 $0xFFFFFFFF;
	s0 =	simm.s32 $0x0  }
0x25c: {  	s0 =	simm.s32 $0xF219  }
0x25d: {  	v0 =	vld.msk [tilespmem:s0+$0x0], $0x1;
	_ =	sdelay $0x4  }
0x25e: {  	(v2sf) =	vpush v0, $0x0;
	_ =	sdelay $0xb  }
0x25f: {  	s31 =	sadd.s32 $0xFFFFFFFE, s6  }
0x260: {  	s0 =	sadd.s32 $0xFFFFFFFF, s31  }
0x261: {  	p2 =	sne.s32 s0, $0x0  }
.Ltmp36:
0x262: {  	s2 =	spop (v2sf);
	(pc) =	sbr.rel @!p2 .LBB3_37-.Ltmp36, $4  }
0x263: {  	s4 =	simm.s32 $0xF2B8;
	s7 =	simm.s32 $0x0;
	p1 =	sgt.u32 s2, $0x270F0  }
0x264: {  	s5 =	simm.s32 $0x0;
	s6 =	simm.s32 $0xF21A;
	s3 =	sand.u32 @!p1 $0x3FFF8, s2  }
0x265: {  	s2 =	sand.u32 @!p1 $0x7, s2;
	s7 =	simm.s32 @!p1 $0x200;
	s3 =	sadd.s32 @!p1 s1, s3  }
0x266: {  	[hbm4b:s3+s2] =	stream.linear.scatter @!p1 [tilespmem:s4], [sflag:$0x5], $0x80, $0x38;
	[tilespmem:$0x1F6F8] =	vst v63  }
.LBB3_36:
0x267: {  	v0 =	vld.msk [tilespmem:s6+$0x0], $0x1;
	s0 =	sadd.s32 $0xFFFFFFFF, s0;
	s5 =	sadd.s32 s5, s7  }
0x268: {  	p1 =	sne.s32 s0, $0x0;
	_ =	sdelay $0x3  }
0x269: {  	(v2sf) =	vpush v0, $0x0;
	_ =	sdelay $0xe  }
.Ltmp37:
0x26a: {  	s2 =	spop (v2sf);
	(pc) =	sbr.rel @p1 .LBB3_36-.Ltmp37, $4  }
0x26b: {  	s7 =	simm.s32 $0x0;
	p2 =	sgt.u32 s2, $0x270F0  }
0x26c: {  	s4 =	sadd.s32 $0x80, s4;
	s7 =	simm.s32 @!p2 $0x200;
	s3 =	sand.u32 @!p2 $0x3FFF8, s2  }
0x26d: {  	s6 =	sadd.s32 $0x1, s6;
	s2 =	sand.u32 @!p2 $0x7, s2;
	s3 =	sadd.s32 @!p2 s1, s3  }
0x26e: {  	[hbm4b:s3+s2] =	stream.linear.scatter @!p2 [tilespmem:s4], [sflag:$0x5], $0x80, $0x38;
	[tilespmem:$0x1F6F8] =	vst v63  }
.LBB3_37:
0x26f: {  	s0 =	sadd.s32 s5, s7  }
0x270: {  	s0 =	sshrl.u32 s0, $0x2  }
.LBB3_38:
0x271: {  	s2 =	simm.s32 $0x5  }
0x272: {  	_ =	swait.ge [sflag:s2], s0  }
0x273: {  	s31 =	ssub.s32 $0x0, s0;
	[sflag:s2] =	ssyncset.done $0x0  }
0x274: {  	[sflag:s2] =	ssyncadd.s32 s31  }
0x275: {  	[sflag:s2] =	ssyncpa.u1 $0x1  }
.LBB3_39:
0x276: {  	s0 =	sor.u32 s15, s16  }
0x277: {  	p1 =	sne.s32 s0, $0x0  }
.Ltmp38:
0x278: {  	_ = 	snop;
	(pc) =	sbr.rel @p1 .LBB3_54-.Ltmp38, $3  }
0x279: {  	_ =	sdelay $0x1  }
0x27a: {  	[bflag:$0x0] =	sbarrier.arrive $0xFFFF  }
0x27b: {  	_ =	sfence  }
0x27c: {  	s0 =	simm.s32 $0x7  }
0x27d: {  	s2 =	simm.s32 $0x1000;
	s3 =	simm.s32 $0xF218;
	[sflag:s0] =	ssyncpa.u1 $0x0  }
0x27e: {  	[tilespmem:s3], [sflag:$0x7] =	stream.linear.gather [spmem:s2], $0x20, $0x38;
	[tilespmem:$0x1F6F8] =	vst v63  }
0x27f: {  	s30 =	simm.s32 $0xF238;
	s2 =	simm.s32 $0x0  }
0x280: {  	[tilespmem:s30], [sflag:$0x7] =	stream.linear.gather [spmem:s2], $0x1000, $0x38;
	[tilespmem:$0x1F6F8] =	vst v63  }
.Ltmp39:
0x281: {  	_ = 	snop;
	(pc) =	sbr.rel .LBB3_41-.Ltmp39, $4  }
0x282: {  	_ =	swait.ge [sflag:s0], $0x1020  }
0x283: {  	[sflag:s0] =	ssyncset.done $0x0  }
0x284: {  	s31 =	simm.s32 $0x8;
	[sflag:s0] =	ssyncadd.s32 $0xFFFFEFE0  }
0x285: {  	s3 =	simm.s32 $0x0;
	[sflag:s31] =	ssyncpa.u1 $0x0  }
.LBB3_47:
0x286: {  	p1 =	slt.u32 s4, $0x270F1  }
0x287: {  	s0 =	sand.u32 @p1 $0x3FFF8, s4  }
0x288: {  	s4 =	sand.u32 @p1 $0x7, s4;
	s5 =	simm.s32 @p1 $0xF188;
	s0 =	sadd.s32 @p1 s1, s0  }
0x289: {  	[tilespmem:s5], [sflag:$0x8] =	stream.linear.gather @p1 [hbm4b:s0+s4], $0x80, $0x38;
	[tilespmem:$0x1F6F8] =	vst v63  }
0x28a: {  	s0 =	simm.s32 @p1 $0x8  }
0x28b: {  	_ =	swait.ge @p1 [sflag:s0], $0x80  }
0x28c: {  	[sflag:s0] =	ssyncset.done @p1 $0x0  }
0x28d: {  	[sflag:s0] =	ssyncadd.s32 @p1 $0xFFFFFF80  }
0x28e: {  	v1 =	vld @p1 [tilespmem:$0xF188];
	_ =	sdelay $0x2  }
0x28f: {  	s0 =	sshll.u32 @p1 s3, $0x9  }
0x290: {  	s4 =	sshrl.u32 @p1 s0, $0x2  }
0x291: {  	[tilespmem:s4+$0xF238] =	vst.add.f32.msk @p1 $0xffff, v1  }
0x292: {  	v1 =	vld @p1 [tilespmem:$0xF198];
	_ =	sdelay $0x4  }
0x293: {  	[tilespmem:s4+$0xF248] =	vst.add.f32.msk @p1 $0xffff, v1  }
0x294: {  	v1 =	vld @p1 [tilespmem:$0xF1A8];
	_ =	sdelay $0x4  }
0x295: {  	[tilespmem:s4+$0xF258] =	vst.add.f32.msk @p1 $0xffff, v1  }
0x296: {  	v1 =	vld @p1 [tilespmem:$0xF1B8];
	_ =	sdelay $0x4  }
0x297: {  	[tilespmem:s4+$0xF268] =	vst.add.f32.msk @p1 $0xffff, v1  }
0x298: {  	v1 =	vld @p1 [tilespmem:$0xF1C8];
	_ =	sdelay $0x4  }
0x299: {  	[tilespmem:s4+$0xF278] =	vst.add.f32.msk @p1 $0xffff, v1  }
0x29a: {  	v1 =	vld @p1 [tilespmem:$0xF1D8];
	_ =	sdelay $0x4  }
0x29b: {  	[tilespmem:s4+$0xF288] =	vst.add.f32.msk @p1 $0xffff, v1  }
0x29c: {  	v1 =	vld @p1 [tilespmem:$0xF1E8];
	_ =	sdelay $0x4  }
0x29d: {  	[tilespmem:s4+$0xF298] =	vst.add.f32.msk @p1 $0xffff, v1  }
0x29e: {  	v1 =	vld @p1 [tilespmem:$0xF1F8];
	_ =	sdelay $0x3  }
0x29f: {  	s5 =	sshll.u32 @!p1 s3, $0x9  }
0x2a0: {  	s5 =	smov.u32 @p1 s0;
	[tilespmem:s4+$0xF2A8] =	vst.add.f32.msk @p1 $0xffff, v1  }
0x2a1: {  	s0 =	sshrl.u32 s5, $0x2;
	[tilespmem:s2+$0xF218] =	vst.msk $0x1, v0  }
0x2a2: {  	v0 =	vld [tilespmem:s0+$0xF238];
	_ =	sdelay $0x2  }
0x2a3: {  	s31 =	sshll.u32 s2, $0x9  }
0x2a4: {  	s4 =	sshra.s32 s31, $0x2  }
0x2a5: {  	[tilespmem:s4+$0xF238] =	vst v0  }
0x2a6: {  	v0 =	vld [tilespmem:s0+$0xF248];
	_ =	sdelay $0x4  }
0x2a7: {  	[tilespmem:s4+$0xF248] =	vst v0  }
0x2a8: {  	v0 =	vld [tilespmem:s0+$0xF258];
	_ =	sdelay $0x4  }
0x2a9: {  	[tilespmem:s4+$0xF258] =	vst v0  }
0x2aa: {  	v0 =	vld [tilespmem:s0+$0xF268];
	_ =	sdelay $0x4  }
0x2ab: {  	[tilespmem:s4+$0xF268] =	vst v0  }
0x2ac: {  	v0 =	vld [tilespmem:s0+$0xF278];
	_ =	sdelay $0x4  }
0x2ad: {  	[tilespmem:s4+$0xF278] =	vst v0  }
0x2ae: {  	v0 =	vld [tilespmem:s0+$0xF288];
	_ =	sdelay $0x4  }
0x2af: {  	[tilespmem:s4+$0xF288] =	vst v0  }
0x2b0: {  	v0 =	vld [tilespmem:s0+$0xF298];
	_ =	sdelay $0x4  }
0x2b1: {  	[tilespmem:s4+$0xF298] =	vst v0  }
0x2b2: {  	v0 =	vld [tilespmem:s0+$0xF2A8];
	_ =	sdelay $0x4  }
0x2b3: {  	s2 =	sadd.s32 $0x1, s2;
	[tilespmem:s4+$0xF2A8] =	vst v0  }
.LBB3_48:
0x2b4: {  	s3 =	sadd.s32 $0x1, s3  }
0x2b5: {  	p1 =	sne.s32 s3, $0x20  }
.Ltmp40:
0x2b6: {  	_ = 	snop;
	(pc) =	sbr.rel @!p1 .LBB3_49-.Ltmp40, $1  }
0x2b7: {  	_ =	sdelay $0x3  }
.LBB3_41:
0x2b8: {  	v0 =	vld.msk [tilespmem:s3+$0xF218], $0x1;
	_ =	sdelay $0x4  }
0x2b9: {  	(v2sf) =	vpush v0, $0x0;
	_ =	sdelay $0xe  }
0x2ba: {  	s4 =	spop (v2sf)  }
0x2bb: {  	p1 =	seq.s32 s4, $0xFFFFFFFF  }
.Ltmp41:
0x2bc: {  	_ = 	snop;
	(pc) =	sbr.rel @p1 .LBB3_48-.Ltmp41, $1  }
0x2bd: {  	_ =	sdelay $0x3  }
0x2be: {  	p1 =	slt.s32 s2, $0x1  }
.Ltmp42:
0x2bf: {  	_ = 	snop;
	(pc) =	sbr.rel @p1 .LBB3_47-.Ltmp42, $1  }
0x2c0: {  	_ =	sdelay $0x3  }
0x2c1: {  	s5 =	simm.s32 $0xF218;
	p1 =	por $0x0, $0x0  }
0x2c2: {  	v1 =	vld.msk @!p1 [tilespmem:s5+$0x0], $0x1;
	_ =	sdelay $0x4  }
0x2c3: {  	(v2sf) =	vpush @!p1 v1, $0x0;
	_ =	sdelay $0xd  }
0x2c4: {  	p3 =	sne.s32 s2, $0x1  }
.Ltmp43:
0x2c5: {  	s0 =	spop @!p1 (v2sf);
	(pc) =	sbr.rel @!p3 .LBB3_45-.Ltmp43, $4  }
0x2c6: {  	p2 =	seq.s32 @!p1 s4, s0  }
0x2c7: {  	s6 =	simm.s32 $0x0;
	p2 =	por !p2, p1  }
0x2c8: {  	s7 =	simm.s32 $0xFFFFFFFF;
	s6 =	simm.s32 @p2 $0xFFFFFFFF  }
0x2c9: {  	s0 =	simm.s32 $0x1;
	s6 =	smov.u32 @p1 s7  }
.LBB3_44:
0x2ca: {  	s7 =	smov.u32 s6;
	p1 =	sne.s32 s6, $0xFFFFFFFF  }
0x2cb: {  	s5 =	sadd.s32 $0x1, s5;
	s6 =	smov.u32 s0;
	s0 =	sadd.s32 $0x1, s0  }
0x2cc: {  	p2 =	sne.s32 s2, s0;
	v1 =	vld.msk @!p1 [tilespmem:s5+$0x0], $0x1;
	_ =	sdelay $0x4  }
0x2cd: {  	(v2sf) =	vpush @!p1 v1, $0x0;
	_ =	sdelay $0xe  }
.Ltmp44:
0x2ce: {  	s8 =	spop @!p1 (v2sf);
	(pc) =	sbr.rel @p2 .LBB3_44-.Ltmp44, $4  }
0x2cf: {  	p3 =	seq.s32 @!p1 s4, s8  }
0x2d0: {  	p3 =	por !p3, p1  }
0x2d1: {  	s6 =	simm.s32 @p3 $0xFFFFFFFF  }
0x2d2: {  	s6 =	smov.u32 @p1 s7  }
.LBB3_45:
0x2d3: {  	p1 =	seq.s32 s6, $0xFFFFFFFF  }
.Ltmp45:
0x2d4: {  	_ = 	snop;
	(pc) =	sbr.rel @p1 .LBB3_47-.Ltmp45, $1  }
0x2d5: {  	_ =	sdelay $0x3  }
0x2d6: {  	s0 =	sshll.u32 s3, $0x7  }
0x2d7: {  	s0 =	sand.u32 $0x3FFFFF80, s0  }
0x2d8: {  	v0 =	vld [tilespmem:s0+$0xF238];
	_ =	sdelay $0x2  }
0x2d9: {  	s4 =	sshll.u32 s6, $0x9  }
0x2da: {  	s4 =	sshra.s32 s4, $0x2  }
0x2db: {  	[tilespmem:s4+$0xF238] =	vst.add.f32.msk $0xffff, v0  }
0x2dc: {  	v0 =	vld [tilespmem:s0+$0xF248];
	_ =	sdelay $0x4  }
0x2dd: {  	[tilespmem:s4+$0xF248] =	vst.add.f32.msk $0xffff, v0  }
0x2de: {  	v0 =	vld [tilespmem:s0+$0xF258];
	_ =	sdelay $0x4  }
0x2df: {  	[tilespmem:s4+$0xF258] =	vst.add.f32.msk $0xffff, v0  }
0x2e0: {  	v0 =	vld [tilespmem:s0+$0xF268];
	_ =	sdelay $0x4  }
0x2e1: {  	[tilespmem:s4+$0xF268] =	vst.add.f32.msk $0xffff, v0  }
0x2e2: {  	v0 =	vld [tilespmem:s0+$0xF278];
	_ =	sdelay $0x4  }
0x2e3: {  	[tilespmem:s4+$0xF278] =	vst.add.f32.msk $0xffff, v0  }
0x2e4: {  	v0 =	vld [tilespmem:s0+$0xF288];
	_ =	sdelay $0x4  }
0x2e5: {  	[tilespmem:s4+$0xF288] =	vst.add.f32.msk $0xffff, v0  }
0x2e6: {  	v0 =	vld [tilespmem:s0+$0xF298];
	_ =	sdelay $0x4  }
0x2e7: {  	[tilespmem:s4+$0xF298] =	vst.add.f32.msk $0xffff, v0  }
0x2e8: {  	v0 =	vld [tilespmem:s0+$0xF2A8]  }
.Ltmp46:
0x2e9: {  	_ = 	snop;
	(pc) =	sbr.rel .LBB3_48-.Ltmp46, $2  }
0x2ea: {  	_ =	sdelay $0x2  }
0x2eb: {  	[tilespmem:s4+$0xF2A8] =	vst.add.f32.msk $0xffff, v0  }
.LBB3_49:
0x2ec: {  	p1 =	slt.s32 s2, $0x1  }
.Ltmp47:
0x2ed: {  	_ = 	snop;
	(pc) =	sbr.rel @p1 .LBB3_53-.Ltmp47, $3  }
0x2ee: {  	_ =	sdelay $0x1  }
0x2ef: {  	s0 =	simm.s32 $0x8  }
0x2f0: {  	s3 =	simm.s32 $0x0;
	[sflag:s0] =	ssyncpa.u1 $0x1  }
0x2f1: {  	s0 =	simm.s32 $0xF218  }
0x2f2: {  	v0 =	vld.msk [tilespmem:s0+$0x0], $0x1;
	_ =	sdelay $0x4  }
0x2f3: {  	(v2sf) =	vpush v0, $0x0;
	_ =	sdelay $0xe  }
0x2f4: {  	s0 =	sadd.s32 $0xFFFFFFFF, s2;
	s5 =	spop (v2sf)  }
0x2f5: {  	p2 =	sne.s32 s0, $0x0;
	p1 =	sgt.u32 s5, $0x270F0  }
.Ltmp48:
0x2f6: {  	s6 =	sand.u32 @!p1 $0x3FFF8, s5;
	(pc) =	sbr.rel @!p2 .LBB3_52-.Ltmp48, $4  }
0x2f7: {  	s4 =	simm.s32 $0xF238;
	s5 =	sand.u32 @!p1 $0x7, s5;
	s2 =	sadd.s32 @!p1 s1, s6  }
0x2f8: {  	[hbm4b:s2+s5] =	stream.linear.scatter @!p1 [tilespmem:s4], [sflag:$0x7], $0x80, $0x38;
	[tilespmem:$0x1F6F8] =	vst v63  }
0x2f9: {  	s5 =	simm.s32 $0x0  }
0x2fa: {  	s2 =	simm.s32 $0xF219;
	s5 =	simm.s32 @!p1 $0x200  }
.LBB3_51:
0x2fb: {  	v0 =	vld.msk [tilespmem:s2+$0x0], $0x1;
	s0 =	sadd.s32 $0xFFFFFFFF, s0;
	s3 =	sadd.s32 s3, s5  }
0x2fc: {  	p1 =	sne.s32 s0, $0x0;
	_ =	sdelay $0x3  }
0x2fd: {  	(v2sf) =	vpush v0, $0x0;
	_ =	sdelay $0xe  }
.Ltmp49:
0x2fe: {  	s6 =	spop (v2sf);
	(pc) =	sbr.rel @p1 .LBB3_51-.Ltmp49, $4  }
0x2ff: {  	s5 =	simm.s32 $0x0;
	p2 =	sgt.u32 s6, $0x270F0  }
0x300: {  	s4 =	sadd.s32 $0x80, s4;
	s5 =	simm.s32 @!p2 $0x200;
	s7 =	sand.u32 @!p2 $0x3FFF8, s6  }
0x301: {  	s2 =	sadd.s32 $0x1, s2;
	s6 =	sand.u32 @!p2 $0x7, s6;
	s7 =	sadd.s32 @!p2 s1, s7  }
0x302: {  	[hbm4b:s7+s6] =	stream.linear.scatter @!p2 [tilespmem:s4], [sflag:$0x7], $0x80, $0x38;
	[tilespmem:$0x1F6F8] =	vst v63  }
.LBB3_52:
0x303: {  	s0 =	sadd.s32 s3, s5  }
0x304: {  	s3 =	sshrl.u32 s0, $0x2  }
.LBB3_53:
0x305: {  	s0 =	simm.s32 $0x7  }
0x306: {  	_ =	swait.ge [sflag:s0], s3  }
0x307: {  	s1 =	ssub.s32 $0x0, s3;
	[sflag:s0] =	ssyncset.done $0x0  }
0x308: {  	[sflag:s0] =	ssyncadd.s32 s1  }
0x309: {  	[sflag:s0] =	ssyncpa.u1 $0x1  }
.LBB3_54:
0x30a: {  	_ =	sfence;
	s0 =	simm.s32 $0x1  }
0x30b: {  	[sflag:s0] =	ssyncpa.u1 $0x1  }
0x30c: {  	_ =	strace $0x90000050  }
0x30d: {  	[bflag:$0x2] =	sbarrier.arrive $0xFFFF  }
0x30e: {  	s0 =	rddreg [dreg:$0x3]  }
0x30f: {  	s0 =	sadd.s32 @!p0 $0x100000, s0  }
0x310: {  	[sflag:s0] =	ssyncadd.tile.s32 @!p0 $0x1;
	_ =	shalt  }
.Lfunc_end3:
_tile_overlayer_lowered:
.L_overlay_start_3:
0x311: {  	(tag) =	ssettag $0x3  }
0x312: {  	s0 =	rddreg [dreg:$0x0];
	s2 =	stileid.u32  }
0x313: {  	s1 =	rddreg [dreg:$0x1];
	p0 =	sne.s32 s2, $0x0  }
0x314: {  	s3 =	rddreg [dreg:$0x2];
	[bflag:$0x3] =	sbarrier.arrive $0xFFFF;
	s2 =	simm.s32 @!p0 $0x1C01  }
0x315: {  	[timem:s3], [sflag:s2] =	dma.local @!p0 [hbm:s0], s1  }
0x316: {  	s0 =	simm.s32 @!p0 $0x1  }
0x317: {  	_ =	swait.ge @!p0 [sflag:s0], s1  }
0x318: {  	s1 =	ssub.s32 @!p0 $0x0, s1;
	[sflag:s0] =	ssyncset.done @!p0 $0x0  }
0x319: {  	[sflag:s0] =	ssyncadd.s32 @!p0 s1  }
0x31a: {  	[bflag:$0x3] =	sbarrier.arrive $0xFFFF  }
0x31b: {  	_ =	shalt  }

// kernel: scatter_offload_async_start.2
scs
__scs_entry_jumppad:
0x0: {  	(pc) =	sbr.rel $0x88, $3  }
0x1: {  	(tag) =	ssettag $0x0;
	lr =	simm.s32 $0x1  }
0x2: {  	[smem:$0x3F94] =	sst lr;
	_ =	strace $0xD0000000  }
0x3: {  	_ = 	snop  }
0x4: {  	_ = 	snop  }
0x5: {  	_ = 	snop  }
0x6: {  	_ = 	snop  }
0x7: {  	_ = 	snop  }
__scs_overlays_trampoline_lowered:
0x8: {  	[smem:$0x3FA3] =	sst s0  }
0x9: {  	[smem:$0x3FA4] =	sst s1  }
0xa: {  	[smem:$0x3FA5] =	sst s2  }
0xb: {  	[smem:$0x3FA6] =	sst s3  }
0xc: {  	[smem:$0x3FA7] =	sst s4  }
0xd: {  	[smem:$0x3FA8] =	sst s5  }
0xe: {  	[smem:$0x3FA9] =	sst s6  }
0xf: {  	[smem:$0x3FAA] =	sst s7  }
0x10: {  	[smem:$0x3FAB] =	sst s8  }
0x11: {  	[smem:$0x3FAC] =	sst s9;
	s0 =	simm.s32 @!p0 $0x0  }
0x12: {  	s1 =	sld [smem:$0x3F92];
	s0 =	simm.s32 @p0 $0x1  }
0x13: {  	[smem:$0x3FAD] =	sst s0;
	s0 =	simm.s32 @!p1 $0x0  }
0x14: {  	s2 =	sld [smem:$0x3F91];
	s0 =	simm.s32 @p1 $0x1  }
0x15: {  	[smem:$0x3FAE] =	sst s0;
	s0 =	simm.s32 @!p2 $0x0  }
0x16: {  	s3 =	sld [smem:$0x3FDB];
	s0 =	simm.s32 @p2 $0x1  }
0x17: {  	s4 =	simm.s32 $0x1BF5;
	[smem:$0x3FB0] =	sst s0  }
0x18: {  	s0 =	sld [smem:$0x3F93];
	_ =	swait.ge [sflag:s4], $0x0  }
0x19: {  	s7 =	sld [smem:$0x3F94]  }
0x1a: {  	s8 =	sadd.s32 $0xFFFFE003, lr  }
0x1b: {  	s9 =	sadd.s32 $0xFFFFFEF7, lr;
	s5 =	simm.s32 $0xFFFFFFFF;
	p2 =	slt.u32 s8, $0xFFFFF086  }
0x1c: {  	p1 =	slt.u32 s9, $0xF7A;
	s5 =	simm.s32 @!p2 $0x0  }
0x1d: {  	s5 =	simm.s32 @p1 $0x1;
	p0 =	seq.s32 s7, s2  }
0x1e: {  	s7 =	smul.u32 @!p0 $0xF7A, s2;
	p2 =	seq.s32 @!p0 s5, $0x0  }
0x1f: {  	s9 =	smul.u32 $0xF7A, s1;
	s8 =	simm.s32 @!p0 $0x1BF5;
	p2 =	por !p2, p0  }
0x20: {  	[sflag:s8] =	ssyncset.s32 @!p0 $0xFFFFF086;
	s6 =	sadd.s32 @!p0 s3, s7;
	s7 =	simm.s32 @!p0 $0x108  }
0x21: {  	s3 =	sadd.s32 s3, s9;
	s6 =	sadd.s32 @!p0 $0x88, s6;
	s7 =	simm.s32 @p2 $0x1082  }
0x22: {  	[simem:s7], [sflag:s8] =	dma.local @!p0 [hbm:s6], $0xF7A  }
0x23: {  	s9 =	sor.u32 $0xD0000000, s2;
	s6 =	simm.s32 $0x108;
	_ =	swait.ge @!p0 [sflag:s8], $0x0  }
0x24: {  	s3 =	sadd.s32 $0x88, s3;
	s6 =	simm.s32 @!p1 $0x1082;
	[sflag:s4] =	ssyncset.s32 $0xFFFFF086  }
0x25: {  	[simem:s6], [sflag:s4] =	dma.local [hbm:s3], $0xF7A  }
0x26: {  	[smem:$0x3F94] =	sst s1;
	(tag) =	ssettag s2;
	_ =	strace s9  }
0x27: {  	s1 =	sld [smem:$0x3FA4]  }
0x28: {  	s2 =	sld [smem:$0x3FA5]  }
0x29: {  	s4 =	sld [smem:$0x3FA7]  }
0x2a: {  	p0 =	seq.s32 s5, $0x0;
	s5 =	sld [smem:$0x3FA8]  }
0x2b: {  	s6 =	sld [smem:$0x3FA9]  }
0x2c: {  	s7 =	sld [smem:$0x3FAA]  }
0x2d: {  	s3 =	simm.s32 $0x108;
	s8 =	sld [smem:$0x3FAB]  }
0x2e: {  	s3 =	simm.s32 @!p0 $0x1082;
	s9 =	sld [smem:$0x3FAC]  }
0x2f: {  	lr =	sadd.s32 s0, s3;
	s0 =	sld [smem:$0x3FA3]  }
0x30: {  	s3 =	sld [smem:$0x3FA6]  }
0x31: {  	[smem:$0x3FAF] =	sst s10  }
0x32: {  	s10 =	sld [smem:$0x3FAD];
	_ =	sdelay $0x3  }
0x33: {  	p0 =	seq.s32 s10, $0x1;
	s10 =	sld [smem:$0x3FAF];
	_ =	sdelay $0x3  }
0x34: {  	[smem:$0x3FAF] =	sst s10  }
0x35: {  	s10 =	sld [smem:$0x3FAE];
	_ =	sdelay $0x3  }
0x36: {  	p1 =	seq.s32 s10, $0x1;
	s10 =	sld [smem:$0x3FAF];
	_ =	sdelay $0x3  }
0x37: {  	[smem:$0x3FAF] =	sst s10  }
0x38: {  	s10 =	sld [smem:$0x3FB0]  }
0x39: {  	_ = 	snop;
	(pc) =	sbr.ind lr, $3  }
0x3a: {  	_ = 	snop  }
0x3b: {  	_ = 	snop  }
0x3c: {  	p2 =	seq.s32 s10, $0x1;
	s10 =	sld [smem:$0x3FAF]  }
0x3d: {  	_ =	shalt  }
0x3e: {  	_ =	shalt  }
0x3f: {  	_ =	shalt  }
0x40: {  	_ =	shalt  }
0x41: {  	_ =	shalt  }
0x42: {  	_ =	shalt  }
0x43: {  	_ =	shalt  }
0x44: {  	_ =	shalt  }
0x45: {  	_ =	shalt  }
0x46: {  	_ =	shalt  }
0x47: {  	_ =	shalt  }
0x48: {  	_ =	shalt  }
0x49: {  	_ =	shalt  }
0x4a: {  	_ =	shalt  }
0x4b: {  	_ =	shalt  }
0x4c: {  	_ =	shalt  }
0x4d: {  	_ =	shalt  }
0x4e: {  	_ =	shalt  }
0x4f: {  	_ =	shalt  }
0x50: {  	_ =	shalt  }
0x51: {  	_ =	shalt  }
0x52: {  	_ =	shalt  }
0x53: {  	_ =	shalt  }
0x54: {  	_ =	shalt  }
0x55: {  	_ =	shalt  }
0x56: {  	_ =	shalt  }
0x57: {  	_ =	shalt  }
0x58: {  	_ =	shalt  }
0x59: {  	_ =	shalt  }
0x5a: {  	_ =	shalt  }
0x5b: {  	_ =	shalt  }
0x5c: {  	_ =	shalt  }
0x5d: {  	_ =	shalt  }
0x5e: {  	_ =	shalt  }
0x5f: {  	_ =	shalt  }
0x60: {  	_ =	shalt  }
0x61: {  	_ =	shalt  }
0x62: {  	_ =	shalt  }
0x63: {  	_ =	shalt  }
0x64: {  	_ =	shalt  }
0x65: {  	_ =	shalt  }
0x66: {  	_ =	shalt  }
0x67: {  	_ =	shalt  }
0x68: {  	_ =	shalt  }
0x69: {  	_ =	shalt  }
0x6a: {  	_ =	shalt  }
0x6b: {  	_ =	shalt  }
0x6c: {  	_ =	shalt  }
0x6d: {  	_ =	shalt  }
0x6e: {  	_ =	shalt  }
0x6f: {  	_ =	shalt  }
0x70: {  	_ =	shalt  }
0x71: {  	_ =	shalt  }
0x72: {  	_ =	shalt  }
0x73: {  	_ =	shalt  }
0x74: {  	_ =	shalt  }
0x75: {  	_ =	shalt  }
0x76: {  	_ =	shalt  }
0x77: {  	_ =	shalt  }
0x78: {  	_ =	shalt  }
0x79: {  	_ =	shalt  }
0x7a: {  	_ =	shalt  }
0x7b: {  	_ =	shalt  }
0x7c: {  	_ =	shalt  }
0x7d: {  	_ =	shalt  }
0x7e: {  	_ =	shalt  }
0x7f: {  	_ =	shalt  }
0x80: {  	_ =	shalt  }
0x81: {  	_ =	shalt  }
0x82: {  	_ =	shalt  }
0x83: {  	_ =	shalt  }
0x84: {  	_ =	shalt  }
0x85: {  	_ =	shalt  }
0x86: {  	_ =	shalt  }
0x87: {  	_ =	shalt  }
.Lfunc_end0:
.L_simem_size_0:
called_computation.2_lowered:
.L_overlay_start_0:
0x88: {  	s2 =	sld [smem:$0x3FD9]  }
0x89: {  	s3 =	sld [smem:$0x3FFE];
	_ =	sdelay $0x1  }
0x8a: {  	s1 =	srdreg.scid  }
0x8b: {  	s0 =	sand.u32 $0x1, s1  }
0x8c: {  	s15 =	sshll.u32 s0, $0xA;
	s2 =	sadd.s32 s3, s2  }
0x8d: {  	s2 =	sadd.s32 s2, s15  }
0x8e: {  	[smem:$0x3FBB] =	sst s2  }
0x8f: {  	_ = 	snop  }
0x90: {  	(tm) =	ssettm $0x1  }
0x91: {  	s16 =	sld [smem:$0x3FFB];
	_ =	sdelay $0x3  }
0x92: {  	_ =	strace s16  }
0x93: {  	s2 =	sld [smem:$0x3FFC];
	_ =	sdelay $0x3  }
0x94: {  	_ =	strace s2  }
0x95: {  	s2 =	sld [smem:$0x3FFD];
	_ =	sdelay $0x3  }
0x96: {  	_ =	strace s2  }
0x97: {  	_ =	strace $0x8FFFFFFF  }
0x98: {  	s17 =	sld [smem:$0x3FDB];
	_ =	sdelay $0x1  }
0x99: {  	s18 =	simm.s32 $_scs_section_size  }
0x9a: {  	s4 =	simm.s32 $_size__tile_overlayer_lowered;
	s5 =	simm.s32 $_tile_overlayer_lowered  }
0x9b: {  	s21 =	simm.s32 $0x1BFF;
	s20 =	sshll.u32 s5, $0x1;
	s2 =	sadd.s32 s18, s17  }
0x9c: {  	s6 =	simm.s32 $0x0;
	s19 =	sshll.u32 s4, $0x1;
	s4 =	sadd.s32 s20, s2  }
0x9d: {  	[timem:s6], [sflag:s21] =	dma.local [hbm:s4], s19  }
0x9e: {  	_ =	swait.ge [sflag:s21], s19  }
0x9f: {  	s3 =	ssub.s32 $0x0, s19;
	[sflag:s21] =	ssyncset.done $0x0  }
0xa0: {  	[sflag:s21] =	ssyncadd.s32 s3;
	_ =	sdelay $0x1  }
0xa1: {  	s22 =	simm.s32 $0x1B8B  }
0xa2: {  	_ =	swait.ge [sflag:s22], $0x1  }
0xa3: {  	[sflag:s22] =	ssyncset.done $0x0  }
0xa4: {  	s23 =	sld [smem:$0x3FFE];
	[sflag:s22] =	ssyncadd.s32 $0xFFFFFFFF  }
0xa5: {  	s25 =	simm.s32 $0x1B8E;
	s24 =	sld [smem:$0x0]  }
0xa6: {  	s26 =	simm.s32 $execute0_lowered;
	[smem:$0x3FD2] =	sst s25  }
0xa7: {  	s5 =	sshll.u32 s26, $0x1;
	_ =	strace $0x80000052;
	[dreg:$0x1] =	wrdreg $0xFFFFFFFF  }
0xa8: {  	s28 =	simm.s32 $_size_execute0_lowered;
	s2 =	sadd.s32 s2, s5;
	[dreg:$0x0] =	wrdreg $0x0  }
0xa9: {  	s5 =	sshll.u32 s28, $0x1;
	[dreg:$0x2] =	wrdreg s2  }
0xaa: {  	[dreg:$0x3] =	wrdreg s5  }
0xab: {  	[dreg:$0x4] =	wrdreg $0xC0  }
0xac: {  	_ =	task [dreg:s6], $0x5FFFF  }
0xad: {  	[dreg:$0x1] =	wrdreg $0xFFFFFFFF  }
0xae: {  	[dreg:$0x0] =	wrdreg $0x60  }
0xaf: {  	[dreg:$0x2] =	wrdreg s23  }
0xb0: {  	[dreg:$0x3] =	wrdreg s1  }
0xb1: {  	[dreg:$0x4] =	wrdreg s24  }
0xb2: {  	[dreg:$0x5] =	wrdreg $0x9  }
0xb3: {  	_ =	task.clear_ibuf [dreg:s6], $0x6FFFF;
	_ =	strace $0x90000052  }
0xb4: {  	s29 =	simm.s32 $0x9;
	_ =	strace $0x80000054  }
0xb5: {  	_ =	swait.ge [sflag:s29], $0x1  }
0xb6: {  	[sflag:s29] =	ssyncadd.s32 $0xFFFFFFFF  }
0xb7: {  	_ =	strace $0x90000054  }
0xb8: {  	_ =	sfence  }
0xb9: {  	s30 =	sld [smem:$0x0];
	_ =	sdelay $0x2  }
0xba: {  	s31 =	sshll.u32 s1, $0xD;
	s1 =	sshrl.u32 s1, $0x2  }
0xbb: {  	s3 =	sand.u32 $0x4000, s31;
	s1 =	sadd.s32 s1, s30  }
0xbc: {  	s0 =	sor.u32 s3, s0;
	s1 =	sshll.u32 s1, $0x11  }
0xbd: {  	s0 =	sor.u32 s1, s0  }
0xbe: {  	s0 =	sadd.s32 $0x8F2B, s0  }
0xbf: {  	[sflag:s0] =	ssyncadd.remote.s32 $0x1  }
0xc0: {  	_ =	sfence.sel $0xFFFF  }
0xc1: {  	[dreg:$0x0] =	wrdreg $0xFFFFFFFF;
	(pc) =	sbr.abs _section_cstart, $3  }
0xc2: {  	[dreg:$0x1] =	wrdreg $0xFFFFFFFF  }
0xc3: {  	_ =	task.clear_ibuf [dreg:s6], $0x2FFFF;
	_ =	strace $0x9FFFFFFF  }
0xc4: {  	(tm) =	ssettm $0x7FFFFFFF  }
0xc5: {  	_ =	shalt  }
tec
execute0_lowered:
.L_overlay_start_1:
0x0: {  	(tag) =	ssettag $0x1  }
0x1: {  	s2 =	rddreg [dreg:$0x0]  }
0x2: {  	s3 =	rddreg [dreg:$0x1];
	_ =	strace $0x80000053;
	s0 =	simm.s32 $0x1  }
0x3: {  	v0 =	vimm.s32 $0x0;
	[sflag:s0] =	ssyncpa.u1 $0x0;
	s0 =	simm.s32 $0x108  }
0x4: {  	[tilespmem:s0+$0x70] =	vst v0  }
0x5: {  	[tilespmem:s0+$0x60] =	vst v0  }
0x6: {  	[tilespmem:s0+$0x50] =	vst v0  }
0x7: {  	[tilespmem:s0+$0x40] =	vst v0  }
0x8: {  	s1 =	sadd.s32 $0x513600, s2;
	[tilespmem:s0+$0x30] =	vst v0  }
0x9: {  	s15 =	sadd.s32 $0x4FFA00, s2;
	s6 =	sadd.s32 $0x544600, s2;
	[tilespmem:s0+$0x20] =	vst v0  }
0xa: {  	s14 =	sadd.s32 $0x509800, s2;
	s5 =	sand.u32 $0x1, s3;
	s3 =	simm.s32 $0x40;
	[tilespmem:s0+$0x10] =	vst v0  }
.LBB2_1:
0xb: {  	s3 =	sadd.s32 $0x40, s3;
	[tilespmem:s0+$0x0] =	vst v0;
	s0 =	sadd.s32 $0x80, s0  }
0xc: {  	p0 =	slt.u32 s3, $0x3C40;
	[tilespmem:s0+$0x70] =	vst v0  }
0xd: {  	[tilespmem:s0+$0x60] =	vst v0  }
.Ltmp0:
0xe: {  	[tilespmem:s0+$0x50] =	vst v0;
	(pc) =	sbr.rel @p0 .LBB2_1-.Ltmp0, $4  }
0xf: {  	[tilespmem:s0+$0x40] =	vst v0  }
0x10: {  	[tilespmem:s0+$0x30] =	vst v0  }
0x11: {  	[tilespmem:s0+$0x20] =	vst v0  }
0x12: {  	[tilespmem:s0+$0x10] =	vst v0  }
0x13: {  	s9 =	stileid.u32  }
0x14: {  	s2 =	smul.u32 $0x29, s9  }
0x15: {  	s3 =	smin.u32 s9, $0xB  }
0x16: {  	s2 =	sadd.s32 s3, s2  }
0x17: {  	p0 =	slt.u32 s9, $0xB;
	s7 =	smul.u32 $0xF0, s2;
	s2 =	simm.s32 $0x2760  }
0x18: {  	s2 =	simm.s32 @!p0 $0x2670  }
0x19: {  	s2 =	sadd.s32 s2, s7  }
0x1a: {  	s8 =	smin.u32 s2, $0x27100  }
0x1b: {  	s2 =	ssub.s32 s8, s7  }
0x1c: {  	p0 =	sgt.s32 s2, $0x0  }
0x1d: {  	s29 =	simm.s32 $0x2;
	s10 =	simm.s32 $0x9;
	s2 =	simm.s32 @!p0 $0x0  }
0x1e: {  	s4 =	simm.s32 $0xA;
	s11 =	simm.s32 $0xB;
	s28 =	smulhi.u32 $0x88888889, s2  }
0x1f: {  	[dreg:$0x4] =	wrdreg s5;
	s31 =	smul.u32 $0x4E20, s5;
	s12 =	simm.s32 $0x1  }
0x20: {  	s22 =	simm.s32 $0x0;
	s18 =	simm.s32 $0xC;
	s30 =	sshrl.u32 s28, $0x7  }
0x21: {  	s20 =	simm.s32 $0x0;
	s21 =	simm.s32 $0x0;
	s3 =	smul.u32 $0xF0, s30  }
.Ltmp1:
0x22: {  	[tilespmem:s0+$0x0] =	vst v0;
	v0 =	vimm.s32 $0xFFFFFFFF;
	[sflag:s29] =	ssyncpa.u1 $0x0;
	s16 =	sshll.u32 s9, $0x8;
	(pc) =	sbr.rel .LBB2_3-.Ltmp1, $4  }
0x23: {  	[tilespmem:$0xF208] =	vst v0;
	[sflag:s10] =	ssyncpa.u1 $0x0;
	p0 =	sne.s32 s2, s3;
	s2 =	simm.s32 $0x1  }
0x24: {  	s14 =	sadd.s32 s31, s14;
	[sflag:s4] =	ssyncpa.u1 $0x0;
	s2 =	simm.s32 @!p0 $0x0  }
0x25: {  	s15 =	sadd.s32 s31, s15;
	[sflag:s11] =	ssyncpa.u1 $0x0;
	s13 =	sadd.s32 s2, s30  }
0x26: {  	v0 =	vlaneseq.u32;
	s19 =	smov.u32 s7;
	p0 =	por $0x0, $0x0;
	s17 =	sadd.s32 $0x1, s13  }
.LBB2_18:
0x27: {  	s0 =	sshrl.u32 s31, $0x2  }
.LBB2_20:
0x28: {  	_ =	swait.ge [sflag:s18], s0  }
0x29: {  	s31 =	ssub.s32 $0x0, s0;
	v1 =	vmov s24;
	vm0 =	veq.s32 v0, $0x0;
	[sflag:s18] =	ssyncset.done $0x0  }
0x2a: {  	vm15 =	veq.s32 v0, $0x2;
	v1 =	vsel vm0, s30, v1;
	[sflag:s18] =	ssyncadd.s32 s31  }
0x2b: {  	v1 =	vsel vm15, s22, v1;
	[sflag:s18] =	ssyncpa.u1 $0x1  }
0x2c: {  	[tilespmem:$0xF208] =	vst v1  }
.LBB2_21:
0x2d: {  	s0 =	sadd.s32 $0xF0, s19  }
0x2e: {  	s2 =	smov.u32 s7;
	p1 =	slt.s32 s0, s8  }
0x2f: {  	s2 =	smov.u32 @p1 s0;
	p1 =	sne.s32 s21, s17  }
.Ltmp2:
0x30: {  	_ = 	snop;
	(pc) =	sbr.rel @!p1 .LBB2_22-.Ltmp2, $3  }
0x31: {  	_ =	sdelay $0x1  }
0x32: {  	s22 =	smov.u32 s20;
	s31 =	sadd.s32 $0x1, s21;
	s20 =	smov.u32 s19  }
0x33: {  	p0 =	por !p0, !p0;
	s21 =	smov.u32 s31;
	s19 =	smov.u32 s2  }
.LBB2_3:
0x34: {  	p1 =	sge.u32 s21, s13  }
0x35: {  	s0 =	smulhi.u32 @!p1 $0xAAAAAAAB, s21  }
0x36: {  	s2 =	smov.u32 s19;
	p2 =	sgt.s32 @!p1 s19, $0x27010  }
0x37: {  	s3 =	sshra.s32 @!p1 s19, $0x1F;
	p2 =	por !p2, p1;
	s0 =	sshrl.u32 @!p1 s0, $0x1  }
0x38: {  	s3 =	sand.u32 @!p1 s3, s19;
	s2 =	simm.s32 @p2 $0x27010;
	s0 =	smul.u32 @!p1 $0x3, s0  }
0x39: {  	s2 =	ssub.s32 @!p1 s2, s3  }
0x3a: {  	s2 =	sadd.s32 @!p1 $0xFFFD8FF0, s2;
	s0 =	ssub.s32 @!p1 s21, s0  }
0x3b: {  	s3 =	sshll.u32 @!p1 s2, $0x2;
	p2 =	sgt.s32 @!p1 s2, $0xEF;
	s0 =	smul.u32 @!p1 $0x3C0, s0  }
0x3c: {  	s4 =	sand.u32 @!p1 $0x7, s19;
	s2 =	ssub.s32 @!p1 $0x3C0, s3;
	p2 =	por !p2, p1  }
0x3d: {  	s3 =	sshrl.u32 @!p1 s19, $0x3;
	s2 =	sshrl.u32 @!p1 s2, $0x2;
	s0 =	sshrl.u32 @!p1 s0, $0x2  }
0x3e: {  	s3 =	sadd.s32 @!p1 s3, s14;
	s2 =	simm.s32 @!p2 $0x0;
	s0 =	sadd.s32 @!p1 $0x10248, s0  }
0x3f: {  	[tilespmem:s0], [sflag:$0xA] =	stream.linear.gather @!p1 [hbm4b:s3+s4], s2, $0x38;
	[tilespmem:$0x1F6F8] =	vst v63  }
0x40: {  	s0 =	sadd.s32 $0xFFFFFFFF, s21  }
0x41: {  	p1 =	sge.u32 s0, s13  }
0x42: {  	p2 =	sgt.s32 @!p1 s20, $0x27010  }
0x43: {  	s2 =	smov.u32 s20;
	s3 =	sshra.s32 @!p1 s20, $0x1F;
	p2 =	por !p2, p1  }
0x44: {  	s3 =	sand.u32 @!p1 s3, s20;
	s2 =	simm.s32 @p2 $0x27010  }
0x45: {  	s2 =	ssub.s32 @!p1 s2, s3  }
0x46: {  	s2 =	sadd.s32 @!p1 $0xFFFD8FF0, s2  }
0x47: {  	s4 =	sand.u32 @!p1 $0x1, s0;
	s3 =	sshll.u32 @!p1 s2, $0x2  }
0x48: {  	p2 =	sgt.s32 @!p1 s2, $0xEF;
	s2 =	ssub.s32 @!p1 $0x3C0, s3;
	s3 =	smulhi.u32 @!p1 $0xAAAAAAAB, s0  }
0x49: {  	s23 =	smul.u32 @!p1 $0x3C0, s4;
	p2 =	por !p2, p1;
	s2 =	sshrl.u32 @!p1 s2, $0x2  }
0x4a: {  	s5 =	simm.s32 @!p1 $0xA;
	s2 =	simm.s32 @!p2 $0x0;
	s3 =	sshrl.u32 @!p1 s3, $0x1  }
0x4b: {  	s23 =	sshrl.u32 @!p1 s23, $0x2;
	_ =	swait.ge @!p1 [sflag:s5], s2;
	s3 =	smul.u32 @!p1 $0x3, s3  }
0x4c: {  	s23 =	sadd.s32 @!p1 $0x10518, s23;
	s24 =	ssub.s32 @!p1 $0x0, s2;
	[sflag:s5] =	ssyncset.done @!p1 $0x0  }
0x4d: {  	[sflag:s5] =	ssyncadd.s32 @!p1 s24;
	s5 =	sshrl.u32 @!p1 s20, $0x3;
	s0 =	ssub.s32 @!p1 s0, s3  }
0x4e: {  	s24 =	sand.u32 @!p1 $0x7, s20;
	s5 =	sadd.s32 @!p1 s5, s15;
	s0 =	smul.u32 @!p1 $0x3C0, s0  }
0x4f: {  	[tilespmem:s23], [sflag:$0xB] =	stream.linear.gather @!p1 [hbm4b:s5+s24], s2, $0x38;
	[tilespmem:$0x1F6F8] =	vst v63  }
0x50: {  	s3 =	ssub.s32 @!p1 $0x27100, s20;
	s2 =	smul.u32 @!p1 $0x1E000, s4  }
0x51: {  	p2 =	slt.s32 @!p1 s3, $0xF0  }
0x52: {  	p2 =	por !p2, p1;
	s0 =	sshrl.u32 @!p1 s0, $0x2;
	s2 =	sshrl.u32 @!p1 s2, $0x2  }
0x53: {  	s3 =	simm.s32 @p2 $0xF0;
	s0 =	sadd.s32 @!p1 $0x10248, s0;
	s2 =	sor.u32 @!p1 $0x106F8, s2  }
0x54: {  	[tilespmem:s2], [sflag:$0x9] =	stream.indirect.gather @!p1 [hbm4b:s6+s3], $0x80, s0, s3, $0xb8;
	[tilespmem:$0x1F6F8] =	vst v63  }
0x55: {  	p1 =	slt.u32 s21, $0x2  }
.Ltmp3:
0x56: {  	_ = 	snop;
	(pc) =	sbr.rel @p1 .LBB2_21-.Ltmp3, $1  }
0x57: {  	_ =	sdelay $0x3  }
0x58: {  	p1 =	sgt.s32 s22, $0x27010  }
0x59: {  	s0 =	smov.u32 s22;
	s2 =	sshra.s32 s22, $0x1F;
	s3 =	ssub.s32 $0x27100, s22  }
0x5a: {  	s0 =	simm.s32 @!p1 $0x27010;
	s2 =	sand.u32 s2, s22;
	p1 =	slt.s32 s3, $0xF0  }
0x5b: {  	s0 =	ssub.s32 s0, s2;
	s3 =	simm.s32 @!p1 $0xF0  }
0x5c: {  	s0 =	sadd.s32 $0xFFFD8FF0, s0;
	s25 =	sshll.u32 s3, $0x7  }
0x5d: {  	s26 =	sshll.u32 s0, $0x2;
	s2 =	sand.u32 $0x3FFFFF80, s25  }
0x5e: {  	p1 =	sgt.s32 s0, $0xEF;
	s29 =	ssub.s32 $0x3C0, s26;
	_ =	swait.ge [sflag:s10], s2  }
0x5f: {  	s2 =	ssub.s32 $0x0, s2;
	[sflag:s10] =	ssyncset.done $0x0;
	s0 =	sshrl.u32 s29, $0x2  }
0x60: {  	[sflag:s10] =	ssyncadd.s32 s2;
	s0 =	simm.s32 @p1 $0x0  }
0x61: {  	_ =	swait.ge [sflag:s11], s0  }
0x62: {  	s0 =	ssub.s32 $0x0, s0;
	[sflag:s11] =	ssyncset.done $0x0  }
0x63: {  	[sflag:s11] =	ssyncadd.s32 s0  }
0x64: {  	v1 =	vld [tilespmem:$0xF208];
	_ =	sdelay $0x4  }
0x65: {  	(v2sf) =	vpush v1, $0x0  }
0x66: {  	(v2sf) =	vpush v1, $0x1  }
0x67: {  	(v2sf) =	vpush v1, $0x2;
	_ =	sdelay $0x3  }
0x68: {  	s0 =	sadd.s32 $0xF0, s22  }
0x69: {  	s2 =	ssub.s32 $0x4E200, s22;
	p1 =	slt.s32 s8, s0  }
0x6a: {  	s0 =	smov.u32 @p1 s8;
	p1 =	sgt.s32 s2, $0x0  }
0x6b: {  	s26 =	ssub.s32 s0, s22;
	s2 =	simm.s32 @!p1 $0x0  }
0x6c: {  	p1 =	slt.s32 s2, s26  }
0x6d: {  	s26 =	smov.u32 @p1 s2  }
0x6e: {  	s25 =	simm.s32 $0x1;
	p1 =	slt.s32 s26, $0x1  }
.Ltmp4:
0x6f: {  	s25 =	simm.s32 @!p0 $0x0;
	(pc) =	sbr.rel @p1 .LBB2_8-.Ltmp4, $4  }
0x70: {  	s31 =	smul.u32 $0x3C0, s25  }
0x71: {  	s28 =	spop (v2sf)  }
0x72: {  	s0 =	sshrl.u32 s31, $0x2;
	s30 =	spop (v2sf)  }
0x73: {  	s23 =	sadd.s32 $0x10518, s0;
	s22 =	spop (v2sf)  }
0x74: {  	s0 =	smin.u32 s26, $0x10  }
0x75: {  	v1 =	vmov s0  }
0x76: {  	p2 =	sgt.s32 s26, $0x10;
	vm1 =	vgt.u32 v1, v0  }
.Ltmp5:
0x77: {  	_ = 	snop;
	(pc) =	sbr.rel @!p2 .LBB2_7-.Ltmp5, $2  }
0x78: {  	_ =	sdelay $0x2  }
0x79: {  	s4 =	simm.s32 $0x10;
	s24 =	sadd.s32 $0xFFFFFFF0, s26;
	s0 =	smov.u32 s23;
	vm0 =	vmmov vm1  }
.LBB2_6:
0x7a: {  	s2 =	smin.u32 s24, $0x10;
	s4 =	sadd.s32 $0x10, s4;
	v1 =	vld.msk [tilespmem:s0+$0x0 ss:$0x1], vm1  }
0x7b: {  	v2 =	vmov s2;
	p2 =	slt.s32 s4, s26  }
0x7c: {  	vm1 =	vgt.u32 v2, v0  }
.Ltmp6:
0x7d: {  	(pc) =	sbr.rel @p2 .LBB2_6-.Ltmp6, $3  }
0x7e: {  	_ =	sdelay $0x1  }
0x7f: {  	v1 =	vshll.u32 v1, $0x4  }
0x80: {  	s24 =	sadd.s32 $0xFFFFFFF0, s24;
	[tilespmem:s0+$0x0] =	vst.msk vm0, v1;
	s0 =	sadd.s32 $0x10, s0;
	vm0 =	vmmov vm1  }
.LBB2_7:
0x81: {  	_ =	sdelay $0x4  }
0x82: {  	v1 =	vld.msk [tilespmem:s0+$0x0 ss:$0x1], vm1;
	_ =	sdelay $0x4  }
0x83: {  	v1 =	vshll.u32 v1, $0x4  }
0x84: {  	[tilespmem:s0+$0x0] =	vst.msk vm0, v1  }
.LBB2_8:
0x85: {  	s0 =	sand.u32 $0x1, s21  }
0x86: {  	s2 =	smul.u32 $0x7800, s0  }
0x87: {  	p2 =	sne.s32 s30, $0xFFFFFFFF  }
0x88: {  	v1 =	vld @!p2 [tilespmem:s2+$0x106F8];
	_ =	sdelay $0x2  }
0x89: {  	s0 =	smul.u32 $0xF0, s0;
	_ =	sdelay $0x1  }
0x8a: {  	v2 =	vld.msk @!p2 [tilespmem:s0+$0x10518], $0x1;
	[tilespmem:$0x108] =	vst @!p2 v1  }
0x8b: {  	v1 =	vld @!p2 [tilespmem:s2+$0x10708];
	_ =	sdelay $0x4  }
0x8c: {  	[tilespmem:$0x118] =	vst @!p2 v1  }
0x8d: {  	v1 =	vld @!p2 [tilespmem:s2+$0x10718];
	_ =	sdelay $0x4  }
0x8e: {  	[tilespmem:$0x128] =	vst @!p2 v1  }
0x8f: {  	v1 =	vld @!p2 [tilespmem:s2+$0x10728];
	_ =	sdelay $0x4  }
0x90: {  	[tilespmem:$0x138] =	vst @!p2 v1  }
0x91: {  	v1 =	vld @!p2 [tilespmem:s2+$0x10738];
	_ =	sdelay $0x4  }
0x92: {  	[tilespmem:$0x148] =	vst @!p2 v1  }
0x93: {  	(v2sf) =	vpush @!p2 v2, $0x0;
	v1 =	vld @!p2 [tilespmem:s2+$0x10748];
	_ =	sdelay $0x4  }
0x94: {  	[tilespmem:$0x158] =	vst @!p2 v1  }
0x95: {  	v1 =	vld @!p2 [tilespmem:s2+$0x10758];
	_ =	sdelay $0x4  }
0x96: {  	[tilespmem:$0x168] =	vst @!p2 v1  }
0x97: {  	v1 =	vld @!p2 [tilespmem:s2+$0x10768]  }
.Ltmp7:
0x98: {  	_ = 	snop;
	(pc) =	sbr.rel @p1 .LBB2_19-.Ltmp7, $4  }
0x99: {  	_ = 	snop  }
0x9a: {  	s29 =	spop @!p2 (v2sf)  }
0x9b: {  	s22 =	simm.s32 @!p2 $0x0;
	s24 =	smov.u32 s29  }
0x9c: {  	s29 =	smov.u32 @p2 s28;
	s24 =	smov.u32 @p2 s30;
	[tilespmem:$0x178] =	vst @!p2 v1;
	[sflag:s18] =	ssyncpa.u1 $0x0  }
0x9d: {  	v1 =	vld.msk [tilespmem:s23+$0x0], $0x1;
	_ =	sdelay $0x4  }
0x9e: {  	(v2sf) =	vpush v1, $0x0;
	_ =	sdelay $0xe  }
0x9f: {  	s2 =	smul.u32 $0x1E000, s25;
	s0 =	spop (v2sf)  }
0xa0: {  	s26 =	ssub.s32 $0x0, s26;
	p1 =	seq.s32 s29, s0  }
0xa1: {  	s30 =	sadd.s32 $0x1, s26;
	s2 =	sshrl.u32 s2, $0x2;
	p2 =	sgt.s32 @!p1 s29, $0x0  }
0xa2: {  	s25 =	sor.u32 $0x10738, s2;
	s2 =	smov.u32 s29;
	p2 =	por !p2, p1  }
0xa3: {  	s2 =	simm.s32 @p2 $0x0;
	p2 =	seq.s32 s30, $0x0  }
.Ltmp8:
0xa4: {  	_ = 	snop;
	(pc) =	sbr.rel @p2 .LBB2_11-.Ltmp8, $4  }
0xa5: {  	_ = 	snop  }
0xa6: {  	s28 =	simm.s32 $0x0;
	s31 =	sadd.s32 $0x1, s23;
	s2 =	smin.u32 @!p1 s2, $0x270F0  }
0xa7: {  	s4 =	simm.s32 @!p1 $0x1;
	s5 =	simm.s32 @!p1 $0x7988;
	s3 =	sand.u32 @!p1 $0x3FFF8, s2  }
0xa8: {  	s4 =	smov.u32 @p1 s28;
	s2 =	sand.u32 @!p1 $0x7, s2;
	s3 =	sadd.s32 @!p1 s1, s3  }
.LBB2_10:
0xa9: {  	s9 =	smov.u32 s4  }
0xaa: {  	[tilespmem:s5], [sflag:$0x2] =	stream.linear.gather @!p1 [hbm4b:s3+s2], $0x80, $0x38;
	[tilespmem:$0x1F6F8] =	vst v63  }
0xab: {  	s30 =	sadd.s32 $0x1, s30;
	s2 =	smov.u32 s0;
	v1 =	vld.msk [tilespmem:s31+$0x0], $0x1  }
0xac: {  	p2 =	seq.s32 s30, $0x0;
	_ =	sdelay $0x3  }
0xad: {  	(v2sf) =	vpush v1, $0x0;
	_ =	sdelay $0xe  }
0xae: {  	s0 =	spop (v2sf)  }
0xaf: {  	p1 =	seq.s32 s2, s0  }
0xb0: {  	p3 =	sgt.s32 @!p1 s2, $0x0;
	s3 =	sshll.u32 @!p1 s4, $0x9;
	s4 =	sadd.s32 @!p1 $0x1, s4  }
.Ltmp9:
0xb1: {  	p3 =	por !p3, p1;
	s3 =	sshra.s32 @!p1 s3, $0x2;
	(pc) =	sbr.rel @!p2 .LBB2_10-.Ltmp9, $4  }
0xb2: {  	s4 =	smov.u32 @p1 s9;
	s2 =	simm.s32 @p3 $0x0;
	s5 =	sadd.s32 @!p1 $0x7988, s3  }
0xb3: {  	s2 =	smin.u32 @!p1 s2, $0x270F0  }
0xb4: {  	s3 =	sand.u32 @!p1 $0x3FFF8, s2;
	s2 =	sand.u32 @!p1 $0x7, s2  }
0xb5: {  	s31 =	sadd.s32 $0x1, s31;
	s3 =	sadd.s32 @!p1 s1, s3  }
.LBB2_11:
0xb6: {  	[tilespmem:s5], [sflag:$0x2] =	stream.linear.gather @!p1 [hbm4b:s3+s2], $0x80, $0x38;
	[tilespmem:$0x1F6F8] =	vst v63  }
.Ltmp10:
0xb7: {  	s0 =	sshll.u32 s4, $0x7;
	(pc) =	sbr.rel .LBB2_12-.Ltmp10, $4  }
0xb8: {  	s30 =	simm.s32 $0x2;
	s0 =	sand.u32 $0x3FFFFF80, s0  }
0xb9: {  	_ =	swait.ge [sflag:s30], s0  }
0xba: {  	s0 =	ssub.s32 $0x0, s0;
	[sflag:s30] =	ssyncset.done $0x0  }
0xbb: {  	s31 =	simm.s32 $0x0;
	[sflag:s30] =	ssyncadd.s32 s0  }
.LBB2_13:
0xbc: {  	s0 =	sshra.s32 s0, $0x2;
	v1 =	vld [tilespmem:s25+$0xFFFFFFC0]  }
0xbd: {  	v2 =	vld [tilespmem:s0+$0x108];
	_ =	sdelay $0x4  }
0xbe: {  	v1 =	vmax.f32 v1, v2  }
0xbf: {  	v2 =	vld [tilespmem:s0+$0x118];
	[tilespmem:s0+$0x108] =	vst v1  }
0xc0: {  	v1 =	vld [tilespmem:s25+$0xFFFFFFD0];
	_ =	sdelay $0x4  }
0xc1: {  	v1 =	vmax.f32 v1, v2  }
0xc2: {  	v2 =	vld [tilespmem:s0+$0x128];
	[tilespmem:s0+$0x118] =	vst v1  }
0xc3: {  	v1 =	vld [tilespmem:s25+$0xFFFFFFE0];
	_ =	sdelay $0x4  }
0xc4: {  	v1 =	vmax.f32 v1, v2  }
0xc5: {  	v2 =	vld [tilespmem:s0+$0x138];
	[tilespmem:s0+$0x128] =	vst v1  }
0xc6: {  	v1 =	vld [tilespmem:s25+$0xFFFFFFF0];
	_ =	sdelay $0x4  }
0xc7: {  	v1 =	vmax.f32 v1, v2  }
0xc8: {  	v2 =	vld [tilespmem:s0+$0x148];
	[tilespmem:s0+$0x138] =	vst v1  }
0xc9: {  	v1 =	vld [tilespmem:s25+$0x0];
	_ =	sdelay $0x4  }
0xca: {  	v1 =	vmax.f32 v1, v2  }
0xcb: {  	v2 =	vld [tilespmem:s0+$0x158];
	[tilespmem:s0+$0x148] =	vst v1  }
0xcc: {  	v1 =	vld [tilespmem:s25+$0x10];
	_ =	sdelay $0x4  }
0xcd: {  	v1 =	vmax.f32 v1, v2  }
0xce: {  	v2 =	vld [tilespmem:s0+$0x168];
	[tilespmem:s0+$0x158] =	vst v1  }
0xcf: {  	v1 =	vld [tilespmem:s25+$0x20];
	_ =	sdelay $0x4  }
0xd0: {  	v1 =	vmax.f32 v1, v2  }
0xd1: {  	v2 =	vld [tilespmem:s0+$0x178];
	[tilespmem:s0+$0x168] =	vst v1  }
0xd2: {  	v1 =	vld [tilespmem:s25+$0x30];
	_ =	sdelay $0x4  }
0xd3: {  	v1 =	vmax.f32 v1, v2  }
0xd4: {  	[tilespmem:s0+$0x178] =	vst v1  }
.LBB2_17:
0xd5: {  	s26 =	sadd.s32 $0x1, s26  }
0xd6: {  	p1 =	seq.s32 s26, $0x0  }
.Ltmp11:
0xd7: {  	_ = 	snop;
	(pc) =	sbr.rel @p1 .LBB2_18-.Ltmp11, $2  }
0xd8: {  	_ =	sdelay $0x2  }
0xd9: {  	s23 =	sadd.s32 $0x1, s23;
	s25 =	sadd.s32 $0x80, s25;
	s29 =	smov.u32 s30  }
.LBB2_12:
0xda: {  	v1 =	vld.msk [tilespmem:s23+$0x0], $0x1;
	_ =	sdelay $0x4  }
0xdb: {  	(v2sf) =	vpush v1, $0x0;
	_ =	sdelay $0xe  }
0xdc: {  	s30 =	spop (v2sf)  }
0xdd: {  	p1 =	sne.s32 s29, s30  }
.Ltmp12:
0xde: {  	_ = 	snop;
	(pc) =	sbr.rel @!p1 .LBB2_13-.Ltmp12, $2  }
0xdf: {  	_ =	sdelay $0x2  }
0xe0: {  	s0 =	sshll.u32 s22, $0x9  }
0xe1: {  	p1 =	seq.s32 s29, s24  }
.Ltmp13:
0xe2: {  	_ = 	snop;
	(pc) =	sbr.rel @!p1 .LBB2_15-.Ltmp13, $1  }
0xe3: {  	_ =	sdelay $0x3  }
0xe4: {  	s0 =	sshra.s32 s0, $0x2  }
.Ltmp14:
0xe5: {  	s0 =	sadd.s32 $0x108, s0;
	(pc) =	sbr.rel .LBB2_16-.Ltmp14, $4  }
0xe6: {  	[spmem:s16] =	stream.linear.scatter [tilespmem:s0], [sflag:$0x1], $0x80, $0x38;
	[tilespmem:$0x1F6F8] =	vst v63  }
0xe7: {  	_ =	swait.ge [sflag:s12], $0x80  }
0xe8: {  	[sflag:s12] =	ssyncset.done $0x0  }
0xe9: {  	[sflag:s12] =	ssyncadd.s32 $0xFFFFFF80  }
.LBB2_15:
0xea: {  	s2 =	sshll.u32 s28, $0x9;
	s0 =	sshra.s32 s0, $0x2  }
0xeb: {  	s2 =	sshra.s32 s2, $0x2;
	v2 =	vld [tilespmem:s0+$0x108]  }
0xec: {  	v1 =	vld [tilespmem:s2+$0x7988];
	_ =	sdelay $0x4  }
0xed: {  	v1 =	vmax.f32 v1, v2  }
0xee: {  	v2 =	vld [tilespmem:s0+$0x118];
	[tilespmem:s0+$0x108] =	vst v1  }
0xef: {  	v1 =	vld [tilespmem:s2+$0x7998];
	_ =	sdelay $0x4  }
0xf0: {  	v1 =	vmax.f32 v1, v2  }
0xf1: {  	v2 =	vld [tilespmem:s0+$0x128];
	[tilespmem:s0+$0x118] =	vst v1  }
0xf2: {  	v1 =	vld [tilespmem:s2+$0x79A8];
	_ =	sdelay $0x4  }
0xf3: {  	v1 =	vmax.f32 v1, v2  }
0xf4: {  	v2 =	vld [tilespmem:s0+$0x138];
	[tilespmem:s0+$0x128] =	vst v1  }
0xf5: {  	v1 =	vld [tilespmem:s2+$0x79B8];
	_ =	sdelay $0x4  }
0xf6: {  	v1 =	vmax.f32 v1, v2  }
0xf7: {  	v2 =	vld [tilespmem:s0+$0x148];
	[tilespmem:s0+$0x138] =	vst v1  }
0xf8: {  	v1 =	vld [tilespmem:s2+$0x79C8];
	_ =	sdelay $0x4  }
0xf9: {  	v1 =	vmax.f32 v1, v2  }
0xfa: {  	v2 =	vld [tilespmem:s0+$0x158];
	[tilespmem:s0+$0x148] =	vst v1  }
0xfb: {  	v1 =	vld [tilespmem:s2+$0x79D8];
	_ =	sdelay $0x4  }
0xfc: {  	v1 =	vmax.f32 v1, v2  }
0xfd: {  	v2 =	vld [tilespmem:s0+$0x168];
	[tilespmem:s0+$0x158] =	vst v1  }
0xfe: {  	v1 =	vld [tilespmem:s2+$0x79E8];
	_ =	sdelay $0x4  }
0xff: {  	v1 =	vmax.f32 v1, v2  }
0x100: {  	v2 =	vld [tilespmem:s0+$0x178];
	[tilespmem:s0+$0x168] =	vst v1  }
0x101: {  	v1 =	vld [tilespmem:s2+$0x79F8];
	_ =	sdelay $0x3  }
0x102: {  	p1 =	sgt.u32 s29, $0x270F0  }
0x103: {  	s2 =	sand.u32 @!p1 $0x3FFF8, s29;
	v1 =	vmax.f32 v1, v2  }
0x104: {  	s3 =	sadd.s32 $0x108, s0;
	[tilespmem:s0+$0x178] =	vst v1;
	s0 =	sadd.s32 @!p1 s1, s2;
	s2 =	sand.u32 @!p1 $0x7, s29  }
0x105: {  	[hbm4b:s0+s2] =	stream.linear.scatter @!p1 [tilespmem:s3], [sflag:$0xC], $0x80, $0x38;
	[tilespmem:$0x1F6F8] =	vst v63  }
0x106: {  	s0 =	simm.s32 $0x0  }
0x107: {  	s0 =	simm.s32 @!p1 $0x200  }
0x108: {  	s31 =	sadd.s32 s0, s31  }
.LBB2_16:
0x109: {  	s0 =	sadd.s32 $0x1, s22  }
0x10a: {  	s2 =	smulhi.u32 $0x88888889, s0;
	_ =	sdelay $0x1  }
0x10b: {  	v1 =	vld [tilespmem:s25+$0xFFFFFFC0];
	s2 =	sshrl.u32 s2, $0x7  }
0x10c: {  	s2 =	smul.u32 $0xF0, s2;
	_ =	sdelay $0x1  }
0x10d: {  	s22 =	ssub.s32 s0, s2  }
0x10e: {  	s0 =	sshll.u32 s22, $0x7  }
0x10f: {  	[tilespmem:s0+$0x108] =	vst v1  }
0x110: {  	v1 =	vld [tilespmem:s25+$0xFFFFFFD0];
	_ =	sdelay $0x4  }
0x111: {  	[tilespmem:s0+$0x118] =	vst v1  }
0x112: {  	v1 =	vld [tilespmem:s25+$0xFFFFFFE0];
	_ =	sdelay $0x4  }
0x113: {  	[tilespmem:s0+$0x128] =	vst v1  }
0x114: {  	v1 =	vld [tilespmem:s25+$0xFFFFFFF0];
	_ =	sdelay $0x4  }
0x115: {  	[tilespmem:s0+$0x138] =	vst v1  }
0x116: {  	v1 =	vld [tilespmem:s25+$0x0];
	_ =	sdelay $0x4  }
0x117: {  	[tilespmem:s0+$0x148] =	vst v1  }
0x118: {  	v1 =	vld [tilespmem:s25+$0x10];
	_ =	sdelay $0x4  }
0x119: {  	[tilespmem:s0+$0x158] =	vst v1  }
0x11a: {  	v1 =	vld [tilespmem:s25+$0x20];
	_ =	sdelay $0x4  }
0x11b: {  	[tilespmem:s0+$0x168] =	vst v1  }
0x11c: {  	v1 =	vld [tilespmem:s25+$0x30]  }
.Ltmp15:
0x11d: {  	_ = 	snop;
	(pc) =	sbr.rel .LBB2_17-.Ltmp15, $2  }
0x11e: {  	_ =	sdelay $0x2  }
0x11f: {  	s28 =	sadd.s32 $0x1, s28;
	[tilespmem:s0+$0x178] =	vst v1  }
.LBB2_19:
.Ltmp16:
0x120: {  	(pc) =	sbr.rel .LBB2_20-.Ltmp16, $4  }
0x121: {  	_ = 	snop  }
0x122: {  	s0 =	simm.s32 $0x2  }
0x123: {  	_ =	swait.ge [sflag:s0], $0x0  }
0x124: {  	s30 =	smov.u32 s29;
	[sflag:s0] =	ssyncset.done $0x0;
	s0 =	simm.s32 $0x0  }
.LBB2_22:
0x125: {  	_ =	sfence.sel $0x180000  }
0x126: {  	s0 =	simm.s32 $0x9;
	[bflag:$0x0] =	sbarrier.arrive $0xFFFF  }
0x127: {  	s24 =	simm.s32 $0xA;
	[sflag:s0] =	ssyncpa.u1 $0x1  }
0x128: {  	s25 =	simm.s32 $0xB;
	[sflag:s24] =	ssyncpa.u1 $0x1  }
0x129: {  	s26 =	simm.s32 $0x2;
	[sflag:s25] =	ssyncpa.u1 $0x1  }
0x12a: {  	[sflag:s26] =	ssyncpa.u1 $0x1  }
0x12b: {  	v0 =	vld [tilespmem:$0xF208];
	_ =	sdelay $0x4  }
0x12c: {  	(v2sf) =	vpush v0, $0x0  }
0x12d: {  	(v2sf) =	vpush v0, $0x1;
	_ =	sdelay $0x1  }
0x12e: {  	(v2sf) =	vpush v0, $0x2;
	_ =	sdelay $0xb  }
0x12f: {  	s0 =	spop (v2sf)  }
0x130: {  	s2 =	spop (v2sf)  }
0x131: {  	s3 =	smov.u32 s0;
	p0 =	sne.s32 s0, s2  }
0x132: {  	s4 =	spop (v2sf);
	s3 =	simm.s32 @!p0 $0xFFFFFFFF  }
0x133: {  	v2 =	vimm.s32 $0x1;
	v3 =	vlaneseq.u32;
	p0 =	seq.s32 s4, $0xFFFFFFFF;
	v1 =	vmov s3  }
0x134: {  	s16 =	stileid.u32;
	v0 =	vperm.xlane v0, v2;
	p1 =	sne.s32 @!p0 s0, s2;
	v1 =	vperm.xlane v1, v3  }
0x135: {  	vm0 =	vcmask $0x3F04;
	s6 =	simm.s32 $0xF208;
	s0 =	simm.s32 @!p0 $0x1;
	p1 =	por !p1, p0  }
0x136: {  	s3 =	sshll.u32 s16, $0x1;
	s2 =	sshll.u32 @!p0 s4, $0x9;
	s0 =	simm.s32 @p1 $0x0;
	v0 =	vsel vm0, v1, v0  }
0x137: {  	s5 =	sor.u32 $0x1000, s3;
	s2 =	sshra.s32 @!p0 s2, $0x2;
	s0 =	sor.u32 @!p0 s0, s3;
	[tilespmem:$0xF208] =	vst v0  }
0x138: {  	[spmem:s5] =	stream.linear.scatter [tilespmem:s6], [sflag:$0x1], $0x2, $0x38;
	[tilespmem:$0x1F6F8] =	vst v63  }
0x139: {  	s2 =	sadd.s32 @!p0 $0x108, s2;
	s0 =	sshll.u32 @!p0 s0, $0x7  }
0x13a: {  	[spmem:s0] =	stream.linear.scatter @!p0 [tilespmem:s2], [sflag:$0x1], $0x80, $0x38;
	[tilespmem:$0x1F6F8] =	vst v63  }
0x13b: {  	s0 =	simm.s32 @!p0 $0x82  }
0x13c: {  	s28 =	simm.s32 $0x1;
	s0 =	simm.s32 @p0 $0x2  }
0x13d: {  	_ =	swait.ge [sflag:s28], s0  }
0x13e: {  	s0 =	ssub.s32 $0x0, s0;
	[sflag:s28] =	ssyncset.done $0x0  }
0x13f: {  	p0 =	sne.s32 s16, $0x0;
	[sflag:s28] =	ssyncadd.s32 s0  }
.Ltmp17:
0x140: {  	_ =	sfence.stream.spmem;
	(pc) =	sbr.rel @p0 .LBB2_39-.Ltmp17, $4  }
0x141: {  	s29 =	simm.s32 $0x3;
	[bflag:$0x0] =	sbarrier.arrive $0xFFFF  }
0x142: {  	s30 =	simm.s32 $0x4;
	[sflag:s29] =	ssyncpa.u1 $0x1  }
0x143: {  	s31 =	simm.s32 $0x3C;
	[sflag:s30] =	ssyncpa.u1 $0x1  }
0x144: {  	s15 =	rddreg [dreg:$0x4];
	[sflag:s31] =	ssyncpa.u1 $0x1  }
0x145: {  	_ =	sfence.stream.spmem;
	s0 =	simm.s32 $0x5  }
0x146: {  	s2 =	simm.s32 $0x1000;
	s3 =	simm.s32 $0xF218;
	[sflag:s0] =	ssyncpa.u1 $0x0  }
0x147: {  	[tilespmem:s3], [sflag:$0x5] =	stream.linear.gather [spmem:s2], $0x20, $0x38;
	[tilespmem:$0x1F6F8] =	vst v63  }
0x148: {  	s26 =	simm.s32 $0x0;
	s28 =	simm.s32 $0xF238  }
0x149: {  	[tilespmem:s28], [sflag:$0x5] =	stream.linear.gather [spmem:s26], $0x1000, $0x38;
	[tilespmem:$0x1F6F8] =	vst v63  }
0x14a: {  	_ =	swait.ge [sflag:s0], $0x1020  }
0x14b: {  	[sflag:s0] =	ssyncset.done $0x0  }
0x14c: {  	s29 =	simm.s32 $0x0;
	[sflag:s0] =	ssyncadd.s32 $0xFFFFEFE0  }
0x14d: {  	v0 =	vld.msk [tilespmem:s29+$0xF218], $0x1;
	_ =	sdelay $0x1  }
0x14e: {  	s30 =	simm.s32 $0x1  }
0x14f: {  	v1 =	vld.msk [tilespmem:s30+$0xF218], $0x1;
	_ =	sdelay $0x1  }
0x150: {  	(v2sf) =	vpush v0, $0x0;
	_ =	sdelay $0x2  }
0x151: {  	(v2sf) =	vpush v1, $0x0;
	_ =	sdelay $0x2  }
0x152: {  	s31 =	simm.s32 $0x2  }
0x153: {  	v0 =	vld.msk [tilespmem:s31+$0xF218], $0x1;
	_ =	sdelay $0x2  }
0x154: {  	s4 =	simm.s32 $0xFFFFFFFF;
	s5 =	simm.s32 $0xFFFFFFFF;
	s0 =	simm.s32 $0xC  }
.LBB2_24:
0x155: {  	s2 =	smov.u32 s5;
	s3 =	smov.u32 s4  }
0x156: {  	s4 =	sshra.s32 s0, $0x2;
	p1 =	sne.s32 s0, $0x7C;
	s0 =	sadd.s32 $0x4, s0;
	(v2sf) =	vpush v0, $0x0  }
0x157: {  	v0 =	vld.msk [tilespmem:s4+$0xF218], $0x1  }
.Ltmp18:
0x158: {  	(pc) =	sbr.rel @p1 .LBB2_24-.Ltmp18, $4  }
0x159: {  	s5 =	spop (v2sf)  }
0x15a: {  	p2 =	sne.s32 s3, $0xFFFFFFFF;
	s4 =	smov.u32 s5  }
0x15b: {  	p3 =	seq.s32 s5, $0xFFFFFFFF;
	s4 =	smov.u32 @p2 s3  }
0x15c: {  	s5 =	smov.u32 @p3 s2;
	s4 =	smov.u32 @p3 s3  }
0x15d: {  	(v2sf) =	vpush v0, $0x0;
	_ =	sdelay $0x8  }
0x15e: {  	s0 =	spop (v2sf)  }
0x15f: {  	p1 =	sne.s32 s4, $0xFFFFFFFF;
	s2 =	smov.u32 s0  }
0x160: {  	s9 =	simm.s32 $0x6;
	p2 =	seq.s32 s0, $0xFFFFFFFF;
	s2 =	smov.u32 @p1 s4  }
0x161: {  	s6 =	simm.s32 $0x0;
	s2 =	smov.u32 @p2 s4;
	s3 =	spop (v2sf)  }
0x162: {  	s0 =	smov.u32 @p2 s5;
	p1 =	sne.s32 s2, $0xFFFFFFFF;
	s4 =	smov.u32 s3  }
.Ltmp19:
0x163: {  	p2 =	seq.s32 s3, $0xFFFFFFFF;
	s4 =	smov.u32 @p1 s2;
	(pc) =	sbr.rel .LBB2_26-.Ltmp19, $4  }
0x164: {  	s10 =	simm.s32 $0xF188;
	s4 =	smov.u32 @p2 s2;
	s7 =	spop (v2sf)  }
0x165: {  	s11 =	simm.s32 $0x0;
	p1 =	sne.s32 s4, $0xFFFFFFFF;
	s8 =	smov.u32 s7  }
0x166: {  	s3 =	smov.u32 @p2 s0;
	p2 =	seq.s32 s7, $0xFFFFFFFF;
	s8 =	smov.u32 @p1 s4  }
0x167: {  	[sflag:s9] =	ssyncpa.u1 $0x0;
	s7 =	smov.u32 @p2 s3;
	s8 =	smov.u32 @p2 s4  }
.LBB2_32:
0x168: {  	p1 =	sgt.u32 s12, $0x270F0  }
0x169: {  	p2 =	seq.s32 @!p1 s12, s8  }
0x16a: {  	p1 =	por p1, p2  }
0x16b: {  	p2 =	sne.s32 @!p1 s12, s7  }
0x16c: {  	p1 =	por p1, !p2  }
0x16d: {  	s0 =	sshll.u32 @p1 s11, $0x9  }
0x16e: {  	s0 =	sand.u32 @!p1 $0x3FFF8, s12  }
0x16f: {  	s2 =	sand.u32 @!p1 $0x7, s12;
	s0 =	sadd.s32 @!p1 s1, s0  }
0x170: {  	[tilespmem:s10], [sflag:$0x6] =	stream.linear.gather @!p1 [hbm4b:s0+s2], $0x80, $0x38;
	[tilespmem:$0x1F6F8] =	vst v63  }
0x171: {  	_ =	swait.ge @!p1 [sflag:s9], $0x80  }
0x172: {  	[sflag:s9] =	ssyncset.done @!p1 $0x0  }
0x173: {  	s0 =	sshll.u32 @!p1 s11, $0x9;
	[sflag:s9] =	ssyncadd.s32 @!p1 $0xFFFFFF80  }
0x174: {  	s2 =	sshrl.u32 @!p1 s0, $0x2;
	v1 =	vld @!p1 [tilespmem:$0xF188]  }
0x175: {  	v2 =	vld @!p1 [tilespmem:s2+$0xF238];
	_ =	sdelay $0x4  }
0x176: {  	v1 =	vmax.f32 @!p1 v1, v2  }
0x177: {  	v2 =	vld @!p1 [tilespmem:s2+$0xF248];
	[tilespmem:s2+$0xF238] =	vst @!p1 v1  }
0x178: {  	v1 =	vld @!p1 [tilespmem:$0xF198];
	_ =	sdelay $0x4  }
0x179: {  	v1 =	vmax.f32 @!p1 v1, v2  }
0x17a: {  	v2 =	vld @!p1 [tilespmem:s2+$0xF258];
	[tilespmem:s2+$0xF248] =	vst @!p1 v1  }
0x17b: {  	v1 =	vld @!p1 [tilespmem:$0xF1A8];
	_ =	sdelay $0x4  }
0x17c: {  	v1 =	vmax.f32 @!p1 v1, v2  }
0x17d: {  	v2 =	vld @!p1 [tilespmem:s2+$0xF268];
	[tilespmem:s2+$0xF258] =	vst @!p1 v1  }
0x17e: {  	v1 =	vld @!p1 [tilespmem:$0xF1B8];
	_ =	sdelay $0x4  }
0x17f: {  	v1 =	vmax.f32 @!p1 v1, v2  }
0x180: {  	v2 =	vld @!p1 [tilespmem:s2+$0xF278];
	[tilespmem:s2+$0xF268] =	vst @!p1 v1  }
0x181: {  	v1 =	vld @!p1 [tilespmem:$0xF1C8];
	_ =	sdelay $0x4  }
0x182: {  	v1 =	vmax.f32 @!p1 v1, v2  }
0x183: {  	v2 =	vld @!p1 [tilespmem:s2+$0xF288];
	[tilespmem:s2+$0xF278] =	vst @!p1 v1  }
0x184: {  	v1 =	vld @!p1 [tilespmem:$0xF1D8];
	_ =	sdelay $0x4  }
0x185: {  	v1 =	vmax.f32 @!p1 v1, v2  }
0x186: {  	v2 =	vld @!p1 [tilespmem:s2+$0xF298];
	[tilespmem:s2+$0xF288] =	vst @!p1 v1  }
0x187: {  	v1 =	vld @!p1 [tilespmem:$0xF1E8];
	_ =	sdelay $0x4  }
0x188: {  	v1 =	vmax.f32 @!p1 v1, v2  }
0x189: {  	v2 =	vld @!p1 [tilespmem:s2+$0xF2A8];
	[tilespmem:s2+$0xF298] =	vst @!p1 v1  }
0x18a: {  	v1 =	vld @!p1 [tilespmem:$0xF1F8];
	_ =	sdelay $0x4  }
0x18b: {  	v1 =	vmax.f32 @!p1 v1, v2  }
0x18c: {  	[tilespmem:s2+$0xF2A8] =	vst @!p1 v1  }
0x18d: {  	s0 =	sshrl.u32 s0, $0x2;
	[tilespmem:s6+$0xF218] =	vst.msk $0x1, v0  }
0x18e: {  	v0 =	vld [tilespmem:s0+$0xF238];
	_ =	sdelay $0x2  }
0x18f: {  	s31 =	sshll.u32 s6, $0x9  }
0x190: {  	s2 =	sshra.s32 s31, $0x2  }
0x191: {  	[tilespmem:s2+$0xF238] =	vst v0  }
0x192: {  	v0 =	vld [tilespmem:s0+$0xF248];
	_ =	sdelay $0x4  }
0x193: {  	[tilespmem:s2+$0xF248] =	vst v0  }
0x194: {  	v0 =	vld [tilespmem:s0+$0xF258];
	_ =	sdelay $0x4  }
0x195: {  	[tilespmem:s2+$0xF258] =	vst v0  }
0x196: {  	v0 =	vld [tilespmem:s0+$0xF268];
	_ =	sdelay $0x4  }
0x197: {  	[tilespmem:s2+$0xF268] =	vst v0  }
0x198: {  	v0 =	vld [tilespmem:s0+$0xF278];
	_ =	sdelay $0x4  }
0x199: {  	[tilespmem:s2+$0xF278] =	vst v0  }
0x19a: {  	v0 =	vld [tilespmem:s0+$0xF288];
	_ =	sdelay $0x4  }
0x19b: {  	[tilespmem:s2+$0xF288] =	vst v0  }
0x19c: {  	v0 =	vld [tilespmem:s0+$0xF298];
	_ =	sdelay $0x4  }
0x19d: {  	[tilespmem:s2+$0xF298] =	vst v0  }
0x19e: {  	v0 =	vld [tilespmem:s0+$0xF2A8];
	_ =	sdelay $0x4  }
0x19f: {  	s6 =	sadd.s32 $0x1, s6;
	[tilespmem:s2+$0xF2A8] =	vst v0  }
.LBB2_33:
0x1a0: {  	s11 =	sadd.s32 $0x1, s11  }
0x1a1: {  	p1 =	sne.s32 s11, $0x20  }
.Ltmp20:
0x1a2: {  	_ = 	snop;
	(pc) =	sbr.rel @!p1 .LBB2_34-.Ltmp20, $1  }
0x1a3: {  	_ =	sdelay $0x3  }
.LBB2_26:
0x1a4: {  	v0 =	vld.msk [tilespmem:s11+$0xF218], $0x1;
	_ =	sdelay $0x4  }
0x1a5: {  	(v2sf) =	vpush v0, $0x0;
	_ =	sdelay $0xe  }
0x1a6: {  	s12 =	spop (v2sf)  }
0x1a7: {  	p1 =	seq.s32 s12, $0xFFFFFFFF  }
.Ltmp21:
0x1a8: {  	_ = 	snop;
	(pc) =	sbr.rel @p1 .LBB2_33-.Ltmp21, $1  }
0x1a9: {  	_ =	sdelay $0x3  }
0x1aa: {  	p1 =	slt.s32 s6, $0x1  }
.Ltmp22:
0x1ab: {  	_ = 	snop;
	(pc) =	sbr.rel @p1 .LBB2_32-.Ltmp22, $1  }
0x1ac: {  	_ =	sdelay $0x3  }
0x1ad: {  	s13 =	simm.s32 $0xF218;
	p1 =	por $0x0, $0x0  }
0x1ae: {  	v1 =	vld.msk @!p1 [tilespmem:s13+$0x0], $0x1;
	_ =	sdelay $0x4  }
0x1af: {  	(v2sf) =	vpush @!p1 v1, $0x0;
	_ =	sdelay $0xd  }
0x1b0: {  	p3 =	sne.s32 s6, $0x1  }
.Ltmp23:
0x1b1: {  	s0 =	spop @!p1 (v2sf);
	(pc) =	sbr.rel @!p3 .LBB2_30-.Ltmp23, $4  }
0x1b2: {  	p2 =	seq.s32 @!p1 s12, s0  }
0x1b3: {  	s14 =	simm.s32 $0x0;
	p2 =	por !p2, p1  }
0x1b4: {  	s2 =	simm.s32 $0xFFFFFFFF;
	s14 =	simm.s32 @p2 $0xFFFFFFFF  }
0x1b5: {  	s0 =	simm.s32 $0x1;
	s14 =	smov.u32 @p1 s2  }
.LBB2_29:
0x1b6: {  	s2 =	smov.u32 s14;
	p1 =	sne.s32 s14, $0xFFFFFFFF  }
0x1b7: {  	s13 =	sadd.s32 $0x1, s13;
	s14 =	smov.u32 s0;
	s0 =	sadd.s32 $0x1, s0  }
0x1b8: {  	p2 =	sne.s32 s6, s0;
	v1 =	vld.msk @!p1 [tilespmem:s13+$0x0], $0x1;
	_ =	sdelay $0x4  }
0x1b9: {  	(v2sf) =	vpush @!p1 v1, $0x0;
	_ =	sdelay $0xe  }
.Ltmp24:
0x1ba: {  	s3 =	spop @!p1 (v2sf);
	(pc) =	sbr.rel @p2 .LBB2_29-.Ltmp24, $4  }
0x1bb: {  	p3 =	seq.s32 @!p1 s12, s3  }
0x1bc: {  	p3 =	por !p3, p1  }
0x1bd: {  	s14 =	simm.s32 @p3 $0xFFFFFFFF  }
0x1be: {  	s14 =	smov.u32 @p1 s2  }
.LBB2_30:
0x1bf: {  	p1 =	seq.s32 s14, $0xFFFFFFFF  }
.Ltmp25:
0x1c0: {  	_ = 	snop;
	(pc) =	sbr.rel @p1 .LBB2_32-.Ltmp25, $1  }
0x1c1: {  	_ =	sdelay $0x3  }
0x1c2: {  	s0 =	sshll.u32 s11, $0x7  }
0x1c3: {  	s2 =	sshll.u32 s14, $0x9;
	s0 =	sand.u32 $0x3FFFFF80, s0  }
0x1c4: {  	s2 =	sshra.s32 s2, $0x2;
	v0 =	vld [tilespmem:s0+$0xF238]  }
0x1c5: {  	v1 =	vld [tilespmem:s2+$0xF238];
	_ =	sdelay $0x4  }
0x1c6: {  	v0 =	vmax.f32 v0, v1  }
0x1c7: {  	v57 =	vld [tilespmem:s2+$0xF248];
	[tilespmem:s2+$0xF238] =	vst v0  }
0x1c8: {  	v0 =	vld [tilespmem:s0+$0xF248];
	_ =	sdelay $0x4  }
0x1c9: {  	v0 =	vmax.f32 v0, v57  }
0x1ca: {  	v58 =	vld [tilespmem:s2+$0xF258];
	[tilespmem:s2+$0xF248] =	vst v0  }
0x1cb: {  	v0 =	vld [tilespmem:s0+$0xF258];
	_ =	sdelay $0x4  }
0x1cc: {  	v0 =	vmax.f32 v0, v58  }
0x1cd: {  	v59 =	vld [tilespmem:s2+$0xF268];
	[tilespmem:s2+$0xF258] =	vst v0  }
0x1ce: {  	v0 =	vld [tilespmem:s0+$0xF268];
	_ =	sdelay $0x4  }
0x1cf: {  	v0 =	vmax.f32 v0, v59  }
0x1d0: {  	v60 =	vld [tilespmem:s2+$0xF278];
	[tilespmem:s2+$0xF268] =	vst v0  }
0x1d1: {  	v0 =	vld [tilespmem:s0+$0xF278];
	_ =	sdelay $0x4  }
0x1d2: {  	v0 =	vmax.f32 v0, v60  }
0x1d3: {  	v61 =	vld [tilespmem:s2+$0xF288];
	[tilespmem:s2+$0xF278] =	vst v0  }
0x1d4: {  	v0 =	vld [tilespmem:s0+$0xF288];
	_ =	sdelay $0x4  }
0x1d5: {  	v0 =	vmax.f32 v0, v61  }
0x1d6: {  	v62 =	vld [tilespmem:s2+$0xF298];
	[tilespmem:s2+$0xF288] =	vst v0  }
0x1d7: {  	v0 =	vld [tilespmem:s0+$0xF298];
	_ =	sdelay $0x4  }
0x1d8: {  	v0 =	vmax.f32 v0, v62  }
0x1d9: {  	v63 =	vld [tilespmem:s2+$0xF2A8];
	[tilespmem:s2+$0xF298] =	vst v0  }
0x1da: {  	v0 =	vld [tilespmem:s0+$0xF2A8];
	_ =	sdelay $0x1  }
.Ltmp26:
0x1db: {  	_ = 	snop;
	(pc) =	sbr.rel .LBB2_33-.Ltmp26, $3  }
0x1dc: {  	_ =	sdelay $0x1  }
0x1dd: {  	v0 =	vmax.f32 v0, v63  }
0x1de: {  	[tilespmem:s2+$0xF2A8] =	vst v0  }
.LBB2_34:
0x1df: {  	s0 =	simm.s32 $0x6;
	p1 =	seq.s32 s6, $0x0  }
0x1e0: {  	[sflag:s0] =	ssyncpa.u1 $0x1;
	v0 =	vimm.s32 @p1 $0xFFFFFFFF  }
0x1e1: {  	s9 =	sadd.s32 $0xFFFFFFFF, s6;
	[tilespmem:$0x10238] =	vst @p1 v0  }
0x1e2: {  	v0 =	vld.msk @!p1 [tilespmem:s9+$0xF218], $0x1;
	_ =	sdelay $0x1  }
0x1e3: {  	v1 =	vld.msk @!p1 [tilespmem:$0xF218], $0x1;
	_ =	sdelay $0x2  }
0x1e4: {  	p2 =	seq.s32 @!p1 s9, $0x0;
	v0 =	vbroadcast @!p1 v0, $0x0  }
0x1e5: {  	vm0 =	vmmov @!p1 $0x1;
	p2 =	por !p2, p1  }
0x1e6: {  	v1 =	vnsel @!p1 vm0, $0xFFFFFFFF, v1;
	vm0 =	vcmask @!p1 $0x308;
	v0 =	vpsel !p2, $0xFFFFFFFF, v0  }
0x1e7: {  	p2 =	sne.s32 @!p1 s8, s7;
	v0 =	vsel @!p1 vm0, v1, v0  }
0x1e8: {  	s0 =	simm.s32 @!p1 $0xF238;
	s2 =	simm.s32 @!p1 $0x0;
	p3 =	por !p2, p1;
	[tilespmem:$0x10238] =	vst @!p1 v0  }
0x1e9: {  	[spmem:s2] =	stream.linear.scatter @!p1 [tilespmem:s0], [sflag:$0x1], $0x80, $0x38;
	[tilespmem:$0x1F6F8] =	vst v63  }
0x1ea: {  	s0 =	sshll.u32 @!p3 s9, $0x9  }
0x1eb: {  	s0 =	sshra.s32 @!p3 s0, $0x2  }
0x1ec: {  	s2 =	simm.s32 @!p3 $0x80;
	s0 =	sadd.s32 @!p3 $0xF238, s0  }
0x1ed: {  	[spmem:s2] =	stream.linear.scatter @!p3 [tilespmem:s0], [sflag:$0x1], $0x80, $0x38;
	[tilespmem:$0x1F6F8] =	vst v63  }
0x1ee: {  	s0 =	simm.s32 @!p3 $0x1  }
0x1ef: {  	_ =	swait.ge @!p3 [sflag:s0], $0x100  }
0x1f0: {  	p1 =	por p2, p1;
	[sflag:s0] =	ssyncset.done @!p3 $0x0  }
0x1f1: {  	[sflag:s0] =	ssyncadd.s32 @!p3 $0xFFFFFF00;
	s0 =	simm.s32 @!p1 $0x1  }
0x1f2: {  	_ =	swait.ge @!p1 [sflag:s0], $0x80  }
0x1f3: {  	s29 =	simm.s32 $0x10238;
	[sflag:s0] =	ssyncset.done @!p1 $0x0  }
0x1f4: {  	s30 =	simm.s32 $0x1000;
	s31 =	simm.s32 $0x1;
	[sflag:s0] =	ssyncadd.s32 @!p1 $0xFFFFFF80  }
0x1f5: {  	[spmem:s30] =	stream.linear.scatter [tilespmem:s29], [sflag:$0x1], $0x10, $0x38;
	[tilespmem:$0x1F6F8] =	vst v63  }
0x1f6: {  	_ =	swait.ge [sflag:s31], $0x10  }
0x1f7: {  	[sflag:s31] =	ssyncset.done $0x0  }
0x1f8: {  	p1 =	seq.s32 s15, $0x0;
	s8 =	rddreg [dreg:$0x1];
	[sflag:s31] =	ssyncadd.s32 $0xFFFFFFF0  }
0x1f9: {  	s2 =	sshll.u32 @p1 s8, $0xE;
	s7 =	rddreg [dreg:$0x2]  }
0x1fa: {  	s0 =	sadd.s32 @p1 $0x15C3C, s2;
	s2 =	sshll.u32 @p1 s7, $0x11  }
0x1fb: {  	_ =	sfence.stream.spmem;
	s0 =	sor.u32 @p1 s2, s0  }
0x1fc: {  	[sflag:s0] =	ssyncadd.remote.s32 @p1 $0x1;
	s0 =	simm.s32 @p1 $0x4  }
0x1fd: {  	s3 =	simm.s32 @!p1 $0x3C;
	s2 =	sand.u32 $0xFFFFFFFE, s8;
	_ =	swait.ge @p1 [sflag:s0], $0x22  }
0x1fe: {  	s4 =	simm.s32 @!p1 $0x0;
	s2 =	sadd.s32 @!p1 $0x4, s2;
	[sflag:s0] =	ssyncset.done @p1 $0x0  }
0x1ff: {  	s5 =	simm.s32 @!p1 $0x100;
	[sflag:s0] =	ssyncadd.s32 @p1 $0xFFFFFFDE;
	s0 =	sshll.u32 @!p1 s2, $0x1A  }
0x200: {  	s2 =	sshll.u32 @!p1 s2, $0xD;
	s0 =	sor.u32 @!p1 s0, s7;
	_ =	swait.eq @!p1 [sflag:s3], $0x1  }
0x201: {  	s2 =	sor.u32 @!p1 $0x1C04, s2;
	s3 =	simm.s32 @!p1 $0x1C03;
	s0 =	sor.u32 @!p1 $0x80004000, s0  }
0x202: {  	[spmem:s5], [sflag:s2] =	dma.general @!p1 [spmem:s4], [sflag:s3], length:$0x20, [dreg:$0x0], stride_count:$0x0, ici_dest:s0, dma_misc:DstOpCode:WRITE  }
0x203: {  	p2 =	slt.s32 s9, $0x2;
	s4 =	simm.s32 @!p1 $0x200;
	s5 =	simm.s32 @!p1 $0x202  }
0x204: {  	[spmem:s5], [sflag:s2] =	dma.general @!p1 [spmem:s4], [sflag:s3], length:$0x2, [dreg:$0x0], stride_count:$0x0, ici_dest:s0, dma_misc:DstOpCode:WRITE  }
.Ltmp27:
0x205: {  	s0 =	simm.s32 @!p1 $0x3;
	(pc) =	sbr.rel @p2 .LBB2_38-.Ltmp27, $4  }
0x206: {  	s2 =	sshll.u32 @!p1 s8, $0xE;
	_ =	swait.ge @!p1 [sflag:s0], $0x22  }
0x207: {  	s3 =	sshll.u32 @!p1 s7, $0x11;
	s2 =	sadd.s32 @!p1 $0x11C3C, s2;
	[sflag:s0] =	ssyncset.done @!p1 $0x0  }
0x208: {  	[sflag:s0] =	ssyncadd.s32 @!p1 $0xFFFFFFDE;
	s0 =	sor.u32 @!p1 s3, s2  }
0x209: {  	[sflag:s0] =	ssyncadd.remote.s32 @!p1 $0xFFFFFFFF;
	s0 =	simm.s32 $0x0  }
0x20a: {  	s0 =	simm.s32 $0xF219  }
0x20b: {  	v0 =	vld.msk [tilespmem:s0+$0x0], $0x1;
	_ =	sdelay $0x4  }
0x20c: {  	(v2sf) =	vpush v0, $0x0;
	_ =	sdelay $0xb  }
0x20d: {  	s31 =	sadd.s32 $0xFFFFFFFE, s6  }
0x20e: {  	s0 =	sadd.s32 $0xFFFFFFFF, s31  }
0x20f: {  	p2 =	sne.s32 s0, $0x0  }
.Ltmp28:
0x210: {  	s2 =	spop (v2sf);
	(pc) =	sbr.rel @!p2 .LBB2_37-.Ltmp28, $4  }
0x211: {  	s4 =	simm.s32 $0xF2B8;
	s7 =	simm.s32 $0x0;
	p1 =	sgt.u32 s2, $0x270F0  }
0x212: {  	s5 =	simm.s32 $0x0;
	s6 =	simm.s32 $0xF21A;
	s3 =	sand.u32 @!p1 $0x3FFF8, s2  }
0x213: {  	s2 =	sand.u32 @!p1 $0x7, s2;
	s7 =	simm.s32 @!p1 $0x200;
	s3 =	sadd.s32 @!p1 s1, s3  }
0x214: {  	[hbm4b:s3+s2] =	stream.linear.scatter @!p1 [tilespmem:s4], [sflag:$0x5], $0x80, $0x38;
	[tilespmem:$0x1F6F8] =	vst v63  }
.LBB2_36:
0x215: {  	v0 =	vld.msk [tilespmem:s6+$0x0], $0x1;
	s0 =	sadd.s32 $0xFFFFFFFF, s0;
	s5 =	sadd.s32 s5, s7  }
0x216: {  	p1 =	sne.s32 s0, $0x0;
	_ =	sdelay $0x3  }
0x217: {  	(v2sf) =	vpush v0, $0x0;
	_ =	sdelay $0xe  }
.Ltmp29:
0x218: {  	s2 =	spop (v2sf);
	(pc) =	sbr.rel @p1 .LBB2_36-.Ltmp29, $4  }
0x219: {  	s7 =	simm.s32 $0x0;
	p2 =	sgt.u32 s2, $0x270F0  }
0x21a: {  	s4 =	sadd.s32 $0x80, s4;
	s7 =	simm.s32 @!p2 $0x200;
	s3 =	sand.u32 @!p2 $0x3FFF8, s2  }
0x21b: {  	s6 =	sadd.s32 $0x1, s6;
	s2 =	sand.u32 @!p2 $0x7, s2;
	s3 =	sadd.s32 @!p2 s1, s3  }
0x21c: {  	[hbm4b:s3+s2] =	stream.linear.scatter @!p2 [tilespmem:s4], [sflag:$0x5], $0x80, $0x38;
	[tilespmem:$0x1F6F8] =	vst v63  }
.LBB2_37:
0x21d: {  	s0 =	sadd.s32 s5, s7  }
0x21e: {  	s0 =	sshrl.u32 s0, $0x2  }
.LBB2_38:
0x21f: {  	s2 =	simm.s32 $0x5  }
0x220: {  	_ =	swait.ge [sflag:s2], s0  }
0x221: {  	s31 =	ssub.s32 $0x0, s0;
	[sflag:s2] =	ssyncset.done $0x0  }
0x222: {  	[sflag:s2] =	ssyncadd.s32 s31  }
0x223: {  	[sflag:s2] =	ssyncpa.u1 $0x1  }
.LBB2_39:
0x224: {  	s0 =	sor.u32 s15, s16  }
0x225: {  	p1 =	sne.s32 s0, $0x0  }
.Ltmp30:
0x226: {  	_ = 	snop;
	(pc) =	sbr.rel @p1 .LBB2_54-.Ltmp30, $3  }
0x227: {  	_ =	sdelay $0x1  }
0x228: {  	[bflag:$0x0] =	sbarrier.arrive $0xFFFF  }
0x229: {  	_ =	sfence  }
0x22a: {  	s0 =	simm.s32 $0x7  }
0x22b: {  	s2 =	simm.s32 $0x1000;
	s3 =	simm.s32 $0xF218;
	[sflag:s0] =	ssyncpa.u1 $0x0  }
0x22c: {  	[tilespmem:s3], [sflag:$0x7] =	stream.linear.gather [spmem:s2], $0x20, $0x38;
	[tilespmem:$0x1F6F8] =	vst v63  }
0x22d: {  	s30 =	simm.s32 $0xF238;
	s2 =	simm.s32 $0x0  }
0x22e: {  	[tilespmem:s30], [sflag:$0x7] =	stream.linear.gather [spmem:s2], $0x1000, $0x38;
	[tilespmem:$0x1F6F8] =	vst v63  }
.Ltmp31:
0x22f: {  	_ = 	snop;
	(pc) =	sbr.rel .LBB2_41-.Ltmp31, $4  }
0x230: {  	_ =	swait.ge [sflag:s0], $0x1020  }
0x231: {  	[sflag:s0] =	ssyncset.done $0x0  }
0x232: {  	s31 =	simm.s32 $0x8;
	[sflag:s0] =	ssyncadd.s32 $0xFFFFEFE0  }
0x233: {  	s3 =	simm.s32 $0x0;
	[sflag:s31] =	ssyncpa.u1 $0x0  }
.LBB2_47:
0x234: {  	p1 =	slt.u32 s4, $0x270F1  }
0x235: {  	s0 =	sand.u32 @p1 $0x3FFF8, s4  }
0x236: {  	s4 =	sand.u32 @p1 $0x7, s4;
	s5 =	simm.s32 @p1 $0xF188;
	s0 =	sadd.s32 @p1 s1, s0  }
0x237: {  	[tilespmem:s5], [sflag:$0x8] =	stream.linear.gather @p1 [hbm4b:s0+s4], $0x80, $0x38;
	[tilespmem:$0x1F6F8] =	vst v63  }
0x238: {  	s0 =	simm.s32 @p1 $0x8  }
0x239: {  	_ =	swait.ge @p1 [sflag:s0], $0x80  }
0x23a: {  	[sflag:s0] =	ssyncset.done @p1 $0x0  }
0x23b: {  	[sflag:s0] =	ssyncadd.s32 @p1 $0xFFFFFF80;
	s0 =	sshll.u32 @p1 s3, $0x9  }
0x23c: {  	s4 =	sshrl.u32 @p1 s0, $0x2;
	v1 =	vld @p1 [tilespmem:$0xF188]  }
0x23d: {  	v2 =	vld @p1 [tilespmem:s4+$0xF238];
	_ =	sdelay $0x4  }
0x23e: {  	v1 =	vmax.f32 @p1 v1, v2  }
0x23f: {  	v2 =	vld @p1 [tilespmem:s4+$0xF248];
	[tilespmem:s4+$0xF238] =	vst @p1 v1  }
0x240: {  	v1 =	vld @p1 [tilespmem:$0xF198];
	_ =	sdelay $0x4  }
0x241: {  	v1 =	vmax.f32 @p1 v1, v2  }
0x242: {  	v2 =	vld @p1 [tilespmem:s4+$0xF258];
	[tilespmem:s4+$0xF248] =	vst @p1 v1  }
0x243: {  	v1 =	vld @p1 [tilespmem:$0xF1A8];
	_ =	sdelay $0x4  }
0x244: {  	v1 =	vmax.f32 @p1 v1, v2  }
0x245: {  	v2 =	vld @p1 [tilespmem:s4+$0xF268];
	[tilespmem:s4+$0xF258] =	vst @p1 v1  }
0x246: {  	v1 =	vld @p1 [tilespmem:$0xF1B8];
	_ =	sdelay $0x4  }
0x247: {  	v1 =	vmax.f32 @p1 v1, v2  }
0x248: {  	v2 =	vld @p1 [tilespmem:s4+$0xF278];
	[tilespmem:s4+$0xF268] =	vst @p1 v1  }
0x249: {  	v1 =	vld @p1 [tilespmem:$0xF1C8];
	_ =	sdelay $0x4  }
0x24a: {  	v1 =	vmax.f32 @p1 v1, v2  }
0x24b: {  	v2 =	vld @p1 [tilespmem:s4+$0xF288];
	[tilespmem:s4+$0xF278] =	vst @p1 v1  }
0x24c: {  	v1 =	vld @p1 [tilespmem:$0xF1D8];
	_ =	sdelay $0x4  }
0x24d: {  	v1 =	vmax.f32 @p1 v1, v2  }
0x24e: {  	v2 =	vld @p1 [tilespmem:s4+$0xF298];
	[tilespmem:s4+$0xF288] =	vst @p1 v1  }
0x24f: {  	v1 =	vld @p1 [tilespmem:$0xF1E8];
	_ =	sdelay $0x4  }
0x250: {  	v1 =	vmax.f32 @p1 v1, v2  }
0x251: {  	v2 =	vld @p1 [tilespmem:s4+$0xF2A8];
	[tilespmem:s4+$0xF298] =	vst @p1 v1  }
0x252: {  	v1 =	vld @p1 [tilespmem:$0xF1F8];
	_ =	sdelay $0x4  }
0x253: {  	s5 =	sshll.u32 @!p1 s3, $0x9;
	v1 =	vmax.f32 @p1 v1, v2  }
0x254: {  	s5 =	smov.u32 @p1 s0;
	[tilespmem:s4+$0xF2A8] =	vst @p1 v1  }
0x255: {  	s0 =	sshrl.u32 s5, $0x2;
	[tilespmem:s2+$0xF218] =	vst.msk $0x1, v0  }
0x256: {  	v0 =	vld [tilespmem:s0+$0xF238];
	_ =	sdelay $0x2  }
0x257: {  	s31 =	sshll.u32 s2, $0x9  }
0x258: {  	s4 =	sshra.s32 s31, $0x2  }
0x259: {  	[tilespmem:s4+$0xF238] =	vst v0  }
0x25a: {  	v0 =	vld [tilespmem:s0+$0xF248];
	_ =	sdelay $0x4  }
0x25b: {  	[tilespmem:s4+$0xF248] =	vst v0  }
0x25c: {  	v0 =	vld [tilespmem:s0+$0xF258];
	_ =	sdelay $0x4  }
0x25d: {  	[tilespmem:s4+$0xF258] =	vst v0  }
0x25e: {  	v0 =	vld [tilespmem:s0+$0xF268];
	_ =	sdelay $0x4  }
0x25f: {  	[tilespmem:s4+$0xF268] =	vst v0  }
0x260: {  	v0 =	vld [tilespmem:s0+$0xF278];
	_ =	sdelay $0x4  }
0x261: {  	[tilespmem:s4+$0xF278] =	vst v0  }
0x262: {  	v0 =	vld [tilespmem:s0+$0xF288];
	_ =	sdelay $0x4  }
0x263: {  	[tilespmem:s4+$0xF288] =	vst v0  }
0x264: {  	v0 =	vld [tilespmem:s0+$0xF298];
	_ =	sdelay $0x4  }
0x265: {  	[tilespmem:s4+$0xF298] =	vst v0  }
0x266: {  	v0 =	vld [tilespmem:s0+$0xF2A8];
	_ =	sdelay $0x4  }
0x267: {  	s2 =	sadd.s32 $0x1, s2;
	[tilespmem:s4+$0xF2A8] =	vst v0  }
.LBB2_48:
0x268: {  	s3 =	sadd.s32 $0x1, s3  }
0x269: {  	p1 =	sne.s32 s3, $0x20  }
.Ltmp32:
0x26a: {  	_ = 	snop;
	(pc) =	sbr.rel @!p1 .LBB2_49-.Ltmp32, $1  }
0x26b: {  	_ =	sdelay $0x3  }
.LBB2_41:
0x26c: {  	v0 =	vld.msk [tilespmem:s3+$0xF218], $0x1;
	_ =	sdelay $0x4  }
0x26d: {  	(v2sf) =	vpush v0, $0x0;
	_ =	sdelay $0xe  }
0x26e: {  	s4 =	spop (v2sf)  }
0x26f: {  	p1 =	seq.s32 s4, $0xFFFFFFFF  }
.Ltmp33:
0x270: {  	_ = 	snop;
	(pc) =	sbr.rel @p1 .LBB2_48-.Ltmp33, $1  }
0x271: {  	_ =	sdelay $0x3  }
0x272: {  	p1 =	slt.s32 s2, $0x1  }
.Ltmp34:
0x273: {  	_ = 	snop;
	(pc) =	sbr.rel @p1 .LBB2_47-.Ltmp34, $1  }
0x274: {  	_ =	sdelay $0x3  }
0x275: {  	s5 =	simm.s32 $0xF218;
	p1 =	por $0x0, $0x0  }
0x276: {  	v1 =	vld.msk @!p1 [tilespmem:s5+$0x0], $0x1;
	_ =	sdelay $0x4  }
0x277: {  	(v2sf) =	vpush @!p1 v1, $0x0;
	_ =	sdelay $0xd  }
0x278: {  	p3 =	sne.s32 s2, $0x1  }
.Ltmp35:
0x279: {  	s0 =	spop @!p1 (v2sf);
	(pc) =	sbr.rel @!p3 .LBB2_45-.Ltmp35, $4  }
0x27a: {  	p2 =	seq.s32 @!p1 s4, s0  }
0x27b: {  	s6 =	simm.s32 $0x0;
	p2 =	por !p2, p1  }
0x27c: {  	s7 =	simm.s32 $0xFFFFFFFF;
	s6 =	simm.s32 @p2 $0xFFFFFFFF  }
0x27d: {  	s0 =	simm.s32 $0x1;
	s6 =	smov.u32 @p1 s7  }
.LBB2_44:
0x27e: {  	s7 =	smov.u32 s6;
	p1 =	sne.s32 s6, $0xFFFFFFFF  }
0x27f: {  	s5 =	sadd.s32 $0x1, s5;
	s6 =	smov.u32 s0;
	s0 =	sadd.s32 $0x1, s0  }
0x280: {  	p2 =	sne.s32 s2, s0;
	v1 =	vld.msk @!p1 [tilespmem:s5+$0x0], $0x1;
	_ =	sdelay $0x4  }
0x281: {  	(v2sf) =	vpush @!p1 v1, $0x0;
	_ =	sdelay $0xe  }
.Ltmp36:
0x282: {  	s8 =	spop @!p1 (v2sf);
	(pc) =	sbr.rel @p2 .LBB2_44-.Ltmp36, $4  }
0x283: {  	p3 =	seq.s32 @!p1 s4, s8  }
0x284: {  	p3 =	por !p3, p1  }
0x285: {  	s6 =	simm.s32 @p3 $0xFFFFFFFF  }
0x286: {  	s6 =	smov.u32 @p1 s7  }
.LBB2_45:
0x287: {  	p1 =	seq.s32 s6, $0xFFFFFFFF  }
.Ltmp37:
0x288: {  	_ = 	snop;
	(pc) =	sbr.rel @p1 .LBB2_47-.Ltmp37, $1  }
0x289: {  	_ =	sdelay $0x3  }
0x28a: {  	s0 =	sshll.u32 s3, $0x7  }
0x28b: {  	s4 =	sshll.u32 s6, $0x9;
	s0 =	sand.u32 $0x3FFFFF80, s0  }
0x28c: {  	s4 =	sshra.s32 s4, $0x2;
	v0 =	vld [tilespmem:s0+$0xF238]  }
0x28d: {  	v1 =	vld [tilespmem:s4+$0xF238];
	_ =	sdelay $0x4  }
0x28e: {  	v0 =	vmax.f32 v0, v1  }
0x28f: {  	v57 =	vld [tilespmem:s4+$0xF248];
	[tilespmem:s4+$0xF238] =	vst v0  }
0x290: {  	v0 =	vld [tilespmem:s0+$0xF248];
	_ =	sdelay $0x4  }
0x291: {  	v0 =	vmax.f32 v0, v57  }
0x292: {  	v58 =	vld [tilespmem:s4+$0xF258];
	[tilespmem:s4+$0xF248] =	vst v0  }
0x293: {  	v0 =	vld [tilespmem:s0+$0xF258];
	_ =	sdelay $0x4  }
0x294: {  	v0 =	vmax.f32 v0, v58  }
0x295: {  	v59 =	vld [tilespmem:s4+$0xF268];
	[tilespmem:s4+$0xF258] =	vst v0  }
0x296: {  	v0 =	vld [tilespmem:s0+$0xF268];
	_ =	sdelay $0x4  }
0x297: {  	v0 =	vmax.f32 v0, v59  }
0x298: {  	v60 =	vld [tilespmem:s4+$0xF278];
	[tilespmem:s4+$0xF268] =	vst v0  }
0x299: {  	v0 =	vld [tilespmem:s0+$0xF278];
	_ =	sdelay $0x4  }
0x29a: {  	v0 =	vmax.f32 v0, v60  }
0x29b: {  	v61 =	vld [tilespmem:s4+$0xF288];
	[tilespmem:s4+$0xF278] =	vst v0  }
0x29c: {  	v0 =	vld [tilespmem:s0+$0xF288];
	_ =	sdelay $0x4  }
0x29d: {  	v0 =	vmax.f32 v0, v61  }
0x29e: {  	v62 =	vld [tilespmem:s4+$0xF298];
	[tilespmem:s4+$0xF288] =	vst v0  }
0x29f: {  	v0 =	vld [tilespmem:s0+$0xF298];
	_ =	sdelay $0x4  }
0x2a0: {  	v0 =	vmax.f32 v0, v62  }
0x2a1: {  	v63 =	vld [tilespmem:s4+$0xF2A8];
	[tilespmem:s4+$0xF298] =	vst v0  }
0x2a2: {  	v0 =	vld [tilespmem:s0+$0xF2A8];
	_ =	sdelay $0x1  }
.Ltmp38:
0x2a3: {  	_ = 	snop;
	(pc) =	sbr.rel .LBB2_48-.Ltmp38, $3  }
0x2a4: {  	_ =	sdelay $0x1  }
0x2a5: {  	v0 =	vmax.f32 v0, v63  }
0x2a6: {  	[tilespmem:s4+$0xF2A8] =	vst v0  }
.LBB2_49:
0x2a7: {  	p1 =	slt.s32 s2, $0x1  }
.Ltmp39:
0x2a8: {  	_ = 	snop;
	(pc) =	sbr.rel @p1 .LBB2_53-.Ltmp39, $3  }
0x2a9: {  	_ =	sdelay $0x1  }
0x2aa: {  	s0 =	simm.s32 $0x8  }
0x2ab: {  	s3 =	simm.s32 $0x0;
	[sflag:s0] =	ssyncpa.u1 $0x1  }
0x2ac: {  	s0 =	simm.s32 $0xF218  }
0x2ad: {  	v0 =	vld.msk [tilespmem:s0+$0x0], $0x1;
	_ =	sdelay $0x4  }
0x2ae: {  	(v2sf) =	vpush v0, $0x0;
	_ =	sdelay $0xe  }
0x2af: {  	s0 =	sadd.s32 $0xFFFFFFFF, s2;
	s5 =	spop (v2sf)  }
0x2b0: {  	p2 =	sne.s32 s0, $0x0;
	p1 =	sgt.u32 s5, $0x270F0  }
.Ltmp40:
0x2b1: {  	s6 =	sand.u32 @!p1 $0x3FFF8, s5;
	(pc) =	sbr.rel @!p2 .LBB2_52-.Ltmp40, $4  }
0x2b2: {  	s4 =	simm.s32 $0xF238;
	s5 =	sand.u32 @!p1 $0x7, s5;
	s2 =	sadd.s32 @!p1 s1, s6  }
0x2b3: {  	[hbm4b:s2+s5] =	stream.linear.scatter @!p1 [tilespmem:s4], [sflag:$0x7], $0x80, $0x38;
	[tilespmem:$0x1F6F8] =	vst v63  }
0x2b4: {  	s5 =	simm.s32 $0x0  }
0x2b5: {  	s2 =	simm.s32 $0xF219;
	s5 =	simm.s32 @!p1 $0x200  }
.LBB2_51:
0x2b6: {  	v0 =	vld.msk [tilespmem:s2+$0x0], $0x1;
	s0 =	sadd.s32 $0xFFFFFFFF, s0;
	s3 =	sadd.s32 s3, s5  }
0x2b7: {  	p1 =	sne.s32 s0, $0x0;
	_ =	sdelay $0x3  }
0x2b8: {  	(v2sf) =	vpush v0, $0x0;
	_ =	sdelay $0xe  }
.Ltmp41:
0x2b9: {  	s6 =	spop (v2sf);
	(pc) =	sbr.rel @p1 .LBB2_51-.Ltmp41, $4  }
0x2ba: {  	s5 =	simm.s32 $0x0;
	p2 =	sgt.u32 s6, $0x270F0  }
0x2bb: {  	s4 =	sadd.s32 $0x80, s4;
	s5 =	simm.s32 @!p2 $0x200;
	s7 =	sand.u32 @!p2 $0x3FFF8, s6  }
0x2bc: {  	s2 =	sadd.s32 $0x1, s2;
	s6 =	sand.u32 @!p2 $0x7, s6;
	s7 =	sadd.s32 @!p2 s1, s7  }
0x2bd: {  	[hbm4b:s7+s6] =	stream.linear.scatter @!p2 [tilespmem:s4], [sflag:$0x7], $0x80, $0x38;
	[tilespmem:$0x1F6F8] =	vst v63  }
.LBB2_52:
0x2be: {  	s0 =	sadd.s32 s3, s5  }
0x2bf: {  	s3 =	sshrl.u32 s0, $0x2  }
.LBB2_53:
0x2c0: {  	s0 =	simm.s32 $0x7  }
0x2c1: {  	_ =	swait.ge [sflag:s0], s3  }
0x2c2: {  	s1 =	ssub.s32 $0x0, s3;
	[sflag:s0] =	ssyncset.done $0x0  }
0x2c3: {  	[sflag:s0] =	ssyncadd.s32 s1  }
0x2c4: {  	[sflag:s0] =	ssyncpa.u1 $0x1  }
.LBB2_54:
0x2c5: {  	_ =	sfence;
	s0 =	simm.s32 $0x1  }
0x2c6: {  	[sflag:s0] =	ssyncpa.u1 $0x1  }
0x2c7: {  	_ =	strace $0x90000053  }
0x2c8: {  	[bflag:$0x2] =	sbarrier.arrive $0xFFFF  }
0x2c9: {  	s0 =	rddreg [dreg:$0x3]  }
0x2ca: {  	s0 =	sadd.s32 @!p0 $0x100000, s0  }
0x2cb: {  	[sflag:s0] =	ssyncadd.tile.s32 @!p0 $0x1;
	_ =	shalt  }
.Lfunc_end2:
_tile_overlayer_lowered:
.L_overlay_start_2:
0x2cc: {  	(tag) =	ssettag $0x2  }
0x2cd: {  	s0 =	rddreg [dreg:$0x0];
	s2 =	stileid.u32  }
0x2ce: {  	s1 =	rddreg [dreg:$0x1];
	p0 =	sne.s32 s2, $0x0  }
0x2cf: {  	s3 =	rddreg [dreg:$0x2];
	[bflag:$0x3] =	sbarrier.arrive $0xFFFF;
	s2 =	simm.s32 @!p0 $0x1C01  }
0x2d0: {  	[timem:s3], [sflag:s2] =	dma.local @!p0 [hbm:s0], s1  }
0x2d1: {  	s0 =	simm.s32 @!p0 $0x1  }
0x2d2: {  	_ =	swait.ge @!p0 [sflag:s0], s1  }
0x2d3: {  	s1 =	ssub.s32 @!p0 $0x0, s1;
	[sflag:s0] =	ssyncset.done @!p0 $0x0  }
0x2d4: {  	[sflag:s0] =	ssyncadd.s32 @!p0 s1  }
0x2d5: {  	[bflag:$0x3] =	sbarrier.arrive $0xFFFF  }
0x2d6: {  	_ =	shalt  }

// kernel: scatter_offload_async_start.3
scs
__scs_entry_jumppad:
0x0: {  	(pc) =	sbr.rel $0x88, $3  }
0x1: {  	(tag) =	ssettag $0x0;
	lr =	simm.s32 $0x1  }
0x2: {  	[smem:$0x3F94] =	sst lr;
	_ =	strace $0xD0000000  }
0x3: {  	_ = 	snop  }
0x4: {  	_ = 	snop  }
0x5: {  	_ = 	snop  }
0x6: {  	_ = 	snop  }
0x7: {  	_ = 	snop  }
__scs_overlays_trampoline_lowered:
0x8: {  	[smem:$0x3FA3] =	sst s0  }
0x9: {  	[smem:$0x3FA4] =	sst s1  }
0xa: {  	[smem:$0x3FA5] =	sst s2  }
0xb: {  	[smem:$0x3FA6] =	sst s3  }
0xc: {  	[smem:$0x3FA7] =	sst s4  }
0xd: {  	[smem:$0x3FA8] =	sst s5  }
0xe: {  	[smem:$0x3FA9] =	sst s6  }
0xf: {  	[smem:$0x3FAA] =	sst s7  }
0x10: {  	[smem:$0x3FAB] =	sst s8  }
0x11: {  	[smem:$0x3FAC] =	sst s9;
	s0 =	simm.s32 @!p0 $0x0  }
0x12: {  	s1 =	sld [smem:$0x3F92];
	s0 =	simm.s32 @p0 $0x1  }
0x13: {  	[smem:$0x3FAD] =	sst s0;
	s0 =	simm.s32 @!p1 $0x0  }
0x14: {  	s2 =	sld [smem:$0x3F91];
	s0 =	simm.s32 @p1 $0x1  }
0x15: {  	[smem:$0x3FAE] =	sst s0;
	s0 =	simm.s32 @!p2 $0x0  }
0x16: {  	s3 =	sld [smem:$0x3FDB];
	s0 =	simm.s32 @p2 $0x1  }
0x17: {  	s4 =	simm.s32 $0x1BF5;
	[smem:$0x3FB0] =	sst s0  }
0x18: {  	s0 =	sld [smem:$0x3F93];
	_ =	swait.ge [sflag:s4], $0x0  }
0x19: {  	s7 =	sld [smem:$0x3F94]  }
0x1a: {  	s8 =	sadd.s32 $0xFFFFE003, lr  }
0x1b: {  	s9 =	sadd.s32 $0xFFFFFEF7, lr;
	s5 =	simm.s32 $0xFFFFFFFF;
	p2 =	slt.u32 s8, $0xFFFFF086  }
0x1c: {  	p1 =	slt.u32 s9, $0xF7A;
	s5 =	simm.s32 @!p2 $0x0  }
0x1d: {  	s5 =	simm.s32 @p1 $0x1;
	p0 =	seq.s32 s7, s2  }
0x1e: {  	s7 =	smul.u32 @!p0 $0xF7A, s2;
	p2 =	seq.s32 @!p0 s5, $0x0  }
0x1f: {  	s9 =	smul.u32 $0xF7A, s1;
	s8 =	simm.s32 @!p0 $0x1BF5;
	p2 =	por !p2, p0  }
0x20: {  	[sflag:s8] =	ssyncset.s32 @!p0 $0xFFFFF086;
	s6 =	sadd.s32 @!p0 s3, s7;
	s7 =	simm.s32 @!p0 $0x108  }
0x21: {  	s3 =	sadd.s32 s3, s9;
	s6 =	sadd.s32 @!p0 $0x88, s6;
	s7 =	simm.s32 @p2 $0x1082  }
0x22: {  	[simem:s7], [sflag:s8] =	dma.local @!p0 [hbm:s6], $0xF7A  }
0x23: {  	s9 =	sor.u32 $0xD0000000, s2;
	s6 =	simm.s32 $0x108;
	_ =	swait.ge @!p0 [sflag:s8], $0x0  }
0x24: {  	s3 =	sadd.s32 $0x88, s3;
	s6 =	simm.s32 @!p1 $0x1082;
	[sflag:s4] =	ssyncset.s32 $0xFFFFF086  }
0x25: {  	[simem:s6], [sflag:s4] =	dma.local [hbm:s3], $0xF7A  }
0x26: {  	[smem:$0x3F94] =	sst s1;
	(tag) =	ssettag s2;
	_ =	strace s9  }
0x27: {  	s1 =	sld [smem:$0x3FA4]  }
0x28: {  	s2 =	sld [smem:$0x3FA5]  }
0x29: {  	s4 =	sld [smem:$0x3FA7]  }
0x2a: {  	p0 =	seq.s32 s5, $0x0;
	s5 =	sld [smem:$0x3FA8]  }
0x2b: {  	s6 =	sld [smem:$0x3FA9]  }
0x2c: {  	s7 =	sld [smem:$0x3FAA]  }
0x2d: {  	s3 =	simm.s32 $0x108;
	s8 =	sld [smem:$0x3FAB]  }
0x2e: {  	s3 =	simm.s32 @!p0 $0x1082;
	s9 =	sld [smem:$0x3FAC]  }
0x2f: {  	lr =	sadd.s32 s0, s3;
	s0 =	sld [smem:$0x3FA3]  }
0x30: {  	s3 =	sld [smem:$0x3FA6]  }
0x31: {  	[smem:$0x3FAF] =	sst s10  }
0x32: {  	s10 =	sld [smem:$0x3FAD];
	_ =	sdelay $0x3  }
0x33: {  	p0 =	seq.s32 s10, $0x1;
	s10 =	sld [smem:$0x3FAF];
	_ =	sdelay $0x3  }
0x34: {  	[smem:$0x3FAF] =	sst s10  }
0x35: {  	s10 =	sld [smem:$0x3FAE];
	_ =	sdelay $0x3  }
0x36: {  	p1 =	seq.s32 s10, $0x1;
	s10 =	sld [smem:$0x3FAF];
	_ =	sdelay $0x3  }
0x37: {  	[smem:$0x3FAF] =	sst s10  }
0x38: {  	s10 =	sld [smem:$0x3FB0]  }
0x39: {  	_ = 	snop;
	(pc) =	sbr.ind lr, $3  }
0x3a: {  	_ = 	snop  }
0x3b: {  	_ = 	snop  }
0x3c: {  	p2 =	seq.s32 s10, $0x1;
	s10 =	sld [smem:$0x3FAF]  }
0x3d: {  	_ =	shalt  }
0x3e: {  	_ =	shalt  }
0x3f: {  	_ =	shalt  }
0x40: {  	_ =	shalt  }
0x41: {  	_ =	shalt  }
0x42: {  	_ =	shalt  }
0x43: {  	_ =	shalt  }
0x44: {  	_ =	shalt  }
0x45: {  	_ =	shalt  }
0x46: {  	_ =	shalt  }
0x47: {  	_ =	shalt  }
0x48: {  	_ =	shalt  }
0x49: {  	_ =	shalt  }
0x4a: {  	_ =	shalt  }
0x4b: {  	_ =	shalt  }
0x4c: {  	_ =	shalt  }
0x4d: {  	_ =	shalt  }
0x4e: {  	_ =	shalt  }
0x4f: {  	_ =	shalt  }
0x50: {  	_ =	shalt  }
0x51: {  	_ =	shalt  }
0x52: {  	_ =	shalt  }
0x53: {  	_ =	shalt  }
0x54: {  	_ =	shalt  }
0x55: {  	_ =	shalt  }
0x56: {  	_ =	shalt  }
0x57: {  	_ =	shalt  }
0x58: {  	_ =	shalt  }
0x59: {  	_ =	shalt  }
0x5a: {  	_ =	shalt  }
0x5b: {  	_ =	shalt  }
0x5c: {  	_ =	shalt  }
0x5d: {  	_ =	shalt  }
0x5e: {  	_ =	shalt  }
0x5f: {  	_ =	shalt  }
0x60: {  	_ =	shalt  }
0x61: {  	_ =	shalt  }
0x62: {  	_ =	shalt  }
0x63: {  	_ =	shalt  }
0x64: {  	_ =	shalt  }
0x65: {  	_ =	shalt  }
0x66: {  	_ =	shalt  }
0x67: {  	_ =	shalt  }
0x68: {  	_ =	shalt  }
0x69: {  	_ =	shalt  }
0x6a: {  	_ =	shalt  }
0x6b: {  	_ =	shalt  }
0x6c: {  	_ =	shalt  }
0x6d: {  	_ =	shalt  }
0x6e: {  	_ =	shalt  }
0x6f: {  	_ =	shalt  }
0x70: {  	_ =	shalt  }
0x71: {  	_ =	shalt  }
0x72: {  	_ =	shalt  }
0x73: {  	_ =	shalt  }
0x74: {  	_ =	shalt  }
0x75: {  	_ =	shalt  }
0x76: {  	_ =	shalt  }
0x77: {  	_ =	shalt  }
0x78: {  	_ =	shalt  }
0x79: {  	_ =	shalt  }
0x7a: {  	_ =	shalt  }
0x7b: {  	_ =	shalt  }
0x7c: {  	_ =	shalt  }
0x7d: {  	_ =	shalt  }
0x7e: {  	_ =	shalt  }
0x7f: {  	_ =	shalt  }
0x80: {  	_ =	shalt  }
0x81: {  	_ =	shalt  }
0x82: {  	_ =	shalt  }
0x83: {  	_ =	shalt  }
0x84: {  	_ =	shalt  }
0x85: {  	_ =	shalt  }
0x86: {  	_ =	shalt  }
0x87: {  	_ =	shalt  }
.Lfunc_end0:
.L_simem_size_0:
called_computation.3_lowered:
.L_overlay_start_0:
0x88: {  	s2 =	sld [smem:$0x3FD9]  }
0x89: {  	s3 =	sld [smem:$0x3FFE];
	_ =	sdelay $0x1  }
0x8a: {  	s1 =	srdreg.scid  }
0x8b: {  	s0 =	sand.u32 $0x1, s1  }
0x8c: {  	s16 =	sshll.u32 s0, $0xA;
	s2 =	sadd.s32 s3, s2  }
0x8d: {  	s2 =	sadd.s32 s2, s16  }
0x8e: {  	[smem:$0x3FBB] =	sst s2  }
0x8f: {  	_ = 	snop  }
0x90: {  	s2 =	sld [smem:$0x3FD0];
	(tm) =	ssettm $0x1  }
0x91: {  	s17 =	sld [smem:$0x3FFB];
	_ =	sdelay $0x3  }
0x92: {  	_ =	strace s17  }
0x93: {  	s3 =	sld [smem:$0x3FFC];
	_ =	sdelay $0x3  }
0x94: {  	_ =	strace s3  }
0x95: {  	s3 =	sld [smem:$0x3FFD];
	_ =	sdelay $0x3  }
0x96: {  	_ =	strace s3  }
0x97: {  	_ =	strace $0x8FFFFFFF  }
0x98: {  	s18 =	sld [smem:$0x3FDB];
	_ =	sdelay $0x1  }
0x99: {  	s4 =	simm.s32 $_scs_section_size  }
0x9a: {  	s5 =	simm.s32 $_size__tile_overlayer_lowered;
	s6 =	simm.s32 $_tile_overlayer_lowered  }
0x9b: {  	s21 =	simm.s32 $0x1BFF;
	s20 =	sshll.u32 s6, $0x1;
	s3 =	sadd.s32 s4, s18  }
0x9c: {  	s7 =	simm.s32 $0x0;
	s19 =	sshll.u32 s5, $0x1;
	s5 =	sadd.s32 s20, s3  }
0x9d: {  	[timem:s7], [sflag:s21] =	dma.local [hbm:s5], s19  }
0x9e: {  	_ =	swait.ge [sflag:s21], s19  }
0x9f: {  	s4 =	ssub.s32 $0x0, s19;
	[sflag:s21] =	ssyncset.done $0x0  }
0xa0: {  	[sflag:s21] =	ssyncadd.s32 s4;
	_ =	sdelay $0x1  }
0xa1: {  	s22 =	simm.s32 $0x1B8B  }
0xa2: {  	_ =	swait.ge [sflag:s22], $0x1  }
0xa3: {  	[sflag:s22] =	ssyncset.done $0x0  }
0xa4: {  	s23 =	sld [smem:$0x3FFE];
	[sflag:s22] =	ssyncadd.s32 $0xFFFFFFFF  }
0xa5: {  	s25 =	simm.s32 $0x1B8E;
	s24 =	sld [smem:$0x0]  }
0xa6: {  	s26 =	simm.s32 $execute0_lowered;
	[smem:$0x3FD2] =	sst s25  }
0xa7: {  	s6 =	sshll.u32 s26, $0x1;
	_ =	strace $0x80000055;
	[dreg:$0x1] =	wrdreg $0xFFFFFFFF  }
0xa8: {  	s28 =	simm.s32 $_size_execute0_lowered;
	s3 =	sadd.s32 s3, s6;
	[dreg:$0x0] =	wrdreg $0x0  }
0xa9: {  	s6 =	sshll.u32 s28, $0x1;
	[dreg:$0x2] =	wrdreg s3  }
0xaa: {  	[dreg:$0x3] =	wrdreg s6  }
0xab: {  	[dreg:$0x4] =	wrdreg $0xC0  }
0xac: {  	_ =	task [dreg:s7], $0x5FFFF  }
0xad: {  	[dreg:$0x1] =	wrdreg $0xFFFFFFFF  }
0xae: {  	[dreg:$0x0] =	wrdreg $0x60  }
0xaf: {  	[dreg:$0x2] =	wrdreg s2  }
0xb0: {  	[dreg:$0x3] =	wrdreg s23  }
0xb1: {  	[dreg:$0x4] =	wrdreg s1  }
0xb2: {  	[dreg:$0x5] =	wrdreg s24  }
0xb3: {  	[dreg:$0x6] =	wrdreg $0x9  }
0xb4: {  	_ =	task.clear_ibuf [dreg:s7], $0x7FFFF;
	_ =	strace $0x90000055  }
0xb5: {  	s29 =	simm.s32 $0x9;
	_ =	strace $0x80000057  }
0xb6: {  	_ =	swait.ge [sflag:s29], $0x1  }
0xb7: {  	[sflag:s29] =	ssyncadd.s32 $0xFFFFFFFF  }
0xb8: {  	_ =	strace $0x90000057  }
0xb9: {  	_ =	sfence  }
0xba: {  	s30 =	sld [smem:$0x0];
	_ =	sdelay $0x2  }
0xbb: {  	s31 =	sshll.u32 s1, $0xD;
	s1 =	sshrl.u32 s1, $0x2  }
0xbc: {  	s3 =	sand.u32 $0x4000, s31;
	s1 =	sadd.s32 s1, s30  }
0xbd: {  	s0 =	sor.u32 s3, s0;
	s1 =	sshll.u32 s1, $0x11  }
0xbe: {  	s0 =	sor.u32 s1, s0  }
0xbf: {  	s0 =	sadd.s32 $0x8F2B, s0  }
0xc0: {  	[sflag:s0] =	ssyncadd.remote.s32 $0x1  }
0xc1: {  	_ =	sfence.sel $0xFFFF  }
0xc2: {  	[dreg:$0x0] =	wrdreg $0xFFFFFFFF;
	(pc) =	sbr.abs _section_cstart, $3  }
0xc3: {  	[dreg:$0x1] =	wrdreg $0xFFFFFFFF  }
0xc4: {  	_ =	task.clear_ibuf [dreg:s7], $0x2FFFF;
	_ =	strace $0x9FFFFFFF  }
0xc5: {  	(tm) =	ssettm $0x7FFFFFFF  }
tec
execute0_lowered:
.L_overlay_start_1:
0x0: {  	(tag) =	ssettag $0x1  }
0x1: {  	s1 =	rddreg [dreg:$0x0]  }
0x2: {  	s15 =	rddreg [dreg:$0x1]  }
0x3: {  	s2 =	rddreg [dreg:$0x2];
	_ =	strace $0x80000056;
	s0 =	simm.s32 $0x1  }
0x4: {  	v0 =	vimm.s32 $0x0;
	[sflag:s0] =	ssyncpa.u1 $0x0;
	s0 =	simm.s32 $0x108  }
0x5: {  	[tilespmem:s0+$0x70] =	vst v0  }
0x6: {  	[tilespmem:s0+$0x60] =	vst v0  }
0x7: {  	[tilespmem:s0+$0x50] =	vst v0  }
0x8: {  	[tilespmem:s0+$0x40] =	vst v0  }
0x9: {  	[tilespmem:s0+$0x30] =	vst v0  }
0xa: {  	s3 =	simm.s32 $0x40;
	[tilespmem:s0+$0x20] =	vst v0  }
0xb: {  	s6 =	sadd.s32 $0x9E00, s15;
	s14 =	sadd.s32 $0x53A800, s15;
	s5 =	sand.u32 $0x1, s2;
	[tilespmem:s0+$0x10] =	vst v0  }
.LBB2_1:
0xc: {  	s3 =	sadd.s32 $0x40, s3;
	[tilespmem:s0+$0x0] =	vst v0;
	s0 =	sadd.s32 $0x80, s0  }
0xd: {  	p0 =	slt.u32 s3, $0x3C40;
	[tilespmem:s0+$0x70] =	vst v0  }
0xe: {  	[tilespmem:s0+$0x60] =	vst v0  }
.Ltmp0:
0xf: {  	[tilespmem:s0+$0x50] =	vst v0;
	(pc) =	sbr.rel @p0 .LBB2_1-.Ltmp0, $4  }
0x10: {  	[tilespmem:s0+$0x40] =	vst v0  }
0x11: {  	[tilespmem:s0+$0x30] =	vst v0  }
0x12: {  	[tilespmem:s0+$0x20] =	vst v0  }
0x13: {  	[tilespmem:s0+$0x10] =	vst v0  }
0x14: {  	s9 =	stileid.u32  }
0x15: {  	s2 =	smul.u32 $0x29, s9  }
0x16: {  	s3 =	smin.u32 s9, $0xB  }
0x17: {  	s2 =	sadd.s32 s3, s2  }
0x18: {  	p0 =	slt.u32 s9, $0xB;
	s7 =	smul.u32 $0xF0, s2;
	s2 =	simm.s32 $0x2760  }
0x19: {  	s2 =	simm.s32 @!p0 $0x2670  }
0x1a: {  	s2 =	sadd.s32 s2, s7  }
0x1b: {  	s8 =	smin.u32 s2, $0x27100  }
0x1c: {  	s2 =	ssub.s32 s8, s7  }
0x1d: {  	p0 =	sgt.s32 s2, $0x0  }
0x1e: {  	s29 =	simm.s32 $0x2;
	s10 =	simm.s32 $0x9;
	s2 =	simm.s32 @!p0 $0x0  }
0x1f: {  	s4 =	simm.s32 $0xA;
	s11 =	simm.s32 $0xB;
	s28 =	smulhi.u32 $0x88888889, s2  }
0x20: {  	[dreg:$0x5] =	wrdreg s5;
	s31 =	smul.u32 $0x4E20, s5;
	s12 =	simm.s32 $0x1  }
0x21: {  	s22 =	simm.s32 $0x0;
	s18 =	simm.s32 $0xC;
	s30 =	sshrl.u32 s28, $0x7  }
0x22: {  	s20 =	simm.s32 $0x0;
	s21 =	simm.s32 $0x0;
	s3 =	smul.u32 $0xF0, s30  }
.Ltmp1:
0x23: {  	[tilespmem:s0+$0x0] =	vst v0;
	v0 =	vimm.s32 $0xFFFFFFFF;
	[sflag:s29] =	ssyncpa.u1 $0x0;
	s16 =	sshll.u32 s9, $0x8;
	(pc) =	sbr.rel .LBB2_3-.Ltmp1, $4  }
0x24: {  	[tilespmem:$0xF208] =	vst v0;
	[sflag:s10] =	ssyncpa.u1 $0x0;
	p0 =	sne.s32 s2, s3;
	s2 =	simm.s32 $0x1  }
0x25: {  	s14 =	sadd.s32 s31, s14;
	[sflag:s4] =	ssyncpa.u1 $0x0;
	s2 =	simm.s32 @!p0 $0x0  }
0x26: {  	s15 =	sadd.s32 s31, s15;
	[sflag:s11] =	ssyncpa.u1 $0x0;
	s13 =	sadd.s32 s2, s30  }
0x27: {  	v0 =	vlaneseq.u32;
	s19 =	smov.u32 s7;
	p0 =	por $0x0, $0x0;
	s17 =	sadd.s32 $0x1, s13  }
.LBB2_18:
0x28: {  	s0 =	sshrl.u32 s31, $0x2  }
.LBB2_20:
0x29: {  	_ =	swait.ge [sflag:s18], s0  }
0x2a: {  	s31 =	ssub.s32 $0x0, s0;
	v1 =	vmov s24;
	vm0 =	veq.s32 v0, $0x0;
	[sflag:s18] =	ssyncset.done $0x0  }
0x2b: {  	vm15 =	veq.s32 v0, $0x2;
	v1 =	vsel vm0, s30, v1;
	[sflag:s18] =	ssyncadd.s32 s31  }
0x2c: {  	v1 =	vsel vm15, s22, v1;
	[sflag:s18] =	ssyncpa.u1 $0x1  }
0x2d: {  	[tilespmem:$0xF208] =	vst v1  }
.LBB2_21:
0x2e: {  	s0 =	sadd.s32 $0xF0, s19  }
0x2f: {  	s2 =	smov.u32 s7;
	p1 =	slt.s32 s0, s8  }
0x30: {  	s2 =	smov.u32 @p1 s0;
	p1 =	sne.s32 s21, s17  }
.Ltmp2:
0x31: {  	_ = 	snop;
	(pc) =	sbr.rel @!p1 .LBB2_22-.Ltmp2, $3  }
0x32: {  	_ =	sdelay $0x1  }
0x33: {  	s22 =	smov.u32 s20;
	s31 =	sadd.s32 $0x1, s21;
	s20 =	smov.u32 s19  }
0x34: {  	p0 =	por !p0, !p0;
	s21 =	smov.u32 s31;
	s19 =	smov.u32 s2  }
.LBB2_3:
0x35: {  	p1 =	sge.u32 s21, s13  }
0x36: {  	s0 =	smulhi.u32 @!p1 $0xAAAAAAAB, s21  }
0x37: {  	s2 =	smov.u32 s19;
	p2 =	sgt.s32 @!p1 s19, $0x27010  }
0x38: {  	s3 =	sshra.s32 @!p1 s19, $0x1F;
	p2 =	por !p2, p1;
	s0 =	sshrl.u32 @!p1 s0, $0x1  }
0x39: {  	s3 =	sand.u32 @!p1 s3, s19;
	s2 =	simm.s32 @p2 $0x27010;
	s0 =	smul.u32 @!p1 $0x3, s0  }
0x3a: {  	s2 =	ssub.s32 @!p1 s2, s3  }
0x3b: {  	s2 =	sadd.s32 @!p1 $0xFFFD8FF0, s2;
	s0 =	ssub.s32 @!p1 s21, s0  }
0x3c: {  	s3 =	sshll.u32 @!p1 s2, $0x2;
	p2 =	sgt.s32 @!p1 s2, $0xEF;
	s0 =	smul.u32 @!p1 $0x3C0, s0  }
0x3d: {  	s4 =	sand.u32 @!p1 $0x7, s19;
	s2 =	ssub.s32 @!p1 $0x3C0, s3;
	p2 =	por !p2, p1  }
0x3e: {  	s3 =	sshrl.u32 @!p1 s19, $0x3;
	s2 =	sshrl.u32 @!p1 s2, $0x2;
	s0 =	sshrl.u32 @!p1 s0, $0x2  }
0x3f: {  	s3 =	sadd.s32 @!p1 s3, s14;
	s2 =	simm.s32 @!p2 $0x0;
	s0 =	sadd.s32 @!p1 $0x10248, s0  }
0x40: {  	[tilespmem:s0], [sflag:$0xA] =	stream.linear.gather @!p1 [hbm4b:s3+s4], s2, $0x38;
	[tilespmem:$0x1F6F8] =	vst v63  }
0x41: {  	s0 =	sadd.s32 $0xFFFFFFFF, s21  }
0x42: {  	p1 =	sge.u32 s0, s13  }
0x43: {  	p2 =	sgt.s32 @!p1 s20, $0x27010  }
0x44: {  	s2 =	smov.u32 s20;
	s3 =	sshra.s32 @!p1 s20, $0x1F;
	p2 =	por !p2, p1  }
0x45: {  	s3 =	sand.u32 @!p1 s3, s20;
	s2 =	simm.s32 @p2 $0x27010  }
0x46: {  	s2 =	ssub.s32 @!p1 s2, s3  }
0x47: {  	s2 =	sadd.s32 @!p1 $0xFFFD8FF0, s2  }
0x48: {  	s4 =	sand.u32 @!p1 $0x1, s0;
	s3 =	sshll.u32 @!p1 s2, $0x2  }
0x49: {  	p2 =	sgt.s32 @!p1 s2, $0xEF;
	s2 =	ssub.s32 @!p1 $0x3C0, s3;
	s3 =	smulhi.u32 @!p1 $0xAAAAAAAB, s0  }
0x4a: {  	s23 =	smul.u32 @!p1 $0x3C0, s4;
	p2 =	por !p2, p1;
	s2 =	sshrl.u32 @!p1 s2, $0x2  }
0x4b: {  	s5 =	simm.s32 @!p1 $0xA;
	s2 =	simm.s32 @!p2 $0x0;
	s3 =	sshrl.u32 @!p1 s3, $0x1  }
0x4c: {  	s23 =	sshrl.u32 @!p1 s23, $0x2;
	_ =	swait.ge @!p1 [sflag:s5], s2;
	s3 =	smul.u32 @!p1 $0x3, s3  }
0x4d: {  	s23 =	sadd.s32 @!p1 $0x10518, s23;
	s24 =	ssub.s32 @!p1 $0x0, s2;
	[sflag:s5] =	ssyncset.done @!p1 $0x0  }
0x4e: {  	[sflag:s5] =	ssyncadd.s32 @!p1 s24;
	s5 =	sshrl.u32 @!p1 s20, $0x3;
	s0 =	ssub.s32 @!p1 s0, s3  }
0x4f: {  	s24 =	sand.u32 @!p1 $0x7, s20;
	s5 =	sadd.s32 @!p1 s5, s15;
	s0 =	smul.u32 @!p1 $0x3C0, s0  }
0x50: {  	[tilespmem:s23], [sflag:$0xB] =	stream.linear.gather @!p1 [hbm4b:s5+s24], s2, $0x38;
	[tilespmem:$0x1F6F8] =	vst v63  }
0x51: {  	s3 =	ssub.s32 @!p1 $0x27100, s20;
	s2 =	smul.u32 @!p1 $0x1E000, s4  }
0x52: {  	p2 =	slt.s32 @!p1 s3, $0xF0  }
0x53: {  	p2 =	por !p2, p1;
	s0 =	sshrl.u32 @!p1 s0, $0x2;
	s2 =	sshrl.u32 @!p1 s2, $0x2  }
0x54: {  	s3 =	simm.s32 @p2 $0xF0;
	s0 =	sadd.s32 @!p1 $0x10248, s0;
	s2 =	sor.u32 @!p1 $0x106F8, s2  }
0x55: {  	[tilespmem:s2], [sflag:$0x9] =	stream.indirect.gather @!p1 [hbm4b:s6+s3], $0x80, s0, s3, $0xb8;
	[tilespmem:$0x1F6F8] =	vst v63  }
0x56: {  	p1 =	slt.u32 s21, $0x2  }
.Ltmp3:
0x57: {  	_ = 	snop;
	(pc) =	sbr.rel @p1 .LBB2_21-.Ltmp3, $1  }
0x58: {  	_ =	sdelay $0x3  }
0x59: {  	p1 =	sgt.s32 s22, $0x27010  }
0x5a: {  	s0 =	smov.u32 s22;
	s2 =	sshra.s32 s22, $0x1F;
	s3 =	ssub.s32 $0x27100, s22  }
0x5b: {  	s0 =	simm.s32 @!p1 $0x27010;
	s2 =	sand.u32 s2, s22;
	p1 =	slt.s32 s3, $0xF0  }
0x5c: {  	s0 =	ssub.s32 s0, s2;
	s3 =	simm.s32 @!p1 $0xF0  }
0x5d: {  	s0 =	sadd.s32 $0xFFFD8FF0, s0;
	s25 =	sshll.u32 s3, $0x7  }
0x5e: {  	s26 =	sshll.u32 s0, $0x2;
	s2 =	sand.u32 $0x3FFFFF80, s25  }
0x5f: {  	p1 =	sgt.s32 s0, $0xEF;
	s29 =	ssub.s32 $0x3C0, s26;
	_ =	swait.ge [sflag:s10], s2  }
0x60: {  	s2 =	ssub.s32 $0x0, s2;
	[sflag:s10] =	ssyncset.done $0x0;
	s0 =	sshrl.u32 s29, $0x2  }
0x61: {  	[sflag:s10] =	ssyncadd.s32 s2;
	s0 =	simm.s32 @p1 $0x0  }
0x62: {  	_ =	swait.ge [sflag:s11], s0  }
0x63: {  	s0 =	ssub.s32 $0x0, s0;
	[sflag:s11] =	ssyncset.done $0x0  }
0x64: {  	[sflag:s11] =	ssyncadd.s32 s0  }
0x65: {  	v1 =	vld [tilespmem:$0xF208];
	_ =	sdelay $0x4  }
0x66: {  	(v2sf) =	vpush v1, $0x0  }
0x67: {  	(v2sf) =	vpush v1, $0x1  }
0x68: {  	(v2sf) =	vpush v1, $0x2;
	_ =	sdelay $0x3  }
0x69: {  	s0 =	sadd.s32 $0xF0, s22  }
0x6a: {  	s2 =	ssub.s32 $0x4E200, s22;
	p1 =	slt.s32 s8, s0  }
0x6b: {  	s0 =	smov.u32 @p1 s8;
	p1 =	sgt.s32 s2, $0x0  }
0x6c: {  	s26 =	ssub.s32 s0, s22;
	s2 =	simm.s32 @!p1 $0x0  }
0x6d: {  	p1 =	slt.s32 s2, s26  }
0x6e: {  	s26 =	smov.u32 @p1 s2  }
0x6f: {  	s25 =	simm.s32 $0x1;
	p1 =	slt.s32 s26, $0x1  }
.Ltmp4:
0x70: {  	s25 =	simm.s32 @!p0 $0x0;
	(pc) =	sbr.rel @p1 .LBB2_8-.Ltmp4, $4  }
0x71: {  	s31 =	smul.u32 $0x3C0, s25  }
0x72: {  	s28 =	spop (v2sf)  }
0x73: {  	s0 =	sshrl.u32 s31, $0x2;
	s30 =	spop (v2sf)  }
0x74: {  	s23 =	sadd.s32 $0x10518, s0;
	s22 =	spop (v2sf)  }
0x75: {  	s0 =	smin.u32 s26, $0x10  }
0x76: {  	v1 =	vmov s0  }
0x77: {  	p2 =	sgt.s32 s26, $0x10;
	vm1 =	vgt.u32 v1, v0  }
.Ltmp5:
0x78: {  	_ = 	snop;
	(pc) =	sbr.rel @!p2 .LBB2_7-.Ltmp5, $2  }
0x79: {  	_ =	sdelay $0x2  }
0x7a: {  	s4 =	simm.s32 $0x10;
	s24 =	sadd.s32 $0xFFFFFFF0, s26;
	s0 =	smov.u32 s23;
	vm0 =	vmmov vm1  }
.LBB2_6:
0x7b: {  	s2 =	smin.u32 s24, $0x10;
	s4 =	sadd.s32 $0x10, s4;
	v1 =	vld.msk [tilespmem:s0+$0x0 ss:$0x1], vm1  }
0x7c: {  	v2 =	vmov s2;
	p2 =	slt.s32 s4, s26  }
0x7d: {  	vm1 =	vgt.u32 v2, v0  }
.Ltmp6:
0x7e: {  	(pc) =	sbr.rel @p2 .LBB2_6-.Ltmp6, $3  }
0x7f: {  	_ =	sdelay $0x1  }
0x80: {  	v1 =	vshll.u32 v1, $0x4  }
0x81: {  	s24 =	sadd.s32 $0xFFFFFFF0, s24;
	[tilespmem:s0+$0x0] =	vst.msk vm0, v1;
	s0 =	sadd.s32 $0x10, s0;
	vm0 =	vmmov vm1  }
.LBB2_7:
0x82: {  	_ =	sdelay $0x4  }
0x83: {  	v1 =	vld.msk [tilespmem:s0+$0x0 ss:$0x1], vm1;
	_ =	sdelay $0x4  }
0x84: {  	v1 =	vshll.u32 v1, $0x4  }
0x85: {  	[tilespmem:s0+$0x0] =	vst.msk vm0, v1  }
.LBB2_8:
0x86: {  	s0 =	sand.u32 $0x1, s21  }
0x87: {  	s0 =	smul.u32 $0xF0, s0  }
0x88: {  	p2 =	sne.s32 s30, $0xFFFFFFFF  }
0x89: {  	v1 =	vld.msk @!p2 [tilespmem:s0+$0x10518], $0x1;
	_ =	sdelay $0x4  }
0x8a: {  	(v2sf) =	vpush @!p2 v1, $0x0;
	_ =	sdelay $0xc  }
.Ltmp7:
0x8b: {  	_ = 	snop;
	(pc) =	sbr.rel @p1 .LBB2_19-.Ltmp7, $4  }
0x8c: {  	_ = 	snop  }
0x8d: {  	s29 =	spop @!p2 (v2sf)  }
0x8e: {  	s22 =	simm.s32 @!p2 $0x0;
	s24 =	smov.u32 s29  }
0x8f: {  	[sflag:s18] =	ssyncpa.u1 $0x0;
	s29 =	smov.u32 @p2 s28;
	s24 =	smov.u32 @p2 s30  }
0x90: {  	v1 =	vld.msk [tilespmem:s23+$0x0], $0x1;
	_ =	sdelay $0x4  }
0x91: {  	(v2sf) =	vpush v1, $0x0;
	_ =	sdelay $0xe  }
0x92: {  	s2 =	smul.u32 $0x1E000, s25;
	s0 =	spop (v2sf)  }
0x93: {  	s26 =	ssub.s32 $0x0, s26;
	p1 =	seq.s32 s29, s0  }
0x94: {  	s30 =	sadd.s32 $0x1, s26;
	s2 =	sshrl.u32 s2, $0x2;
	p2 =	sgt.s32 @!p1 s29, $0x0  }
0x95: {  	s25 =	sor.u32 $0x10738, s2;
	s2 =	smov.u32 s29;
	p2 =	por !p2, p1  }
0x96: {  	s2 =	simm.s32 @p2 $0x0;
	p2 =	seq.s32 s30, $0x0  }
.Ltmp8:
0x97: {  	_ = 	snop;
	(pc) =	sbr.rel @p2 .LBB2_11-.Ltmp8, $4  }
0x98: {  	_ = 	snop  }
0x99: {  	s28 =	simm.s32 $0x0;
	s31 =	sadd.s32 $0x1, s23;
	s2 =	smin.u32 @!p1 s2, $0x270F0  }
0x9a: {  	s4 =	simm.s32 @!p1 $0x1;
	s5 =	simm.s32 @!p1 $0x7988;
	s3 =	sand.u32 @!p1 $0x3FFF8, s2  }
0x9b: {  	s4 =	smov.u32 @p1 s28;
	s2 =	sand.u32 @!p1 $0x7, s2;
	s3 =	sadd.s32 @!p1 s1, s3  }
.LBB2_10:
0x9c: {  	s9 =	smov.u32 s4  }
0x9d: {  	[tilespmem:s5], [sflag:$0x2] =	stream.linear.gather @!p1 [hbm4b:s3+s2], $0x80, $0x38;
	[tilespmem:$0x1F6F8] =	vst v63  }
0x9e: {  	s30 =	sadd.s32 $0x1, s30;
	s2 =	smov.u32 s0;
	v1 =	vld.msk [tilespmem:s31+$0x0], $0x1  }
0x9f: {  	p2 =	seq.s32 s30, $0x0;
	_ =	sdelay $0x3  }
0xa0: {  	(v2sf) =	vpush v1, $0x0;
	_ =	sdelay $0xe  }
0xa1: {  	s0 =	spop (v2sf)  }
0xa2: {  	p1 =	seq.s32 s2, s0  }
0xa3: {  	p3 =	sgt.s32 @!p1 s2, $0x0;
	s3 =	sshll.u32 @!p1 s4, $0x9;
	s4 =	sadd.s32 @!p1 $0x1, s4  }
.Ltmp9:
0xa4: {  	p3 =	por !p3, p1;
	s3 =	sshra.s32 @!p1 s3, $0x2;
	(pc) =	sbr.rel @!p2 .LBB2_10-.Ltmp9, $4  }
0xa5: {  	s4 =	smov.u32 @p1 s9;
	s2 =	simm.s32 @p3 $0x0;
	s5 =	sadd.s32 @!p1 $0x7988, s3  }
0xa6: {  	s2 =	smin.u32 @!p1 s2, $0x270F0  }
0xa7: {  	s3 =	sand.u32 @!p1 $0x3FFF8, s2;
	s2 =	sand.u32 @!p1 $0x7, s2  }
0xa8: {  	s31 =	sadd.s32 $0x1, s31;
	s3 =	sadd.s32 @!p1 s1, s3  }
.LBB2_11:
0xa9: {  	[tilespmem:s5], [sflag:$0x2] =	stream.linear.gather @!p1 [hbm4b:s3+s2], $0x80, $0x38;
	[tilespmem:$0x1F6F8] =	vst v63  }
.Ltmp10:
0xaa: {  	s0 =	sshll.u32 s4, $0x7;
	(pc) =	sbr.rel .LBB2_12-.Ltmp10, $4  }
0xab: {  	s30 =	simm.s32 $0x2;
	s0 =	sand.u32 $0x3FFFFF80, s0  }
0xac: {  	_ =	swait.ge [sflag:s30], s0  }
0xad: {  	s0 =	ssub.s32 $0x0, s0;
	[sflag:s30] =	ssyncset.done $0x0  }
0xae: {  	s31 =	simm.s32 $0x0;
	[sflag:s30] =	ssyncadd.s32 s0  }
.LBB2_13:
0xaf: {  	v1 =	vld [tilespmem:s25+$0xFFFFFFC0];
	_ =	sdelay $0x3  }
0xb0: {  	s0 =	sshra.s32 s0, $0x2  }
0xb1: {  	[tilespmem:s0+$0x108] =	vst.add.f32.msk $0xffff, v1  }
0xb2: {  	v1 =	vld [tilespmem:s25+$0xFFFFFFD0];
	_ =	sdelay $0x4  }
0xb3: {  	[tilespmem:s0+$0x118] =	vst.add.f32.msk $0xffff, v1  }
0xb4: {  	v1 =	vld [tilespmem:s25+$0xFFFFFFE0];
	_ =	sdelay $0x4  }
0xb5: {  	[tilespmem:s0+$0x128] =	vst.add.f32.msk $0xffff, v1  }
0xb6: {  	v1 =	vld [tilespmem:s25+$0xFFFFFFF0];
	_ =	sdelay $0x4  }
0xb7: {  	[tilespmem:s0+$0x138] =	vst.add.f32.msk $0xffff, v1  }
0xb8: {  	v1 =	vld [tilespmem:s25+$0x0];
	_ =	sdelay $0x4  }
0xb9: {  	[tilespmem:s0+$0x148] =	vst.add.f32.msk $0xffff, v1  }
0xba: {  	v1 =	vld [tilespmem:s25+$0x10];
	_ =	sdelay $0x4  }
0xbb: {  	[tilespmem:s0+$0x158] =	vst.add.f32.msk $0xffff, v1  }
0xbc: {  	v1 =	vld [tilespmem:s25+$0x20];
	_ =	sdelay $0x4  }
0xbd: {  	[tilespmem:s0+$0x168] =	vst.add.f32.msk $0xffff, v1  }
0xbe: {  	v1 =	vld [tilespmem:s25+$0x30];
	_ =	sdelay $0x4  }
0xbf: {  	[tilespmem:s0+$0x178] =	vst.add.f32.msk $0xffff, v1  }
.LBB2_17:
0xc0: {  	s26 =	sadd.s32 $0x1, s26  }
0xc1: {  	p1 =	seq.s32 s26, $0x0  }
.Ltmp11:
0xc2: {  	_ = 	snop;
	(pc) =	sbr.rel @p1 .LBB2_18-.Ltmp11, $2  }
0xc3: {  	_ =	sdelay $0x2  }
0xc4: {  	s23 =	sadd.s32 $0x1, s23;
	s25 =	sadd.s32 $0x80, s25;
	s29 =	smov.u32 s30  }
.LBB2_12:
0xc5: {  	v1 =	vld.msk [tilespmem:s23+$0x0], $0x1;
	_ =	sdelay $0x4  }
0xc6: {  	(v2sf) =	vpush v1, $0x0;
	_ =	sdelay $0xe  }
0xc7: {  	s30 =	spop (v2sf)  }
0xc8: {  	p1 =	sne.s32 s29, s30  }
.Ltmp12:
0xc9: {  	_ = 	snop;
	(pc) =	sbr.rel @!p1 .LBB2_13-.Ltmp12, $2  }
0xca: {  	_ =	sdelay $0x2  }
0xcb: {  	s0 =	sshll.u32 s22, $0x9  }
0xcc: {  	p1 =	seq.s32 s29, s24  }
.Ltmp13:
0xcd: {  	_ = 	snop;
	(pc) =	sbr.rel @!p1 .LBB2_15-.Ltmp13, $1  }
0xce: {  	_ =	sdelay $0x3  }
0xcf: {  	s0 =	sshra.s32 s0, $0x2  }
.Ltmp14:
0xd0: {  	s0 =	sadd.s32 $0x108, s0;
	(pc) =	sbr.rel .LBB2_16-.Ltmp14, $4  }
0xd1: {  	[spmem:s16] =	stream.linear.scatter [tilespmem:s0], [sflag:$0x1], $0x80, $0x38;
	[tilespmem:$0x1F6F8] =	vst v63  }
0xd2: {  	_ =	swait.ge [sflag:s12], $0x80  }
0xd3: {  	[sflag:s12] =	ssyncset.done $0x0  }
0xd4: {  	[sflag:s12] =	ssyncadd.s32 $0xFFFFFF80  }
.LBB2_15:
0xd5: {  	s2 =	sshll.u32 s28, $0x9  }
0xd6: {  	s2 =	sshra.s32 s2, $0x2  }
0xd7: {  	v1 =	vld [tilespmem:s2+$0x7988];
	_ =	sdelay $0x3  }
0xd8: {  	s0 =	sshra.s32 s0, $0x2  }
0xd9: {  	[tilespmem:s0+$0x108] =	vst.add.f32.msk $0xffff, v1  }
0xda: {  	v1 =	vld [tilespmem:s2+$0x7998];
	_ =	sdelay $0x4  }
0xdb: {  	[tilespmem:s0+$0x118] =	vst.add.f32.msk $0xffff, v1  }
0xdc: {  	v1 =	vld [tilespmem:s2+$0x79A8];
	_ =	sdelay $0x4  }
0xdd: {  	[tilespmem:s0+$0x128] =	vst.add.f32.msk $0xffff, v1  }
0xde: {  	v1 =	vld [tilespmem:s2+$0x79B8];
	_ =	sdelay $0x4  }
0xdf: {  	[tilespmem:s0+$0x138] =	vst.add.f32.msk $0xffff, v1  }
0xe0: {  	v1 =	vld [tilespmem:s2+$0x79C8];
	_ =	sdelay $0x4  }
0xe1: {  	[tilespmem:s0+$0x148] =	vst.add.f32.msk $0xffff, v1  }
0xe2: {  	v1 =	vld [tilespmem:s2+$0x79D8];
	_ =	sdelay $0x4  }
0xe3: {  	[tilespmem:s0+$0x158] =	vst.add.f32.msk $0xffff, v1  }
0xe4: {  	v1 =	vld [tilespmem:s2+$0x79E8];
	_ =	sdelay $0x4  }
0xe5: {  	[tilespmem:s0+$0x168] =	vst.add.f32.msk $0xffff, v1  }
0xe6: {  	v1 =	vld [tilespmem:s2+$0x79F8];
	_ =	sdelay $0x2  }
0xe7: {  	p1 =	sgt.u32 s29, $0x270F0  }
0xe8: {  	s2 =	sand.u32 @!p1 $0x3FFF8, s29  }
0xe9: {  	s3 =	sadd.s32 $0x108, s0;
	[tilespmem:s0+$0x178] =	vst.add.f32.msk $0xffff, v1;
	s0 =	sadd.s32 @!p1 s1, s2;
	s2 =	sand.u32 @!p1 $0x7, s29  }
0xea: {  	[hbm4b:s0+s2] =	stream.linear.scatter @!p1 [tilespmem:s3], [sflag:$0xC], $0x80, $0x38;
	[tilespmem:$0x1F6F8] =	vst v63  }
0xeb: {  	s0 =	simm.s32 $0x0  }
0xec: {  	s0 =	simm.s32 @!p1 $0x200  }
0xed: {  	s31 =	sadd.s32 s0, s31  }
.LBB2_16:
0xee: {  	s0 =	sadd.s32 $0x1, s22  }
0xef: {  	s2 =	smulhi.u32 $0x88888889, s0;
	_ =	sdelay $0x1  }
0xf0: {  	v1 =	vld [tilespmem:s25+$0xFFFFFFC0];
	s2 =	sshrl.u32 s2, $0x7  }
0xf1: {  	s2 =	smul.u32 $0xF0, s2;
	_ =	sdelay $0x1  }
0xf2: {  	s22 =	ssub.s32 s0, s2  }
0xf3: {  	s0 =	sshll.u32 s22, $0x7  }
0xf4: {  	[tilespmem:s0+$0x108] =	vst v1  }
0xf5: {  	v1 =	vld [tilespmem:s25+$0xFFFFFFD0];
	_ =	sdelay $0x4  }
0xf6: {  	[tilespmem:s0+$0x118] =	vst v1  }
0xf7: {  	v1 =	vld [tilespmem:s25+$0xFFFFFFE0];
	_ =	sdelay $0x4  }
0xf8: {  	[tilespmem:s0+$0x128] =	vst v1  }
0xf9: {  	v1 =	vld [tilespmem:s25+$0xFFFFFFF0];
	_ =	sdelay $0x4  }
0xfa: {  	[tilespmem:s0+$0x138] =	vst v1  }
0xfb: {  	v1 =	vld [tilespmem:s25+$0x0];
	_ =	sdelay $0x4  }
0xfc: {  	[tilespmem:s0+$0x148] =	vst v1  }
0xfd: {  	v1 =	vld [tilespmem:s25+$0x10];
	_ =	sdelay $0x4  }
0xfe: {  	[tilespmem:s0+$0x158] =	vst v1  }
0xff: {  	v1 =	vld [tilespmem:s25+$0x20];
	_ =	sdelay $0x4  }
0x100: {  	[tilespmem:s0+$0x168] =	vst v1  }
0x101: {  	v1 =	vld [tilespmem:s25+$0x30]  }
.Ltmp15:
0x102: {  	_ = 	snop;
	(pc) =	sbr.rel .LBB2_17-.Ltmp15, $2  }
0x103: {  	_ =	sdelay $0x2  }
0x104: {  	s28 =	sadd.s32 $0x1, s28;
	[tilespmem:s0+$0x178] =	vst v1  }
.LBB2_19:
.Ltmp16:
0x105: {  	(pc) =	sbr.rel .LBB2_20-.Ltmp16, $4  }
0x106: {  	_ = 	snop  }
0x107: {  	s0 =	simm.s32 $0x2  }
0x108: {  	_ =	swait.ge [sflag:s0], $0x0  }
0x109: {  	s30 =	smov.u32 s29;
	[sflag:s0] =	ssyncset.done $0x0;
	s0 =	simm.s32 $0x0  }
.LBB2_22:
0x10a: {  	_ =	sfence.sel $0x180000  }
0x10b: {  	s0 =	simm.s32 $0x9;
	[bflag:$0x0] =	sbarrier.arrive $0xFFFF  }
0x10c: {  	s24 =	simm.s32 $0xA;
	[sflag:s0] =	ssyncpa.u1 $0x1  }
0x10d: {  	s25 =	simm.s32 $0xB;
	[sflag:s24] =	ssyncpa.u1 $0x1  }
0x10e: {  	s26 =	simm.s32 $0x2;
	[sflag:s25] =	ssyncpa.u1 $0x1  }
0x10f: {  	[sflag:s26] =	ssyncpa.u1 $0x1  }
0x110: {  	v0 =	vld [tilespmem:$0xF208];
	_ =	sdelay $0x4  }
0x111: {  	(v2sf) =	vpush v0, $0x0  }
0x112: {  	(v2sf) =	vpush v0, $0x1;
	_ =	sdelay $0x1  }
0x113: {  	(v2sf) =	vpush v0, $0x2;
	_ =	sdelay $0xb  }
0x114: {  	s0 =	spop (v2sf)  }
0x115: {  	s2 =	spop (v2sf)  }
0x116: {  	s3 =	smov.u32 s0;
	p0 =	sne.s32 s0, s2  }
0x117: {  	s4 =	spop (v2sf);
	s3 =	simm.s32 @!p0 $0xFFFFFFFF  }
0x118: {  	v2 =	vimm.s32 $0x1;
	v3 =	vlaneseq.u32;
	p0 =	seq.s32 s4, $0xFFFFFFFF;
	v1 =	vmov s3  }
0x119: {  	s16 =	stileid.u32;
	v0 =	vperm.xlane v0, v2;
	p1 =	sne.s32 @!p0 s0, s2;
	v1 =	vperm.xlane v1, v3  }
0x11a: {  	vm0 =	vcmask $0x3F04;
	s6 =	simm.s32 $0xF208;
	s0 =	simm.s32 @!p0 $0x1;
	p1 =	por !p1, p0  }
0x11b: {  	s3 =	sshll.u32 s16, $0x1;
	s2 =	sshll.u32 @!p0 s4, $0x9;
	s0 =	simm.s32 @p1 $0x0;
	v0 =	vsel vm0, v1, v0  }
0x11c: {  	s5 =	sor.u32 $0x1000, s3;
	s2 =	sshra.s32 @!p0 s2, $0x2;
	s0 =	sor.u32 @!p0 s0, s3;
	[tilespmem:$0xF208] =	vst v0  }
0x11d: {  	[spmem:s5] =	stream.linear.scatter [tilespmem:s6], [sflag:$0x1], $0x2, $0x38;
	[tilespmem:$0x1F6F8] =	vst v63  }
0x11e: {  	s2 =	sadd.s32 @!p0 $0x108, s2;
	s0 =	sshll.u32 @!p0 s0, $0x7  }
0x11f: {  	[spmem:s0] =	stream.linear.scatter @!p0 [tilespmem:s2], [sflag:$0x1], $0x80, $0x38;
	[tilespmem:$0x1F6F8] =	vst v63  }
0x120: {  	s0 =	simm.s32 @!p0 $0x82  }
0x121: {  	s28 =	simm.s32 $0x1;
	s0 =	simm.s32 @p0 $0x2  }
0x122: {  	_ =	swait.ge [sflag:s28], s0  }
0x123: {  	s0 =	ssub.s32 $0x0, s0;
	[sflag:s28] =	ssyncset.done $0x0  }
0x124: {  	p0 =	sne.s32 s16, $0x0;
	[sflag:s28] =	ssyncadd.s32 s0  }
.Ltmp17:
0x125: {  	_ =	sfence.stream.spmem;
	(pc) =	sbr.rel @p0 .LBB2_39-.Ltmp17, $4  }
0x126: {  	s29 =	simm.s32 $0x3;
	[bflag:$0x0] =	sbarrier.arrive $0xFFFF  }
0x127: {  	s30 =	simm.s32 $0x4;
	[sflag:s29] =	ssyncpa.u1 $0x1  }
0x128: {  	s31 =	simm.s32 $0x3C;
	[sflag:s30] =	ssyncpa.u1 $0x1  }
0x129: {  	s15 =	rddreg [dreg:$0x5];
	[sflag:s31] =	ssyncpa.u1 $0x1  }
0x12a: {  	_ =	sfence.stream.spmem;
	s0 =	simm.s32 $0x5  }
0x12b: {  	s2 =	simm.s32 $0x1000;
	s3 =	simm.s32 $0xF218;
	[sflag:s0] =	ssyncpa.u1 $0x0  }
0x12c: {  	[tilespmem:s3], [sflag:$0x5] =	stream.linear.gather [spmem:s2], $0x20, $0x38;
	[tilespmem:$0x1F6F8] =	vst v63  }
0x12d: {  	s26 =	simm.s32 $0x0;
	s28 =	simm.s32 $0xF238  }
0x12e: {  	[tilespmem:s28], [sflag:$0x5] =	stream.linear.gather [spmem:s26], $0x1000, $0x38;
	[tilespmem:$0x1F6F8] =	vst v63  }
0x12f: {  	_ =	swait.ge [sflag:s0], $0x1020  }
0x130: {  	[sflag:s0] =	ssyncset.done $0x0  }
0x131: {  	s29 =	simm.s32 $0x0;
	[sflag:s0] =	ssyncadd.s32 $0xFFFFEFE0  }
0x132: {  	v0 =	vld.msk [tilespmem:s29+$0xF218], $0x1;
	_ =	sdelay $0x1  }
0x133: {  	s30 =	simm.s32 $0x1  }
0x134: {  	v1 =	vld.msk [tilespmem:s30+$0xF218], $0x1;
	_ =	sdelay $0x1  }
0x135: {  	(v2sf) =	vpush v0, $0x0;
	_ =	sdelay $0x2  }
0x136: {  	(v2sf) =	vpush v1, $0x0;
	_ =	sdelay $0x2  }
0x137: {  	s31 =	simm.s32 $0x2  }
0x138: {  	v0 =	vld.msk [tilespmem:s31+$0xF218], $0x1;
	_ =	sdelay $0x2  }
0x139: {  	s4 =	simm.s32 $0xFFFFFFFF;
	s5 =	simm.s32 $0xFFFFFFFF;
	s0 =	simm.s32 $0xC  }
.LBB2_24:
0x13a: {  	s2 =	smov.u32 s5;
	s3 =	smov.u32 s4  }
0x13b: {  	s4 =	sshra.s32 s0, $0x2;
	p1 =	sne.s32 s0, $0x7C;
	s0 =	sadd.s32 $0x4, s0;
	(v2sf) =	vpush v0, $0x0  }
0x13c: {  	v0 =	vld.msk [tilespmem:s4+$0xF218], $0x1  }
.Ltmp18:
0x13d: {  	(pc) =	sbr.rel @p1 .LBB2_24-.Ltmp18, $4  }
0x13e: {  	s5 =	spop (v2sf)  }
0x13f: {  	p2 =	sne.s32 s3, $0xFFFFFFFF;
	s4 =	smov.u32 s5  }
0x140: {  	p3 =	seq.s32 s5, $0xFFFFFFFF;
	s4 =	smov.u32 @p2 s3  }
0x141: {  	s5 =	smov.u32 @p3 s2;
	s4 =	smov.u32 @p3 s3  }
0x142: {  	(v2sf) =	vpush v0, $0x0;
	_ =	sdelay $0x8  }
0x143: {  	s0 =	spop (v2sf)  }
0x144: {  	p1 =	sne.s32 s4, $0xFFFFFFFF;
	s2 =	smov.u32 s0  }
0x145: {  	s9 =	simm.s32 $0x6;
	p2 =	seq.s32 s0, $0xFFFFFFFF;
	s2 =	smov.u32 @p1 s4  }
0x146: {  	s6 =	simm.s32 $0x0;
	s2 =	smov.u32 @p2 s4;
	s3 =	spop (v2sf)  }
0x147: {  	s0 =	smov.u32 @p2 s5;
	p1 =	sne.s32 s2, $0xFFFFFFFF;
	s4 =	smov.u32 s3  }
.Ltmp19:
0x148: {  	p2 =	seq.s32 s3, $0xFFFFFFFF;
	s4 =	smov.u32 @p1 s2;
	(pc) =	sbr.rel .LBB2_26-.Ltmp19, $4  }
0x149: {  	s10 =	simm.s32 $0xF188;
	s4 =	smov.u32 @p2 s2;
	s7 =	spop (v2sf)  }
0x14a: {  	s11 =	simm.s32 $0x0;
	p1 =	sne.s32 s4, $0xFFFFFFFF;
	s8 =	smov.u32 s7  }
0x14b: {  	s3 =	smov.u32 @p2 s0;
	p2 =	seq.s32 s7, $0xFFFFFFFF;
	s8 =	smov.u32 @p1 s4  }
0x14c: {  	[sflag:s9] =	ssyncpa.u1 $0x0;
	s7 =	smov.u32 @p2 s3;
	s8 =	smov.u32 @p2 s4  }
.LBB2_32:
0x14d: {  	p1 =	sgt.u32 s12, $0x270F0  }
0x14e: {  	p2 =	seq.s32 @!p1 s12, s8  }
0x14f: {  	p1 =	por p1, p2  }
0x150: {  	p2 =	sne.s32 @!p1 s12, s7  }
0x151: {  	p1 =	por p1, !p2  }
0x152: {  	s0 =	sshll.u32 @p1 s11, $0x9  }
0x153: {  	s0 =	sand.u32 @!p1 $0x3FFF8, s12  }
0x154: {  	s2 =	sand.u32 @!p1 $0x7, s12;
	s0 =	sadd.s32 @!p1 s1, s0  }
0x155: {  	[tilespmem:s10], [sflag:$0x6] =	stream.linear.gather @!p1 [hbm4b:s0+s2], $0x80, $0x38;
	[tilespmem:$0x1F6F8] =	vst v63  }
0x156: {  	_ =	swait.ge @!p1 [sflag:s9], $0x80  }
0x157: {  	[sflag:s9] =	ssyncset.done @!p1 $0x0  }
0x158: {  	[sflag:s9] =	ssyncadd.s32 @!p1 $0xFFFFFF80  }
0x159: {  	v1 =	vld @!p1 [tilespmem:$0xF188];
	_ =	sdelay $0x2  }
0x15a: {  	s0 =	sshll.u32 @!p1 s11, $0x9  }
0x15b: {  	s2 =	sshrl.u32 @!p1 s0, $0x2  }
0x15c: {  	[tilespmem:s2+$0xF238] =	vst.add.f32.msk @!p1 $0xffff, v1  }
0x15d: {  	v1 =	vld @!p1 [tilespmem:$0xF198];
	_ =	sdelay $0x4  }
0x15e: {  	[tilespmem:s2+$0xF248] =	vst.add.f32.msk @!p1 $0xffff, v1  }
0x15f: {  	v1 =	vld @!p1 [tilespmem:$0xF1A8];
	_ =	sdelay $0x4  }
0x160: {  	[tilespmem:s2+$0xF258] =	vst.add.f32.msk @!p1 $0xffff, v1  }
0x161: {  	v1 =	vld @!p1 [tilespmem:$0xF1B8];
	_ =	sdelay $0x4  }
0x162: {  	[tilespmem:s2+$0xF268] =	vst.add.f32.msk @!p1 $0xffff, v1  }
0x163: {  	v1 =	vld @!p1 [tilespmem:$0xF1C8];
	_ =	sdelay $0x4  }
0x164: {  	[tilespmem:s2+$0xF278] =	vst.add.f32.msk @!p1 $0xffff, v1  }
0x165: {  	v1 =	vld @!p1 [tilespmem:$0xF1D8];
	_ =	sdelay $0x4  }
0x166: {  	[tilespmem:s2+$0xF288] =	vst.add.f32.msk @!p1 $0xffff, v1  }
0x167: {  	v1 =	vld @!p1 [tilespmem:$0xF1E8];
	_ =	sdelay $0x4  }
0x168: {  	[tilespmem:s2+$0xF298] =	vst.add.f32.msk @!p1 $0xffff, v1  }
0x169: {  	v1 =	vld @!p1 [tilespmem:$0xF1F8];
	_ =	sdelay $0x4  }
0x16a: {  	[tilespmem:s2+$0xF2A8] =	vst.add.f32.msk @!p1 $0xffff, v1  }
0x16b: {  	s0 =	sshrl.u32 s0, $0x2;
	[tilespmem:s6+$0xF218] =	vst.msk $0x1, v0  }
0x16c: {  	v0 =	vld [tilespmem:s0+$0xF238];
	_ =	sdelay $0x2  }
0x16d: {  	s31 =	sshll.u32 s6, $0x9  }
0x16e: {  	s2 =	sshra.s32 s31, $0x2  }
0x16f: {  	[tilespmem:s2+$0xF238] =	vst v0  }
0x170: {  	v0 =	vld [tilespmem:s0+$0xF248];
	_ =	sdelay $0x4  }
0x171: {  	[tilespmem:s2+$0xF248] =	vst v0  }
0x172: {  	v0 =	vld [tilespmem:s0+$0xF258];
	_ =	sdelay $0x4  }
0x173: {  	[tilespmem:s2+$0xF258] =	vst v0  }
0x174: {  	v0 =	vld [tilespmem:s0+$0xF268];
	_ =	sdelay $0x4  }
0x175: {  	[tilespmem:s2+$0xF268] =	vst v0  }
0x176: {  	v0 =	vld [tilespmem:s0+$0xF278];
	_ =	sdelay $0x4  }
0x177: {  	[tilespmem:s2+$0xF278] =	vst v0  }
0x178: {  	v0 =	vld [tilespmem:s0+$0xF288];
	_ =	sdelay $0x4  }
0x179: {  	[tilespmem:s2+$0xF288] =	vst v0  }
0x17a: {  	v0 =	vld [tilespmem:s0+$0xF298];
	_ =	sdelay $0x4  }
0x17b: {  	[tilespmem:s2+$0xF298] =	vst v0  }
0x17c: {  	v0 =	vld [tilespmem:s0+$0xF2A8];
	_ =	sdelay $0x4  }
0x17d: {  	s6 =	sadd.s32 $0x1, s6;
	[tilespmem:s2+$0xF2A8] =	vst v0  }
.LBB2_33:
0x17e: {  	s11 =	sadd.s32 $0x1, s11  }
0x17f: {  	p1 =	sne.s32 s11, $0x20  }
.Ltmp20:
0x180: {  	_ = 	snop;
	(pc) =	sbr.rel @!p1 .LBB2_34-.Ltmp20, $1  }
0x181: {  	_ =	sdelay $0x3  }
.LBB2_26:
0x182: {  	v0 =	vld.msk [tilespmem:s11+$0xF218], $0x1;
	_ =	sdelay $0x4  }
0x183: {  	(v2sf) =	vpush v0, $0x0;
	_ =	sdelay $0xe  }
0x184: {  	s12 =	spop (v2sf)  }
0x185: {  	p1 =	seq.s32 s12, $0xFFFFFFFF  }
.Ltmp21:
0x186: {  	_ = 	snop;
	(pc) =	sbr.rel @p1 .LBB2_33-.Ltmp21, $1  }
0x187: {  	_ =	sdelay $0x3  }
0x188: {  	p1 =	slt.s32 s6, $0x1  }
.Ltmp22:
0x189: {  	_ = 	snop;
	(pc) =	sbr.rel @p1 .LBB2_32-.Ltmp22, $1  }
0x18a: {  	_ =	sdelay $0x3  }
0x18b: {  	s13 =	simm.s32 $0xF218;
	p1 =	por $0x0, $0x0  }
0x18c: {  	v1 =	vld.msk @!p1 [tilespmem:s13+$0x0], $0x1;
	_ =	sdelay $0x4  }
0x18d: {  	(v2sf) =	vpush @!p1 v1, $0x0;
	_ =	sdelay $0xd  }
0x18e: {  	p3 =	sne.s32 s6, $0x1  }
.Ltmp23:
0x18f: {  	s0 =	spop @!p1 (v2sf);
	(pc) =	sbr.rel @!p3 .LBB2_30-.Ltmp23, $4  }
0x190: {  	p2 =	seq.s32 @!p1 s12, s0  }
0x191: {  	s14 =	simm.s32 $0x0;
	p2 =	por !p2, p1  }
0x192: {  	s2 =	simm.s32 $0xFFFFFFFF;
	s14 =	simm.s32 @p2 $0xFFFFFFFF  }
0x193: {  	s0 =	simm.s32 $0x1;
	s14 =	smov.u32 @p1 s2  }
.LBB2_29:
0x194: {  	s2 =	smov.u32 s14;
	p1 =	sne.s32 s14, $0xFFFFFFFF  }
0x195: {  	s13 =	sadd.s32 $0x1, s13;
	s14 =	smov.u32 s0;
	s0 =	sadd.s32 $0x1, s0  }
0x196: {  	p2 =	sne.s32 s6, s0;
	v1 =	vld.msk @!p1 [tilespmem:s13+$0x0], $0x1;
	_ =	sdelay $0x4  }
0x197: {  	(v2sf) =	vpush @!p1 v1, $0x0;
	_ =	sdelay $0xe  }
.Ltmp24:
0x198: {  	s3 =	spop @!p1 (v2sf);
	(pc) =	sbr.rel @p2 .LBB2_29-.Ltmp24, $4  }
0x199: {  	p3 =	seq.s32 @!p1 s12, s3  }
0x19a: {  	p3 =	por !p3, p1  }
0x19b: {  	s14 =	simm.s32 @p3 $0xFFFFFFFF  }
0x19c: {  	s14 =	smov.u32 @p1 s2  }
.LBB2_30:
0x19d: {  	p1 =	seq.s32 s14, $0xFFFFFFFF  }
.Ltmp25:
0x19e: {  	_ = 	snop;
	(pc) =	sbr.rel @p1 .LBB2_32-.Ltmp25, $1  }
0x19f: {  	_ =	sdelay $0x3  }
0x1a0: {  	s0 =	sshll.u32 s11, $0x7  }
0x1a1: {  	s0 =	sand.u32 $0x3FFFFF80, s0  }
0x1a2: {  	v0 =	vld [tilespmem:s0+$0xF238];
	_ =	sdelay $0x2  }
0x1a3: {  	s2 =	sshll.u32 s14, $0x9  }
0x1a4: {  	s2 =	sshra.s32 s2, $0x2  }
0x1a5: {  	[tilespmem:s2+$0xF238] =	vst.add.f32.msk $0xffff, v0  }
0x1a6: {  	v0 =	vld [tilespmem:s0+$0xF248];
	_ =	sdelay $0x4  }
0x1a7: {  	[tilespmem:s2+$0xF248] =	vst.add.f32.msk $0xffff, v0  }
0x1a8: {  	v0 =	vld [tilespmem:s0+$0xF258];
	_ =	sdelay $0x4  }
0x1a9: {  	[tilespmem:s2+$0xF258] =	vst.add.f32.msk $0xffff, v0  }
0x1aa: {  	v0 =	vld [tilespmem:s0+$0xF268];
	_ =	sdelay $0x4  }
0x1ab: {  	[tilespmem:s2+$0xF268] =	vst.add.f32.msk $0xffff, v0  }
0x1ac: {  	v0 =	vld [tilespmem:s0+$0xF278];
	_ =	sdelay $0x4  }
0x1ad: {  	[tilespmem:s2+$0xF278] =	vst.add.f32.msk $0xffff, v0  }
0x1ae: {  	v0 =	vld [tilespmem:s0+$0xF288];
	_ =	sdelay $0x4  }
0x1af: {  	[tilespmem:s2+$0xF288] =	vst.add.f32.msk $0xffff, v0  }
0x1b0: {  	v0 =	vld [tilespmem:s0+$0xF298];
	_ =	sdelay $0x4  }
0x1b1: {  	[tilespmem:s2+$0xF298] =	vst.add.f32.msk $0xffff, v0  }
0x1b2: {  	v0 =	vld [tilespmem:s0+$0xF2A8]  }
.Ltmp26:
0x1b3: {  	_ = 	snop;
	(pc) =	sbr.rel .LBB2_33-.Ltmp26, $2  }
0x1b4: {  	_ =	sdelay $0x2  }
0x1b5: {  	[tilespmem:s2+$0xF2A8] =	vst.add.f32.msk $0xffff, v0  }
.LBB2_34:
0x1b6: {  	s0 =	simm.s32 $0x6;
	p1 =	seq.s32 s6, $0x0  }
0x1b7: {  	[sflag:s0] =	ssyncpa.u1 $0x1;
	v0 =	vimm.s32 @p1 $0xFFFFFFFF  }
0x1b8: {  	s9 =	sadd.s32 $0xFFFFFFFF, s6;
	[tilespmem:$0x10238] =	vst @p1 v0  }
0x1b9: {  	v0 =	vld.msk @!p1 [tilespmem:s9+$0xF218], $0x1;
	_ =	sdelay $0x1  }
0x1ba: {  	v1 =	vld.msk @!p1 [tilespmem:$0xF218], $0x1;
	_ =	sdelay $0x2  }
0x1bb: {  	p2 =	seq.s32 @!p1 s9, $0x0;
	v0 =	vbroadcast @!p1 v0, $0x0  }
0x1bc: {  	vm0 =	vmmov @!p1 $0x1;
	p2 =	por !p2, p1  }
0x1bd: {  	v1 =	vnsel @!p1 vm0, $0xFFFFFFFF, v1;
	vm0 =	vcmask @!p1 $0x308;
	v0 =	vpsel !p2, $0xFFFFFFFF, v0  }
0x1be: {  	p2 =	sne.s32 @!p1 s8, s7;
	v0 =	vsel @!p1 vm0, v1, v0  }
0x1bf: {  	s0 =	simm.s32 @!p1 $0xF238;
	s2 =	simm.s32 @!p1 $0x0;
	p3 =	por !p2, p1;
	[tilespmem:$0x10238] =	vst @!p1 v0  }
0x1c0: {  	[spmem:s2] =	stream.linear.scatter @!p1 [tilespmem:s0], [sflag:$0x1], $0x80, $0x38;
	[tilespmem:$0x1F6F8] =	vst v63  }
0x1c1: {  	s0 =	sshll.u32 @!p3 s9, $0x9  }
0x1c2: {  	s0 =	sshra.s32 @!p3 s0, $0x2  }
0x1c3: {  	s2 =	simm.s32 @!p3 $0x80;
	s0 =	sadd.s32 @!p3 $0xF238, s0  }
0x1c4: {  	[spmem:s2] =	stream.linear.scatter @!p3 [tilespmem:s0], [sflag:$0x1], $0x80, $0x38;
	[tilespmem:$0x1F6F8] =	vst v63  }
0x1c5: {  	s0 =	simm.s32 @!p3 $0x1  }
0x1c6: {  	_ =	swait.ge @!p3 [sflag:s0], $0x100  }
0x1c7: {  	p1 =	por p2, p1;
	[sflag:s0] =	ssyncset.done @!p3 $0x0  }
0x1c8: {  	[sflag:s0] =	ssyncadd.s32 @!p3 $0xFFFFFF00;
	s0 =	simm.s32 @!p1 $0x1  }
0x1c9: {  	_ =	swait.ge @!p1 [sflag:s0], $0x80  }
0x1ca: {  	s29 =	simm.s32 $0x10238;
	[sflag:s0] =	ssyncset.done @!p1 $0x0  }
0x1cb: {  	s30 =	simm.s32 $0x1000;
	s31 =	simm.s32 $0x1;
	[sflag:s0] =	ssyncadd.s32 @!p1 $0xFFFFFF80  }
0x1cc: {  	[spmem:s30] =	stream.linear.scatter [tilespmem:s29], [sflag:$0x1], $0x10, $0x38;
	[tilespmem:$0x1F6F8] =	vst v63  }
0x1cd: {  	_ =	swait.ge [sflag:s31], $0x10  }
0x1ce: {  	[sflag:s31] =	ssyncset.done $0x0  }
0x1cf: {  	p1 =	seq.s32 s15, $0x0;
	s8 =	rddreg [dreg:$0x2];
	[sflag:s31] =	ssyncadd.s32 $0xFFFFFFF0  }
0x1d0: {  	s2 =	sshll.u32 @p1 s8, $0xE;
	s7 =	rddreg [dreg:$0x3]  }
0x1d1: {  	s0 =	sadd.s32 @p1 $0x15C3C, s2;
	s2 =	sshll.u32 @p1 s7, $0x11  }
0x1d2: {  	_ =	sfence.stream.spmem;
	s0 =	sor.u32 @p1 s2, s0  }
0x1d3: {  	[sflag:s0] =	ssyncadd.remote.s32 @p1 $0x1;
	s0 =	simm.s32 @p1 $0x4  }
0x1d4: {  	s3 =	simm.s32 @!p1 $0x3C;
	s2 =	sand.u32 $0xFFFFFFFE, s8;
	_ =	swait.ge @p1 [sflag:s0], $0x22  }
0x1d5: {  	s4 =	simm.s32 @!p1 $0x0;
	s2 =	sadd.s32 @!p1 $0x4, s2;
	[sflag:s0] =	ssyncset.done @p1 $0x0  }
0x1d6: {  	s5 =	simm.s32 @!p1 $0x100;
	[sflag:s0] =	ssyncadd.s32 @p1 $0xFFFFFFDE;
	s0 =	sshll.u32 @!p1 s2, $0x1A  }
0x1d7: {  	s2 =	sshll.u32 @!p1 s2, $0xD;
	s0 =	sor.u32 @!p1 s0, s7;
	_ =	swait.eq @!p1 [sflag:s3], $0x1  }
0x1d8: {  	s2 =	sor.u32 @!p1 $0x1C04, s2;
	s3 =	simm.s32 @!p1 $0x1C03;
	s0 =	sor.u32 @!p1 $0x80004000, s0  }
0x1d9: {  	[spmem:s5], [sflag:s2] =	dma.general @!p1 [spmem:s4], [sflag:s3], length:$0x20, [dreg:$0x0], stride_count:$0x0, ici_dest:s0, dma_misc:DstOpCode:WRITE  }
0x1da: {  	p2 =	slt.s32 s9, $0x2;
	s4 =	simm.s32 @!p1 $0x200;
	s5 =	simm.s32 @!p1 $0x202  }
0x1db: {  	[spmem:s5], [sflag:s2] =	dma.general @!p1 [spmem:s4], [sflag:s3], length:$0x2, [dreg:$0x0], stride_count:$0x0, ici_dest:s0, dma_misc:DstOpCode:WRITE  }
.Ltmp27:
0x1dc: {  	s0 =	simm.s32 @!p1 $0x3;
	(pc) =	sbr.rel @p2 .LBB2_38-.Ltmp27, $4  }
0x1dd: {  	s2 =	sshll.u32 @!p1 s8, $0xE;
	_ =	swait.ge @!p1 [sflag:s0], $0x22  }
0x1de: {  	s3 =	sshll.u32 @!p1 s7, $0x11;
	s2 =	sadd.s32 @!p1 $0x11C3C, s2;
	[sflag:s0] =	ssyncset.done @!p1 $0x0  }
0x1df: {  	[sflag:s0] =	ssyncadd.s32 @!p1 $0xFFFFFFDE;
	s0 =	sor.u32 @!p1 s3, s2  }
0x1e0: {  	[sflag:s0] =	ssyncadd.remote.s32 @!p1 $0xFFFFFFFF;
	s0 =	simm.s32 $0x0  }
0x1e1: {  	s0 =	simm.s32 $0xF219  }
0x1e2: {  	v0 =	vld.msk [tilespmem:s0+$0x0], $0x1;
	_ =	sdelay $0x4  }
0x1e3: {  	(v2sf) =	vpush v0, $0x0;
	_ =	sdelay $0xb  }
0x1e4: {  	s31 =	sadd.s32 $0xFFFFFFFE, s6  }
0x1e5: {  	s0 =	sadd.s32 $0xFFFFFFFF, s31  }
0x1e6: {  	p2 =	sne.s32 s0, $0x0  }
.Ltmp28:
0x1e7: {  	s2 =	spop (v2sf);
	(pc) =	sbr.rel @!p2 .LBB2_37-.Ltmp28, $4  }
0x1e8: {  	s4 =	simm.s32 $0xF2B8;
	s7 =	simm.s32 $0x0;
	p1 =	sgt.u32 s2, $0x270F0  }
0x1e9: {  	s5 =	simm.s32 $0x0;
	s6 =	simm.s32 $0xF21A;
	s3 =	sand.u32 @!p1 $0x3FFF8, s2  }
0x1ea: {  	s2 =	sand.u32 @!p1 $0x7, s2;
	s7 =	simm.s32 @!p1 $0x200;
	s3 =	sadd.s32 @!p1 s1, s3  }
0x1eb: {  	[hbm4b:s3+s2] =	stream.linear.scatter @!p1 [tilespmem:s4], [sflag:$0x5], $0x80, $0x38;
	[tilespmem:$0x1F6F8] =	vst v63  }
.LBB2_36:
0x1ec: {  	v0 =	vld.msk [tilespmem:s6+$0x0], $0x1;
	s0 =	sadd.s32 $0xFFFFFFFF, s0;
	s5 =	sadd.s32 s5, s7  }
0x1ed: {  	p1 =	sne.s32 s0, $0x0;
	_ =	sdelay $0x3  }
0x1ee: {  	(v2sf) =	vpush v0, $0x0;
	_ =	sdelay $0xe  }
.Ltmp29:
0x1ef: {  	s2 =	spop (v2sf);
	(pc) =	sbr.rel @p1 .LBB2_36-.Ltmp29, $4  }
0x1f0: {  	s7 =	simm.s32 $0x0;
	p2 =	sgt.u32 s2, $0x270F0  }
0x1f1: {  	s4 =	sadd.s32 $0x80, s4;
	s7 =	simm.s32 @!p2 $0x200;
	s3 =	sand.u32 @!p2 $0x3FFF8, s2  }
0x1f2: {  	s6 =	sadd.s32 $0x1, s6;
	s2 =	sand.u32 @!p2 $0x7, s2;
	s3 =	sadd.s32 @!p2 s1, s3  }
0x1f3: {  	[hbm4b:s3+s2] =	stream.linear.scatter @!p2 [tilespmem:s4], [sflag:$0x5], $0x80, $0x38;
	[tilespmem:$0x1F6F8] =	vst v63  }
.LBB2_37:
0x1f4: {  	s0 =	sadd.s32 s5, s7  }
0x1f5: {  	s0 =	sshrl.u32 s0, $0x2  }
.LBB2_38:
0x1f6: {  	s2 =	simm.s32 $0x5  }
0x1f7: {  	_ =	swait.ge [sflag:s2], s0  }
0x1f8: {  	s31 =	ssub.s32 $0x0, s0;
	[sflag:s2] =	ssyncset.done $0x0  }
0x1f9: {  	[sflag:s2] =	ssyncadd.s32 s31  }
0x1fa: {  	[sflag:s2] =	ssyncpa.u1 $0x1  }
.LBB2_39:
0x1fb: {  	s0 =	sor.u32 s15, s16  }
0x1fc: {  	p1 =	sne.s32 s0, $0x0  }
.Ltmp30:
0x1fd: {  	_ = 	snop;
	(pc) =	sbr.rel @p1 .LBB2_54-.Ltmp30, $3  }
0x1fe: {  	_ =	sdelay $0x1  }
0x1ff: {  	[bflag:$0x0] =	sbarrier.arrive $0xFFFF  }
0x200: {  	_ =	sfence  }
0x201: {  	s0 =	simm.s32 $0x7  }
0x202: {  	s2 =	simm.s32 $0x1000;
	s3 =	simm.s32 $0xF218;
	[sflag:s0] =	ssyncpa.u1 $0x0  }
0x203: {  	[tilespmem:s3], [sflag:$0x7] =	stream.linear.gather [spmem:s2], $0x20, $0x38;
	[tilespmem:$0x1F6F8] =	vst v63  }
0x204: {  	s30 =	simm.s32 $0xF238;
	s2 =	simm.s32 $0x0  }
0x205: {  	[tilespmem:s30], [sflag:$0x7] =	stream.linear.gather [spmem:s2], $0x1000, $0x38;
	[tilespmem:$0x1F6F8] =	vst v63  }
.Ltmp31:
0x206: {  	_ = 	snop;
	(pc) =	sbr.rel .LBB2_41-.Ltmp31, $4  }
0x207: {  	_ =	swait.ge [sflag:s0], $0x1020  }
0x208: {  	[sflag:s0] =	ssyncset.done $0x0  }
0x209: {  	s31 =	simm.s32 $0x8;
	[sflag:s0] =	ssyncadd.s32 $0xFFFFEFE0  }
0x20a: {  	s3 =	simm.s32 $0x0;
	[sflag:s31] =	ssyncpa.u1 $0x0  }
.LBB2_47:
0x20b: {  	p1 =	slt.u32 s4, $0x270F1  }
0x20c: {  	s0 =	sand.u32 @p1 $0x3FFF8, s4  }
0x20d: {  	s4 =	sand.u32 @p1 $0x7, s4;
	s5 =	simm.s32 @p1 $0xF188;
	s0 =	sadd.s32 @p1 s1, s0  }
0x20e: {  	[tilespmem:s5], [sflag:$0x8] =	stream.linear.gather @p1 [hbm4b:s0+s4], $0x80, $0x38;
	[tilespmem:$0x1F6F8] =	vst v63  }
0x20f: {  	s0 =	simm.s32 @p1 $0x8  }
0x210: {  	_ =	swait.ge @p1 [sflag:s0], $0x80  }
0x211: {  	[sflag:s0] =	ssyncset.done @p1 $0x0  }
0x212: {  	[sflag:s0] =	ssyncadd.s32 @p1 $0xFFFFFF80  }
0x213: {  	v1 =	vld @p1 [tilespmem:$0xF188];
	_ =	sdelay $0x2  }
0x214: {  	s0 =	sshll.u32 @p1 s3, $0x9  }
0x215: {  	s4 =	sshrl.u32 @p1 s0, $0x2  }
0x216: {  	[tilespmem:s4+$0xF238] =	vst.add.f32.msk @p1 $0xffff, v1  }
0x217: {  	v1 =	vld @p1 [tilespmem:$0xF198];
	_ =	sdelay $0x4  }
0x218: {  	[tilespmem:s4+$0xF248] =	vst.add.f32.msk @p1 $0xffff, v1  }
0x219: {  	v1 =	vld @p1 [tilespmem:$0xF1A8];
	_ =	sdelay $0x4  }
0x21a: {  	[tilespmem:s4+$0xF258] =	vst.add.f32.msk @p1 $0xffff, v1  }
0x21b: {  	v1 =	vld @p1 [tilespmem:$0xF1B8];
	_ =	sdelay $0x4  }
0x21c: {  	[tilespmem:s4+$0xF268] =	vst.add.f32.msk @p1 $0xffff, v1  }
0x21d: {  	v1 =	vld @p1 [tilespmem:$0xF1C8];
	_ =	sdelay $0x4  }
0x21e: {  	[tilespmem:s4+$0xF278] =	vst.add.f32.msk @p1 $0xffff, v1  }
0x21f: {  	v1 =	vld @p1 [tilespmem:$0xF1D8];
	_ =	sdelay $0x4  }
0x220: {  	[tilespmem:s4+$0xF288] =	vst.add.f32.msk @p1 $0xffff, v1  }
0x221: {  	v1 =	vld @p1 [tilespmem:$0xF1E8];
	_ =	sdelay $0x4  }
0x222: {  	[tilespmem:s4+$0xF298] =	vst.add.f32.msk @p1 $0xffff, v1  }
0x223: {  	v1 =	vld @p1 [tilespmem:$0xF1F8];
	_ =	sdelay $0x3  }
0x224: {  	s5 =	sshll.u32 @!p1 s3, $0x9  }
0x225: {  	s5 =	smov.u32 @p1 s0;
	[tilespmem:s4+$0xF2A8] =	vst.add.f32.msk @p1 $0xffff, v1  }
0x226: {  	s0 =	sshrl.u32 s5, $0x2;
	[tilespmem:s2+$0xF218] =	vst.msk $0x1, v0  }
0x227: {  	v0 =	vld [tilespmem:s0+$0xF238];
	_ =	sdelay $0x2  }
0x228: {  	s31 =	sshll.u32 s2, $0x9  }
0x229: {  	s4 =	sshra.s32 s31, $0x2  }
0x22a: {  	[tilespmem:s4+$0xF238] =	vst v0  }
0x22b: {  	v0 =	vld [tilespmem:s0+$0xF248];
	_ =	sdelay $0x4  }
0x22c: {  	[tilespmem:s4+$0xF248] =	vst v0  }
0x22d: {  	v0 =	vld [tilespmem:s0+$0xF258];
	_ =	sdelay $0x4  }
0x22e: {  	[tilespmem:s4+$0xF258] =	vst v0  }
0x22f: {  	v0 =	vld [tilespmem:s0+$0xF268];
	_ =	sdelay $0x4  }
0x230: {  	[tilespmem:s4+$0xF268] =	vst v0  }
0x231: {  	v0 =	vld [tilespmem:s0+$0xF278];
	_ =	sdelay $0x4  }
0x232: {  	[tilespmem:s4+$0xF278] =	vst v0  }
0x233: {  	v0 =	vld [tilespmem:s0+$0xF288];
	_ =	sdelay $0x4  }
0x234: {  	[tilespmem:s4+$0xF288] =	vst v0  }
0x235: {  	v0 =	vld [tilespmem:s0+$0xF298];
	_ =	sdelay $0x4  }
0x236: {  	[tilespmem:s4+$0xF298] =	vst v0  }
0x237: {  	v0 =	vld [tilespmem:s0+$0xF2A8];
	_ =	sdelay $0x4  }
0x238: {  	s2 =	sadd.s32 $0x1, s2;
	[tilespmem:s4+$0xF2A8] =	vst v0  }
.LBB2_48:
0x239: {  	s3 =	sadd.s32 $0x1, s3  }
0x23a: {  	p1 =	sne.s32 s3, $0x20  }
.Ltmp32:
0x23b: {  	_ = 	snop;
	(pc) =	sbr.rel @!p1 .LBB2_49-.Ltmp32, $1  }
0x23c: {  	_ =	sdelay $0x3  }
.LBB2_41:
0x23d: {  	v0 =	vld.msk [tilespmem:s3+$0xF218], $0x1;
	_ =	sdelay $0x4  }
0x23e: {  	(v2sf) =	vpush v0, $0x0;
	_ =	sdelay $0xe  }
0x23f: {  	s4 =	spop (v2sf)  }
0x240: {  	p1 =	seq.s32 s4, $0xFFFFFFFF  }
.Ltmp33:
0x241: {  	_ = 	snop;
	(pc) =	sbr.rel @p1 .LBB2_48-.Ltmp33, $1  }
0x242: {  	_ =	sdelay $0x3  }
0x243: {  	p1 =	slt.s32 s2, $0x1  }
.Ltmp34:
0x244: {  	_ = 	snop;
	(pc) =	sbr.rel @p1 .LBB2_47-.Ltmp34, $1  }
0x245: {  	_ =	sdelay $0x3  }
0x246: {  	s5 =	simm.s32 $0xF218;
	p1 =	por $0x0, $0x0  }
0x247: {  	v1 =	vld.msk @!p1 [tilespmem:s5+$0x0], $0x1;
	_ =	sdelay $0x4  }
0x248: {  	(v2sf) =	vpush @!p1 v1, $0x0;
	_ =	sdelay $0xd  }
0x249: {  	p3 =	sne.s32 s2, $0x1  }
.Ltmp35:
0x24a: {  	s0 =	spop @!p1 (v2sf);
	(pc) =	sbr.rel @!p3 .LBB2_45-.Ltmp35, $4  }
0x24b: {  	p2 =	seq.s32 @!p1 s4, s0  }
0x24c: {  	s6 =	simm.s32 $0x0;
	p2 =	por !p2, p1  }
0x24d: {  	s7 =	simm.s32 $0xFFFFFFFF;
	s6 =	simm.s32 @p2 $0xFFFFFFFF  }
0x24e: {  	s0 =	simm.s32 $0x1;
	s6 =	smov.u32 @p1 s7  }
.LBB2_44:
0x24f: {  	s7 =	smov.u32 s6;
	p1 =	sne.s32 s6, $0xFFFFFFFF  }
0x250: {  	s5 =	sadd.s32 $0x1, s5;
	s6 =	smov.u32 s0;
	s0 =	sadd.s32 $0x1, s0  }
0x251: {  	p2 =	sne.s32 s2, s0;
	v1 =	vld.msk @!p1 [tilespmem:s5+$0x0], $0x1;
	_ =	sdelay $0x4  }
0x252: {  	(v2sf) =	vpush @!p1 v1, $0x0;
	_ =	sdelay $0xe  }
.Ltmp36:
0x253: {  	s8 =	spop @!p1 (v2sf);
	(pc) =	sbr.rel @p2 .LBB2_44-.Ltmp36, $4  }
0x254: {  	p3 =	seq.s32 @!p1 s4, s8  }
0x255: {  	p3 =	por !p3, p1  }
0x256: {  	s6 =	simm.s32 @p3 $0xFFFFFFFF  }
0x257: {  	s6 =	smov.u32 @p1 s7  }
.LBB2_45:
0x258: {  	p1 =	seq.s32 s6, $0xFFFFFFFF  }
.Ltmp37:
0x259: {  	_ = 	snop;
	(pc) =	sbr.rel @p1 .LBB2_47-.Ltmp37, $1  }
0x25a: {  	_ =	sdelay $0x3  }
0x25b: {  	s0 =	sshll.u32 s3, $0x7  }
0x25c: {  	s0 =	sand.u32 $0x3FFFFF80, s0  }
0x25d: {  	v0 =	vld [tilespmem:s0+$0xF238];
	_ =	sdelay $0x2  }
0x25e: {  	s4 =	sshll.u32 s6, $0x9  }
0x25f: {  	s4 =	sshra.s32 s4, $0x2  }
0x260: {  	[tilespmem:s4+$0xF238] =	vst.add.f32.msk $0xffff, v0  }
0x261: {  	v0 =	vld [tilespmem:s0+$0xF248];
	_ =	sdelay $0x4  }
0x262: {  	[tilespmem:s4+$0xF248] =	vst.add.f32.msk $0xffff, v0  }
0x263: {  	v0 =	vld [tilespmem:s0+$0xF258];
	_ =	sdelay $0x4  }
0x264: {  	[tilespmem:s4+$0xF258] =	vst.add.f32.msk $0xffff, v0  }
0x265: {  	v0 =	vld [tilespmem:s0+$0xF268];
	_ =	sdelay $0x4  }
0x266: {  	[tilespmem:s4+$0xF268] =	vst.add.f32.msk $0xffff, v0  }
0x267: {  	v0 =	vld [tilespmem:s0+$0xF278];
	_ =	sdelay $0x4  }
0x268: {  	[tilespmem:s4+$0xF278] =	vst.add.f32.msk $0xffff, v0  }
0x269: {  	v0 =	vld [tilespmem:s0+$0xF288];
	_ =	sdelay $0x4  }
0x26a: {  	[tilespmem:s4+$0xF288] =	vst.add.f32.msk $0xffff, v0  }
0x26b: {  	v0 =	vld [tilespmem:s0+$0xF298];
	_ =	sdelay $0x4  }
0x26c: {  	[tilespmem:s4+$0xF298] =	vst.add.f32.msk $0xffff, v0  }
0x26d: {  	v0 =	vld [tilespmem:s0+$0xF2A8]  }
.Ltmp38:
0x26e: {  	_ = 	snop;
	(pc) =	sbr.rel .LBB2_48-.Ltmp38, $2  }
0x26f: {  	_ =	sdelay $0x2  }
0x270: {  	[tilespmem:s4+$0xF2A8] =	vst.add.f32.msk $0xffff, v0  }
.LBB2_49:
0x271: {  	p1 =	slt.s32 s2, $0x1  }
.Ltmp39:
0x272: {  	_ = 	snop;
	(pc) =	sbr.rel @p1 .LBB2_53-.Ltmp39, $3  }
0x273: {  	_ =	sdelay $0x1  }
0x274: {  	s0 =	simm.s32 $0x8  }
0x275: {  	s3 =	simm.s32 $0x0;
	[sflag:s0] =	ssyncpa.u1 $0x1  }
0x276: {  	s0 =	simm.s32 $0xF218  }
0x277: {  	v0 =	vld.msk [tilespmem:s0+$0x0], $0x1;
	_ =	sdelay $0x4  }
0x278: {  	(v2sf) =	vpush v0, $0x0;
	_ =	sdelay $0xe  }
0x279: {  	s0 =	sadd.s32 $0xFFFFFFFF, s2;
	s5 =	spop (v2sf)  }
0x27a: {  	p2 =	sne.s32 s0, $0x0;
	p1 =	sgt.u32 s5, $0x270F0  }
.Ltmp40:
0x27b: {  	s6 =	sand.u32 @!p1 $0x3FFF8, s5;
	(pc) =	sbr.rel @!p2 .LBB2_52-.Ltmp40, $4  }
0x27c: {  	s4 =	simm.s32 $0xF238;
	s5 =	sand.u32 @!p1 $0x7, s5;
	s2 =	sadd.s32 @!p1 s1, s6  }
0x27d: {  	[hbm4b:s2+s5] =	stream.linear.scatter @!p1 [tilespmem:s4], [sflag:$0x7], $0x80, $0x38;
	[tilespmem:$0x1F6F8] =	vst v63  }
0x27e: {  	s5 =	simm.s32 $0x0  }
0x27f: {  	s2 =	simm.s32 $0xF219;
	s5 =	simm.s32 @!p1 $0x200  }
.LBB2_51:
0x280: {  	v0 =	vld.msk [tilespmem:s2+$0x0], $0x1;
	s0 =	sadd.s32 $0xFFFFFFFF, s0;
	s3 =	sadd.s32 s3, s5  }
0x281: {  	p1 =	sne.s32 s0, $0x0;
	_ =	sdelay $0x3  }
0x282: {  	(v2sf) =	vpush v0, $0x0;
	_ =	sdelay $0xe  }
.Ltmp41:
0x283: {  	s6 =	spop (v2sf);
	(pc) =	sbr.rel @p1 .LBB2_51-.Ltmp41, $4  }
0x284: {  	s5 =	simm.s32 $0x0;
	p2 =	sgt.u32 s6, $0x270F0  }
0x285: {  	s4 =	sadd.s32 $0x80, s4;
	s5 =	simm.s32 @!p2 $0x200;
	s7 =	sand.u32 @!p2 $0x3FFF8, s6  }
0x286: {  	s2 =	sadd.s32 $0x1, s2;
	s6 =	sand.u32 @!p2 $0x7, s6;
	s7 =	sadd.s32 @!p2 s1, s7  }
0x287: {  	[hbm4b:s7+s6] =	stream.linear.scatter @!p2 [tilespmem:s4], [sflag:$0x7], $0x80, $0x38;
	[tilespmem:$0x1F6F8] =	vst v63  }
.LBB2_52:
0x288: {  	s0 =	sadd.s32 s3, s5  }
0x289: {  	s3 =	sshrl.u32 s0, $0x2  }
.LBB2_53:
0x28a: {  	s0 =	simm.s32 $0x7  }
0x28b: {  	_ =	swait.ge [sflag:s0], s3  }
0x28c: {  	s1 =	ssub.s32 $0x0, s3;
	[sflag:s0] =	ssyncset.done $0x0  }
0x28d: {  	[sflag:s0] =	ssyncadd.s32 s1  }
0x28e: {  	[sflag:s0] =	ssyncpa.u1 $0x1  }
.LBB2_54:
0x28f: {  	_ =	sfence;
	s0 =	simm.s32 $0x1  }
0x290: {  	[sflag:s0] =	ssyncpa.u1 $0x1  }
0x291: {  	_ =	strace $0x90000056  }
0x292: {  	[bflag:$0x2] =	sbarrier.arrive $0xFFFF  }
0x293: {  	s0 =	rddreg [dreg:$0x4]  }
0x294: {  	s0 =	sadd.s32 @!p0 $0x100000, s0  }
0x295: {  	[sflag:s0] =	ssyncadd.tile.s32 @!p0 $0x1;
	_ =	shalt  }
.Lfunc_end2:
_tile_overlayer_lowered:
.L_overlay_start_2:
0x296: {  	(tag) =	ssettag $0x2  }
0x297: {  	s0 =	rddreg [dreg:$0x0];
	s2 =	stileid.u32  }
0x298: {  	s1 =	rddreg [dreg:$0x1];
	p0 =	sne.s32 s2, $0x0  }
0x299: {  	s3 =	rddreg [dreg:$0x2];
	[bflag:$0x3] =	sbarrier.arrive $0xFFFF;
	s2 =	simm.s32 @!p0 $0x1C01  }
0x29a: {  	[timem:s3], [sflag:s2] =	dma.local @!p0 [hbm:s0], s1  }
0x29b: {  	s0 =	simm.s32 @!p0 $0x1  }
0x29c: {  	_ =	swait.ge @!p0 [sflag:s0], s1  }
0x29d: {  	s1 =	ssub.s32 @!p0 $0x0, s1;
	[sflag:s0] =	ssyncset.done @!p0 $0x0  }
0x29e: {  	[sflag:s0] =	ssyncadd.s32 @!p0 s1  }
0x29f: {  	[bflag:$0x3] =	sbarrier.arrive $0xFFFF  }
0x2a0: {  	_ =	shalt  }

// kernel: scatter_offload_async_start
scs
__scs_entry_jumppad:
0x0: {  	(pc) =	sbr.rel $0x88, $3  }
0x1: {  	(tag) =	ssettag $0x0;
	lr =	simm.s32 $0x1  }
0x2: {  	[smem:$0x3F94] =	sst lr;
	_ =	strace $0xD0000000  }
0x3: {  	_ = 	snop  }
0x4: {  	_ = 	snop  }
0x5: {  	_ = 	snop  }
0x6: {  	_ = 	snop  }
0x7: {  	_ = 	snop  }
__scs_overlays_trampoline_lowered:
0x8: {  	[smem:$0x3FA3] =	sst s0  }
0x9: {  	[smem:$0x3FA4] =	sst s1  }
0xa: {  	[smem:$0x3FA5] =	sst s2  }
0xb: {  	[smem:$0x3FA6] =	sst s3  }
0xc: {  	[smem:$0x3FA7] =	sst s4  }
0xd: {  	[smem:$0x3FA8] =	sst s5  }
0xe: {  	[smem:$0x3FA9] =	sst s6  }
0xf: {  	[smem:$0x3FAA] =	sst s7  }
0x10: {  	[smem:$0x3FAB] =	sst s8  }
0x11: {  	[smem:$0x3FAC] =	sst s9;
	s0 =	simm.s32 @!p0 $0x0  }
0x12: {  	s1 =	sld [smem:$0x3F92];
	s0 =	simm.s32 @p0 $0x1  }
0x13: {  	[smem:$0x3FAD] =	sst s0;
	s0 =	simm.s32 @!p1 $0x0  }
0x14: {  	s2 =	sld [smem:$0x3F91];
	s0 =	simm.s32 @p1 $0x1  }
0x15: {  	[smem:$0x3FAE] =	sst s0;
	s0 =	simm.s32 @!p2 $0x0  }
0x16: {  	s3 =	sld [smem:$0x3FDB];
	s0 =	simm.s32 @p2 $0x1  }
0x17: {  	s4 =	simm.s32 $0x1BF5;
	[smem:$0x3FB0] =	sst s0  }
0x18: {  	s0 =	sld [smem:$0x3F93];
	_ =	swait.ge [sflag:s4], $0x0  }
0x19: {  	s7 =	sld [smem:$0x3F94]  }
0x1a: {  	s8 =	sadd.s32 $0xFFFFE003, lr  }
0x1b: {  	s9 =	sadd.s32 $0xFFFFFEF7, lr;
	s5 =	simm.s32 $0xFFFFFFFF;
	p2 =	slt.u32 s8, $0xFFFFF086  }
0x1c: {  	p1 =	slt.u32 s9, $0xF7A;
	s5 =	simm.s32 @!p2 $0x0  }
0x1d: {  	s5 =	simm.s32 @p1 $0x1;
	p0 =	seq.s32 s7, s2  }
0x1e: {  	s7 =	smul.u32 @!p0 $0xF7A, s2;
	p2 =	seq.s32 @!p0 s5, $0x0  }
0x1f: {  	s9 =	smul.u32 $0xF7A, s1;
	s8 =	simm.s32 @!p0 $0x1BF5;
	p2 =	por !p2, p0  }
0x20: {  	[sflag:s8] =	ssyncset.s32 @!p0 $0xFFFFF086;
	s6 =	sadd.s32 @!p0 s3, s7;
	s7 =	simm.s32 @!p0 $0x108  }
0x21: {  	s3 =	sadd.s32 s3, s9;
	s6 =	sadd.s32 @!p0 $0x88, s6;
	s7 =	simm.s32 @p2 $0x1082  }
0x22: {  	[simem:s7], [sflag:s8] =	dma.local @!p0 [hbm:s6], $0xF7A  }
0x23: {  	s9 =	sor.u32 $0xD0000000, s2;
	s6 =	simm.s32 $0x108;
	_ =	swait.ge @!p0 [sflag:s8], $0x0  }
0x24: {  	s3 =	sadd.s32 $0x88, s3;
	s6 =	simm.s32 @!p1 $0x1082;
	[sflag:s4] =	ssyncset.s32 $0xFFFFF086  }
0x25: {  	[simem:s6], [sflag:s4] =	dma.local [hbm:s3], $0xF7A  }
0x26: {  	[smem:$0x3F94] =	sst s1;
	(tag) =	ssettag s2;
	_ =	strace s9  }
0x27: {  	s1 =	sld [smem:$0x3FA4]  }
0x28: {  	s2 =	sld [smem:$0x3FA5]  }
0x29: {  	s4 =	sld [smem:$0x3FA7]  }
0x2a: {  	p0 =	seq.s32 s5, $0x0;
	s5 =	sld [smem:$0x3FA8]  }
0x2b: {  	s6 =	sld [smem:$0x3FA9]  }
0x2c: {  	s7 =	sld [smem:$0x3FAA]  }
0x2d: {  	s3 =	simm.s32 $0x108;
	s8 =	sld [smem:$0x3FAB]  }
0x2e: {  	s3 =	simm.s32 @!p0 $0x1082;
	s9 =	sld [smem:$0x3FAC]  }
0x2f: {  	lr =	sadd.s32 s0, s3;
	s0 =	sld [smem:$0x3FA3]  }
0x30: {  	s3 =	sld [smem:$0x3FA6]  }
0x31: {  	[smem:$0x3FAF] =	sst s10  }
0x32: {  	s10 =	sld [smem:$0x3FAD];
	_ =	sdelay $0x3  }
0x33: {  	p0 =	seq.s32 s10, $0x1;
	s10 =	sld [smem:$0x3FAF];
	_ =	sdelay $0x3  }
0x34: {  	[smem:$0x3FAF] =	sst s10  }
0x35: {  	s10 =	sld [smem:$0x3FAE];
	_ =	sdelay $0x3  }
0x36: {  	p1 =	seq.s32 s10, $0x1;
	s10 =	sld [smem:$0x3FAF];
	_ =	sdelay $0x3  }
0x37: {  	[smem:$0x3FAF] =	sst s10  }
0x38: {  	s10 =	sld [smem:$0x3FB0]  }
0x39: {  	_ = 	snop;
	(pc) =	sbr.ind lr, $3  }
0x3a: {  	_ = 	snop  }
0x3b: {  	_ = 	snop  }
0x3c: {  	p2 =	seq.s32 s10, $0x1;
	s10 =	sld [smem:$0x3FAF]  }
0x3d: {  	_ =	shalt  }
0x3e: {  	_ =	shalt  }
0x3f: {  	_ =	shalt  }
0x40: {  	_ =	shalt  }
0x41: {  	_ =	shalt  }
0x42: {  	_ =	shalt  }
0x43: {  	_ =	shalt  }
0x44: {  	_ =	shalt  }
0x45: {  	_ =	shalt  }
0x46: {  	_ =	shalt  }
0x47: {  	_ =	shalt  }
0x48: {  	_ =	shalt  }
0x49: {  	_ =	shalt  }
0x4a: {  	_ =	shalt  }
0x4b: {  	_ =	shalt  }
0x4c: {  	_ =	shalt  }
0x4d: {  	_ =	shalt  }
0x4e: {  	_ =	shalt  }
0x4f: {  	_ =	shalt  }
0x50: {  	_ =	shalt  }
0x51: {  	_ =	shalt  }
0x52: {  	_ =	shalt  }
0x53: {  	_ =	shalt  }
0x54: {  	_ =	shalt  }
0x55: {  	_ =	shalt  }
0x56: {  	_ =	shalt  }
0x57: {  	_ =	shalt  }
0x58: {  	_ =	shalt  }
0x59: {  	_ =	shalt  }
0x5a: {  	_ =	shalt  }
0x5b: {  	_ =	shalt  }
0x5c: {  	_ =	shalt  }
0x5d: {  	_ =	shalt  }
0x5e: {  	_ =	shalt  }
0x5f: {  	_ =	shalt  }
0x60: {  	_ =	shalt  }
0x61: {  	_ =	shalt  }
0x62: {  	_ =	shalt  }
0x63: {  	_ =	shalt  }
0x64: {  	_ =	shalt  }
0x65: {  	_ =	shalt  }
0x66: {  	_ =	shalt  }
0x67: {  	_ =	shalt  }
0x68: {  	_ =	shalt  }
0x69: {  	_ =	shalt  }
0x6a: {  	_ =	shalt  }
0x6b: {  	_ =	shalt  }
0x6c: {  	_ =	shalt  }
0x6d: {  	_ =	shalt  }
0x6e: {  	_ =	shalt  }
0x6f: {  	_ =	shalt  }
0x70: {  	_ =	shalt  }
0x71: {  	_ =	shalt  }
0x72: {  	_ =	shalt  }
0x73: {  	_ =	shalt  }
0x74: {  	_ =	shalt  }
0x75: {  	_ =	shalt  }
0x76: {  	_ =	shalt  }
0x77: {  	_ =	shalt  }
0x78: {  	_ =	shalt  }
0x79: {  	_ =	shalt  }
0x7a: {  	_ =	shalt  }
0x7b: {  	_ =	shalt  }
0x7c: {  	_ =	shalt  }
0x7d: {  	_ =	shalt  }
0x7e: {  	_ =	shalt  }
0x7f: {  	_ =	shalt  }
0x80: {  	_ =	shalt  }
0x81: {  	_ =	shalt  }
0x82: {  	_ =	shalt  }
0x83: {  	_ =	shalt  }
0x84: {  	_ =	shalt  }
0x85: {  	_ =	shalt  }
0x86: {  	_ =	shalt  }
0x87: {  	_ =	shalt  }
.Lfunc_end0:
.L_simem_size_0:
called_computation_lowered:
.L_overlay_start_0:
0x88: {  	s2 =	sld [smem:$0x3FD9]  }
0x89: {  	s3 =	sld [smem:$0x3FFE];
	_ =	sdelay $0x1  }
0x8a: {  	s1 =	srdreg.scid  }
0x8b: {  	s0 =	sand.u32 $0x1, s1  }
0x8c: {  	s15 =	sshll.u32 s0, $0xA;
	s2 =	sadd.s32 s3, s2  }
0x8d: {  	s2 =	sadd.s32 s2, s15  }
0x8e: {  	[smem:$0x3FBB] =	sst s2  }
0x8f: {  	_ = 	snop  }
0x90: {  	s16 =	sld [smem:$0x3FD0];
	(tm) =	ssettm $0x1  }
0x91: {  	s17 =	sld [smem:$0x3FFB];
	_ =	sdelay $0x3  }
0x92: {  	_ =	strace s17  }
0x93: {  	s2 =	sld [smem:$0x3FFC];
	_ =	sdelay $0x3  }
0x94: {  	_ =	strace s2  }
0x95: {  	s2 =	sld [smem:$0x3FFD];
	_ =	sdelay $0x3  }
0x96: {  	_ =	strace s2  }
0x97: {  	_ =	strace $0x8FFFFFFF  }
0x98: {  	s18 =	sld [smem:$0x3FDB];
	_ =	sdelay $0x1  }
0x99: {  	s4 =	simm.s32 $_scs_section_size  }
0x9a: {  	s5 =	simm.s32 $_size__tile_overlayer_lowered;
	s6 =	simm.s32 $_tile_overlayer_lowered  }
0x9b: {  	s7 =	simm.s32 $0x1BFF;
	s19 =	sshll.u32 s6, $0x1;
	s4 =	sadd.s32 s4, s18  }
0x9c: {  	s20 =	simm.s32 $0x0;
	s5 =	sshll.u32 s5, $0x1;
	s6 =	sadd.s32 s19, s4  }
0x9d: {  	[timem:s20], [sflag:s7] =	dma.local [hbm:s6], s5  }
0x9e: {  	_ =	swait.ge [sflag:s7], s5  }
0x9f: {  	s5 =	ssub.s32 $0x0, s5;
	[sflag:s7] =	ssyncset.done $0x0  }
0xa0: {  	[sflag:s7] =	ssyncadd.s32 s5;
	_ =	sdelay $0x1  }
0xa1: {  	s21 =	simm.s32 $0x1B8B  }
0xa2: {  	_ =	swait.ge [sflag:s21], $0x1  }
0xa3: {  	[sflag:s21] =	ssyncset.done $0x0  }
0xa4: {  	s22 =	sld [smem:$0x3FFE];
	[sflag:s21] =	ssyncadd.s32 $0xFFFFFFFF  }
0xa5: {  	s24 =	simm.s32 $0x1B8E;
	s23 =	sld [smem:$0x0]  }
0xa6: {  	s25 =	simm.s32 $execute0_lowered;
	[smem:$0x3FD2] =	sst s24  }
0xa7: {  	s7 =	sshll.u32 s25, $0x1;
	_ =	strace $0x80000046;
	[dreg:$0x1] =	wrdreg $0xFFFFFFFF  }
0xa8: {  	s8 =	simm.s32 $_size_execute0_lowered;
	s7 =	sadd.s32 s4, s7;
	[dreg:$0x0] =	wrdreg $0x0  }
0xa9: {  	s8 =	sshll.u32 s8, $0x1;
	[dreg:$0x2] =	wrdreg s7  }
0xaa: {  	[dreg:$0x3] =	wrdreg s8  }
0xab: {  	[dreg:$0x4] =	wrdreg $0xC0  }
0xac: {  	s26 =	simm.s32 $execute1_lowered;
	_ =	task [dreg:s20], $0x5FFFF  }
0xad: {  	s7 =	sshll.u32 s26, $0x1;
	[dreg:$0x1] =	wrdreg $0xFFFFFFFF  }
0xae: {  	s4 =	sadd.s32 s4, s7;
	[dreg:$0x0] =	wrdreg $0x60  }
0xaf: {  	[dreg:$0x2] =	wrdreg s4  }
0xb0: {  	[dreg:$0x3] =	wrdreg s22  }
0xb1: {  	[dreg:$0x4] =	wrdreg s16  }
0xb2: {  	[dreg:$0x5] =	wrdreg $0x9  }
0xb3: {  	_ =	task.clear_ibuf [dreg:s20], $0x6FFFF;
	_ =	strace $0x90000046  }
0xb4: {  	s28 =	simm.s32 $0x9;
	_ =	strace $0x80000048  }
0xb5: {  	_ =	swait.ge [sflag:s28], $0x1  }
0xb6: {  	[sflag:s28] =	ssyncadd.s32 $0xFFFFFFFF  }
0xb7: {  	_ =	strace $0x90000048  }
0xb8: {  	s4 =	sld [smem:$0x0]  }
0xb9: {  	s7 =	sand.u32 $0xFFFFFFFE, s1  }
0xba: {  	p0 =	sne.s32 s1, s7  }
0xbb: {  	s7 =	sshll.u32 @p0 s7, $0xE  }
0xbc: {  	s7 =	sadd.s32 @p0 $0x11BF3, s7;
	s8 =	sshll.u32 @p0 s4, $0x11  }
0xbd: {  	s7 =	sor.u32 @p0 s8, s7  }
0xbe: {  	[sflag:s7] =	ssyncadd.remote.s32 @p0 $0x1;
	_ =	sdelay $0x1  }
0xbf: {  	s7 =	simm.s32 @p0 $0x1BF3  }
0xc0: {  	_ =	swait.eq @p0 [sflag:s7], $0x1  }
0xc1: {  	[sflag:s7] =	ssyncadd.s32 @p0 $0xFFFFFFFF  }
0xc2: {  	s8 =	sshll.u32 @!p0 s1, $0xE  }
0xc3: {  	s8 =	sor.u32 @!p0 $0x4000, s8;
	s7 =	simm.s32 @!p0 $0x1BF3  }
0xc4: {  	s4 =	sshll.u32 @!p0 s4, $0x11;
	s8 =	sadd.s32 @!p0 $0x11BF3, s8;
	_ =	swait.eq @!p0 [sflag:s7], $0x1  }
0xc5: {  	s4 =	sor.u32 @!p0 s4, s8;
	[sflag:s7] =	ssyncadd.s32 @!p0 $0xFFFFFFFF  }
0xc6: {  	[sflag:s4] =	ssyncadd.remote.s32 @!p0 $0x1  }
0xc7: {  	_ =	strace $0x80000049;
	[dreg:$0x1] =	wrdreg $0xFFFFFFFF  }
0xc8: {  	[dreg:$0x0] =	wrdreg $0x2030  }
0xc9: {  	[dreg:$0x2] =	wrdreg s16  }
0xca: {  	[dreg:$0x3] =	wrdreg s22  }
0xcb: {  	[dreg:$0x4] =	wrdreg s1  }
0xcc: {  	[dreg:$0x5] =	wrdreg s23  }
0xcd: {  	[dreg:$0x6] =	wrdreg $0xA  }
0xce: {  	_ =	task.clear_ibuf [dreg:s20], $0x7FFFF;
	_ =	strace $0x90000049  }
0xcf: {  	s29 =	simm.s32 $0xA;
	_ =	strace $0x8000004B  }
0xd0: {  	_ =	swait.ge [sflag:s29], $0x1  }
0xd1: {  	[sflag:s29] =	ssyncadd.s32 $0xFFFFFFFF  }
0xd2: {  	_ =	strace $0x9000004B  }
0xd3: {  	_ =	sfence  }
0xd4: {  	s30 =	sld [smem:$0x0];
	_ =	sdelay $0x2  }
0xd5: {  	s31 =	sshll.u32 s1, $0xD;
	s1 =	sshrl.u32 s1, $0x2  }
0xd6: {  	s4 =	sand.u32 $0x4000, s31;
	s1 =	sadd.s32 s1, s30  }
0xd7: {  	s0 =	sor.u32 s4, s0;
	s1 =	sshll.u32 s1, $0x11  }
0xd8: {  	s0 =	sor.u32 s1, s0  }
0xd9: {  	s0 =	sadd.s32 $0x8F2B, s0  }
0xda: {  	[sflag:s0] =	ssyncadd.remote.s32 $0x1  }
0xdb: {  	_ =	sfence.sel $0xFFFF  }
0xdc: {  	[dreg:$0x0] =	wrdreg $0xFFFFFFFF;
	(pc) =	sbr.abs _section_cstart, $3  }
0xdd: {  	[dreg:$0x1] =	wrdreg $0xFFFFFFFF  }
0xde: {  	_ =	task.clear_ibuf [dreg:s20], $0x2FFFF;
	_ =	strace $0x9FFFFFFF  }
0xdf: {  	(tm) =	ssettm $0x7FFFFFFF  }
tec
execute0_lowered:
.L_overlay_start_1:
0x0: {  	(tag) =	ssettag $0x1  }
0x1: {  	s3 =	rddreg [dreg:$0x0]  }
0x2: {  	s4 =	rddreg [dreg:$0x1]  }
0x3: {  	s2 =	rddreg [dreg:$0x2]  }
0x4: {  	s0 =	rddreg [dreg:$0x3]  }
0x5: {  	s5 =	stileid.u32;
	[bflag:$0x3] =	sbarrier.arrive $0xFFFF;
	s1 =	simm.s32 $_size_execute1_lowered  }
0x6: {  	s29 =	srdreg.scid;
	s31 =	simm.s32 $0x2;
	p0 =	sne.s32 s5, $0x0  }
0x7: {  	s1 =	sshll.u32 s1, $0x1;
	s6 =	simm.s32 @!p0 $0x1C3F;
	s7 =	simm.s32 @!p0 $0x4060  }
0x8: {  	[timem:s7], [sflag:s6] =	dma.local @!p0 [hbm:s3], s1  }
0x9: {  	s8 =	simm.s32 $0x0;
	s12 =	simm.s32 $0x0;
	s3 =	sshll.u32 s29, $0x7  }
.Ltmp0:
0xa: {  	s5 =	sshll.u32 s5, $0x8;
	s3 =	sand.u32 $0x80, s3;
	(pc) =	sbr.rel .LBB2_1-.Ltmp0, $4  }
0xb: {  	s10 =	simm.s32 $0x0;
	s11 =	simm.s32 $0x0;
	s3 =	sor.u32 s5, s3  }
0xc: {  	_ =	strace $0x80000047;
	s5 =	simm.s32 $0x1;
	s30 =	ssub.s32 $0x2700, s3  }
0xd: {  	s4 =	sadd.s32 $0x513600, s4;
	[sflag:s5] =	ssyncpa.u1 $0x0;
	s6 =	sshrl.u32 s30, $0xC  }
0xe: {  	s9 =	smov.u32 s3;
	[sflag:s31] =	ssyncpa.u1 $0x0;
	s7 =	sadd.s32 $0x2, s6  }
.LBB2_4:
0xf: {  	_ = 	snop  }
.LBB2_7:
0x10: {  	_ =	sdelay $0x3  }
0x11: {  	[tilespmem:v0+s16+$0x0 ss:$0x1] =	vst.idx.msk @p1 $0xffff, v2  }
0x12: {  	v56 =	vld.idx.msk [tilespmem:v1+s15+$0x0 ss:$0x1], $0xffff;
	s24 =	sor.u32 $0x70, s15;
	[tilespmem:v0+s17+$0x0 ss:$0x1] =	vst.idx.msk @p1 $0xffff, v4  }
0x13: {  	s25 =	sor.u32 $0x10, s15;
	[tilespmem:v0+s18+$0x0 ss:$0x1] =	vst.idx.msk @p1 $0xffff, v3;
	v57 =	vld.idx.msk [tilespmem:v1+s24+$0x0 ss:$0x1], $0xffff  }
0x14: {  	s26 =	sor.u32 $0x20, s15;
	[tilespmem:v0+s19+$0x0 ss:$0x1] =	vst.idx.msk @p1 $0xffff, v5;
	v58 =	vld.idx.msk [tilespmem:v1+s25+$0x0 ss:$0x1], $0xffff  }
0x15: {  	s28 =	sor.u32 $0x30, s15;
	[tilespmem:v0+s20+$0x0 ss:$0x1] =	vst.idx.msk @p1 $0xffff, v6;
	v59 =	vld.idx.msk [tilespmem:v1+s26+$0x0 ss:$0x1], $0xffff  }
0x16: {  	s29 =	sor.u32 $0x40, s15;
	[tilespmem:v0+s21+$0x0 ss:$0x1] =	vst.idx.msk @p1 $0xffff, v7;
	v60 =	vld.idx.msk [tilespmem:v1+s28+$0x0 ss:$0x1], $0xffff  }
0x17: {  	s30 =	sor.u32 $0x50, s15;
	v61 =	vld.idx.msk [tilespmem:v1+s29+$0x0 ss:$0x1], $0xffff;
	[tilespmem:v0+s15+$0x0 ss:$0x1] =	vst.idx.msk $0xffff, v56  }
0x18: {  	s31 =	sor.u32 $0x60, s15;
	v62 =	vld.idx.msk [tilespmem:v1+s30+$0x0 ss:$0x1], $0xffff;
	[tilespmem:v0+s24+$0x0 ss:$0x1] =	vst.idx.msk $0xffff, v57  }
0x19: {  	v63 =	vld.idx.msk [tilespmem:v1+s31+$0x0 ss:$0x1], $0xffff;
	[tilespmem:v0+s25+$0x0 ss:$0x1] =	vst.idx.msk $0xffff, v58  }
0x1a: {  	[tilespmem:v0+s26+$0x0 ss:$0x1] =	vst.idx.msk $0xffff, v59  }
0x1b: {  	[tilespmem:v0+s28+$0x0 ss:$0x1] =	vst.idx.msk $0xffff, v60  }
0x1c: {  	[tilespmem:v0+s29+$0x0 ss:$0x1] =	vst.idx.msk $0xffff, v61  }
0x1d: {  	[tilespmem:v0+s30+$0x0 ss:$0x1] =	vst.idx.msk $0xffff, v62  }
0x1e: {  	[tilespmem:v0+s31+$0x0 ss:$0x1] =	vst.idx.msk $0xffff, v63  }
.LBB2_8:
0x1f: {  	s15 =	sand.u32 $0x1FFFFFF, s10  }
0x20: {  	s16 =	smulhi.u32 $0x1A36E2F, s15;
	_ =	sdelay $0x1  }
0x21: {  	s16 =	sshrl.u32 s16, $0x6  }
0x22: {  	s16 =	smul.u32 $0x2710, s16;
	_ =	sdelay $0x1  }
0x23: {  	s15 =	ssub.s32 s15, s16  }
0x24: {  	s15 =	sshll.u32 s15, $0x4  }
0x25: {  	s15 =	sadd.s32 s2, s15  }
0x26: {  	[hbm4b:s15+s8] =	stream.linear.scatter [tilespmem:s14], [sflag:$0x2], s13, $0x38;
	[tilespmem:$0x10000] =	vst v63  }
.LBB2_9:
0x27: {  	p1 =	slt.u32 s11, $0x2  }
0x28: {  	p2 =	sgt.s32 @!p1 s12, $0x2690  }
0x29: {  	s13 =	smov.u32 s12;
	s14 =	sshra.s32 @!p1 s12, $0x1F;
	p2 =	por !p2, p1  }
0x2a: {  	s12 =	sand.u32 @!p1 s14, s12;
	s13 =	simm.s32 @p2 $0x2690  }
0x2b: {  	s12 =	ssub.s32 @!p1 s13, s12  }
0x2c: {  	s12 =	sadd.s32 @!p1 $0xFFFFD970, s12  }
0x2d: {  	s13 =	sshll.u32 @!p1 s12, $0x9  }
0x2e: {  	p2 =	sgt.s32 @!p1 s12, $0x7F;
	s12 =	ssub.s32 @!p1 $0x10000, s13  }
0x2f: {  	s14 =	sadd.s32 $0x1000, s9;
	p2 =	por !p2, p1;
	s12 =	sshrl.u32 @!p1 s12, $0x2  }
0x30: {  	s12 =	simm.s32 @!p2 $0x0;
	p2 =	sgt.s32 s14, $0x270F  }
0x31: {  	s14 =	smov.u32 @p2 s3;
	p2 =	sne.s32 s11, s7  }
.Ltmp1:
0x32: {  	_ = 	snop;
	(pc) =	sbr.rel @!p2 .LBB2_10-.Ltmp1, $4  }
0x33: {  	s13 =	simm.s32 @!p1 $0x2  }
0x34: {  	_ =	swait.ge @!p1 [sflag:s13], s12;
	s15 =	ssub.s32 @!p1 $0x0, s12  }
0x35: {  	s12 =	smov.u32 s10;
	s11 =	sadd.s32 $0x1, s11;
	[sflag:s13] =	ssyncset.done @!p1 $0x0  }
0x36: {  	s10 =	smov.u32 s9;
	s9 =	smov.u32 s14;
	[sflag:s13] =	ssyncadd.s32 @!p1 s15  }
.LBB2_1:
0x37: {  	p1 =	sgt.u32 s11, s6  }
0x38: {  	s13 =	sand.u32 @!p1 $0x1FFFFFF, s9  }
0x39: {  	p2 =	sgt.s32 @!p1 s9, $0x2690;
	s14 =	smulhi.u32 @!p1 $0x1A36E2F, s13  }
0x3a: {  	s15 =	smov.u32 s9;
	s16 =	sshra.s32 @!p1 s9, $0x1F;
	p2 =	por !p2, p1  }
0x3b: {  	s16 =	sand.u32 @!p1 s16, s9;
	s15 =	simm.s32 @p2 $0x2690;
	s14 =	sshrl.u32 @!p1 s14, $0x6  }
0x3c: {  	s15 =	ssub.s32 @!p1 s15, s16;
	s14 =	smul.u32 @!p1 $0x2710, s14  }
0x3d: {  	s16 =	sxor.u32 @!p1 $0xFFFFFFFF, s11;
	s15 =	sadd.s32 @!p1 $0xFFFFD970, s15  }
0x3e: {  	s16 =	sshll.u32 @!p1 s16, $0xE;
	s13 =	ssub.s32 @!p1 s13, s14;
	s14 =	sshll.u32 @!p1 s15, $0x9  }
0x3f: {  	s16 =	sand.u32 @!p1 $0x4000, s16;
	p2 =	sgt.s32 @!p1 s15, $0x7F;
	s14 =	ssub.s32 @!p1 $0x10000, s14  }
0x40: {  	p2 =	por !p2, p1;
	s13 =	sshll.u32 @!p1 s13, $0x4;
	s14 =	sshrl.u32 @!p1 s14, $0x2  }
0x41: {  	s15 =	simm.s32 @!p1 $0x0;
	s13 =	sadd.s32 @!p1 s4, s13;
	s14 =	simm.s32 @!p2 $0x0  }
0x42: {  	[tilespmem:s16], [sflag:$0x1] =	stream.linear.gather @!p1 [hbm4b:s13+s15], s14, $0x38;
	[tilespmem:$0x10000] =	vst v63  }
0x43: {  	p1 =	seq.s32 s11, $0x0  }
0x44: {  	p2 =	sge.u32 @!p1 s11, s7  }
0x45: {  	p1 =	por p1, p2  }
.Ltmp2:
0x46: {  	_ = 	snop;
	(pc) =	sbr.rel @p1 .LBB2_9-.Ltmp2, $1  }
0x47: {  	_ =	sdelay $0x3  }
0x48: {  	p1 =	sgt.s32 s10, $0x2690;
	s13 =	smov.u32 s10;
	s14 =	sshra.s32 s10, $0x1F  }
0x49: {  	s13 =	simm.s32 @!p1 $0x2690;
	s14 =	sand.u32 s14, s10  }
0x4a: {  	s13 =	ssub.s32 s13, s14  }
0x4b: {  	s13 =	sadd.s32 $0xFFFFD970, s13  }
0x4c: {  	s31 =	sshll.u32 s13, $0x9  }
0x4d: {  	s14 =	ssub.s32 $0x10000, s31  }
0x4e: {  	p1 =	sgt.s32 s13, $0x7F;
	s13 =	sshrl.u32 s14, $0x2;
	s14 =	sadd.s32 $0x80, s10  }
0x4f: {  	s13 =	simm.s32 @p1 $0x0;
	p1 =	slt.s32 s14, $0x2710  }
0x50: {  	s14 =	simm.s32 @!p1 $0x2710  }
0x51: {  	s16 =	ssub.s32 s14, s10  }
0x52: {  	p1 =	slt.s32 s16, $0x1  }
.Ltmp3:
0x53: {  	_ = 	snop;
	(pc) =	sbr.rel @p1 .LBB2_8-.Ltmp3, $4  }
0x54: {  	_ = 	snop  }
0x55: {  	s15 =	sshll.u32 s11, $0xE;
	_ =	swait.ge [sflag:s5], s13  }
0x56: {  	s15 =	sand.u32 $0x4000, s15;
	s17 =	ssub.s32 $0x0, s13;
	[sflag:s5] =	ssyncset.done $0x0  }
0x57: {  	s14 =	sor.u32 $0x8000, s15;
	[sflag:s5] =	ssyncadd.s32 s17  }
0x58: {  	p2 =	sne.s32 s16, $0x1  }
.Ltmp4:
0x59: {  	v1 =	vmov s15;
	v0 =	vmov s14;
	(pc) =	sbr.rel @!p2 .LBB2_4-.Ltmp4, $3  }
0x5a: {  	_ =	sdelay $0x1  }
0x5b: {  	s17 =	simm.s32 $0x0  }
0x5c: {  	s23 =	sadd.s32 $0xFFFFFFFF, s16;
	p1 =	por $0x0, $0x0;
	s15 =	sand.u32 $0x3F80, s17  }
0x5d: {  	_ =	sdelay $0x3  }
0x5e: {  	v6 =	vld.idx.msk [tilespmem:v1+s15+$0x0 ss:$0x1], $0xffff;
	s24 =	sor.u32 $0x70, s15  }
0x5f: {  	s16 =	sor.u32 $0x10, s15;
	v8 =	vld.idx.msk [tilespmem:v1+s24+$0x0 ss:$0x1], $0xffff  }
0x60: {  	s17 =	sor.u32 $0x20, s15;
	p2 =	sne.s32 s23, $0x1;
	v2 =	vld.idx.msk [tilespmem:v1+s16+$0x0 ss:$0x1], $0xffff  }
.Ltmp5:
0x61: {  	s18 =	sor.u32 $0x30, s15;
	v4 =	vld.idx.msk [tilespmem:v1+s17+$0x0 ss:$0x1], $0xffff;
	(pc) =	sbr.rel @!p2 .LBB2_7-.Ltmp5, $4  }
0x62: {  	s19 =	sor.u32 $0x40, s15;
	v3 =	vld.idx.msk [tilespmem:v1+s18+$0x0 ss:$0x1], $0xffff  }
0x63: {  	s21 =	sor.u32 $0x60, s15;
	v5 =	vld.idx.msk [tilespmem:v1+s19+$0x0 ss:$0x1], $0xffff  }
0x64: {  	s20 =	sor.u32 $0x50, s15;
	s22 =	simm.s32 $0x80;
	v7 =	vld.idx.msk [tilespmem:v1+s21+$0x0 ss:$0x1], $0xffff;
	[tilespmem:v0+s15+$0x0 ss:$0x1] =	vst.idx.msk $0xffff, v6  }
0x65: {  	s23 =	sadd.s32 $0xFFFFFFFF, s23;
	p1 =	por $0x1, $0x1;
	v6 =	vld.idx.msk [tilespmem:v1+s20+$0x0 ss:$0x1], $0xffff;
	s15 =	sand.u32 $0x3F80, s22;
	[tilespmem:v0+s24+$0x0 ss:$0x1] =	vst.idx.msk $0xffff, v8  }
.LBB2_6:
0x66: {  	p2 =	sne.s32 s23, $0x1;
	v8 =	vld.idx.msk [tilespmem:v1+s15+$0x0 ss:$0x1], $0xffff;
	s24 =	sor.u32 $0x70, s15;
	[tilespmem:v0+s16+$0x0 ss:$0x1] =	vst.idx.msk $0xffff, v2;
	s16 =	sor.u32 $0x10, s15  }
0x67: {  	s25 =	sor.u32 $0x30, s15;
	s26 =	sor.u32 $0x40, s15;
	v9 =	vld.idx.msk [tilespmem:v1+s24+$0x0 ss:$0x1], $0xffff;
	[tilespmem:v0+s17+$0x0 ss:$0x1] =	vst.idx.msk $0xffff, v4;
	s17 =	sor.u32 $0x20, s15  }
0x68: {  	s28 =	sor.u32 $0x50, s15;
	s29 =	sor.u32 $0x60, s15;
	v2 =	vld.idx.msk [tilespmem:v1+s16+$0x0 ss:$0x1], $0xffff;
	[tilespmem:v0+s18+$0x0 ss:$0x1] =	vst.idx.msk $0xffff, v3;
	s18 =	smov.u32 s25  }
.Ltmp6:
0x69: {  	v4 =	vld.idx.msk [tilespmem:v1+s17+$0x0 ss:$0x1], $0xffff;
	[tilespmem:v0+s19+$0x0 ss:$0x1] =	vst.idx.msk $0xffff, v5;
	s19 =	smov.u32 s26;
	(pc) =	sbr.rel @p2 .LBB2_6-.Ltmp6, $4  }
0x6a: {  	v3 =	vld.idx.msk [tilespmem:v1+s18+$0x0 ss:$0x1], $0xffff;
	[tilespmem:v0+s20+$0x0 ss:$0x1] =	vst.idx.msk $0xffff, v6;
	s20 =	smov.u32 s28  }
0x6b: {  	v5 =	vld.idx.msk [tilespmem:v1+s19+$0x0 ss:$0x1], $0xffff;
	[tilespmem:v0+s21+$0x0 ss:$0x1] =	vst.idx.msk $0xffff, v7;
	s21 =	smov.u32 s29  }
0x6c: {  	s22 =	sadd.s32 $0x80, s22;
	[tilespmem:v0+s15+$0x0 ss:$0x1] =	vst.idx.msk $0xffff, v8;
	v6 =	vld.idx.msk [tilespmem:v1+s20+$0x0 ss:$0x1], $0xffff  }
0x6d: {  	s23 =	sadd.s32 $0xFFFFFFFF, s23;
	s15 =	sand.u32 $0x3F80, s22;
	v7 =	vld.idx.msk [tilespmem:v1+s21+$0x0 ss:$0x1], $0xffff;
	[tilespmem:v0+s24+$0x0 ss:$0x1] =	vst.idx.msk $0xffff, v9  }
.Ltmp7:
0x6e: {  	_ = 	snop;
	(pc) =	sbr.rel .LBB2_7-.Ltmp7, $1  }
0x6f: {  	_ =	sdelay $0x3  }
.LBB2_10:
0x70: {  	_ =	sfence.sel $0x180000  }
0x71: {  	s2 =	simm.s32 $0x1;
	[bflag:$0x0] =	sbarrier.arrive $0xFFFF  }
0x72: {  	s31 =	simm.s32 $0x2;
	[sflag:s2] =	ssyncpa.u1 $0x1  }
0x73: {  	[sflag:s31] =	ssyncpa.u1 $0x1  }
0x74: {  	_ =	strace $0x90000047  }
0x75: {  	s0 =	sadd.s32 @!p0 $0x100000, s0;
	[bflag:$0x2] =	sbarrier.arrive $0xFFFF  }
0x76: {  	[sflag:s0] =	ssyncadd.tile.s32 @!p0 $0x1;
	s0 =	simm.s32 @!p0 $0x3F  }
0x77: {  	_ =	swait.ge @!p0 [sflag:s0], s1  }
0x78: {  	s1 =	ssub.s32 @!p0 $0x0, s1;
	[sflag:s0] =	ssyncset.done @!p0 $0x0  }
0x79: {  	[sflag:s0] =	ssyncadd.s32 @!p0 s1  }
0x7a: {  	[bflag:$0x3] =	sbarrier.arrive $0xFFFF  }
0x7b: {  	_ =	shalt  }
.Lfunc_end2:
execute1_lowered:
.L_overlay_start_2:
0x7c: {  	(tag) =	ssettag $0x2  }
0x7d: {  	s1 =	rddreg [dreg:$0x0]  }
0x7e: {  	s2 =	rddreg [dreg:$0x1]  }
0x7f: {  	s3 =	rddreg [dreg:$0x2];
	_ =	strace $0x8000004A;
	s0 =	simm.s32 $0x1  }
0x80: {  	v0 =	vimm.s32 $0x0;
	[sflag:s0] =	ssyncpa.u1 $0x0;
	s0 =	simm.s32 $0x108  }
0x81: {  	[tilespmem:s0+$0x70] =	vst v0  }
0x82: {  	[tilespmem:s0+$0x60] =	vst v0  }
0x83: {  	[tilespmem:s0+$0x50] =	vst v0  }
0x84: {  	[tilespmem:s0+$0x40] =	vst v0  }
0x85: {  	[tilespmem:s0+$0x30] =	vst v0  }
0x86: {  	s15 =	sadd.s32 $0x4FFA00, s2;
	s6 =	sadd.s32 $0x1DA00, s2;
	[tilespmem:s0+$0x20] =	vst v0  }
0x87: {  	s14 =	sadd.s32 $0x509800, s2;
	s5 =	sand.u32 $0x1, s3;
	s3 =	simm.s32 $0x40;
	[tilespmem:s0+$0x10] =	vst v0  }
.LBB3_1:
0x88: {  	s3 =	sadd.s32 $0x40, s3;
	[tilespmem:s0+$0x0] =	vst v0;
	s0 =	sadd.s32 $0x80, s0  }
0x89: {  	p0 =	slt.u32 s3, $0x3C40;
	[tilespmem:s0+$0x70] =	vst v0  }
0x8a: {  	[tilespmem:s0+$0x60] =	vst v0  }
.Ltmp8:
0x8b: {  	[tilespmem:s0+$0x50] =	vst v0;
	(pc) =	sbr.rel @p0 .LBB3_1-.Ltmp8, $4  }
0x8c: {  	[tilespmem:s0+$0x40] =	vst v0  }
0x8d: {  	[tilespmem:s0+$0x30] =	vst v0  }
0x8e: {  	[tilespmem:s0+$0x20] =	vst v0  }
0x8f: {  	[tilespmem:s0+$0x10] =	vst v0  }
0x90: {  	s9 =	stileid.u32  }
0x91: {  	s2 =	smul.u32 $0x29, s9  }
0x92: {  	s3 =	smin.u32 s9, $0xB  }
0x93: {  	s2 =	sadd.s32 s3, s2  }
0x94: {  	p0 =	slt.u32 s9, $0xB;
	s7 =	smul.u32 $0xF0, s2;
	s2 =	simm.s32 $0x2760  }
0x95: {  	s2 =	simm.s32 @!p0 $0x2670  }
0x96: {  	s2 =	sadd.s32 s2, s7  }
0x97: {  	s8 =	smin.u32 s2, $0x27100  }
0x98: {  	s2 =	ssub.s32 s8, s7  }
0x99: {  	p0 =	sgt.s32 s2, $0x0  }
0x9a: {  	s29 =	simm.s32 $0x2;
	s10 =	simm.s32 $0x9;
	s2 =	simm.s32 @!p0 $0x0  }
0x9b: {  	s4 =	simm.s32 $0xA;
	s11 =	simm.s32 $0xB;
	s28 =	smulhi.u32 $0x88888889, s2  }
0x9c: {  	[dreg:$0x5] =	wrdreg s5;
	s31 =	smul.u32 $0x4E20, s5;
	s12 =	simm.s32 $0x1  }
0x9d: {  	s22 =	simm.s32 $0x0;
	s18 =	simm.s32 $0xC;
	s30 =	sshrl.u32 s28, $0x7  }
0x9e: {  	s20 =	simm.s32 $0x0;
	s21 =	simm.s32 $0x0;
	s3 =	smul.u32 $0xF0, s30  }
.Ltmp9:
0x9f: {  	[tilespmem:s0+$0x0] =	vst v0;
	v0 =	vimm.s32 $0xFFFFFFFF;
	[sflag:s29] =	ssyncpa.u1 $0x0;
	s16 =	sshll.u32 s9, $0x8;
	(pc) =	sbr.rel .LBB3_3-.Ltmp9, $4  }
0xa0: {  	[tilespmem:$0xF208] =	vst v0;
	[sflag:s10] =	ssyncpa.u1 $0x0;
	p0 =	sne.s32 s2, s3;
	s2 =	simm.s32 $0x1  }
0xa1: {  	s14 =	sadd.s32 s31, s14;
	[sflag:s4] =	ssyncpa.u1 $0x0;
	s2 =	simm.s32 @!p0 $0x0  }
0xa2: {  	s15 =	sadd.s32 s31, s15;
	[sflag:s11] =	ssyncpa.u1 $0x0;
	s13 =	sadd.s32 s2, s30  }
0xa3: {  	v0 =	vlaneseq.u32;
	s19 =	smov.u32 s7;
	p0 =	por $0x0, $0x0;
	s17 =	sadd.s32 $0x1, s13  }
.LBB3_18:
0xa4: {  	s0 =	sshrl.u32 s31, $0x2  }
.LBB3_20:
0xa5: {  	_ =	swait.ge [sflag:s18], s0  }
0xa6: {  	s31 =	ssub.s32 $0x0, s0;
	v1 =	vmov s24;
	vm0 =	veq.s32 v0, $0x0;
	[sflag:s18] =	ssyncset.done $0x0  }
0xa7: {  	vm15 =	veq.s32 v0, $0x2;
	v1 =	vsel vm0, s30, v1;
	[sflag:s18] =	ssyncadd.s32 s31  }
0xa8: {  	v1 =	vsel vm15, s22, v1;
	[sflag:s18] =	ssyncpa.u1 $0x1  }
0xa9: {  	[tilespmem:$0xF208] =	vst v1  }
.LBB3_21:
0xaa: {  	s0 =	sadd.s32 $0xF0, s19  }
0xab: {  	s2 =	smov.u32 s7;
	p1 =	slt.s32 s0, s8  }
0xac: {  	s2 =	smov.u32 @p1 s0;
	p1 =	sne.s32 s21, s17  }
.Ltmp10:
0xad: {  	_ = 	snop;
	(pc) =	sbr.rel @!p1 .LBB3_22-.Ltmp10, $3  }
0xae: {  	_ =	sdelay $0x1  }
0xaf: {  	s22 =	smov.u32 s20;
	s31 =	sadd.s32 $0x1, s21;
	s20 =	smov.u32 s19  }
0xb0: {  	p0 =	por !p0, !p0;
	s21 =	smov.u32 s31;
	s19 =	smov.u32 s2  }
.LBB3_3:
0xb1: {  	p1 =	sge.u32 s21, s13  }
0xb2: {  	s0 =	smulhi.u32 @!p1 $0xAAAAAAAB, s21  }
0xb3: {  	s2 =	smov.u32 s19;
	p2 =	sgt.s32 @!p1 s19, $0x27010  }
0xb4: {  	s3 =	sshra.s32 @!p1 s19, $0x1F;
	p2 =	por !p2, p1;
	s0 =	sshrl.u32 @!p1 s0, $0x1  }
0xb5: {  	s3 =	sand.u32 @!p1 s3, s19;
	s2 =	simm.s32 @p2 $0x27010;
	s0 =	smul.u32 @!p1 $0x3, s0  }
0xb6: {  	s2 =	ssub.s32 @!p1 s2, s3  }
0xb7: {  	s2 =	sadd.s32 @!p1 $0xFFFD8FF0, s2;
	s0 =	ssub.s32 @!p1 s21, s0  }
0xb8: {  	s3 =	sshll.u32 @!p1 s2, $0x2;
	p2 =	sgt.s32 @!p1 s2, $0xEF;
	s0 =	smul.u32 @!p1 $0x3C0, s0  }
0xb9: {  	s4 =	sand.u32 @!p1 $0x7, s19;
	s2 =	ssub.s32 @!p1 $0x3C0, s3;
	p2 =	por !p2, p1  }
0xba: {  	s3 =	sshrl.u32 @!p1 s19, $0x3;
	s2 =	sshrl.u32 @!p1 s2, $0x2;
	s0 =	sshrl.u32 @!p1 s0, $0x2  }
0xbb: {  	s3 =	sadd.s32 @!p1 s3, s14;
	s2 =	simm.s32 @!p2 $0x0;
	s0 =	sadd.s32 @!p1 $0x10248, s0  }
0xbc: {  	[tilespmem:s0], [sflag:$0xA] =	stream.linear.gather @!p1 [hbm4b:s3+s4], s2, $0x38;
	[tilespmem:$0x1F6F8] =	vst v63  }
0xbd: {  	s0 =	sadd.s32 $0xFFFFFFFF, s21  }
0xbe: {  	p1 =	sge.u32 s0, s13  }
0xbf: {  	p2 =	sgt.s32 @!p1 s20, $0x27010  }
0xc0: {  	s2 =	smov.u32 s20;
	s3 =	sshra.s32 @!p1 s20, $0x1F;
	p2 =	por !p2, p1  }
0xc1: {  	s3 =	sand.u32 @!p1 s3, s20;
	s2 =	simm.s32 @p2 $0x27010  }
0xc2: {  	s2 =	ssub.s32 @!p1 s2, s3  }
0xc3: {  	s2 =	sadd.s32 @!p1 $0xFFFD8FF0, s2  }
0xc4: {  	s4 =	sand.u32 @!p1 $0x1, s0;
	s3 =	sshll.u32 @!p1 s2, $0x2  }
0xc5: {  	p2 =	sgt.s32 @!p1 s2, $0xEF;
	s2 =	ssub.s32 @!p1 $0x3C0, s3;
	s3 =	smulhi.u32 @!p1 $0xAAAAAAAB, s0  }
0xc6: {  	s23 =	smul.u32 @!p1 $0x3C0, s4;
	p2 =	por !p2, p1;
	s2 =	sshrl.u32 @!p1 s2, $0x2  }
0xc7: {  	s5 =	simm.s32 @!p1 $0xA;
	s2 =	simm.s32 @!p2 $0x0;
	s3 =	sshrl.u32 @!p1 s3, $0x1  }
0xc8: {  	s23 =	sshrl.u32 @!p1 s23, $0x2;
	_ =	swait.ge @!p1 [sflag:s5], s2;
	s3 =	smul.u32 @!p1 $0x3, s3  }
0xc9: {  	s23 =	sadd.s32 @!p1 $0x10518, s23;
	s24 =	ssub.s32 @!p1 $0x0, s2;
	[sflag:s5] =	ssyncset.done @!p1 $0x0  }
0xca: {  	[sflag:s5] =	ssyncadd.s32 @!p1 s24;
	s5 =	sshrl.u32 @!p1 s20, $0x3;
	s0 =	ssub.s32 @!p1 s0, s3  }
0xcb: {  	s24 =	sand.u32 @!p1 $0x7, s20;
	s5 =	sadd.s32 @!p1 s5, s15;
	s0 =	smul.u32 @!p1 $0x3C0, s0  }
0xcc: {  	[tilespmem:s23], [sflag:$0xB] =	stream.linear.gather @!p1 [hbm4b:s5+s24], s2, $0x38;
	[tilespmem:$0x1F6F8] =	vst v63  }
0xcd: {  	s3 =	ssub.s32 @!p1 $0x27100, s20;
	s2 =	smul.u32 @!p1 $0x1E000, s4  }
0xce: {  	p2 =	slt.s32 @!p1 s3, $0xF0  }
0xcf: {  	p2 =	por !p2, p1;
	s0 =	sshrl.u32 @!p1 s0, $0x2;
	s2 =	sshrl.u32 @!p1 s2, $0x2  }
0xd0: {  	s3 =	simm.s32 @p2 $0xF0;
	s0 =	sadd.s32 @!p1 $0x10248, s0;
	s2 =	sor.u32 @!p1 $0x106F8, s2  }
0xd1: {  	[tilespmem:s2], [sflag:$0x9] =	stream.indirect.gather @!p1 [hbm4b:s6+s3], $0x80, s0, s3, $0xb8;
	[tilespmem:$0x1F6F8] =	vst v63  }
0xd2: {  	p1 =	slt.u32 s21, $0x2  }
.Ltmp11:
0xd3: {  	_ = 	snop;
	(pc) =	sbr.rel @p1 .LBB3_21-.Ltmp11, $1  }
0xd4: {  	_ =	sdelay $0x3  }
0xd5: {  	p1 =	sgt.s32 s22, $0x27010  }
0xd6: {  	s0 =	smov.u32 s22;
	s2 =	sshra.s32 s22, $0x1F;
	s3 =	ssub.s32 $0x27100, s22  }
0xd7: {  	s0 =	simm.s32 @!p1 $0x27010;
	s2 =	sand.u32 s2, s22;
	p1 =	slt.s32 s3, $0xF0  }
0xd8: {  	s0 =	ssub.s32 s0, s2;
	s3 =	simm.s32 @!p1 $0xF0  }
0xd9: {  	s0 =	sadd.s32 $0xFFFD8FF0, s0;
	s25 =	sshll.u32 s3, $0x7  }
0xda: {  	s26 =	sshll.u32 s0, $0x2;
	s2 =	sand.u32 $0x3FFFFF80, s25  }
0xdb: {  	p1 =	sgt.s32 s0, $0xEF;
	s29 =	ssub.s32 $0x3C0, s26;
	_ =	swait.ge [sflag:s10], s2  }
0xdc: {  	s2 =	ssub.s32 $0x0, s2;
	[sflag:s10] =	ssyncset.done $0x0;
	s0 =	sshrl.u32 s29, $0x2  }
0xdd: {  	[sflag:s10] =	ssyncadd.s32 s2;
	s0 =	simm.s32 @p1 $0x0  }
0xde: {  	_ =	swait.ge [sflag:s11], s0  }
0xdf: {  	s0 =	ssub.s32 $0x0, s0;
	[sflag:s11] =	ssyncset.done $0x0  }
0xe0: {  	[sflag:s11] =	ssyncadd.s32 s0  }
0xe1: {  	v1 =	vld [tilespmem:$0xF208];
	_ =	sdelay $0x4  }
0xe2: {  	(v2sf) =	vpush v1, $0x0  }
0xe3: {  	(v2sf) =	vpush v1, $0x1  }
0xe4: {  	(v2sf) =	vpush v1, $0x2;
	_ =	sdelay $0x3  }
0xe5: {  	s0 =	sadd.s32 $0xF0, s22  }
0xe6: {  	s2 =	ssub.s32 $0x4E200, s22;
	p1 =	slt.s32 s8, s0  }
0xe7: {  	s0 =	smov.u32 @p1 s8;
	p1 =	sgt.s32 s2, $0x0  }
0xe8: {  	s26 =	ssub.s32 s0, s22;
	s2 =	simm.s32 @!p1 $0x0  }
0xe9: {  	p1 =	slt.s32 s2, s26  }
0xea: {  	s26 =	smov.u32 @p1 s2  }
0xeb: {  	s25 =	simm.s32 $0x1;
	p1 =	slt.s32 s26, $0x1  }
.Ltmp12:
0xec: {  	s25 =	simm.s32 @!p0 $0x0;
	(pc) =	sbr.rel @p1 .LBB3_8-.Ltmp12, $4  }
0xed: {  	s31 =	smul.u32 $0x3C0, s25  }
0xee: {  	s28 =	spop (v2sf)  }
0xef: {  	s0 =	sshrl.u32 s31, $0x2;
	s30 =	spop (v2sf)  }
0xf0: {  	s23 =	sadd.s32 $0x10518, s0;
	s22 =	spop (v2sf)  }
0xf1: {  	s0 =	smin.u32 s26, $0x10  }
0xf2: {  	v1 =	vmov s0  }
0xf3: {  	p2 =	sgt.s32 s26, $0x10;
	vm1 =	vgt.u32 v1, v0  }
.Ltmp13:
0xf4: {  	_ = 	snop;
	(pc) =	sbr.rel @!p2 .LBB3_7-.Ltmp13, $2  }
0xf5: {  	_ =	sdelay $0x2  }
0xf6: {  	s4 =	simm.s32 $0x10;
	s24 =	sadd.s32 $0xFFFFFFF0, s26;
	s0 =	smov.u32 s23;
	vm0 =	vmmov vm1  }
.LBB3_6:
0xf7: {  	s2 =	smin.u32 s24, $0x10;
	s4 =	sadd.s32 $0x10, s4;
	v1 =	vld.msk [tilespmem:s0+$0x0 ss:$0x1], vm1  }
0xf8: {  	v2 =	vmov s2;
	p2 =	slt.s32 s4, s26  }
0xf9: {  	vm1 =	vgt.u32 v2, v0  }
.Ltmp14:
0xfa: {  	(pc) =	sbr.rel @p2 .LBB3_6-.Ltmp14, $3  }
0xfb: {  	_ =	sdelay $0x1  }
0xfc: {  	v1 =	vshll.u32 v1, $0x4  }
0xfd: {  	s24 =	sadd.s32 $0xFFFFFFF0, s24;
	[tilespmem:s0+$0x0] =	vst.msk vm0, v1;
	s0 =	sadd.s32 $0x10, s0;
	vm0 =	vmmov vm1  }
.LBB3_7:
0xfe: {  	_ =	sdelay $0x4  }
0xff: {  	v1 =	vld.msk [tilespmem:s0+$0x0 ss:$0x1], vm1;
	_ =	sdelay $0x4  }
0x100: {  	v1 =	vshll.u32 v1, $0x4  }
0x101: {  	[tilespmem:s0+$0x0] =	vst.msk vm0, v1  }
.LBB3_8:
0x102: {  	s0 =	sand.u32 $0x1, s21  }
0x103: {  	s2 =	smul.u32 $0x7800, s0  }
0x104: {  	p2 =	sne.s32 s30, $0xFFFFFFFF  }
0x105: {  	v1 =	vld @!p2 [tilespmem:s2+$0x106F8];
	_ =	sdelay $0x2  }
0x106: {  	s0 =	smul.u32 $0xF0, s0;
	_ =	sdelay $0x1  }
0x107: {  	v2 =	vld.msk @!p2 [tilespmem:s0+$0x10518], $0x1;
	[tilespmem:$0x108] =	vst @!p2 v1  }
0x108: {  	v1 =	vld @!p2 [tilespmem:s2+$0x10708];
	_ =	sdelay $0x4  }
0x109: {  	[tilespmem:$0x118] =	vst @!p2 v1  }
0x10a: {  	v1 =	vld @!p2 [tilespmem:s2+$0x10718];
	_ =	sdelay $0x4  }
0x10b: {  	[tilespmem:$0x128] =	vst @!p2 v1  }
0x10c: {  	v1 =	vld @!p2 [tilespmem:s2+$0x10728];
	_ =	sdelay $0x4  }
0x10d: {  	[tilespmem:$0x138] =	vst @!p2 v1  }
0x10e: {  	v1 =	vld @!p2 [tilespmem:s2+$0x10738];
	_ =	sdelay $0x4  }
0x10f: {  	[tilespmem:$0x148] =	vst @!p2 v1  }
0x110: {  	(v2sf) =	vpush @!p2 v2, $0x0;
	v1 =	vld @!p2 [tilespmem:s2+$0x10748];
	_ =	sdelay $0x4  }
0x111: {  	[tilespmem:$0x158] =	vst @!p2 v1  }
0x112: {  	v1 =	vld @!p2 [tilespmem:s2+$0x10758];
	_ =	sdelay $0x4  }
0x113: {  	[tilespmem:$0x168] =	vst @!p2 v1  }
0x114: {  	v1 =	vld @!p2 [tilespmem:s2+$0x10768]  }
.Ltmp15:
0x115: {  	_ = 	snop;
	(pc) =	sbr.rel @p1 .LBB3_19-.Ltmp15, $4  }
0x116: {  	_ = 	snop  }
0x117: {  	s29 =	spop @!p2 (v2sf)  }
0x118: {  	s22 =	simm.s32 @!p2 $0x0;
	s24 =	smov.u32 s29  }
0x119: {  	s29 =	smov.u32 @p2 s28;
	s24 =	smov.u32 @p2 s30;
	[tilespmem:$0x178] =	vst @!p2 v1;
	[sflag:s18] =	ssyncpa.u1 $0x0  }
0x11a: {  	v1 =	vld.msk [tilespmem:s23+$0x0], $0x1;
	_ =	sdelay $0x4  }
0x11b: {  	(v2sf) =	vpush v1, $0x0;
	_ =	sdelay $0xe  }
0x11c: {  	s2 =	smul.u32 $0x1E000, s25;
	s0 =	spop (v2sf)  }
0x11d: {  	s26 =	ssub.s32 $0x0, s26;
	p1 =	seq.s32 s29, s0  }
0x11e: {  	s30 =	sadd.s32 $0x1, s26;
	s2 =	sshrl.u32 s2, $0x2;
	p2 =	sgt.s32 @!p1 s29, $0x0  }
0x11f: {  	s25 =	sor.u32 $0x10738, s2;
	s2 =	smov.u32 s29;
	p2 =	por !p2, p1  }
0x120: {  	s2 =	simm.s32 @p2 $0x0;
	p2 =	seq.s32 s30, $0x0  }
.Ltmp16:
0x121: {  	_ = 	snop;
	(pc) =	sbr.rel @p2 .LBB3_11-.Ltmp16, $4  }
0x122: {  	_ = 	snop  }
0x123: {  	s28 =	simm.s32 $0x0;
	s31 =	sadd.s32 $0x1, s23;
	s2 =	smin.u32 @!p1 s2, $0x270F0  }
0x124: {  	s4 =	simm.s32 @!p1 $0x1;
	s5 =	simm.s32 @!p1 $0x7988;
	s3 =	sand.u32 @!p1 $0x3FFF8, s2  }
0x125: {  	s4 =	smov.u32 @p1 s28;
	s2 =	sand.u32 @!p1 $0x7, s2;
	s3 =	sadd.s32 @!p1 s1, s3  }
.LBB3_10:
0x126: {  	s9 =	smov.u32 s4  }
0x127: {  	[tilespmem:s5], [sflag:$0x2] =	stream.linear.gather @!p1 [hbm4b:s3+s2], $0x80, $0x38;
	[tilespmem:$0x1F6F8] =	vst v63  }
0x128: {  	s30 =	sadd.s32 $0x1, s30;
	s2 =	smov.u32 s0;
	v1 =	vld.msk [tilespmem:s31+$0x0], $0x1  }
0x129: {  	p2 =	seq.s32 s30, $0x0;
	_ =	sdelay $0x3  }
0x12a: {  	(v2sf) =	vpush v1, $0x0;
	_ =	sdelay $0xe  }
0x12b: {  	s0 =	spop (v2sf)  }
0x12c: {  	p1 =	seq.s32 s2, s0  }
0x12d: {  	p3 =	sgt.s32 @!p1 s2, $0x0;
	s3 =	sshll.u32 @!p1 s4, $0x9;
	s4 =	sadd.s32 @!p1 $0x1, s4  }
.Ltmp17:
0x12e: {  	p3 =	por !p3, p1;
	s3 =	sshra.s32 @!p1 s3, $0x2;
	(pc) =	sbr.rel @!p2 .LBB3_10-.Ltmp17, $4  }
0x12f: {  	s4 =	smov.u32 @p1 s9;
	s2 =	simm.s32 @p3 $0x0;
	s5 =	sadd.s32 @!p1 $0x7988, s3  }
0x130: {  	s2 =	smin.u32 @!p1 s2, $0x270F0  }
0x131: {  	s3 =	sand.u32 @!p1 $0x3FFF8, s2;
	s2 =	sand.u32 @!p1 $0x7, s2  }
0x132: {  	s31 =	sadd.s32 $0x1, s31;
	s3 =	sadd.s32 @!p1 s1, s3  }
.LBB3_11:
0x133: {  	[tilespmem:s5], [sflag:$0x2] =	stream.linear.gather @!p1 [hbm4b:s3+s2], $0x80, $0x38;
	[tilespmem:$0x1F6F8] =	vst v63  }
.Ltmp18:
0x134: {  	s0 =	sshll.u32 s4, $0x7;
	(pc) =	sbr.rel .LBB3_12-.Ltmp18, $4  }
0x135: {  	s30 =	simm.s32 $0x2;
	s0 =	sand.u32 $0x3FFFFF80, s0  }
0x136: {  	_ =	swait.ge [sflag:s30], s0  }
0x137: {  	s0 =	ssub.s32 $0x0, s0;
	[sflag:s30] =	ssyncset.done $0x0  }
0x138: {  	s31 =	simm.s32 $0x0;
	[sflag:s30] =	ssyncadd.s32 s0  }
.LBB3_13:
0x139: {  	s0 =	sshra.s32 s0, $0x2;
	v1 =	vld [tilespmem:s25+$0xFFFFFFC0]  }
0x13a: {  	v2 =	vld [tilespmem:s0+$0x108];
	_ =	sdelay $0x4  }
0x13b: {  	v1 =	vmax.f32 v1, v2  }
0x13c: {  	v2 =	vld [tilespmem:s0+$0x118];
	[tilespmem:s0+$0x108] =	vst v1  }
0x13d: {  	v1 =	vld [tilespmem:s25+$0xFFFFFFD0];
	_ =	sdelay $0x4  }
0x13e: {  	v1 =	vmax.f32 v1, v2  }
0x13f: {  	v2 =	vld [tilespmem:s0+$0x128];
	[tilespmem:s0+$0x118] =	vst v1  }
0x140: {  	v1 =	vld [tilespmem:s25+$0xFFFFFFE0];
	_ =	sdelay $0x4  }
0x141: {  	v1 =	vmax.f32 v1, v2  }
0x142: {  	v2 =	vld [tilespmem:s0+$0x138];
	[tilespmem:s0+$0x128] =	vst v1  }
0x143: {  	v1 =	vld [tilespmem:s25+$0xFFFFFFF0];
	_ =	sdelay $0x4  }
0x144: {  	v1 =	vmax.f32 v1, v2  }
0x145: {  	v2 =	vld [tilespmem:s0+$0x148];
	[tilespmem:s0+$0x138] =	vst v1  }
0x146: {  	v1 =	vld [tilespmem:s25+$0x0];
	_ =	sdelay $0x4  }
0x147: {  	v1 =	vmax.f32 v1, v2  }
0x148: {  	v2 =	vld [tilespmem:s0+$0x158];
	[tilespmem:s0+$0x148] =	vst v1  }
0x149: {  	v1 =	vld [tilespmem:s25+$0x10];
	_ =	sdelay $0x4  }
0x14a: {  	v1 =	vmax.f32 v1, v2  }
0x14b: {  	v2 =	vld [tilespmem:s0+$0x168];
	[tilespmem:s0+$0x158] =	vst v1  }
0x14c: {  	v1 =	vld [tilespmem:s25+$0x20];
	_ =	sdelay $0x4  }
0x14d: {  	v1 =	vmax.f32 v1, v2  }
0x14e: {  	v2 =	vld [tilespmem:s0+$0x178];
	[tilespmem:s0+$0x168] =	vst v1  }
0x14f: {  	v1 =	vld [tilespmem:s25+$0x30];
	_ =	sdelay $0x4  }
0x150: {  	v1 =	vmax.f32 v1, v2  }
0x151: {  	[tilespmem:s0+$0x178] =	vst v1  }
.LBB3_17:
0x152: {  	s26 =	sadd.s32 $0x1, s26  }
0x153: {  	p1 =	seq.s32 s26, $0x0  }
.Ltmp19:
0x154: {  	_ = 	snop;
	(pc) =	sbr.rel @p1 .LBB3_18-.Ltmp19, $2  }
0x155: {  	_ =	sdelay $0x2  }
0x156: {  	s23 =	sadd.s32 $0x1, s23;
	s25 =	sadd.s32 $0x80, s25;
	s29 =	smov.u32 s30  }
.LBB3_12:
0x157: {  	v1 =	vld.msk [tilespmem:s23+$0x0], $0x1;
	_ =	sdelay $0x4  }
0x158: {  	(v2sf) =	vpush v1, $0x0;
	_ =	sdelay $0xe  }
0x159: {  	s30 =	spop (v2sf)  }
0x15a: {  	p1 =	sne.s32 s29, s30  }
.Ltmp20:
0x15b: {  	_ = 	snop;
	(pc) =	sbr.rel @!p1 .LBB3_13-.Ltmp20, $2  }
0x15c: {  	_ =	sdelay $0x2  }
0x15d: {  	s0 =	sshll.u32 s22, $0x9  }
0x15e: {  	p1 =	seq.s32 s29, s24  }
.Ltmp21:
0x15f: {  	_ = 	snop;
	(pc) =	sbr.rel @!p1 .LBB3_15-.Ltmp21, $1  }
0x160: {  	_ =	sdelay $0x3  }
0x161: {  	s0 =	sshra.s32 s0, $0x2  }
.Ltmp22:
0x162: {  	s0 =	sadd.s32 $0x108, s0;
	(pc) =	sbr.rel .LBB3_16-.Ltmp22, $4  }
0x163: {  	[spmem:s16] =	stream.linear.scatter [tilespmem:s0], [sflag:$0x1], $0x80, $0x38;
	[tilespmem:$0x1F6F8] =	vst v63  }
0x164: {  	_ =	swait.ge [sflag:s12], $0x80  }
0x165: {  	[sflag:s12] =	ssyncset.done $0x0  }
0x166: {  	[sflag:s12] =	ssyncadd.s32 $0xFFFFFF80  }
.LBB3_15:
0x167: {  	s2 =	sshll.u32 s28, $0x9;
	s0 =	sshra.s32 s0, $0x2  }
0x168: {  	s2 =	sshra.s32 s2, $0x2;
	v2 =	vld [tilespmem:s0+$0x108]  }
0x169: {  	v1 =	vld [tilespmem:s2+$0x7988];
	_ =	sdelay $0x4  }
0x16a: {  	v1 =	vmax.f32 v1, v2  }
0x16b: {  	v2 =	vld [tilespmem:s0+$0x118];
	[tilespmem:s0+$0x108] =	vst v1  }
0x16c: {  	v1 =	vld [tilespmem:s2+$0x7998];
	_ =	sdelay $0x4  }
0x16d: {  	v1 =	vmax.f32 v1, v2  }
0x16e: {  	v2 =	vld [tilespmem:s0+$0x128];
	[tilespmem:s0+$0x118] =	vst v1  }
0x16f: {  	v1 =	vld [tilespmem:s2+$0x79A8];
	_ =	sdelay $0x4  }
0x170: {  	v1 =	vmax.f32 v1, v2  }
0x171: {  	v2 =	vld [tilespmem:s0+$0x138];
	[tilespmem:s0+$0x128] =	vst v1  }
0x172: {  	v1 =	vld [tilespmem:s2+$0x79B8];
	_ =	sdelay $0x4  }
0x173: {  	v1 =	vmax.f32 v1, v2  }
0x174: {  	v2 =	vld [tilespmem:s0+$0x148];
	[tilespmem:s0+$0x138] =	vst v1  }
0x175: {  	v1 =	vld [tilespmem:s2+$0x79C8];
	_ =	sdelay $0x4  }
0x176: {  	v1 =	vmax.f32 v1, v2  }
0x177: {  	v2 =	vld [tilespmem:s0+$0x158];
	[tilespmem:s0+$0x148] =	vst v1  }
0x178: {  	v1 =	vld [tilespmem:s2+$0x79D8];
	_ =	sdelay $0x4  }
0x179: {  	v1 =	vmax.f32 v1, v2  }
0x17a: {  	v2 =	vld [tilespmem:s0+$0x168];
	[tilespmem:s0+$0x158] =	vst v1  }
0x17b: {  	v1 =	vld [tilespmem:s2+$0x79E8];
	_ =	sdelay $0x4  }
0x17c: {  	v1 =	vmax.f32 v1, v2  }
0x17d: {  	v2 =	vld [tilespmem:s0+$0x178];
	[tilespmem:s0+$0x168] =	vst v1  }
0x17e: {  	v1 =	vld [tilespmem:s2+$0x79F8];
	_ =	sdelay $0x3  }
0x17f: {  	p1 =	sgt.u32 s29, $0x270F0  }
0x180: {  	s2 =	sand.u32 @!p1 $0x3FFF8, s29;
	v1 =	vmax.f32 v1, v2  }
0x181: {  	s3 =	sadd.s32 $0x108, s0;
	[tilespmem:s0+$0x178] =	vst v1;
	s0 =	sadd.s32 @!p1 s1, s2;
	s2 =	sand.u32 @!p1 $0x7, s29  }
0x182: {  	[hbm4b:s0+s2] =	stream.linear.scatter @!p1 [tilespmem:s3], [sflag:$0xC], $0x80, $0x38;
	[tilespmem:$0x1F6F8] =	vst v63  }
0x183: {  	s0 =	simm.s32 $0x0  }
0x184: {  	s0 =	simm.s32 @!p1 $0x200  }
0x185: {  	s31 =	sadd.s32 s0, s31  }
.LBB3_16:
0x186: {  	s0 =	sadd.s32 $0x1, s22  }
0x187: {  	s2 =	smulhi.u32 $0x88888889, s0;
	_ =	sdelay $0x1  }
0x188: {  	v1 =	vld [tilespmem:s25+$0xFFFFFFC0];
	s2 =	sshrl.u32 s2, $0x7  }
0x189: {  	s2 =	smul.u32 $0xF0, s2;
	_ =	sdelay $0x1  }
0x18a: {  	s22 =	ssub.s32 s0, s2  }
0x18b: {  	s0 =	sshll.u32 s22, $0x7  }
0x18c: {  	[tilespmem:s0+$0x108] =	vst v1  }
0x18d: {  	v1 =	vld [tilespmem:s25+$0xFFFFFFD0];
	_ =	sdelay $0x4  }
0x18e: {  	[tilespmem:s0+$0x118] =	vst v1  }
0x18f: {  	v1 =	vld [tilespmem:s25+$0xFFFFFFE0];
	_ =	sdelay $0x4  }
0x190: {  	[tilespmem:s0+$0x128] =	vst v1  }
0x191: {  	v1 =	vld [tilespmem:s25+$0xFFFFFFF0];
	_ =	sdelay $0x4  }
0x192: {  	[tilespmem:s0+$0x138] =	vst v1  }
0x193: {  	v1 =	vld [tilespmem:s25+$0x0];
	_ =	sdelay $0x4  }
0x194: {  	[tilespmem:s0+$0x148] =	vst v1  }
0x195: {  	v1 =	vld [tilespmem:s25+$0x10];
	_ =	sdelay $0x4  }
0x196: {  	[tilespmem:s0+$0x158] =	vst v1  }
0x197: {  	v1 =	vld [tilespmem:s25+$0x20];
	_ =	sdelay $0x4  }
0x198: {  	[tilespmem:s0+$0x168] =	vst v1  }
0x199: {  	v1 =	vld [tilespmem:s25+$0x30]  }
.Ltmp23:
0x19a: {  	_ = 	snop;
	(pc) =	sbr.rel .LBB3_17-.Ltmp23, $2  }
0x19b: {  	_ =	sdelay $0x2  }
0x19c: {  	s28 =	sadd.s32 $0x1, s28;
	[tilespmem:s0+$0x178] =	vst v1  }
.LBB3_19:
.Ltmp24:
0x19d: {  	(pc) =	sbr.rel .LBB3_20-.Ltmp24, $4  }
0x19e: {  	_ = 	snop  }
0x19f: {  	s0 =	simm.s32 $0x2  }
0x1a0: {  	_ =	swait.ge [sflag:s0], $0x0  }
0x1a1: {  	s30 =	smov.u32 s29;
	[sflag:s0] =	ssyncset.done $0x0;
	s0 =	simm.s32 $0x0  }
.LBB3_22:
0x1a2: {  	_ =	sfence.sel $0x180000  }
0x1a3: {  	s0 =	simm.s32 $0x9;
	[bflag:$0x0] =	sbarrier.arrive $0xFFFF  }
0x1a4: {  	s24 =	simm.s32 $0xA;
	[sflag:s0] =	ssyncpa.u1 $0x1  }
0x1a5: {  	s25 =	simm.s32 $0xB;
	[sflag:s24] =	ssyncpa.u1 $0x1  }
0x1a6: {  	s26 =	simm.s32 $0x2;
	[sflag:s25] =	ssyncpa.u1 $0x1  }
0x1a7: {  	[sflag:s26] =	ssyncpa.u1 $0x1  }
0x1a8: {  	v0 =	vld [tilespmem:$0xF208];
	_ =	sdelay $0x4  }
0x1a9: {  	(v2sf) =	vpush v0, $0x0  }
0x1aa: {  	(v2sf) =	vpush v0, $0x1;
	_ =	sdelay $0x1  }
0x1ab: {  	(v2sf) =	vpush v0, $0x2;
	_ =	sdelay $0xb  }
0x1ac: {  	s0 =	spop (v2sf)  }
0x1ad: {  	s2 =	spop (v2sf)  }
0x1ae: {  	s3 =	smov.u32 s0;
	p0 =	sne.s32 s0, s2  }
0x1af: {  	s4 =	spop (v2sf);
	s3 =	simm.s32 @!p0 $0xFFFFFFFF  }
0x1b0: {  	v2 =	vimm.s32 $0x1;
	v3 =	vlaneseq.u32;
	p0 =	seq.s32 s4, $0xFFFFFFFF;
	v1 =	vmov s3  }
0x1b1: {  	s16 =	stileid.u32;
	v0 =	vperm.xlane v0, v2;
	p1 =	sne.s32 @!p0 s0, s2;
	v1 =	vperm.xlane v1, v3  }
0x1b2: {  	vm0 =	vcmask $0x3F04;
	s6 =	simm.s32 $0xF208;
	s0 =	simm.s32 @!p0 $0x1;
	p1 =	por !p1, p0  }
0x1b3: {  	s3 =	sshll.u32 s16, $0x1;
	s2 =	sshll.u32 @!p0 s4, $0x9;
	s0 =	simm.s32 @p1 $0x0;
	v0 =	vsel vm0, v1, v0  }
0x1b4: {  	s5 =	sor.u32 $0x1000, s3;
	s2 =	sshra.s32 @!p0 s2, $0x2;
	s0 =	sor.u32 @!p0 s0, s3;
	[tilespmem:$0xF208] =	vst v0  }
0x1b5: {  	[spmem:s5] =	stream.linear.scatter [tilespmem:s6], [sflag:$0x1], $0x2, $0x38;
	[tilespmem:$0x1F6F8] =	vst v63  }
0x1b6: {  	s2 =	sadd.s32 @!p0 $0x108, s2;
	s0 =	sshll.u32 @!p0 s0, $0x7  }
0x1b7: {  	[spmem:s0] =	stream.linear.scatter @!p0 [tilespmem:s2], [sflag:$0x1], $0x80, $0x38;
	[tilespmem:$0x1F6F8] =	vst v63  }
0x1b8: {  	s0 =	simm.s32 @!p0 $0x82  }
0x1b9: {  	s28 =	simm.s32 $0x1;
	s0 =	simm.s32 @p0 $0x2  }
0x1ba: {  	_ =	swait.ge [sflag:s28], s0  }
0x1bb: {  	s0 =	ssub.s32 $0x0, s0;
	[sflag:s28] =	ssyncset.done $0x0  }
0x1bc: {  	p0 =	sne.s32 s16, $0x0;
	[sflag:s28] =	ssyncadd.s32 s0  }
.Ltmp25:
0x1bd: {  	_ =	sfence.stream.spmem;
	(pc) =	sbr.rel @p0 .LBB3_39-.Ltmp25, $4  }
0x1be: {  	s29 =	simm.s32 $0x3;
	[bflag:$0x0] =	sbarrier.arrive $0xFFFF  }
0x1bf: {  	s30 =	simm.s32 $0x4;
	[sflag:s29] =	ssyncpa.u1 $0x1  }
0x1c0: {  	s31 =	simm.s32 $0x3C;
	[sflag:s30] =	ssyncpa.u1 $0x1  }
0x1c1: {  	s15 =	rddreg [dreg:$0x5];
	[sflag:s31] =	ssyncpa.u1 $0x1  }
0x1c2: {  	_ =	sfence.stream.spmem;
	s0 =	simm.s32 $0x5  }
0x1c3: {  	s2 =	simm.s32 $0x1000;
	s3 =	simm.s32 $0xF218;
	[sflag:s0] =	ssyncpa.u1 $0x0  }
0x1c4: {  	[tilespmem:s3], [sflag:$0x5] =	stream.linear.gather [spmem:s2], $0x20, $0x38;
	[tilespmem:$0x1F6F8] =	vst v63  }
0x1c5: {  	s26 =	simm.s32 $0x0;
	s28 =	simm.s32 $0xF238  }
0x1c6: {  	[tilespmem:s28], [sflag:$0x5] =	stream.linear.gather [spmem:s26], $0x1000, $0x38;
	[tilespmem:$0x1F6F8] =	vst v63  }
0x1c7: {  	_ =	swait.ge [sflag:s0], $0x1020  }
0x1c8: {  	[sflag:s0] =	ssyncset.done $0x0  }
0x1c9: {  	s29 =	simm.s32 $0x0;
	[sflag:s0] =	ssyncadd.s32 $0xFFFFEFE0  }
0x1ca: {  	v0 =	vld.msk [tilespmem:s29+$0xF218], $0x1;
	_ =	sdelay $0x1  }
0x1cb: {  	s30 =	simm.s32 $0x1  }
0x1cc: {  	v1 =	vld.msk [tilespmem:s30+$0xF218], $0x1;
	_ =	sdelay $0x1  }
0x1cd: {  	(v2sf) =	vpush v0, $0x0;
	_ =	sdelay $0x2  }
0x1ce: {  	(v2sf) =	vpush v1, $0x0;
	_ =	sdelay $0x2  }
0x1cf: {  	s31 =	simm.s32 $0x2  }
0x1d0: {  	v0 =	vld.msk [tilespmem:s31+$0xF218], $0x1;
	_ =	sdelay $0x2  }
0x1d1: {  	s4 =	simm.s32 $0xFFFFFFFF;
	s5 =	simm.s32 $0xFFFFFFFF;
	s0 =	simm.s32 $0xC  }
.LBB3_24:
0x1d2: {  	s2 =	smov.u32 s5;
	s3 =	smov.u32 s4  }
0x1d3: {  	s4 =	sshra.s32 s0, $0x2;
	p1 =	sne.s32 s0, $0x7C;
	s0 =	sadd.s32 $0x4, s0;
	(v2sf) =	vpush v0, $0x0  }
0x1d4: {  	v0 =	vld.msk [tilespmem:s4+$0xF218], $0x1  }
.Ltmp26:
0x1d5: {  	(pc) =	sbr.rel @p1 .LBB3_24-.Ltmp26, $4  }
0x1d6: {  	s5 =	spop (v2sf)  }
0x1d7: {  	p2 =	sne.s32 s3, $0xFFFFFFFF;
	s4 =	smov.u32 s5  }
0x1d8: {  	p3 =	seq.s32 s5, $0xFFFFFFFF;
	s4 =	smov.u32 @p2 s3  }
0x1d9: {  	s5 =	smov.u32 @p3 s2;
	s4 =	smov.u32 @p3 s3  }
0x1da: {  	(v2sf) =	vpush v0, $0x0;
	_ =	sdelay $0x8  }
0x1db: {  	s0 =	spop (v2sf)  }
0x1dc: {  	p1 =	sne.s32 s4, $0xFFFFFFFF;
	s2 =	smov.u32 s0  }
0x1dd: {  	s9 =	simm.s32 $0x6;
	p2 =	seq.s32 s0, $0xFFFFFFFF;
	s2 =	smov.u32 @p1 s4  }
0x1de: {  	s6 =	simm.s32 $0x0;
	s2 =	smov.u32 @p2 s4;
	s3 =	spop (v2sf)  }
0x1df: {  	s0 =	smov.u32 @p2 s5;
	p1 =	sne.s32 s2, $0xFFFFFFFF;
	s4 =	smov.u32 s3  }
.Ltmp27:
0x1e0: {  	p2 =	seq.s32 s3, $0xFFFFFFFF;
	s4 =	smov.u32 @p1 s2;
	(pc) =	sbr.rel .LBB3_26-.Ltmp27, $4  }
0x1e1: {  	s10 =	simm.s32 $0xF188;
	s4 =	smov.u32 @p2 s2;
	s7 =	spop (v2sf)  }
0x1e2: {  	s11 =	simm.s32 $0x0;
	p1 =	sne.s32 s4, $0xFFFFFFFF;
	s8 =	smov.u32 s7  }
0x1e3: {  	s3 =	smov.u32 @p2 s0;
	p2 =	seq.s32 s7, $0xFFFFFFFF;
	s8 =	smov.u32 @p1 s4  }
0x1e4: {  	[sflag:s9] =	ssyncpa.u1 $0x0;
	s7 =	smov.u32 @p2 s3;
	s8 =	smov.u32 @p2 s4  }
.LBB3_32:
0x1e5: {  	p1 =	sgt.u32 s12, $0x270F0  }
0x1e6: {  	p2 =	seq.s32 @!p1 s12, s8  }
0x1e7: {  	p1 =	por p1, p2  }
0x1e8: {  	p2 =	sne.s32 @!p1 s12, s7  }
0x1e9: {  	p1 =	por p1, !p2  }
0x1ea: {  	s0 =	sshll.u32 @p1 s11, $0x9  }
0x1eb: {  	s0 =	sand.u32 @!p1 $0x3FFF8, s12  }
0x1ec: {  	s2 =	sand.u32 @!p1 $0x7, s12;
	s0 =	sadd.s32 @!p1 s1, s0  }
0x1ed: {  	[tilespmem:s10], [sflag:$0x6] =	stream.linear.gather @!p1 [hbm4b:s0+s2], $0x80, $0x38;
	[tilespmem:$0x1F6F8] =	vst v63  }
0x1ee: {  	_ =	swait.ge @!p1 [sflag:s9], $0x80  }
0x1ef: {  	[sflag:s9] =	ssyncset.done @!p1 $0x0  }
0x1f0: {  	s0 =	sshll.u32 @!p1 s11, $0x9;
	[sflag:s9] =	ssyncadd.s32 @!p1 $0xFFFFFF80  }
0x1f1: {  	s2 =	sshrl.u32 @!p1 s0, $0x2;
	v1 =	vld @!p1 [tilespmem:$0xF188]  }
0x1f2: {  	v2 =	vld @!p1 [tilespmem:s2+$0xF238];
	_ =	sdelay $0x4  }
0x1f3: {  	v1 =	vmax.f32 @!p1 v1, v2  }
0x1f4: {  	v2 =	vld @!p1 [tilespmem:s2+$0xF248];
	[tilespmem:s2+$0xF238] =	vst @!p1 v1  }
0x1f5: {  	v1 =	vld @!p1 [tilespmem:$0xF198];
	_ =	sdelay $0x4  }
0x1f6: {  	v1 =	vmax.f32 @!p1 v1, v2  }
0x1f7: {  	v2 =	vld @!p1 [tilespmem:s2+$0xF258];
	[tilespmem:s2+$0xF248] =	vst @!p1 v1  }
0x1f8: {  	v1 =	vld @!p1 [tilespmem:$0xF1A8];
	_ =	sdelay $0x4  }
0x1f9: {  	v1 =	vmax.f32 @!p1 v1, v2  }
0x1fa: {  	v2 =	vld @!p1 [tilespmem:s2+$0xF268];
	[tilespmem:s2+$0xF258] =	vst @!p1 v1  }
0x1fb: {  	v1 =	vld @!p1 [tilespmem:$0xF1B8];
	_ =	sdelay $0x4  }
0x1fc: {  	v1 =	vmax.f32 @!p1 v1, v2  }
0x1fd: {  	v2 =	vld @!p1 [tilespmem:s2+$0xF278];
	[tilespmem:s2+$0xF268] =	vst @!p1 v1  }
0x1fe: {  	v1 =	vld @!p1 [tilespmem:$0xF1C8];
	_ =	sdelay $0x4  }
0x1ff: {  	v1 =	vmax.f32 @!p1 v1, v2  }
0x200: {  	v2 =	vld @!p1 [tilespmem:s2+$0xF288];
	[tilespmem:s2+$0xF278] =	vst @!p1 v1  }
0x201: {  	v1 =	vld @!p1 [tilespmem:$0xF1D8];
	_ =	sdelay $0x4  }
0x202: {  	v1 =	vmax.f32 @!p1 v1, v2  }
0x203: {  	v2 =	vld @!p1 [tilespmem:s2+$0xF298];
	[tilespmem:s2+$0xF288] =	vst @!p1 v1  }
0x204: {  	v1 =	vld @!p1 [tilespmem:$0xF1E8];
	_ =	sdelay $0x4  }
0x205: {  	v1 =	vmax.f32 @!p1 v1, v2  }
0x206: {  	v2 =	vld @!p1 [tilespmem:s2+$0xF2A8];
	[tilespmem:s2+$0xF298] =	vst @!p1 v1  }
0x207: {  	v1 =	vld @!p1 [tilespmem:$0xF1F8];
	_ =	sdelay $0x4  }
0x208: {  	v1 =	vmax.f32 @!p1 v1, v2  }
0x209: {  	[tilespmem:s2+$0xF2A8] =	vst @!p1 v1  }
0x20a: {  	s0 =	sshrl.u32 s0, $0x2;
	[tilespmem:s6+$0xF218] =	vst.msk $0x1, v0  }
0x20b: {  	v0 =	vld [tilespmem:s0+$0xF238];
	_ =	sdelay $0x2  }
0x20c: {  	s31 =	sshll.u32 s6, $0x9  }
0x20d: {  	s2 =	sshra.s32 s31, $0x2  }
0x20e: {  	[tilespmem:s2+$0xF238] =	vst v0  }
0x20f: {  	v0 =	vld [tilespmem:s0+$0xF248];
	_ =	sdelay $0x4  }
0x210: {  	[tilespmem:s2+$0xF248] =	vst v0  }
0x211: {  	v0 =	vld [tilespmem:s0+$0xF258];
	_ =	sdelay $0x4  }
0x212: {  	[tilespmem:s2+$0xF258] =	vst v0  }
0x213: {  	v0 =	vld [tilespmem:s0+$0xF268];
	_ =	sdelay $0x4  }
0x214: {  	[tilespmem:s2+$0xF268] =	vst v0  }
0x215: {  	v0 =	vld [tilespmem:s0+$0xF278];
	_ =	sdelay $0x4  }
0x216: {  	[tilespmem:s2+$0xF278] =	vst v0  }
0x217: {  	v0 =	vld [tilespmem:s0+$0xF288];
	_ =	sdelay $0x4  }
0x218: {  	[tilespmem:s2+$0xF288] =	vst v0  }
0x219: {  	v0 =	vld [tilespmem:s0+$0xF298];
	_ =	sdelay $0x4  }
0x21a: {  	[tilespmem:s2+$0xF298] =	vst v0  }
0x21b: {  	v0 =	vld [tilespmem:s0+$0xF2A8];
	_ =	sdelay $0x4  }
0x21c: {  	s6 =	sadd.s32 $0x1, s6;
	[tilespmem:s2+$0xF2A8] =	vst v0  }
.LBB3_33:
0x21d: {  	s11 =	sadd.s32 $0x1, s11  }
0x21e: {  	p1 =	sne.s32 s11, $0x20  }
.Ltmp28:
0x21f: {  	_ = 	snop;
	(pc) =	sbr.rel @!p1 .LBB3_34-.Ltmp28, $1  }
0x220: {  	_ =	sdelay $0x3  }
.LBB3_26:
0x221: {  	v0 =	vld.msk [tilespmem:s11+$0xF218], $0x1;
	_ =	sdelay $0x4  }
0x222: {  	(v2sf) =	vpush v0, $0x0;
	_ =	sdelay $0xe  }
0x223: {  	s12 =	spop (v2sf)  }
0x224: {  	p1 =	seq.s32 s12, $0xFFFFFFFF  }
.Ltmp29:
0x225: {  	_ = 	snop;
	(pc) =	sbr.rel @p1 .LBB3_33-.Ltmp29, $1  }
0x226: {  	_ =	sdelay $0x3  }
0x227: {  	p1 =	slt.s32 s6, $0x1  }
.Ltmp30:
0x228: {  	_ = 	snop;
	(pc) =	sbr.rel @p1 .LBB3_32-.Ltmp30, $1  }
0x229: {  	_ =	sdelay $0x3  }
0x22a: {  	s13 =	simm.s32 $0xF218;
	p1 =	por $0x0, $0x0  }
0x22b: {  	v1 =	vld.msk @!p1 [tilespmem:s13+$0x0], $0x1;
	_ =	sdelay $0x4  }
0x22c: {  	(v2sf) =	vpush @!p1 v1, $0x0;
	_ =	sdelay $0xd  }
0x22d: {  	p3 =	sne.s32 s6, $0x1  }
.Ltmp31:
0x22e: {  	s0 =	spop @!p1 (v2sf);
	(pc) =	sbr.rel @!p3 .LBB3_30-.Ltmp31, $4  }
0x22f: {  	p2 =	seq.s32 @!p1 s12, s0  }
0x230: {  	s14 =	simm.s32 $0x0;
	p2 =	por !p2, p1  }
0x231: {  	s2 =	simm.s32 $0xFFFFFFFF;
	s14 =	simm.s32 @p2 $0xFFFFFFFF  }
0x232: {  	s0 =	simm.s32 $0x1;
	s14 =	smov.u32 @p1 s2  }
.LBB3_29:
0x233: {  	s2 =	smov.u32 s14;
	p1 =	sne.s32 s14, $0xFFFFFFFF  }
0x234: {  	s13 =	sadd.s32 $0x1, s13;
	s14 =	smov.u32 s0;
	s0 =	sadd.s32 $0x1, s0  }
0x235: {  	p2 =	sne.s32 s6, s0;
	v1 =	vld.msk @!p1 [tilespmem:s13+$0x0], $0x1;
	_ =	sdelay $0x4  }
0x236: {  	(v2sf) =	vpush @!p1 v1, $0x0;
	_ =	sdelay $0xe  }
.Ltmp32:
0x237: {  	s3 =	spop @!p1 (v2sf);
	(pc) =	sbr.rel @p2 .LBB3_29-.Ltmp32, $4  }
0x238: {  	p3 =	seq.s32 @!p1 s12, s3  }
0x239: {  	p3 =	por !p3, p1  }
0x23a: {  	s14 =	simm.s32 @p3 $0xFFFFFFFF  }
0x23b: {  	s14 =	smov.u32 @p1 s2  }
.LBB3_30:
0x23c: {  	p1 =	seq.s32 s14, $0xFFFFFFFF  }
.Ltmp33:
0x23d: {  	_ = 	snop;
	(pc) =	sbr.rel @p1 .LBB3_32-.Ltmp33, $1  }
0x23e: {  	_ =	sdelay $0x3  }
0x23f: {  	s0 =	sshll.u32 s11, $0x7  }
0x240: {  	s2 =	sshll.u32 s14, $0x9;
	s0 =	sand.u32 $0x3FFFFF80, s0  }
0x241: {  	s2 =	sshra.s32 s2, $0x2;
	v0 =	vld [tilespmem:s0+$0xF238]  }
0x242: {  	v1 =	vld [tilespmem:s2+$0xF238];
	_ =	sdelay $0x4  }
0x243: {  	v0 =	vmax.f32 v0, v1  }
0x244: {  	v57 =	vld [tilespmem:s2+$0xF248];
	[tilespmem:s2+$0xF238] =	vst v0  }
0x245: {  	v0 =	vld [tilespmem:s0+$0xF248];
	_ =	sdelay $0x4  }
0x246: {  	v0 =	vmax.f32 v0, v57  }
0x247: {  	v58 =	vld [tilespmem:s2+$0xF258];
	[tilespmem:s2+$0xF248] =	vst v0  }
0x248: {  	v0 =	vld [tilespmem:s0+$0xF258];
	_ =	sdelay $0x4  }
0x249: {  	v0 =	vmax.f32 v0, v58  }
0x24a: {  	v59 =	vld [tilespmem:s2+$0xF268];
	[tilespmem:s2+$0xF258] =	vst v0  }
0x24b: {  	v0 =	vld [tilespmem:s0+$0xF268];
	_ =	sdelay $0x4  }
0x24c: {  	v0 =	vmax.f32 v0, v59  }
0x24d: {  	v60 =	vld [tilespmem:s2+$0xF278];
	[tilespmem:s2+$0xF268] =	vst v0  }
0x24e: {  	v0 =	vld [tilespmem:s0+$0xF278];
	_ =	sdelay $0x4  }
0x24f: {  	v0 =	vmax.f32 v0, v60  }
0x250: {  	v61 =	vld [tilespmem:s2+$0xF288];
	[tilespmem:s2+$0xF278] =	vst v0  }
0x251: {  	v0 =	vld [tilespmem:s0+$0xF288];
	_ =	sdelay $0x4  }
0x252: {  	v0 =	vmax.f32 v0, v61  }
0x253: {  	v62 =	vld [tilespmem:s2+$0xF298];
	[tilespmem:s2+$0xF288] =	vst v0  }
0x254: {  	v0 =	vld [tilespmem:s0+$0xF298];
	_ =	sdelay $0x4  }
0x255: {  	v0 =	vmax.f32 v0, v62  }
0x256: {  	v63 =	vld [tilespmem:s2+$0xF2A8];
	[tilespmem:s2+$0xF298] =	vst v0  }
0x257: {  	v0 =	vld [tilespmem:s0+$0xF2A8];
	_ =	sdelay $0x1  }
.Ltmp34:
0x258: {  	_ = 	snop;
	(pc) =	sbr.rel .LBB3_33-.Ltmp34, $3  }
0x259: {  	_ =	sdelay $0x1  }
0x25a: {  	v0 =	vmax.f32 v0, v63  }
0x25b: {  	[tilespmem:s2+$0xF2A8] =	vst v0  }
.LBB3_34:
0x25c: {  	s0 =	simm.s32 $0x6;
	p1 =	seq.s32 s6, $0x0  }
0x25d: {  	[sflag:s0] =	ssyncpa.u1 $0x1;
	v0 =	vimm.s32 @p1 $0xFFFFFFFF  }
0x25e: {  	s9 =	sadd.s32 $0xFFFFFFFF, s6;
	[tilespmem:$0x10238] =	vst @p1 v0  }
0x25f: {  	v0 =	vld.msk @!p1 [tilespmem:s9+$0xF218], $0x1;
	_ =	sdelay $0x1  }
0x260: {  	v1 =	vld.msk @!p1 [tilespmem:$0xF218], $0x1;
	_ =	sdelay $0x2  }
0x261: {  	p2 =	seq.s32 @!p1 s9, $0x0;
	v0 =	vbroadcast @!p1 v0, $0x0  }
0x262: {  	vm0 =	vmmov @!p1 $0x1;
	p2 =	por !p2, p1  }
0x263: {  	v1 =	vnsel @!p1 vm0, $0xFFFFFFFF, v1;
	vm0 =	vcmask @!p1 $0x308;
	v0 =	vpsel !p2, $0xFFFFFFFF, v0  }
0x264: {  	p2 =	sne.s32 @!p1 s8, s7;
	v0 =	vsel @!p1 vm0, v1, v0  }
0x265: {  	s0 =	simm.s32 @!p1 $0xF238;
	s2 =	simm.s32 @!p1 $0x0;
	p3 =	por !p2, p1;
	[tilespmem:$0x10238] =	vst @!p1 v0  }
0x266: {  	[spmem:s2] =	stream.linear.scatter @!p1 [tilespmem:s0], [sflag:$0x1], $0x80, $0x38;
	[tilespmem:$0x1F6F8] =	vst v63  }
0x267: {  	s0 =	sshll.u32 @!p3 s9, $0x9  }
0x268: {  	s0 =	sshra.s32 @!p3 s0, $0x2  }
0x269: {  	s2 =	simm.s32 @!p3 $0x80;
	s0 =	sadd.s32 @!p3 $0xF238, s0  }
0x26a: {  	[spmem:s2] =	stream.linear.scatter @!p3 [tilespmem:s0], [sflag:$0x1], $0x80, $0x38;
	[tilespmem:$0x1F6F8] =	vst v63  }
0x26b: {  	s0 =	simm.s32 @!p3 $0x1  }
0x26c: {  	_ =	swait.ge @!p3 [sflag:s0], $0x100  }
0x26d: {  	p1 =	por p2, p1;
	[sflag:s0] =	ssyncset.done @!p3 $0x0  }
0x26e: {  	[sflag:s0] =	ssyncadd.s32 @!p3 $0xFFFFFF00;
	s0 =	simm.s32 @!p1 $0x1  }
0x26f: {  	_ =	swait.ge @!p1 [sflag:s0], $0x80  }
0x270: {  	s29 =	simm.s32 $0x10238;
	[sflag:s0] =	ssyncset.done @!p1 $0x0  }
0x271: {  	s30 =	simm.s32 $0x1000;
	s31 =	simm.s32 $0x1;
	[sflag:s0] =	ssyncadd.s32 @!p1 $0xFFFFFF80  }
0x272: {  	[spmem:s30] =	stream.linear.scatter [tilespmem:s29], [sflag:$0x1], $0x10, $0x38;
	[tilespmem:$0x1F6F8] =	vst v63  }
0x273: {  	_ =	swait.ge [sflag:s31], $0x10  }
0x274: {  	[sflag:s31] =	ssyncset.done $0x0  }
0x275: {  	p1 =	seq.s32 s15, $0x0;
	s8 =	rddreg [dreg:$0x2];
	[sflag:s31] =	ssyncadd.s32 $0xFFFFFFF0  }
0x276: {  	s2 =	sshll.u32 @p1 s8, $0xE;
	s7 =	rddreg [dreg:$0x3]  }
0x277: {  	s0 =	sadd.s32 @p1 $0x15C3C, s2;
	s2 =	sshll.u32 @p1 s7, $0x11  }
0x278: {  	_ =	sfence.stream.spmem;
	s0 =	sor.u32 @p1 s2, s0  }
0x279: {  	[sflag:s0] =	ssyncadd.remote.s32 @p1 $0x1;
	s0 =	simm.s32 @p1 $0x4  }
0x27a: {  	s3 =	simm.s32 @!p1 $0x3C;
	s2 =	sand.u32 $0xFFFFFFFE, s8;
	_ =	swait.ge @p1 [sflag:s0], $0x22  }
0x27b: {  	s4 =	simm.s32 @!p1 $0x0;
	s2 =	sadd.s32 @!p1 $0x4, s2;
	[sflag:s0] =	ssyncset.done @p1 $0x0  }
0x27c: {  	s5 =	simm.s32 @!p1 $0x100;
	[sflag:s0] =	ssyncadd.s32 @p1 $0xFFFFFFDE;
	s0 =	sshll.u32 @!p1 s2, $0x1A  }
0x27d: {  	s2 =	sshll.u32 @!p1 s2, $0xD;
	s0 =	sor.u32 @!p1 s0, s7;
	_ =	swait.eq @!p1 [sflag:s3], $0x1  }
0x27e: {  	s2 =	sor.u32 @!p1 $0x1C04, s2;
	s3 =	simm.s32 @!p1 $0x1C03;
	s0 =	sor.u32 @!p1 $0x80004000, s0  }
0x27f: {  	[spmem:s5], [sflag:s2] =	dma.general @!p1 [spmem:s4], [sflag:s3], length:$0x20, [dreg:$0x0], stride_count:$0x0, ici_dest:s0, dma_misc:DstOpCode:WRITE  }
0x280: {  	p2 =	slt.s32 s9, $0x2;
	s4 =	simm.s32 @!p1 $0x200;
	s5 =	simm.s32 @!p1 $0x202  }
0x281: {  	[spmem:s5], [sflag:s2] =	dma.general @!p1 [spmem:s4], [sflag:s3], length:$0x2, [dreg:$0x0], stride_count:$0x0, ici_dest:s0, dma_misc:DstOpCode:WRITE  }
.Ltmp35:
0x282: {  	s0 =	simm.s32 @!p1 $0x3;
	(pc) =	sbr.rel @p2 .LBB3_38-.Ltmp35, $4  }
0x283: {  	s2 =	sshll.u32 @!p1 s8, $0xE;
	_ =	swait.ge @!p1 [sflag:s0], $0x22  }
0x284: {  	s3 =	sshll.u32 @!p1 s7, $0x11;
	s2 =	sadd.s32 @!p1 $0x11C3C, s2;
	[sflag:s0] =	ssyncset.done @!p1 $0x0  }
0x285: {  	[sflag:s0] =	ssyncadd.s32 @!p1 $0xFFFFFFDE;
	s0 =	sor.u32 @!p1 s3, s2  }
0x286: {  	[sflag:s0] =	ssyncadd.remote.s32 @!p1 $0xFFFFFFFF;
	s0 =	simm.s32 $0x0  }
0x287: {  	s0 =	simm.s32 $0xF219  }
0x288: {  	v0 =	vld.msk [tilespmem:s0+$0x0], $0x1;
	_ =	sdelay $0x4  }
0x289: {  	(v2sf) =	vpush v0, $0x0;
	_ =	sdelay $0xb  }
0x28a: {  	s31 =	sadd.s32 $0xFFFFFFFE, s6  }
0x28b: {  	s0 =	sadd.s32 $0xFFFFFFFF, s31  }
0x28c: {  	p2 =	sne.s32 s0, $0x0  }
.Ltmp36:
0x28d: {  	s2 =	spop (v2sf);
	(pc) =	sbr.rel @!p2 .LBB3_37-.Ltmp36, $4  }
0x28e: {  	s4 =	simm.s32 $0xF2B8;
	s7 =	simm.s32 $0x0;
	p1 =	sgt.u32 s2, $0x270F0  }
0x28f: {  	s5 =	simm.s32 $0x0;
	s6 =	simm.s32 $0xF21A;
	s3 =	sand.u32 @!p1 $0x3FFF8, s2  }
0x290: {  	s2 =	sand.u32 @!p1 $0x7, s2;
	s7 =	simm.s32 @!p1 $0x200;
	s3 =	sadd.s32 @!p1 s1, s3  }
0x291: {  	[hbm4b:s3+s2] =	stream.linear.scatter @!p1 [tilespmem:s4], [sflag:$0x5], $0x80, $0x38;
	[tilespmem:$0x1F6F8] =	vst v63  }
.LBB3_36:
0x292: {  	v0 =	vld.msk [tilespmem:s6+$0x0], $0x1;
	s0 =	sadd.s32 $0xFFFFFFFF, s0;
	s5 =	sadd.s32 s5, s7  }
0x293: {  	p1 =	sne.s32 s0, $0x0;
	_ =	sdelay $0x3  }
0x294: {  	(v2sf) =	vpush v0, $0x0;
	_ =	sdelay $0xe  }
.Ltmp37:
0x295: {  	s2 =	spop (v2sf);
	(pc) =	sbr.rel @p1 .LBB3_36-.Ltmp37, $4  }
0x296: {  	s7 =	simm.s32 $0x0;
	p2 =	sgt.u32 s2, $0x270F0  }
0x297: {  	s4 =	sadd.s32 $0x80, s4;
	s7 =	simm.s32 @!p2 $0x200;
	s3 =	sand.u32 @!p2 $0x3FFF8, s2  }
0x298: {  	s6 =	sadd.s32 $0x1, s6;
	s2 =	sand.u32 @!p2 $0x7, s2;
	s3 =	sadd.s32 @!p2 s1, s3  }
0x299: {  	[hbm4b:s3+s2] =	stream.linear.scatter @!p2 [tilespmem:s4], [sflag:$0x5], $0x80, $0x38;
	[tilespmem:$0x1F6F8] =	vst v63  }
.LBB3_37:
0x29a: {  	s0 =	sadd.s32 s5, s7  }
0x29b: {  	s0 =	sshrl.u32 s0, $0x2  }
.LBB3_38:
0x29c: {  	s2 =	simm.s32 $0x5  }
0x29d: {  	_ =	swait.ge [sflag:s2], s0  }
0x29e: {  	s31 =	ssub.s32 $0x0, s0;
	[sflag:s2] =	ssyncset.done $0x0  }
0x29f: {  	[sflag:s2] =	ssyncadd.s32 s31  }
0x2a0: {  	[sflag:s2] =	ssyncpa.u1 $0x1  }
.LBB3_39:
0x2a1: {  	s0 =	sor.u32 s15, s16  }
0x2a2: {  	p1 =	sne.s32 s0, $0x0  }
.Ltmp38:
0x2a3: {  	_ = 	snop;
	(pc) =	sbr.rel @p1 .LBB3_54-.Ltmp38, $3  }
0x2a4: {  	_ =	sdelay $0x1  }
0x2a5: {  	[bflag:$0x0] =	sbarrier.arrive $0xFFFF  }
0x2a6: {  	_ =	sfence  }
0x2a7: {  	s0 =	simm.s32 $0x7  }
0x2a8: {  	s2 =	simm.s32 $0x1000;
	s3 =	simm.s32 $0xF218;
	[sflag:s0] =	ssyncpa.u1 $0x0  }
0x2a9: {  	[tilespmem:s3], [sflag:$0x7] =	stream.linear.gather [spmem:s2], $0x20, $0x38;
	[tilespmem:$0x1F6F8] =	vst v63  }
0x2aa: {  	s30 =	simm.s32 $0xF238;
	s2 =	simm.s32 $0x0  }
0x2ab: {  	[tilespmem:s30], [sflag:$0x7] =	stream.linear.gather [spmem:s2], $0x1000, $0x38;
	[tilespmem:$0x1F6F8] =	vst v63  }
.Ltmp39:
0x2ac: {  	_ = 	snop;
	(pc) =	sbr.rel .LBB3_41-.Ltmp39, $4  }
0x2ad: {  	_ =	swait.ge [sflag:s0], $0x1020  }
0x2ae: {  	[sflag:s0] =	ssyncset.done $0x0  }
0x2af: {  	s31 =	simm.s32 $0x8;
	[sflag:s0] =	ssyncadd.s32 $0xFFFFEFE0  }
0x2b0: {  	s3 =	simm.s32 $0x0;
	[sflag:s31] =	ssyncpa.u1 $0x0  }
.LBB3_47:
0x2b1: {  	p1 =	slt.u32 s4, $0x270F1  }
0x2b2: {  	s0 =	sand.u32 @p1 $0x3FFF8, s4  }
0x2b3: {  	s4 =	sand.u32 @p1 $0x7, s4;
	s5 =	simm.s32 @p1 $0xF188;
	s0 =	sadd.s32 @p1 s1, s0  }
0x2b4: {  	[tilespmem:s5], [sflag:$0x8] =	stream.linear.gather @p1 [hbm4b:s0+s4], $0x80, $0x38;
	[tilespmem:$0x1F6F8] =	vst v63  }
0x2b5: {  	s0 =	simm.s32 @p1 $0x8  }
0x2b6: {  	_ =	swait.ge @p1 [sflag:s0], $0x80  }
0x2b7: {  	[sflag:s0] =	ssyncset.done @p1 $0x0  }
0x2b8: {  	[sflag:s0] =	ssyncadd.s32 @p1 $0xFFFFFF80;
	s0 =	sshll.u32 @p1 s3, $0x9  }
0x2b9: {  	s4 =	sshrl.u32 @p1 s0, $0x2;
	v1 =	vld @p1 [tilespmem:$0xF188]  }
0x2ba: {  	v2 =	vld @p1 [tilespmem:s4+$0xF238];
	_ =	sdelay $0x4  }
0x2bb: {  	v1 =	vmax.f32 @p1 v1, v2  }
0x2bc: {  	v2 =	vld @p1 [tilespmem:s4+$0xF248];
	[tilespmem:s4+$0xF238] =	vst @p1 v1  }
0x2bd: {  	v1 =	vld @p1 [tilespmem:$0xF198];
	_ =	sdelay $0x4  }
0x2be: {  	v1 =	vmax.f32 @p1 v1, v2  }
0x2bf: {  	v2 =	vld @p1 [tilespmem:s4+$0xF258];
	[tilespmem:s4+$0xF248] =	vst @p1 v1  }
0x2c0: {  	v1 =	vld @p1 [tilespmem:$0xF1A8];
	_ =	sdelay $0x4  }
0x2c1: {  	v1 =	vmax.f32 @p1 v1, v2  }
0x2c2: {  	v2 =	vld @p1 [tilespmem:s4+$0xF268];
	[tilespmem:s4+$0xF258] =	vst @p1 v1  }
0x2c3: {  	v1 =	vld @p1 [tilespmem:$0xF1B8];
	_ =	sdelay $0x4  }
0x2c4: {  	v1 =	vmax.f32 @p1 v1, v2  }
0x2c5: {  	v2 =	vld @p1 [tilespmem:s4+$0xF278];
	[tilespmem:s4+$0xF268] =	vst @p1 v1  }
0x2c6: {  	v1 =	vld @p1 [tilespmem:$0xF1C8];
	_ =	sdelay $0x4  }
0x2c7: {  	v1 =	vmax.f32 @p1 v1, v2  }
0x2c8: {  	v2 =	vld @p1 [tilespmem:s4+$0xF288];
	[tilespmem:s4+$0xF278] =	vst @p1 v1  }
0x2c9: {  	v1 =	vld @p1 [tilespmem:$0xF1D8];
	_ =	sdelay $0x4  }
0x2ca: {  	v1 =	vmax.f32 @p1 v1, v2  }
0x2cb: {  	v2 =	vld @p1 [tilespmem:s4+$0xF298];
	[tilespmem:s4+$0xF288] =	vst @p1 v1  }
0x2cc: {  	v1 =	vld @p1 [tilespmem:$0xF1E8];
	_ =	sdelay $0x4  }
0x2cd: {  	v1 =	vmax.f32 @p1 v1, v2  }
0x2ce: {  	v2 =	vld @p1 [tilespmem:s4+$0xF2A8];
	[tilespmem:s4+$0xF298] =	vst @p1 v1  }
0x2cf: {  	v1 =	vld @p1 [tilespmem:$0xF1F8];
	_ =	sdelay $0x4  }
0x2d0: {  	s5 =	sshll.u32 @!p1 s3, $0x9;
	v1 =	vmax.f32 @p1 v1, v2  }
0x2d1: {  	s5 =	smov.u32 @p1 s0;
	[tilespmem:s4+$0xF2A8] =	vst @p1 v1  }
0x2d2: {  	s0 =	sshrl.u32 s5, $0x2;
	[tilespmem:s2+$0xF218] =	vst.msk $0x1, v0  }
0x2d3: {  	v0 =	vld [tilespmem:s0+$0xF238];
	_ =	sdelay $0x2  }
0x2d4: {  	s31 =	sshll.u32 s2, $0x9  }
0x2d5: {  	s4 =	sshra.s32 s31, $0x2  }
0x2d6: {  	[tilespmem:s4+$0xF238] =	vst v0  }
0x2d7: {  	v0 =	vld [tilespmem:s0+$0xF248];
	_ =	sdelay $0x4  }
0x2d8: {  	[tilespmem:s4+$0xF248] =	vst v0  }
0x2d9: {  	v0 =	vld [tilespmem:s0+$0xF258];
	_ =	sdelay $0x4  }
0x2da: {  	[tilespmem:s4+$0xF258] =	vst v0  }
0x2db: {  	v0 =	vld [tilespmem:s0+$0xF268];
	_ =	sdelay $0x4  }
0x2dc: {  	[tilespmem:s4+$0xF268] =	vst v0  }
0x2dd: {  	v0 =	vld [tilespmem:s0+$0xF278];
	_ =	sdelay $0x4  }
0x2de: {  	[tilespmem:s4+$0xF278] =	vst v0  }
0x2df: {  	v0 =	vld [tilespmem:s0+$0xF288];
	_ =	sdelay $0x4  }
0x2e0: {  	[tilespmem:s4+$0xF288] =	vst v0  }
0x2e1: {  	v0 =	vld [tilespmem:s0+$0xF298];
	_ =	sdelay $0x4  }
0x2e2: {  	[tilespmem:s4+$0xF298] =	vst v0  }
0x2e3: {  	v0 =	vld [tilespmem:s0+$0xF2A8];
	_ =	sdelay $0x4  }
0x2e4: {  	s2 =	sadd.s32 $0x1, s2;
	[tilespmem:s4+$0xF2A8] =	vst v0  }
.LBB3_48:
0x2e5: {  	s3 =	sadd.s32 $0x1, s3  }
0x2e6: {  	p1 =	sne.s32 s3, $0x20  }
.Ltmp40:
0x2e7: {  	_ = 	snop;
	(pc) =	sbr.rel @!p1 .LBB3_49-.Ltmp40, $1  }
0x2e8: {  	_ =	sdelay $0x3  }
.LBB3_41:
0x2e9: {  	v0 =	vld.msk [tilespmem:s3+$0xF218], $0x1;
	_ =	sdelay $0x4  }
0x2ea: {  	(v2sf) =	vpush v0, $0x0;
	_ =	sdelay $0xe  }
0x2eb: {  	s4 =	spop (v2sf)  }
0x2ec: {  	p1 =	seq.s32 s4, $0xFFFFFFFF  }
.Ltmp41:
0x2ed: {  	_ = 	snop;
	(pc) =	sbr.rel @p1 .LBB3_48-.Ltmp41, $1  }
0x2ee: {  	_ =	sdelay $0x3  }
0x2ef: {  	p1 =	slt.s32 s2, $0x1  }
.Ltmp42:
0x2f0: {  	_ = 	snop;
	(pc) =	sbr.rel @p1 .LBB3_47-.Ltmp42, $1  }
0x2f1: {  	_ =	sdelay $0x3  }
0x2f2: {  	s5 =	simm.s32 $0xF218;
	p1 =	por $0x0, $0x0  }
0x2f3: {  	v1 =	vld.msk @!p1 [tilespmem:s5+$0x0], $0x1;
	_ =	sdelay $0x4  }
0x2f4: {  	(v2sf) =	vpush @!p1 v1, $0x0;
	_ =	sdelay $0xd  }
0x2f5: {  	p3 =	sne.s32 s2, $0x1  }
.Ltmp43:
0x2f6: {  	s0 =	spop @!p1 (v2sf);
	(pc) =	sbr.rel @!p3 .LBB3_45-.Ltmp43, $4  }
0x2f7: {  	p2 =	seq.s32 @!p1 s4, s0  }
0x2f8: {  	s6 =	simm.s32 $0x0;
	p2 =	por !p2, p1  }
0x2f9: {  	s7 =	simm.s32 $0xFFFFFFFF;
	s6 =	simm.s32 @p2 $0xFFFFFFFF  }
0x2fa: {  	s0 =	simm.s32 $0x1;
	s6 =	smov.u32 @p1 s7  }
.LBB3_44:
0x2fb: {  	s7 =	smov.u32 s6;
	p1 =	sne.s32 s6, $0xFFFFFFFF  }
0x2fc: {  	s5 =	sadd.s32 $0x1, s5;
	s6 =	smov.u32 s0;
	s0 =	sadd.s32 $0x1, s0  }
0x2fd: {  	p2 =	sne.s32 s2, s0;
	v1 =	vld.msk @!p1 [tilespmem:s5+$0x0], $0x1;
	_ =	sdelay $0x4  }
0x2fe: {  	(v2sf) =	vpush @!p1 v1, $0x0;
	_ =	sdelay $0xe  }
.Ltmp44:
0x2ff: {  	s8 =	spop @!p1 (v2sf);
	(pc) =	sbr.rel @p2 .LBB3_44-.Ltmp44, $4  }
0x300: {  	p3 =	seq.s32 @!p1 s4, s8  }
0x301: {  	p3 =	por !p3, p1  }
0x302: {  	s6 =	simm.s32 @p3 $0xFFFFFFFF  }
0x303: {  	s6 =	smov.u32 @p1 s7  }
.LBB3_45:
0x304: {  	p1 =	seq.s32 s6, $0xFFFFFFFF  }
.Ltmp45:
0x305: {  	_ = 	snop;
	(pc) =	sbr.rel @p1 .LBB3_47-.Ltmp45, $1  }
0x306: {  	_ =	sdelay $0x3  }
0x307: {  	s0 =	sshll.u32 s3, $0x7  }
0x308: {  	s4 =	sshll.u32 s6, $0x9;
	s0 =	sand.u32 $0x3FFFFF80, s0  }
0x309: {  	s4 =	sshra.s32 s4, $0x2;
	v0 =	vld [tilespmem:s0+$0xF238]  }
0x30a: {  	v1 =	vld [tilespmem:s4+$0xF238];
	_ =	sdelay $0x4  }
0x30b: {  	v0 =	vmax.f32 v0, v1  }
0x30c: {  	v57 =	vld [tilespmem:s4+$0xF248];
	[tilespmem:s4+$0xF238] =	vst v0  }
0x30d: {  	v0 =	vld [tilespmem:s0+$0xF248];
	_ =	sdelay $0x4  }
0x30e: {  	v0 =	vmax.f32 v0, v57  }
0x30f: {  	v58 =	vld [tilespmem:s4+$0xF258];
	[tilespmem:s4+$0xF248] =	vst v0  }
0x310: {  	v0 =	vld [tilespmem:s0+$0xF258];
	_ =	sdelay $0x4  }
0x311: {  	v0 =	vmax.f32 v0, v58  }
0x312: {  	v59 =	vld [tilespmem:s4+$0xF268];
	[tilespmem:s4+$0xF258] =	vst v0  }
0x313: {  	v0 =	vld [tilespmem:s0+$0xF268];
	_ =	sdelay $0x4  }
0x314: {  	v0 =	vmax.f32 v0, v59  }
0x315: {  	v60 =	vld [tilespmem:s4+$0xF278];
	[tilespmem:s4+$0xF268] =	vst v0  }
0x316: {  	v0 =	vld [tilespmem:s0+$0xF278];
	_ =	sdelay $0x4  }
0x317: {  	v0 =	vmax.f32 v0, v60  }
0x318: {  	v61 =	vld [tilespmem:s4+$0xF288];
	[tilespmem:s4+$0xF278] =	vst v0  }
0x319: {  	v0 =	vld [tilespmem:s0+$0xF288];
	_ =	sdelay $0x4  }
0x31a: {  	v0 =	vmax.f32 v0, v61  }
0x31b: {  	v62 =	vld [tilespmem:s4+$0xF298];
	[tilespmem:s4+$0xF288] =	vst v0  }
0x31c: {  	v0 =	vld [tilespmem:s0+$0xF298];
	_ =	sdelay $0x4  }
0x31d: {  	v0 =	vmax.f32 v0, v62  }
0x31e: {  	v63 =	vld [tilespmem:s4+$0xF2A8];
	[tilespmem:s4+$0xF298] =	vst v0  }
0x31f: {  	v0 =	vld [tilespmem:s0+$0xF2A8];
	_ =	sdelay $0x1  }
.Ltmp46:
0x320: {  	_ = 	snop;
	(pc) =	sbr.rel .LBB3_48-.Ltmp46, $3  }
0x321: {  	_ =	sdelay $0x1  }
0x322: {  	v0 =	vmax.f32 v0, v63  }
0x323: {  	[tilespmem:s4+$0xF2A8] =	vst v0  }
.LBB3_49:
0x324: {  	p1 =	slt.s32 s2, $0x1  }
.Ltmp47:
0x325: {  	_ = 	snop;
	(pc) =	sbr.rel @p1 .LBB3_53-.Ltmp47, $3  }
0x326: {  	_ =	sdelay $0x1  }
0x327: {  	s0 =	simm.s32 $0x8  }
0x328: {  	s3 =	simm.s32 $0x0;
	[sflag:s0] =	ssyncpa.u1 $0x1  }
0x329: {  	s0 =	simm.s32 $0xF218  }
0x32a: {  	v0 =	vld.msk [tilespmem:s0+$0x0], $0x1;
	_ =	sdelay $0x4  }
0x32b: {  	(v2sf) =	vpush v0, $0x0;
	_ =	sdelay $0xe  }
0x32c: {  	s0 =	sadd.s32 $0xFFFFFFFF, s2;
	s5 =	spop (v2sf)  }
0x32d: {  	p2 =	sne.s32 s0, $0x0;
	p1 =	sgt.u32 s5, $0x270F0  }
.Ltmp48:
0x32e: {  	s6 =	sand.u32 @!p1 $0x3FFF8, s5;
	(pc) =	sbr.rel @!p2 .LBB3_52-.Ltmp48, $4  }
0x32f: {  	s4 =	simm.s32 $0xF238;
	s5 =	sand.u32 @!p1 $0x7, s5;
	s2 =	sadd.s32 @!p1 s1, s6  }
0x330: {  	[hbm4b:s2+s5] =	stream.linear.scatter @!p1 [tilespmem:s4], [sflag:$0x7], $0x80, $0x38;
	[tilespmem:$0x1F6F8] =	vst v63  }
0x331: {  	s5 =	simm.s32 $0x0  }
0x332: {  	s2 =	simm.s32 $0xF219;
	s5 =	simm.s32 @!p1 $0x200  }
.LBB3_51:
0x333: {  	v0 =	vld.msk [tilespmem:s2+$0x0], $0x1;
	s0 =	sadd.s32 $0xFFFFFFFF, s0;
	s3 =	sadd.s32 s3, s5  }
0x334: {  	p1 =	sne.s32 s0, $0x0;
	_ =	sdelay $0x3  }
0x335: {  	(v2sf) =	vpush v0, $0x0;
	_ =	sdelay $0xe  }
.Ltmp49:
0x336: {  	s6 =	spop (v2sf);
	(pc) =	sbr.rel @p1 .LBB3_51-.Ltmp49, $4  }
0x337: {  	s5 =	simm.s32 $0x0;
	p2 =	sgt.u32 s6, $0x270F0  }
0x338: {  	s4 =	sadd.s32 $0x80, s4;
	s5 =	simm.s32 @!p2 $0x200;
	s7 =	sand.u32 @!p2 $0x3FFF8, s6  }
0x339: {  	s2 =	sadd.s32 $0x1, s2;
	s6 =	sand.u32 @!p2 $0x7, s6;
	s7 =	sadd.s32 @!p2 s1, s7  }
0x33a: {  	[hbm4b:s7+s6] =	stream.linear.scatter @!p2 [tilespmem:s4], [sflag:$0x7], $0x80, $0x38;
	[tilespmem:$0x1F6F8] =	vst v63  }
.LBB3_52:
0x33b: {  	s0 =	sadd.s32 s3, s5  }
0x33c: {  	s3 =	sshrl.u32 s0, $0x2  }
.LBB3_53:
0x33d: {  	s0 =	simm.s32 $0x7  }
0x33e: {  	_ =	swait.ge [sflag:s0], s3  }
0x33f: {  	s1 =	ssub.s32 $0x0, s3;
	[sflag:s0] =	ssyncset.done $0x0  }
0x340: {  	[sflag:s0] =	ssyncadd.s32 s1  }
0x341: {  	[sflag:s0] =	ssyncpa.u1 $0x1  }
.LBB3_54:
0x342: {  	_ =	sfence;
	s0 =	simm.s32 $0x1  }
0x343: {  	[sflag:s0] =	ssyncpa.u1 $0x1  }
0x344: {  	_ =	strace $0x9000004A  }
0x345: {  	[bflag:$0x2] =	sbarrier.arrive $0xFFFF  }
0x346: {  	s0 =	rddreg [dreg:$0x4]  }
0x347: {  	s0 =	sadd.s32 @!p0 $0x100000, s0  }
0x348: {  	[sflag:s0] =	ssyncadd.tile.s32 @!p0 $0x1;
	_ =	shalt  }
.Lfunc_end3:
_tile_overlayer_lowered:
.L_overlay_start_3:
0x349: {  	(tag) =	ssettag $0x3  }
0x34a: {  	s0 =	rddreg [dreg:$0x0];
	s2 =	stileid.u32  }
0x34b: {  	s1 =	rddreg [dreg:$0x1];
	p0 =	sne.s32 s2, $0x0  }
0x34c: {  	s3 =	rddreg [dreg:$0x2];
	[bflag:$0x3] =	sbarrier.arrive $0xFFFF;
	s2 =	simm.s32 @!p0 $0x1C01  }
0x34d: {  	[timem:s3], [sflag:s2] =	dma.local @!p0 [hbm:s0], s1  }
0x34e: {  	s0 =	simm.s32 @!p0 $0x1  }
0x34f: {  	_ =	swait.ge @!p0 [sflag:s0], s1  }
0x350: {  	s1 =	ssub.s32 @!p0 $0x0, s1;
	[sflag:s0] =	ssyncset.done @!p0 $0x0  }
0x351: {  	[sflag:s0] =	ssyncadd.s32 @!p0 s1  }
0x352: {  	[bflag:$0x3] =	sbarrier.arrive $0xFFFF  }
0x353: {  	_ =	shalt  }

</sc_bundles>
